<compile_context>
chip_gen: v7x
topology: tpu7x:2x2x1
jax: 0.10.2.dev20260603
libtpu: 0.0.44.dev20260713+nightly
codegen_flags: <defaults>
</compile_context>

<pallas_src>
import functools

import jax
import jax.numpy as jnp
from jax import lax
from jax.experimental import pallas as pl
from jax.experimental.pallas import tpu as pltpu
from jax.experimental.pallas import tpu_sc as plsc

_W = 128
_CH = 128


def _sc_spmm(table, src, dst, w, n, *, relu, edge_split):
    epad = src.shape[0]
    per_tile = epad // (32 if edge_split else 16)
    n_chunks = per_tile // _CH
    rows_lo = (n // 16 // 8) * 8
    rows_hi = n - 15 * rows_lo

    mesh = plsc.VectorSubcoreMesh(core_axis_name="c", subcore_axis_name="s")

    @functools.partial(
        pl.kernel,
        mesh=mesh,
        compiler_params=pltpu.CompilerParams(needs_layout_passes=False),
        out_type=jax.ShapeDtypeStruct((2 * n, _W), jnp.float32),
        scratch_types=[
            pltpu.VMEM((_CH,), jnp.int32),
            pltpu.VMEM((_CH,), jnp.int32),
            pltpu.VMEM((_CH,), jnp.float32),
            pltpu.VMEM((_CH, _W), jnp.float32),
            pltpu.VMEM_SHARED((n, _W), jnp.float32),
            pltpu.SemaphoreType.DMA,
        ],
    )
    def _k(table_h, src_h, dst_h, w_h, out_h, src_v, dst_v, w_v, rows_v, acc, sem):
        c = lax.axis_index("c")
        s = lax.axis_index("s")

        def _zrow(i, carry):
            for j in range(_W // 16):
                rows_v[i, pl.ds(j * 16, 16)] = jnp.zeros((16,), jnp.float32)
            return carry
        lax.fori_loop(0, _CH, _zrow, 0)
        r0 = s * rows_lo
        full_lo, rem_lo = divmod(rows_lo, _CH)
        full_hi, rem_hi = divmod(rows_hi, _CH)

        def _zero_span(row0, count_full, remainder):
            for k in range(count_full):
                pltpu.sync_copy(rows_v, acc.at[pl.ds(row0 + k * _CH, _CH)])
            if remainder:
                pltpu.sync_copy(rows_v.at[pl.ds(0, remainder)],
                                acc.at[pl.ds(row0 + count_full * _CH,
                                             remainder)])

        @pl.when(s < 15)
        def _():
            _zero_span(r0, full_lo, rem_lo)

        @pl.when(s == 15)
        def _():
            _zero_span(r0, full_hi, rem_hi)
        plsc.subcore_barrier()

        base = (((c * 16 + s) if edge_split else s)) * per_tile

        def _chunk(t, carry):
            e0 = base + t * _CH
            pltpu.sync_copy(src_h.at[pl.ds(e0, _CH)], src_v)
            pltpu.sync_copy(dst_h.at[pl.ds(e0, _CH)], dst_v)
            pltpu.sync_copy(w_h.at[pl.ds(e0, _CH)], w_v)
            if not edge_split:
                off = c * n
                for j in range(_CH // 16):
                    src_v[pl.ds(j * 16, 16)] = src_v[pl.ds(j * 16, 16)] + off
            pltpu.async_copy(table_h.at[src_v], rows_v, sem).wait()

            def _row(i, rcarry):
                wv = plsc.load_gather(w_v, [jnp.zeros((16,), jnp.int32) + i])
                for j in range(_W // 16):
                    x = rows_v[i, pl.ds(j * 16, 16)]
                    if relu:
                        x = jnp.maximum(x, 0.0)
                    rows_v[i, pl.ds(j * 16, 16)] = x * wv
                return rcarry
            lax.fori_loop(0, _CH, _row, 0)

            pltpu.sync_copy(rows_v, acc.at[dst_v], add=True)
            return carry
        lax.fori_loop(0, n_chunks, _chunk, 0)
        plsc.subcore_barrier()

        out_base = c * n + r0

        @pl.when(s < 15)
        def _():
            pltpu.sync_copy(acc.at[pl.ds(r0, rows_lo)],
                            out_h.at[pl.ds(out_base, rows_lo)])

        @pl.when(s == 15)
        def _():
            pltpu.sync_copy(acc.at[pl.ds(r0, rows_hi)],
                            out_h.at[pl.ds(out_base, rows_hi)])

    return _k(table, src, dst, w)


def _tc_matmul(x, wmat, bm):
    m, kdim = x.shape
    kout = wmat.shape[1]

    def body(x_ref, w_ref, o_ref):
        o_ref[...] = jnp.dot(x_ref[...], w_ref[...],
                             preferred_element_type=jnp.float32)

    return pl.pallas_call(
        body,
        grid=(m // bm,),
        in_specs=[pl.BlockSpec((bm, kdim), lambda i: (i, 0)),
                  pl.BlockSpec((kdim, kout), lambda i: (0, 0))],
        out_specs=pl.BlockSpec((bm, kout), lambda i: (i, 0)),
        out_shape=jax.ShapeDtypeStruct((m, kout), jnp.float32),
    )(x, wmat)


def _tc_epilogue(z1s, v1s, z2s, v2s, wd1, wd2, wc, bc2d, bd2d, wdec1, wdec2):
    n = z1s.shape[1]
    bm = 1000

    def body(z1_ref, v1_ref, z2_ref, v2_ref, wd1_ref, wd2_ref, wc_ref,
             bc_ref, bd_ref, wdec1_ref, wdec2_ref,
             comb_ref, rets_ref, d1_ref, d2_ref):
        def gfun(v):
            nrm = jnp.sqrt(jnp.sum(v * v, axis=1, keepdims=True))
            return jax.nn.sigmoid(v / jnp.maximum(nrm, 1e-12))

        def mm(a, b):
            return jnp.dot(a, b, preferred_element_type=jnp.float32)

        def rd(a, b):
            return jnp.sum(a * b, axis=1, keepdims=True)

        e1 = jnp.maximum(z1_ref[0], 0.0)
        e1a = jnp.maximum(z1_ref[1], 0.0)
        e2 = jnp.maximum(z2_ref[0], 0.0)
        e2a = jnp.maximum(z2_ref[1], 0.0)
        g1 = gfun(v1_ref[0])
        g1a = gfun(v1_ref[1])
        g2 = gfun(v2_ref[0])
        g2a = gfun(v2_ref[1])
        p1 = mm(e1, wd1_ref[...])
        p1a = mm(e1a, wd1_ref[...])
        p2 = mm(e2, wd2_ref[...])
        p2a = mm(e2a, wd2_ref[...])
        rets = jnp.concatenate(
            [rd(p1, g1), rd(p1a, g1), rd(p1a, g1a), rd(p1, g1a),
             rd(p2, g2), rd(p2a, g2), rd(p2a, g2a), rd(p2, g2a)], axis=1)
        rets_ref[...] = rets + bd_ref[...]
        comb = mm(e1, wc_ref[0:128]) + mm(e2, wc_ref[128:256]) + bc_ref[...]
        comb = jnp.maximum(comb, 0.0)
        comb_ref[...] = comb
        d1_ref[0] = mm(comb, wdec1_ref[:, 0:128])
        d1_ref[1] = mm(comb, wdec1_ref[:, 128:256])
        d2_ref[...] = mm(comb, wdec2_ref[...])

    stk = lambda i: (0, i, 0)
    blk = lambda i: (i, 0)
    fix = lambda i: (0, 0)
    return pl.pallas_call(
        body,
        grid=(n // bm,),
        in_specs=[
            pl.BlockSpec((2, bm, 128), stk),
            pl.BlockSpec((2, bm, 128), stk),
            pl.BlockSpec((2, bm, 128), stk),
            pl.BlockSpec((2, bm, 128), stk),
            pl.BlockSpec((128, 128), fix),
            pl.BlockSpec((128, 128), fix),
            pl.BlockSpec((256, 128), fix),
            pl.BlockSpec((1, 128), fix),
            pl.BlockSpec((1, 8), fix),
            pl.BlockSpec((128, 256), fix),
            pl.BlockSpec((128, 128), fix),
        ],
        out_specs=[
            pl.BlockSpec((bm, 128), blk),
            pl.BlockSpec((bm, 8), blk),
            pl.BlockSpec((2, bm, 128), stk),
            pl.BlockSpec((bm, 128), blk),
        ],
        out_shape=[
            jax.ShapeDtypeStruct((n, 128), jnp.float32),
            jax.ShapeDtypeStruct((n, 8), jnp.float32),
            jax.ShapeDtypeStruct((2, n, 128), jnp.float32),
            jax.ShapeDtypeStruct((n, 128), jnp.float32),
        ],
    )(z1s, v1s, z2s, v2s, wd1, wd2, wc, bc2d, bd2d, wdec1, wdec2)


def _tc_pairsum(x2):
    n = x2.shape[1]
    bm = 2000

    def body(x_ref, o_ref):
        o_ref[...] = x_ref[0] + x_ref[1]

    return pl.pallas_call(
        body,
        grid=(n // bm,),
        in_specs=[pl.BlockSpec((2, bm, 128), lambda i: (0, i, 0))],
        out_specs=pl.BlockSpec((bm, 128), lambda i: (i, 0)),
        out_shape=jax.ShapeDtypeStruct((n, 128), jnp.float32),
    )(x2)


def kernel(features_omics1, features_omics1_a, features_omics2,
           features_omics2_a, edge_index_omics1, edge_weight_omics1,
           edge_index_omics2, edge_weight_omics2,
           W1_omics1, W2_omics1, Wdisc_omics1, bdisc_omics1,
           W1_omics2, W2_omics2, Wdisc_omics2, bdisc_omics2,
           Wc, bc, Wdec_omics1, Wdec_omics2):
    n = features_omics1.shape[0]
    e = edge_index_omics1.shape[1]
    epad = -(-e // 4096) * 4096

    def prep(ei, ew):
        pad = epad - e
        src = jnp.concatenate([ei[0].astype(jnp.int32),
                               jnp.zeros((pad,), jnp.int32)])
        dstv = jnp.concatenate([ei[1].astype(jnp.int32),
                                jnp.zeros((pad,), jnp.int32)])
        wv = jnp.concatenate([ew, jnp.zeros((pad,), jnp.float32)])
        return src, dstv, wv

    s1, t1, w1 = prep(edge_index_omics1, edge_weight_omics1)
    s2, t2, w2 = prep(edge_index_omics2, edge_weight_omics2)

    x1 = _tc_matmul(jnp.concatenate([features_omics1, features_omics1_a], 0),
                    W1_omics1, 2000)
    x2 = _tc_matmul(jnp.concatenate([features_omics2, features_omics2_a], 0),
                    W1_omics2, 2000)

    z1s = _sc_spmm(x1, s1, t1, w1, n, relu=False, edge_split=False)
    z2s = _sc_spmm(x2, s2, t2, w2, n, relu=False, edge_split=False)
    v1s = _sc_spmm(z1s, s1, t1, w1, n, relu=True, edge_split=False)
    v2s = _sc_spmm(z2s, s2, t2, w2, n, relu=True, edge_split=False)

    bd2d = jnp.concatenate([jnp.broadcast_to(bdisc_omics1, (4,)),
                            jnp.broadcast_to(bdisc_omics2, (4,))]).reshape(1, 8)
    comb, rets, d1t, d2t = _tc_epilogue(
        z1s.reshape(2, n, 128), v1s.reshape(2, n, 128),
        z2s.reshape(2, n, 128), v2s.reshape(2, n, 128),
        Wdisc_omics1[0], Wdisc_omics2[0], Wc, bc.reshape(1, 128), bd2d,
        Wdec_omics1, Wdec_omics2)

    r1s = _sc_spmm(d1t.reshape(2 * n, 128), s1, t1, w1, n,
                   relu=False, edge_split=False)
    r2p = _sc_spmm(d2t, s2, t2, w2, n, relu=False, edge_split=True)

    recon1 = jnp.concatenate([r1s[:n], r1s[n:]], axis=1)
    recon2 = _tc_pairsum(r2p.reshape(2, n, 128))

    h1 = z1s[:n]
    h2 = z2s[:n]
    ret1 = rets[:, 0:2]
    ret1_a = rets[:, 2:4]
    ret2 = rets[:, 4:6]
    ret2_a = rets[:, 6:8]
    return (h1, h2, comb, recon1, recon2, ret1, ret1_a, ret2, ret2_a)

# --- scband reference (transcript-rebuilt; emitter-appended) ---
"""Pipeline reference for scband-encoder-overall-3796751090356 (READ-ONLY COPY).

The authoritative reference and input builder live on the scoring server;
editing this copy changes nothing except your own understanding.
"""

import jax, jax.numpy as jnp
import numpy as np

N = 10000
E = 160000
IN1 = 256
IN2 = 128
OUT = 128


def _spmm(ei, ew, x):
    msg = x[ei[0]] * ew[:, None]
    return jax.ops.segment_sum(msg, ei[1], num_segments=x.shape[0])


def _readout(ei, ew, emb):
    vsum = _spmm(ei, ew, emb)
    rs = jax.ops.segment_sum(ew, ei[1], num_segments=emb.shape[0])
    g = vsum / (rs[:, None] + 1e-12)
    return g / jnp.maximum(jnp.linalg.norm(g, axis=1, keepdims=True), 1e-12)


def _disc(c, h_pl, h_mi, W, b):
    sc1 = jnp.einsum('nd,de,ne->n', h_pl, W[0], c)[:, None] + b
    sc2 = jnp.einsum('nd,de,ne->n', h_mi, W[0], c)[:, None] + b
    return jnp.concatenate([sc1, sc2], axis=1)


def _encoder(feat, feat_a, ei, ew, W1, W2, Wd, bd):
    z = _spmm(ei, ew, feat @ W1)
    h = _spmm(ei, ew, z @ W2)  # computed in torch forward, unused downstream
    emb = jax.nn.relu(z)
    z_a = _spmm(ei, ew, feat_a @ W1)
    emb_a = jax.nn.relu(z_a)
    g = jax.nn.sigmoid(_readout(ei, ew, emb))
    g_a = jax.nn.sigmoid(_readout(ei, ew, emb_a))
    ret = _disc(g, emb, emb_a, Wd, bd)
    ret_a = _disc(g_a, emb_a, emb, Wd, bd)
    return z, emb, ret, ret_a


def setup_inputs(seed: int = 0):
    key = jax.random.key(seed)
    ks = jax.random.split(key, 20)

    def xav(k, shape):
        lim = float(np.sqrt(6.0 / (shape[-2] + shape[-1])))
        return jax.random.uniform(k, shape, minval=-lim, maxval=lim, dtype=jnp.float32)

    return {
        'features_omics1': jax.random.normal(ks[0], (N, IN1), dtype=jnp.float32),
        'features_omics1_a': jax.random.normal(ks[1], (N, IN1), dtype=jnp.float32),
        'features_omics2': jax.random.normal(ks[2], (N, IN2), dtype=jnp.float32),
        'features_omics2_a': jax.random.normal(ks[3], (N, IN2), dtype=jnp.float32),
        'edge_index_omics1': jax.random.randint(ks[4], (2, E), 0, N),
        'edge_weight_omics1': jax.random.uniform(ks[5], (E,), dtype=jnp.float32),
        'edge_index_omics2': jax.random.randint(ks[6], (2, E), 0, N),
        'edge_weight_omics2': jax.random.uniform(ks[7], (E,), dtype=jnp.float32),
        'W1_omics1': xav(ks[8], (IN1, OUT)),
        'W2_omics1': xav(ks[9], (OUT, IN1)),
        'Wdisc_omics1': xav(ks[10], (1, OUT, OUT)),
        'bdisc_omics1': jnp.zeros((1,), dtype=jnp.float32),
        'W1_omics2': xav(ks[11], (IN2, OUT)),
        'W2_omics2': xav(ks[12], (OUT, IN2)),
        'Wdisc_omics2': xav(ks[13], (1, OUT, OUT)),
        'bdisc_omics2': jnp.zeros((1,), dtype=jnp.float32),
        'Wc': xav(ks[14], (2 * OUT, OUT)),
        'bc': jnp.zeros((OUT,), dtype=jnp.float32),
        'Wdec_omics1': xav(ks[15], (OUT, IN1)),
        'Wdec_omics2': xav(ks[16], (OUT, IN2)),
    }


def reference(features_omics1, features_omics1_a, features_omics2, features_omics2_a,
              edge_index_omics1, edge_weight_omics1, edge_index_omics2, edge_weight_omics2,
              W1_omics1, W2_omics1, Wdisc_omics1, bdisc_omics1,
              W1_omics2, W2_omics2, Wdisc_omics2, bdisc_omics2,
              Wc, bc, Wdec_omics1, Wdec_omics2):
    h1, emb1, ret1, ret1_a = _encoder(features_omics1, features_omics1_a, edge_index_omics1,
                                      edge_weight_omics1, W1_omics1, W2_omics1, Wdisc_omics1, bdisc_omics1)
    h2, emb2, ret2, ret2_a = _encoder(features_omics2, features_omics2_a, edge_index_omics2,
                                      edge_weight_omics2, W1_omics2, W2_omics2, Wdisc_omics2, bdisc_omics2)
    combined = jax.nn.relu(jnp.concatenate([emb1, emb2], axis=-1) @ Wc + bc)
    recon1 = _spmm(edge_index_omics1, edge_weight_omics1, combined @ Wdec_omics1)
    recon2 = _spmm(edge_index_omics2, edge_weight_omics2, combined @ Wdec_omics2)
    return (h1, h2, combined, recon1, recon2, ret1, ret1_a, ret2, ret2_a)

if __name__ == "__main__":
    import jax
    _d = setup_inputs()
    print(jax.jit(kernel)(*tuple(_d.values())))

</pallas_src>

<mosaic_0001>
#map = affine_map<(d0, d1) -> (0, 0)>
#map1 = affine_map<(d0, d1) -> (0)>
module attributes {stable_mosaic.version = 14 : i64} {
  func.func @_k(%arg0: i32, %arg1: i32, %arg2: memref<20000x128xf32, #tpu.memory_space<hbm>>, %arg3: memref<163840xi32, #tpu.memory_space<hbm>>, %arg4: memref<163840xi32, #tpu.memory_space<hbm>>, %arg5: memref<163840xf32, #tpu.memory_space<hbm>>, %arg6: memref<20000x128xf32, #tpu.memory_space<hbm>>, %arg7: memref<128xi32, #tpu.memory_space<vmem>>, %arg8: memref<128xi32, #tpu.memory_space<vmem>>, %arg9: memref<128xf32, #tpu.memory_space<vmem>>, %arg10: memref<128x128xf32, #tpu.memory_space<vmem>>, %arg11: memref<10000x128xf32, #tpu.memory_space<vmem_shared>>, %arg12: memref<!tpu.dma_semaphore, #tpu.memory_space<semaphore_mem>>) attributes {dimension_semantics = [#tpu.dimension_semantics<core_parallel>, #tpu.dimension_semantics<subcore_parallel>], iteration_bounds = array<i64: 2, 16>, scalar_prefetch = 0 : i64, scratch_operands = 6 : i64, tpu.core_type = #tpu.core_type<sc_vector_subcore>, window_params = [{transform_indices = #map}, {transform_indices = #map1}, {transform_indices = #map1}, {transform_indices = #map1}, {transform_indices = #map}]} {
    %scan3A = arith.constant 0 : i32
    %scan3A_0 = arith.constant 0 : i32
    %scan3A_1 = arith.constant 128 : i32
    %scan3A_2 = arith.addi %scan3A_0, %scan3A_1 : i32
    %scan3A_3 = arith.constant 1 : i32
    scf.for %scan3A_33 = %scan3A_0 to %scan3A_2 step %scan3A_3  : i32 {
      %broadcast_in_dim3A = arith.constant 0.000000e+00 : f32
      %broadcast_in_dim3A_34 = vector.broadcast %broadcast_in_dim3A : f32 to vector<16xf32>
      %swap3A = arith.index_cast %scan3A_33 : i32 to index
      %swap3A_35 = arith.constant 0 : index
      %swap3A_36 = tpu.vector_load %arg10[%swap3A, %swap3A_35] {strides = array<i32>} : memref<128x128xf32, #tpu.memory_space<vmem>>, vector<16xf32>,
      tpu.vector_store %arg10[%swap3A, %swap3A_35], %broadcast_in_dim3A_34 {strides = array<i32>} : memref<128x128xf32, #tpu.memory_space<vmem>>, vector<16xf32>,
      %broadcast_in_dim3A_37 = arith.constant 0.000000e+00 : f32
      %broadcast_in_dim3A_38 = vector.broadcast %broadcast_in_dim3A_37 : f32 to vector<16xf32>
      %swap3A_39 = arith.index_cast %scan3A_33 : i32 to index
      %swap3A_40 = arith.constant 16 : index
      %swap3A_41 = tpu.vector_load %arg10[%swap3A_39, %swap3A_40] {strides = array<i32>} : memref<128x128xf32, #tpu.memory_space<vmem>>, vector<16xf32>,
      tpu.vector_store %arg10[%swap3A_39, %swap3A_40], %broadcast_in_dim3A_38 {strides = array<i32>} : memref<128x128xf32, #tpu.memory_space<vmem>>, vector<16xf32>,
      %broadcast_in_dim3A_42 = arith.constant 0.000000e+00 : f32
      %broadcast_in_dim3A_43 = vector.broadcast %broadcast_in_dim3A_42 : f32 to vector<16xf32>
      %swap3A_44 = arith.index_cast %scan3A_33 : i32 to index
      %swap3A_45 = arith.constant 32 : index
      %swap3A_46 = tpu.vector_load %arg10[%swap3A_44, %swap3A_45] {strides = array<i32>} : memref<128x128xf32, #tpu.memory_space<vmem>>, vector<16xf32>,
      tpu.vector_store %arg10[%swap3A_44, %swap3A_45], %broadcast_in_dim3A_43 {strides = array<i32>} : memref<128x128xf32, #tpu.memory_space<vmem>>, vector<16xf32>,
      %broadcast_in_dim3A_47 = arith.constant 0.000000e+00 : f32
      %broadcast_in_dim3A_48 = vector.broadcast %broadcast_in_dim3A_47 : f32 to vector<16xf32>
      %swap3A_49 = arith.index_cast %scan3A_33 : i32 to index
      %swap3A_50 = arith.constant 48 : index
      %swap3A_51 = tpu.vector_load %arg10[%swap3A_49, %swap3A_50] {strides = array<i32>} : memref<128x128xf32, #tpu.memory_space<vmem>>, vector<16xf32>,
      tpu.vector_store %arg10[%swap3A_49, %swap3A_50], %broadcast_in_dim3A_48 {strides = array<i32>} : memref<128x128xf32, #tpu.memory_space<vmem>>, vector<16xf32>,
      %broadcast_in_dim3A_52 = arith.constant 0.000000e+00 : f32
      %broadcast_in_dim3A_53 = vector.broadcast %broadcast_in_dim3A_52 : f32 to vector<16xf32>
      %swap3A_54 = arith.index_cast %scan3A_33 : i32 to index
      %swap3A_55 = arith.constant 64 : index
      %swap3A_56 = tpu.vector_load %arg10[%swap3A_54, %swap3A_55] {strides = array<i32>} : memref<128x128xf32, #tpu.memory_space<vmem>>, vector<16xf32>,
      tpu.vector_store %arg10[%swap3A_54, %swap3A_55], %broadcast_in_dim3A_53 {strides = array<i32>} : memref<128x128xf32, #tpu.memory_space<vmem>>, vector<16xf32>,
      %broadcast_in_dim3A_57 = arith.constant 0.000000e+00 : f32
      %broadcast_in_dim3A_58 = vector.broadcast %broadcast_in_dim3A_57 : f32 to vector<16xf32>
      %swap3A_59 = arith.index_cast %scan3A_33 : i32 to index
      %swap3A_60 = arith.constant 80 : index
      %swap3A_61 = tpu.vector_load %arg10[%swap3A_59, %swap3A_60] {strides = array<i32>} : memref<128x128xf32, #tpu.memory_space<vmem>>, vector<16xf32>,
      tpu.vector_store %arg10[%swap3A_59, %swap3A_60], %broadcast_in_dim3A_58 {strides = array<i32>} : memref<128x128xf32, #tpu.memory_space<vmem>>, vector<16xf32>,
      %broadcast_in_dim3A_62 = arith.constant 0.000000e+00 : f32
      %broadcast_in_dim3A_63 = vector.broadcast %broadcast_in_dim3A_62 : f32 to vector<16xf32>
      %swap3A_64 = arith.index_cast %scan3A_33 : i32 to index
      %swap3A_65 = arith.constant 96 : index
      %swap3A_66 = tpu.vector_load %arg10[%swap3A_64, %swap3A_65] {strides = array<i32>} : memref<128x128xf32, #tpu.memory_space<vmem>>, vector<16xf32>,
      tpu.vector_store %arg10[%swap3A_64, %swap3A_65], %broadcast_in_dim3A_63 {strides = array<i32>} : memref<128x128xf32, #tpu.memory_space<vmem>>, vector<16xf32>,
      %broadcast_in_dim3A_67 = arith.constant 0.000000e+00 : f32
      %broadcast_in_dim3A_68 = vector.broadcast %broadcast_in_dim3A_67 : f32 to vector<16xf32>
      %swap3A_69 = arith.index_cast %scan3A_33 : i32 to index
      %swap3A_70 = arith.constant 112 : index
      %swap3A_71 = tpu.vector_load %arg10[%swap3A_69, %swap3A_70] {strides = array<i32>} : memref<128x128xf32, #tpu.memory_space<vmem>>, vector<16xf32>,
      tpu.vector_store %arg10[%swap3A_69, %swap3A_70], %broadcast_in_dim3A_68 {strides = array<i32>} : memref<128x128xf32, #tpu.memory_space<vmem>>, vector<16xf32>,
    }
    %scan3A_4 = arith.constant 128 : i32
    %mul3A = arith.constant 624 : i32
    %mul3A_5 = arith.muli %arg1, %mul3A : i32
    %lt3A = arith.constant 15 : i32
    %lt3A_6 = arith.cmpi slt, %arg1, %lt3A : i32
    %convert_element_type3A = arith.extui %lt3A_6 : i1 to i32
    %cond3A = arith.constant 0 : i32
    %cond3A_7 = arith.cmpi ne, %convert_element_type3A, %cond3A : i32
    scf.if %cond3A_7 {
      %add3A_33 = arith.constant 0 : i32
      %add3A_34 = arith.addi %mul3A_5, %add3A_33 : i32
      "tpu.region"() ({
        %run_scoped3A = tpu.sem_alloc : memref<!tpu.dma_semaphore, #tpu.memory_space<semaphore_mem>>
        %dma_start3A = arith.constant 0 : i32
        %dma_start3A_43 = tpu.memref_slice %arg11[%add3A_34, %dma_start3A] : memref<10000x128xf32, #tpu.memory_space<vmem_shared>> -> memref<128x128xf32, #tpu.memory_space<vmem_shared>>
        %dma_start3A_44 = arith.constant 0 : i32
        %dma_start3A_45 = tpu.memref_slice %arg11[%add3A_34, %dma_start3A_44] : memref<10000x128xf32, #tpu.memory_space<vmem_shared>> -> memref<128x128xf32, #tpu.memory_space<vmem_shared>>
        tpu.enqueue_dma source(%arg10 : memref<128x128xf32, #tpu.memory_space<vmem>>) target(%dma_start3A_45 : memref<128x128xf32, #tpu.memory_space<vmem_shared>>) target_semaphore(%run_scoped3A : memref<!tpu.dma_semaphore, #tpu.memory_space<semaphore_mem>>)
        %dma_wait3A = arith.constant 0 : i32
        %dma_wait3A_46 = tpu.memref_slice %arg11[%add3A_34, %dma_wait3A] : memref<10000x128xf32, #tpu.memory_space<vmem_shared>> -> memref<128x128xf32, #tpu.memory_space<vmem_shared>>
        %dma_wait3A_47 = arith.constant 0 : i32
        %dma_wait3A_48 = tpu.memref_slice %arg11[%add3A_34, %dma_wait3A_47] : memref<10000x128xf32, #tpu.memory_space<vmem_shared>> -> memref<128x128xf32, #tpu.memory_space<vmem_shared>>
        tpu.wait_dma2 semaphore(%run_scoped3A : memref<!tpu.dma_semaphore, #tpu.memory_space<semaphore_mem>>) src(%arg10 : memref<128x128xf32, #tpu.memory_space<vmem>>) dst(%dma_wait3A_48 : memref<128x128xf32, #tpu.memory_space<vmem_shared>>)
        tpu.yield
      }) : () -> ()
      %add3A_35 = arith.constant 128 : i32
      %add3A_36 = arith.addi %mul3A_5, %add3A_35 : i32
      "tpu.region"() ({
        %run_scoped3A = tpu.sem_alloc : memref<!tpu.dma_semaphore, #tpu.memory_space<semaphore_mem>>
        %dma_start3A = arith.constant 0 : i32
        %dma_start3A_43 = tpu.memref_slice %arg11[%add3A_36, %dma_start3A] : memref<10000x128xf32, #tpu.memory_space<vmem_shared>> -> memref<128x128xf32, #tpu.memory_space<vmem_shared>>
        %dma_start3A_44 = arith.constant 0 : i32
        %dma_start3A_45 = tpu.memref_slice %arg11[%add3A_36, %dma_start3A_44] : memref<10000x128xf32, #tpu.memory_space<vmem_shared>> -> memref<128x128xf32, #tpu.memory_space<vmem_shared>>
        tpu.enqueue_dma source(%arg10 : memref<128x128xf32, #tpu.memory_space<vmem>>) target(%dma_start3A_45 : memref<128x128xf32, #tpu.memory_space<vmem_shared>>) target_semaphore(%run_scoped3A : memref<!tpu.dma_semaphore, #tpu.memory_space<semaphore_mem>>)
        %dma_wait3A = arith.constant 0 : i32
        %dma_wait3A_46 = tpu.memref_slice %arg11[%add3A_36, %dma_wait3A] : memref<10000x128xf32, #tpu.memory_space<vmem_shared>> -> memref<128x128xf32, #tpu.memory_space<vmem_shared>>
        %dma_wait3A_47 = arith.constant 0 : i32
        %dma_wait3A_48 = tpu.memref_slice %arg11[%add3A_36, %dma_wait3A_47] : memref<10000x128xf32, #tpu.memory_space<vmem_shared>> -> memref<128x128xf32, #tpu.memory_space<vmem_shared>>
        tpu.wait_dma2 semaphore(%run_scoped3A : memref<!tpu.dma_semaphore, #tpu.memory_space<semaphore_mem>>) src(%arg10 : memref<128x128xf32, #tpu.memory_space<vmem>>) dst(%dma_wait3A_48 : memref<128x128xf32, #tpu.memory_space<vmem_shared>>)
        tpu.yield
      }) : () -> ()
      %add3A_37 = arith.constant 256 : i32
      %add3A_38 = arith.addi %mul3A_5, %add3A_37 : i32
      "tpu.region"() ({
        %run_scoped3A = tpu.sem_alloc : memref<!tpu.dma_semaphore, #tpu.memory_space<semaphore_mem>>
        %dma_start3A = arith.constant 0 : i32
        %dma_start3A_43 = tpu.memref_slice %arg11[%add3A_38, %dma_start3A] : memref<10000x128xf32, #tpu.memory_space<vmem_shared>> -> memref<128x128xf32, #tpu.memory_space<vmem_shared>>
        %dma_start3A_44 = arith.constant 0 : i32
        %dma_start3A_45 = tpu.memref_slice %arg11[%add3A_38, %dma_start3A_44] : memref<10000x128xf32, #tpu.memory_space<vmem_shared>> -> memref<128x128xf32, #tpu.memory_space<vmem_shared>>
        tpu.enqueue_dma source(%arg10 : memref<128x128xf32, #tpu.memory_space<vmem>>) target(%dma_start3A_45 : memref<128x128xf32, #tpu.memory_space<vmem_shared>>) target_semaphore(%run_scoped3A : memref<!tpu.dma_semaphore, #tpu.memory_space<semaphore_mem>>)
        %dma_wait3A = arith.constant 0 : i32
        %dma_wait3A_46 = tpu.memref_slice %arg11[%add3A_38, %dma_wait3A] : memref<10000x128xf32, #tpu.memory_space<vmem_shared>> -> memref<128x128xf32, #tpu.memory_space<vmem_shared>>
        %dma_wait3A_47 = arith.constant 0 : i32
        %dma_wait3A_48 = tpu.memref_slice %arg11[%add3A_38, %dma_wait3A_47] : memref<10000x128xf32, #tpu.memory_space<vmem_shared>> -> memref<128x128xf32, #tpu.memory_space<vmem_shared>>
        tpu.wait_dma2 semaphore(%run_scoped3A : memref<!tpu.dma_semaphore, #tpu.memory_space<semaphore_mem>>) src(%arg10 : memref<128x128xf32, #tpu.memory_space<vmem>>) dst(%dma_wait3A_48 : memref<128x128xf32, #tpu.memory_space<vmem_shared>>)
        tpu.yield
      }) : () -> ()
      %add3A_39 = arith.constant 384 : i32
      %add3A_40 = arith.addi %mul3A_5, %add3A_39 : i32
      "tpu.region"() ({
        %run_scoped3A = tpu.sem_alloc : memref<!tpu.dma_semaphore, #tpu.memory_space<semaphore_mem>>
        %dma_start3A = arith.constant 0 : i32
        %dma_start3A_43 = tpu.memref_slice %arg11[%add3A_40, %dma_start3A] : memref<10000x128xf32, #tpu.memory_space<vmem_shared>> -> memref<128x128xf32, #tpu.memory_space<vmem_shared>>
        %dma_start3A_44 = arith.constant 0 : i32
        %dma_start3A_45 = tpu.memref_slice %arg11[%add3A_40, %dma_start3A_44] : memref<10000x128xf32, #tpu.memory_space<vmem_shared>> -> memref<128x128xf32, #tpu.memory_space<vmem_shared>>
        tpu.enqueue_dma source(%arg10 : memref<128x128xf32, #tpu.memory_space<vmem>>) target(%dma_start3A_45 : memref<128x128xf32, #tpu.memory_space<vmem_shared>>) target_semaphore(%run_scoped3A : memref<!tpu.dma_semaphore, #tpu.memory_space<semaphore_mem>>)
        %dma_wait3A = arith.constant 0 : i32
        %dma_wait3A_46 = tpu.memref_slice %arg11[%add3A_40, %dma_wait3A] : memref<10000x128xf32, #tpu.memory_space<vmem_shared>> -> memref<128x128xf32, #tpu.memory_space<vmem_shared>>
        %dma_wait3A_47 = arith.constant 0 : i32
        %dma_wait3A_48 = tpu.memref_slice %arg11[%add3A_40, %dma_wait3A_47] : memref<10000x128xf32, #tpu.memory_space<vmem_shared>> -> memref<128x128xf32, #tpu.memory_space<vmem_shared>>
        tpu.wait_dma2 semaphore(%run_scoped3A : memref<!tpu.dma_semaphore, #tpu.memory_space<semaphore_mem>>) src(%arg10 : memref<128x128xf32, #tpu.memory_space<vmem>>) dst(%dma_wait3A_48 : memref<128x128xf32, #tpu.memory_space<vmem_shared>>)
        tpu.yield
      }) : () -> ()
      %add3A_41 = arith.constant 512 : i32
      %add3A_42 = arith.addi %mul3A_5, %add3A_41 : i32
      "tpu.region"() ({
        %run_scoped3A = tpu.sem_alloc : memref<!tpu.dma_semaphore, #tpu.memory_space<semaphore_mem>>
        %dma_start3A = arith.constant 0 : i32
        %dma_start3A_43 = arith.constant 0 : i32
        %dma_start3A_44 = tpu.memref_slice %arg10[%dma_start3A, %dma_start3A_43] : memref<128x128xf32, #tpu.memory_space<vmem>> -> memref<112x128xf32, #tpu.memory_space<vmem>>
        %dma_start3A_45 = arith.constant 0 : i32
        %dma_start3A_46 = tpu.memref_slice %arg11[%add3A_42, %dma_start3A_45] : memref<10000x128xf32, #tpu.memory_space<vmem_shared>> -> memref<112x128xf32, #tpu.memory_space<vmem_shared>>
        %dma_start3A_47 = arith.constant 0 : i32
        %dma_start3A_48 = tpu.memref_slice %arg11[%add3A_42, %dma_start3A_47] : memref<10000x128xf32, #tpu.memory_space<vmem_shared>> -> memref<112x128xf32, #tpu.memory_space<vmem_shared>>
        %dma_start3A_49 = arith.constant 0 : i32
        %dma_start3A_50 = arith.constant 0 : i32
        %dma_start3A_51 = tpu.memref_slice %arg10[%dma_start3A_49, %dma_start3A_50] : memref<128x128xf32, #tpu.memory_space<vmem>> -> memref<112x128xf32, #tpu.memory_space<vmem>>
        tpu.enqueue_dma source(%dma_start3A_51 : memref<112x128xf32, #tpu.memory_space<vmem>>) target(%dma_start3A_48 : memref<112x128xf32, #tpu.memory_space<vmem_shared>>) target_semaphore(%run_scoped3A : memref<!tpu.dma_semaphore, #tpu.memory_space<semaphore_mem>>)
        %dma_wait3A = arith.constant 0 : i32
        %dma_wait3A_52 = arith.constant 0 : i32
        %dma_wait3A_53 = tpu.memref_slice %arg10[%dma_wait3A, %dma_wait3A_52] : memref<128x128xf32, #tpu.memory_space<vmem>> -> memref<112x128xf32, #tpu.memory_space<vmem>>
        %dma_wait3A_54 = arith.constant 0 : i32
        %dma_wait3A_55 = tpu.memref_slice %arg11[%add3A_42, %dma_wait3A_54] : memref<10000x128xf32, #tpu.memory_space<vmem_shared>> -> memref<112x128xf32, #tpu.memory_space<vmem_shared>>
        %dma_wait3A_56 = arith.constant 0 : i32
        %dma_wait3A_57 = tpu.memref_slice %arg11[%add3A_42, %dma_wait3A_56] : memref<10000x128xf32, #tpu.memory_space<vmem_shared>> -> memref<112x128xf32, #tpu.memory_space<vmem_shared>>
        %dma_wait3A_58 = arith.constant 0 : i32
        %dma_wait3A_59 = arith.constant 0 : i32
        %dma_wait3A_60 = tpu.memref_slice %arg10[%dma_wait3A_58, %dma_wait3A_59] : memref<128x128xf32, #tpu.memory_space<vmem>> -> memref<112x128xf32, #tpu.memory_space<vmem>>
        tpu.wait_dma2 semaphore(%run_scoped3A : memref<!tpu.dma_semaphore, #tpu.memory_space<semaphore_mem>>) src(%dma_wait3A_60 : memref<112x128xf32, #tpu.memory_space<vmem>>) dst(%dma_wait3A_57 : memref<112x128xf32, #tpu.memory_space<vmem_shared>>)
        tpu.yield
      }) : () -> ()
    } else {
    }
    %eq3A = arith.constant 15 : i32
    %eq3A_8 = arith.cmpi eq, %arg1, %eq3A : i32
    %convert_element_type3A_9 = arith.extui %eq3A_8 : i1 to i32
    %cond3A_10 = arith.constant 0 : i32
    %cond3A_11 = arith.cmpi ne, %convert_element_type3A_9, %cond3A_10 : i32
    scf.if %cond3A_11 {
      %add3A_33 = arith.constant 0 : i32
      %add3A_34 = arith.addi %mul3A_5, %add3A_33 : i32
      "tpu.region"() ({
        %run_scoped3A = tpu.sem_alloc : memref<!tpu.dma_semaphore, #tpu.memory_space<semaphore_mem>>
        %dma_start3A = arith.constant 0 : i32
        %dma_start3A_43 = tpu.memref_slice %arg11[%add3A_34, %dma_start3A] : memref<10000x128xf32, #tpu.memory_space<vmem_shared>> -> memref<128x128xf32, #tpu.memory_space<vmem_shared>>
        %dma_start3A_44 = arith.constant 0 : i32
        %dma_start3A_45 = tpu.memref_slice %arg11[%add3A_34, %dma_start3A_44] : memref<10000x128xf32, #tpu.memory_space<vmem_shared>> -> memref<128x128xf32, #tpu.memory_space<vmem_shared>>
        tpu.enqueue_dma source(%arg10 : memref<128x128xf32, #tpu.memory_space<vmem>>) target(%dma_start3A_45 : memref<128x128xf32, #tpu.memory_space<vmem_shared>>) target_semaphore(%run_scoped3A : memref<!tpu.dma_semaphore, #tpu.memory_space<semaphore_mem>>)
        %dma_wait3A = arith.constant 0 : i32
        %dma_wait3A_46 = tpu.memref_slice %arg11[%add3A_34, %dma_wait3A] : memref<10000x128xf32, #tpu.memory_space<vmem_shared>> -> memref<128x128xf32, #tpu.memory_space<vmem_shared>>
        %dma_wait3A_47 = arith.constant 0 : i32
        %dma_wait3A_48 = tpu.memref_slice %arg11[%add3A_34, %dma_wait3A_47] : memref<10000x128xf32, #tpu.memory_space<vmem_shared>> -> memref<128x128xf32, #tpu.memory_space<vmem_shared>>
        tpu.wait_dma2 semaphore(%run_scoped3A : memref<!tpu.dma_semaphore, #tpu.memory_space<semaphore_mem>>) src(%arg10 : memref<128x128xf32, #tpu.memory_space<vmem>>) dst(%dma_wait3A_48 : memref<128x128xf32, #tpu.memory_space<vmem_shared>>)
        tpu.yield
      }) : () -> ()
      %add3A_35 = arith.constant 128 : i32
      %add3A_36 = arith.addi %mul3A_5, %add3A_35 : i32
      "tpu.region"() ({
        %run_scoped3A = tpu.sem_alloc : memref<!tpu.dma_semaphore, #tpu.memory_space<semaphore_mem>>
        %dma_start3A = arith.constant 0 : i32
        %dma_start3A_43 = tpu.memref_slice %arg11[%add3A_36, %dma_start3A] : memref<10000x128xf32, #tpu.memory_space<vmem_shared>> -> memref<128x128xf32, #tpu.memory_space<vmem_shared>>
        %dma_start3A_44 = arith.constant 0 : i32
        %dma_start3A_45 = tpu.memref_slice %arg11[%add3A_36, %dma_start3A_44] : memref<10000x128xf32, #tpu.memory_space<vmem_shared>> -> memref<128x128xf32, #tpu.memory_space<vmem_shared>>
        tpu.enqueue_dma source(%arg10 : memref<128x128xf32, #tpu.memory_space<vmem>>) target(%dma_start3A_45 : memref<128x128xf32, #tpu.memory_space<vmem_shared>>) target_semaphore(%run_scoped3A : memref<!tpu.dma_semaphore, #tpu.memory_space<semaphore_mem>>)
        %dma_wait3A = arith.constant 0 : i32
        %dma_wait3A_46 = tpu.memref_slice %arg11[%add3A_36, %dma_wait3A] : memref<10000x128xf32, #tpu.memory_space<vmem_shared>> -> memref<128x128xf32, #tpu.memory_space<vmem_shared>>
        %dma_wait3A_47 = arith.constant 0 : i32
        %dma_wait3A_48 = tpu.memref_slice %arg11[%add3A_36, %dma_wait3A_47] : memref<10000x128xf32, #tpu.memory_space<vmem_shared>> -> memref<128x128xf32, #tpu.memory_space<vmem_shared>>
        tpu.wait_dma2 semaphore(%run_scoped3A : memref<!tpu.dma_semaphore, #tpu.memory_space<semaphore_mem>>) src(%arg10 : memref<128x128xf32, #tpu.memory_space<vmem>>) dst(%dma_wait3A_48 : memref<128x128xf32, #tpu.memory_space<vmem_shared>>)
        tpu.yield
      }) : () -> ()
      %add3A_37 = arith.constant 256 : i32
      %add3A_38 = arith.addi %mul3A_5, %add3A_37 : i32
      "tpu.region"() ({
        %run_scoped3A = tpu.sem_alloc : memref<!tpu.dma_semaphore, #tpu.memory_space<semaphore_mem>>
        %dma_start3A = arith.constant 0 : i32
        %dma_start3A_43 = tpu.memref_slice %arg11[%add3A_38, %dma_start3A] : memref<10000x128xf32, #tpu.memory_space<vmem_shared>> -> memref<128x128xf32, #tpu.memory_space<vmem_shared>>
        %dma_start3A_44 = arith.constant 0 : i32
        %dma_start3A_45 = tpu.memref_slice %arg11[%add3A_38, %dma_start3A_44] : memref<10000x128xf32, #tpu.memory_space<vmem_shared>> -> memref<128x128xf32, #tpu.memory_space<vmem_shared>>
        tpu.enqueue_dma source(%arg10 : memref<128x128xf32, #tpu.memory_space<vmem>>) target(%dma_start3A_45 : memref<128x128xf32, #tpu.memory_space<vmem_shared>>) target_semaphore(%run_scoped3A : memref<!tpu.dma_semaphore, #tpu.memory_space<semaphore_mem>>)
        %dma_wait3A = arith.constant 0 : i32
        %dma_wait3A_46 = tpu.memref_slice %arg11[%add3A_38, %dma_wait3A] : memref<10000x128xf32, #tpu.memory_space<vmem_shared>> -> memref<128x128xf32, #tpu.memory_space<vmem_shared>>
        %dma_wait3A_47 = arith.constant 0 : i32
        %dma_wait3A_48 = tpu.memref_slice %arg11[%add3A_38, %dma_wait3A_47] : memref<10000x128xf32, #tpu.memory_space<vmem_shared>> -> memref<128x128xf32, #tpu.memory_space<vmem_shared>>
        tpu.wait_dma2 semaphore(%run_scoped3A : memref<!tpu.dma_semaphore, #tpu.memory_space<semaphore_mem>>) src(%arg10 : memref<128x128xf32, #tpu.memory_space<vmem>>) dst(%dma_wait3A_48 : memref<128x128xf32, #tpu.memory_space<vmem_shared>>)
        tpu.yield
      }) : () -> ()
      %add3A_39 = arith.constant 384 : i32
      %add3A_40 = arith.addi %mul3A_5, %add3A_39 : i32
      "tpu.region"() ({
        %run_scoped3A = tpu.sem_alloc : memref<!tpu.dma_semaphore, #tpu.memory_space<semaphore_mem>>
        %dma_start3A = arith.constant 0 : i32
        %dma_start3A_43 = tpu.memref_slice %arg11[%add3A_40, %dma_start3A] : memref<10000x128xf32, #tpu.memory_space<vmem_shared>> -> memref<128x128xf32, #tpu.memory_space<vmem_shared>>
        %dma_start3A_44 = arith.constant 0 : i32
        %dma_start3A_45 = tpu.memref_slice %arg11[%add3A_40, %dma_start3A_44] : memref<10000x128xf32, #tpu.memory_space<vmem_shared>> -> memref<128x128xf32, #tpu.memory_space<vmem_shared>>
        tpu.enqueue_dma source(%arg10 : memref<128x128xf32, #tpu.memory_space<vmem>>) target(%dma_start3A_45 : memref<128x128xf32, #tpu.memory_space<vmem_shared>>) target_semaphore(%run_scoped3A : memref<!tpu.dma_semaphore, #tpu.memory_space<semaphore_mem>>)
        %dma_wait3A = arith.constant 0 : i32
        %dma_wait3A_46 = tpu.memref_slice %arg11[%add3A_40, %dma_wait3A] : memref<10000x128xf32, #tpu.memory_space<vmem_shared>> -> memref<128x128xf32, #tpu.memory_space<vmem_shared>>
        %dma_wait3A_47 = arith.constant 0 : i32
        %dma_wait3A_48 = tpu.memref_slice %arg11[%add3A_40, %dma_wait3A_47] : memref<10000x128xf32, #tpu.memory_space<vmem_shared>> -> memref<128x128xf32, #tpu.memory_space<vmem_shared>>
        tpu.wait_dma2 semaphore(%run_scoped3A : memref<!tpu.dma_semaphore, #tpu.memory_space<semaphore_mem>>) src(%arg10 : memref<128x128xf32, #tpu.memory_space<vmem>>) dst(%dma_wait3A_48 : memref<128x128xf32, #tpu.memory_space<vmem_shared>>)
        tpu.yield
      }) : () -> ()
      %add3A_41 = arith.constant 512 : i32
      %add3A_42 = arith.addi %mul3A_5, %add3A_41 : i32
      "tpu.region"() ({
        %run_scoped3A = tpu.sem_alloc : memref<!tpu.dma_semaphore, #tpu.memory_space<semaphore_mem>>
        %dma_start3A = arith.constant 0 : i32
        %dma_start3A_43 = tpu.memref_slice %arg11[%add3A_42, %dma_start3A] : memref<10000x128xf32, #tpu.memory_space<vmem_shared>> -> memref<128x128xf32, #tpu.memory_space<vmem_shared>>
        %dma_start3A_44 = arith.constant 0 : i32
        %dma_start3A_45 = tpu.memref_slice %arg11[%add3A_42, %dma_start3A_44] : memref<10000x128xf32, #tpu.memory_space<vmem_shared>> -> memref<128x128xf32, #tpu.memory_space<vmem_shared>>
        tpu.enqueue_dma source(%arg10 : memref<128x128xf32, #tpu.memory_space<vmem>>) target(%dma_start3A_45 : memref<128x128xf32, #tpu.memory_space<vmem_shared>>) target_semaphore(%run_scoped3A : memref<!tpu.dma_semaphore, #tpu.memory_space<semaphore_mem>>)
        %dma_wait3A = arith.constant 0 : i32
        %dma_wait3A_46 = tpu.memref_slice %arg11[%add3A_42, %dma_wait3A] : memref<10000x128xf32, #tpu.memory_space<vmem_shared>> -> memref<128x128xf32, #tpu.memory_space<vmem_shared>>
        %dma_wait3A_47 = arith.constant 0 : i32
        %dma_wait3A_48 = tpu.memref_slice %arg11[%add3A_42, %dma_wait3A_47] : memref<10000x128xf32, #tpu.memory_space<vmem_shared>> -> memref<128x128xf32, #tpu.memory_space<vmem_shared>>
        tpu.wait_dma2 semaphore(%run_scoped3A : memref<!tpu.dma_semaphore, #tpu.memory_space<semaphore_mem>>) src(%arg10 : memref<128x128xf32, #tpu.memory_space<vmem>>) dst(%dma_wait3A_48 : memref<128x128xf32, #tpu.memory_space<vmem_shared>>)
        tpu.yield
      }) : () -> ()
    } else {
    }
    %barrier3A = arith.constant 0 : index
    tpu.barrier barrier_id(%barrier3A)
    %mul3A_12 = arith.constant 10240 : i32
    %mul3A_13 = arith.muli %arg1, %mul3A_12 : i32
    %scan3A_14 = arith.constant 0 : i32
    %scan3A_15 = arith.constant 0 : i32
    %scan3A_16 = arith.constant 80 : i32
    %scan3A_17 = arith.addi %scan3A_15, %scan3A_16 : i32
    %scan3A_18 = arith.constant 1 : i32
    scf.for %scan3A_33 = %scan3A_15 to %scan3A_17 step %scan3A_18  : i32 {
      %mul3A_34 = arith.constant 128 : i32
      %mul3A_35 = arith.muli %scan3A_33, %mul3A_34 : i32
      %add3A_36 = arith.addi %mul3A_13, %mul3A_35 : i32
      "tpu.region"() ({
        %run_scoped3A = tpu.sem_alloc : memref<!tpu.dma_semaphore, #tpu.memory_space<semaphore_mem>>
        %dma_start3A_95 = tpu.memref_slice %arg3[%add3A_36] : memref<163840xi32, #tpu.memory_space<hbm>> -> memref<128xi32, #tpu.memory_space<hbm>>
        %dma_start3A_96 = tpu.memref_slice %arg3[%add3A_36] : memref<163840xi32, #tpu.memory_space<hbm>> -> memref<128xi32, #tpu.memory_space<hbm>>
        tpu.enqueue_dma source(%dma_start3A_96 : memref<128xi32, #tpu.memory_space<hbm>>) target(%arg7 : memref<128xi32, #tpu.memory_space<vmem>>) target_semaphore(%run_scoped3A : memref<!tpu.dma_semaphore, #tpu.memory_space<semaphore_mem>>)
        %dma_wait3A_97 = tpu.memref_slice %arg3[%add3A_36] : memref<163840xi32, #tpu.memory_space<hbm>> -> memref<128xi32, #tpu.memory_space<hbm>>
        %dma_wait3A_98 = tpu.memref_slice %arg3[%add3A_36] : memref<163840xi32, #tpu.memory_space<hbm>> -> memref<128xi32, #tpu.memory_space<hbm>>
        tpu.wait_dma2 semaphore(%run_scoped3A : memref<!tpu.dma_semaphore, #tpu.memory_space<semaphore_mem>>) src(%dma_wait3A_98 : memref<128xi32, #tpu.memory_space<hbm>>) dst(%arg7 : memref<128xi32, #tpu.memory_space<vmem>>)
        tpu.yield
      }) : () -> ()
      "tpu.region"() ({
        %run_scoped3A = tpu.sem_alloc : memref<!tpu.dma_semaphore, #tpu.memory_space<semaphore_mem>>
        %dma_start3A_95 = tpu.memref_slice %arg4[%add3A_36] : memref<163840xi32, #tpu.memory_space<hbm>> -> memref<128xi32, #tpu.memory_space<hbm>>
        %dma_start3A_96 = tpu.memref_slice %arg4[%add3A_36] : memref<163840xi32, #tpu.memory_space<hbm>> -> memref<128xi32, #tpu.memory_space<hbm>>
        tpu.enqueue_dma source(%dma_start3A_96 : memref<128xi32, #tpu.memory_space<hbm>>) target(%arg8 : memref<128xi32, #tpu.memory_space<vmem>>) target_semaphore(%run_scoped3A : memref<!tpu.dma_semaphore, #tpu.memory_space<semaphore_mem>>)
        %dma_wait3A_97 = tpu.memref_slice %arg4[%add3A_36] : memref<163840xi32, #tpu.memory_space<hbm>> -> memref<128xi32, #tpu.memory_space<hbm>>
        %dma_wait3A_98 = tpu.memref_slice %arg4[%add3A_36] : memref<163840xi32, #tpu.memory_space<hbm>> -> memref<128xi32, #tpu.memory_space<hbm>>
        tpu.wait_dma2 semaphore(%run_scoped3A : memref<!tpu.dma_semaphore, #tpu.memory_space<semaphore_mem>>) src(%dma_wait3A_98 : memref<128xi32, #tpu.memory_space<hbm>>) dst(%arg8 : memref<128xi32, #tpu.memory_space<vmem>>)
        tpu.yield
      }) : () -> ()
      "tpu.region"() ({
        %run_scoped3A = tpu.sem_alloc : memref<!tpu.dma_semaphore, #tpu.memory_space<semaphore_mem>>
        %dma_start3A_95 = tpu.memref_slice %arg5[%add3A_36] : memref<163840xf32, #tpu.memory_space<hbm>> -> memref<128xf32, #tpu.memory_space<hbm>>
        %dma_start3A_96 = tpu.memref_slice %arg5[%add3A_36] : memref<163840xf32, #tpu.memory_space<hbm>> -> memref<128xf32, #tpu.memory_space<hbm>>
        tpu.enqueue_dma source(%dma_start3A_96 : memref<128xf32, #tpu.memory_space<hbm>>) target(%arg9 : memref<128xf32, #tpu.memory_space<vmem>>) target_semaphore(%run_scoped3A : memref<!tpu.dma_semaphore, #tpu.memory_space<semaphore_mem>>)
        %dma_wait3A_97 = tpu.memref_slice %arg5[%add3A_36] : memref<163840xf32, #tpu.memory_space<hbm>> -> memref<128xf32, #tpu.memory_space<hbm>>
        %dma_wait3A_98 = tpu.memref_slice %arg5[%add3A_36] : memref<163840xf32, #tpu.memory_space<hbm>> -> memref<128xf32, #tpu.memory_space<hbm>>
        tpu.wait_dma2 semaphore(%run_scoped3A : memref<!tpu.dma_semaphore, #tpu.memory_space<semaphore_mem>>) src(%dma_wait3A_98 : memref<128xf32, #tpu.memory_space<hbm>>) dst(%arg9 : memref<128xf32, #tpu.memory_space<vmem>>)
        tpu.yield
      }) : () -> ()
      %mul3A_37 = arith.constant 10000 : i32
      %mul3A_38 = arith.muli %arg0, %mul3A_37 : i32
      %get3A = arith.constant 0 : index
      %get3A_39 = tpu.vector_load %arg7[%get3A] {strides = array<i32>} : memref<128xi32, #tpu.memory_space<vmem>>, vector<16xi32>,
      %add3A_40 = vector.broadcast %mul3A_38 : i32 to vector<16xi32>
      %add3A_41 = arith.addi %get3A_39, %add3A_40 : vector<16xi32>
      %swap3A = arith.constant 0 : index
      %swap3A_42 = tpu.vector_load %arg7[%swap3A] {strides = array<i32>} : memref<128xi32, #tpu.memory_space<vmem>>, vector<16xi32>,
      tpu.vector_store %arg7[%swap3A], %add3A_41 {strides = array<i32>} : memref<128xi32, #tpu.memory_space<vmem>>, vector<16xi32>,
      %get3A_43 = arith.constant 16 : index
      %get3A_44 = tpu.vector_load %arg7[%get3A_43] {strides = array<i32>} : memref<128xi32, #tpu.memory_space<vmem>>, vector<16xi32>,
      %add3A_45 = vector.broadcast %mul3A_38 : i32 to vector<16xi32>
      %add3A_46 = arith.addi %get3A_44, %add3A_45 : vector<16xi32>
      %swap3A_47 = arith.constant 16 : index
      %swap3A_48 = tpu.vector_load %arg7[%swap3A_47] {strides = array<i32>} : memref<128xi32, #tpu.memory_space<vmem>>, vector<16xi32>,
      tpu.vector_store %arg7[%swap3A_47], %add3A_46 {strides = array<i32>} : memref<128xi32, #tpu.memory_space<vmem>>, vector<16xi32>,
      %get3A_49 = arith.constant 32 : index
      %get3A_50 = tpu.vector_load %arg7[%get3A_49] {strides = array<i32>} : memref<128xi32, #tpu.memory_space<vmem>>, vector<16xi32>,
      %add3A_51 = vector.broadcast %mul3A_38 : i32 to vector<16xi32>
      %add3A_52 = arith.addi %get3A_50, %add3A_51 : vector<16xi32>
      %swap3A_53 = arith.constant 32 : index
      %swap3A_54 = tpu.vector_load %arg7[%swap3A_53] {strides = array<i32>} : memref<128xi32, #tpu.memory_space<vmem>>, vector<16xi32>,
      tpu.vector_store %arg7[%swap3A_53], %add3A_52 {strides = array<i32>} : memref<128xi32, #tpu.memory_space<vmem>>, vector<16xi32>,
      %get3A_55 = arith.constant 48 : index
      %get3A_56 = tpu.vector_load %arg7[%get3A_55] {strides = array<i32>} : memref<128xi32, #tpu.memory_space<vmem>>, vector<16xi32>,
      %add3A_57 = vector.broadcast %mul3A_38 : i32 to vector<16xi32>
      %add3A_58 = arith.addi %get3A_56, %add3A_57 : vector<16xi32>
      %swap3A_59 = arith.constant 48 : index
      %swap3A_60 = tpu.vector_load %arg7[%swap3A_59] {strides = array<i32>} : memref<128xi32, #tpu.memory_space<vmem>>, vector<16xi32>,
      tpu.vector_store %arg7[%swap3A_59], %add3A_58 {strides = array<i32>} : memref<128xi32, #tpu.memory_space<vmem>>, vector<16xi32>,
      %get3A_61 = arith.constant 64 : index
      %get3A_62 = tpu.vector_load %arg7[%get3A_61] {strides = array<i32>} : memref<128xi32, #tpu.memory_space<vmem>>, vector<16xi32>,
      %add3A_63 = vector.broadcast %mul3A_38 : i32 to vector<16xi32>
      %add3A_64 = arith.addi %get3A_62, %add3A_63 : vector<16xi32>
      %swap3A_65 = arith.constant 64 : index
      %swap3A_66 = tpu.vector_load %arg7[%swap3A_65] {strides = array<i32>} : memref<128xi32, #tpu.memory_space<vmem>>, vector<16xi32>,
      tpu.vector_store %arg7[%swap3A_65], %add3A_64 {strides = array<i32>} : memref<128xi32, #tpu.memory_space<vmem>>, vector<16xi32>,
      %get3A_67 = arith.constant 80 : index
      %get3A_68 = tpu.vector_load %arg7[%get3A_67] {strides = array<i32>} : memref<128xi32, #tpu.memory_space<vmem>>, vector<16xi32>,
      %add3A_69 = vector.broadcast %mul3A_38 : i32 to vector<16xi32>
      %add3A_70 = arith.addi %get3A_68, %add3A_69 : vector<16xi32>
      %swap3A_71 = arith.constant 80 : index
      %swap3A_72 = tpu.vector_load %arg7[%swap3A_71] {strides = array<i32>} : memref<128xi32, #tpu.memory_space<vmem>>, vector<16xi32>,
      tpu.vector_store %arg7[%swap3A_71], %add3A_70 {strides = array<i32>} : memref<128xi32, #tpu.memory_space<vmem>>, vector<16xi32>,
      %get3A_73 = arith.constant 96 : index
      %get3A_74 = tpu.vector_load %arg7[%get3A_73] {strides = array<i32>} : memref<128xi32, #tpu.memory_space<vmem>>, vector<16xi32>,
      %add3A_75 = vector.broadcast %mul3A_38 : i32 to vector<16xi32>
      %add3A_76 = arith.addi %get3A_74, %add3A_75 : vector<16xi32>
      %swap3A_77 = arith.constant 96 : index
      %swap3A_78 = tpu.vector_load %arg7[%swap3A_77] {strides = array<i32>} : memref<128xi32, #tpu.memory_space<vmem>>, vector<16xi32>,
      tpu.vector_store %arg7[%swap3A_77], %add3A_76 {strides = array<i32>} : memref<128xi32, #tpu.memory_space<vmem>>, vector<16xi32>,
      %get3A_79 = arith.constant 112 : index
      %get3A_80 = tpu.vector_load %arg7[%get3A_79] {strides = array<i32>} : memref<128xi32, #tpu.memory_space<vmem>>, vector<16xi32>,
      %add3A_81 = vector.broadcast %mul3A_38 : i32 to vector<16xi32>
      %add3A_82 = arith.addi %get3A_80, %add3A_81 : vector<16xi32>
      %swap3A_83 = arith.constant 112 : index
      %swap3A_84 = tpu.vector_load %arg7[%swap3A_83] {strides = array<i32>} : memref<128xi32, #tpu.memory_space<vmem>>, vector<16xi32>,
      tpu.vector_store %arg7[%swap3A_83], %add3A_82 {strides = array<i32>} : memref<128xi32, #tpu.memory_space<vmem>>, vector<16xi32>,
      %dma_start3A = arith.constant 0 : i32
      %dma_start3A_85 = arith.constant 0 : i32
      %dma_start3A_86 = tpu.memref_slice %arg2[%dma_start3A, %dma_start3A_85] : memref<20000x128xf32, #tpu.memory_space<hbm>> -> memref<20000x128xf32, #tpu.memory_space<hbm>>
      tpu.enqueue_indirect_dma source(%dma_start3A_86 : memref<20000x128xf32, #tpu.memory_space<hbm>>) target(%arg10 : memref<128x128xf32, #tpu.memory_space<vmem>>) offsets(%arg7 : memref<128xi32, #tpu.memory_space<vmem>>) semaphore(%arg12 : memref<!tpu.dma_semaphore, #tpu.memory_space<semaphore_mem>>)
      %dma_wait3A = arith.constant 0 : i32
      %dma_wait3A_87 = arith.constant 0 : i32
      %dma_wait3A_88 = tpu.memref_slice %arg2[%dma_wait3A, %dma_wait3A_87] : memref<20000x128xf32, #tpu.memory_space<hbm>> -> memref<20000x128xf32, #tpu.memory_space<hbm>>
      tpu.wait_indirect_dma semaphore(%arg12 : memref<!tpu.dma_semaphore, #tpu.memory_space<semaphore_mem>>) src(%dma_wait3A_88 : memref<20000x128xf32, #tpu.memory_space<hbm>>) dst(%arg10 : memref<128x128xf32, #tpu.memory_space<vmem>>)
      %scan3A_89 = arith.constant 0 : i32
      %scan3A_90 = arith.constant 0 : i32
      %scan3A_91 = arith.constant 128 : i32
      %scan3A_92 = arith.addi %scan3A_90, %scan3A_91 : i32
      %scan3A_93 = arith.constant 1 : i32
      scf.for %scan3A_95 = %scan3A_90 to %scan3A_92 step %scan3A_93  : i32 {
        %broadcast_in_dim3A = arith.constant 0 : i32
        %broadcast_in_dim3A_96 = vector.broadcast %broadcast_in_dim3A : i32 to vector<16xi32>
        %add3A_97 = vector.broadcast %scan3A_95 : i32 to vector<16xi32>
        %add3A_98 = arith.addi %broadcast_in_dim3A_96, %add3A_97 : vector<16xi32>
        %gather3A = tpu.vector_load_idx %arg9[%add3A_98] : memref<128xf32, #tpu.memory_space<vmem>>[vector<16xi32>], vector<16xf32>,
        %get3A_99 = arith.index_cast %scan3A_95 : i32 to index
        %get3A_100 = arith.constant 0 : index
        %get3A_101 = tpu.vector_load %arg10[%get3A_99, %get3A_100] {strides = array<i32>} : memref<128x128xf32, #tpu.memory_space<vmem>>, vector<16xf32>,
        %max3A = arith.constant 0.000000e+00 : f32
        %max3A_102 = vector.broadcast %max3A : f32 to vector<16xf32>
        %max3A_103 = arith.maximumf %get3A_101, %max3A_102 : vector<16xf32>
        %mul3A_104 = arith.mulf %max3A_103, %gather3A : vector<16xf32>
        %swap3A_105 = arith.index_cast %scan3A_95 : i32 to index
        %swap3A_106 = arith.constant 0 : index
        %swap3A_107 = tpu.vector_load %arg10[%swap3A_105, %swap3A_106] {strides = array<i32>} : memref<128x128xf32, #tpu.memory_space<vmem>>, vector<16xf32>,
        tpu.vector_store %arg10[%swap3A_105, %swap3A_106], %mul3A_104 {strides = array<i32>} : memref<128x128xf32, #tpu.memory_space<vmem>>, vector<16xf32>,
        %get3A_108 = arith.index_cast %scan3A_95 : i32 to index
        %get3A_109 = arith.constant 16 : index
        %get3A_110 = tpu.vector_load %arg10[%get3A_108, %get3A_109] {strides = array<i32>} : memref<128x128xf32, #tpu.memory_space<vmem>>, vector<16xf32>,
        %max3A_111 = arith.constant 0.000000e+00 : f32
        %max3A_112 = vector.broadcast %max3A_111 : f32 to vector<16xf32>
        %max3A_113 = arith.maximumf %get3A_110, %max3A_112 : vector<16xf32>
        %mul3A_114 = arith.mulf %max3A_113, %gather3A : vector<16xf32>
        %swap3A_115 = arith.index_cast %scan3A_95 : i32 to index
        %swap3A_116 = arith.constant 16 : index
        %swap3A_117 = tpu.vector_load %arg10[%swap3A_115, %swap3A_116] {strides = array<i32>} : memref<128x128xf32, #tpu.memory_space<vmem>>, vector<16xf32>,
        tpu.vector_store %arg10[%swap3A_115, %swap3A_116], %mul3A_114 {strides = array<i32>} : memref<128x128xf32, #tpu.memory_space<vmem>>, vector<16xf32>,
        %get3A_118 = arith.index_cast %scan3A_95 : i32 to index
        %get3A_119 = arith.constant 32 : index
        %get3A_120 = tpu.vector_load %arg10[%get3A_118, %get3A_119] {strides = array<i32>} : memref<128x128xf32, #tpu.memory_space<vmem>>, vector<16xf32>,
        %max3A_121 = arith.constant 0.000000e+00 : f32
        %max3A_122 = vector.broadcast %max3A_121 : f32 to vector<16xf32>
        %max3A_123 = arith.maximumf %get3A_120, %max3A_122 : vector<16xf32>
        %mul3A_124 = arith.mulf %max3A_123, %gather3A : vector<16xf32>
        %swap3A_125 = arith.index_cast %scan3A_95 : i32 to index
        %swap3A_126 = arith.constant 32 : index
        %swap3A_127 = tpu.vector_load %arg10[%swap3A_125, %swap3A_126] {strides = array<i32>} : memref<128x128xf32, #tpu.memory_space<vmem>>, vector<16xf32>,
        tpu.vector_store %arg10[%swap3A_125, %swap3A_126], %mul3A_124 {strides = array<i32>} : memref<128x128xf32, #tpu.memory_space<vmem>>, vector<16xf32>,
        %get3A_128 = arith.index_cast %scan3A_95 : i32 to index
        %get3A_129 = arith.constant 48 : index
        %get3A_130 = tpu.vector_load %arg10[%get3A_128, %get3A_129] {strides = array<i32>} : memref<128x128xf32, #tpu.memory_space<vmem>>, vector<16xf32>,
        %max3A_131 = arith.constant 0.000000e+00 : f32
        %max3A_132 = vector.broadcast %max3A_131 : f32 to vector<16xf32>
        %max3A_133 = arith.maximumf %get3A_130, %max3A_132 : vector<16xf32>
        %mul3A_134 = arith.mulf %max3A_133, %gather3A : vector<16xf32>
        %swap3A_135 = arith.index_cast %scan3A_95 : i32 to index
        %swap3A_136 = arith.constant 48 : index
        %swap3A_137 = tpu.vector_load %arg10[%swap3A_135, %swap3A_136] {strides = array<i32>} : memref<128x128xf32, #tpu.memory_space<vmem>>, vector<16xf32>,
        tpu.vector_store %arg10[%swap3A_135, %swap3A_136], %mul3A_134 {strides = array<i32>} : memref<128x128xf32, #tpu.memory_space<vmem>>, vector<16xf32>,
        %get3A_138 = arith.index_cast %scan3A_95 : i32 to index
        %get3A_139 = arith.constant 64 : index
        %get3A_140 = tpu.vector_load %arg10[%get3A_138, %get3A_139] {strides = array<i32>} : memref<128x128xf32, #tpu.memory_space<vmem>>, vector<16xf32>,
        %max3A_141 = arith.constant 0.000000e+00 : f32
        %max3A_142 = vector.broadcast %max3A_141 : f32 to vector<16xf32>
        %max3A_143 = arith.maximumf %get3A_140, %max3A_142 : vector<16xf32>
        %mul3A_144 = arith.mulf %max3A_143, %gather3A : vector<16xf32>
        %swap3A_145 = arith.index_cast %scan3A_95 : i32 to index
        %swap3A_146 = arith.constant 64 : index
        %swap3A_147 = tpu.vector_load %arg10[%swap3A_145, %swap3A_146] {strides = array<i32>} : memref<128x128xf32, #tpu.memory_space<vmem>>, vector<16xf32>,
        tpu.vector_store %arg10[%swap3A_145, %swap3A_146], %mul3A_144 {strides = array<i32>} : memref<128x128xf32, #tpu.memory_space<vmem>>, vector<16xf32>,
        %get3A_148 = arith.index_cast %scan3A_95 : i32 to index
        %get3A_149 = arith.constant 80 : index
        %get3A_150 = tpu.vector_load %arg10[%get3A_148, %get3A_149] {strides = array<i32>} : memref<128x128xf32, #tpu.memory_space<vmem>>, vector<16xf32>,
        %max3A_151 = arith.constant 0.000000e+00 : f32
        %max3A_152 = vector.broadcast %max3A_151 : f32 to vector<16xf32>
        %max3A_153 = arith.maximumf %get3A_150, %max3A_152 : vector<16xf32>
        %mul3A_154 = arith.mulf %max3A_153, %gather3A : vector<16xf32>
        %swap3A_155 = arith.index_cast %scan3A_95 : i32 to index
        %swap3A_156 = arith.constant 80 : index
        %swap3A_157 = tpu.vector_load %arg10[%swap3A_155, %swap3A_156] {strides = array<i32>} : memref<128x128xf32, #tpu.memory_space<vmem>>, vector<16xf32>,
        tpu.vector_store %arg10[%swap3A_155, %swap3A_156], %mul3A_154 {strides = array<i32>} : memref<128x128xf32, #tpu.memory_space<vmem>>, vector<16xf32>,
        %get3A_158 = arith.index_cast %scan3A_95 : i32 to index
        %get3A_159 = arith.constant 96 : index
        %get3A_160 = tpu.vector_load %arg10[%get3A_158, %get3A_159] {strides = array<i32>} : memref<128x128xf32, #tpu.memory_space<vmem>>, vector<16xf32>,
        %max3A_161 = arith.constant 0.000000e+00 : f32
        %max3A_162 = vector.broadcast %max3A_161 : f32 to vector<16xf32>
        %max3A_163 = arith.maximumf %get3A_160, %max3A_162 : vector<16xf32>
        %mul3A_164 = arith.mulf %max3A_163, %gather3A : vector<16xf32>
        %swap3A_165 = arith.index_cast %scan3A_95 : i32 to index
        %swap3A_166 = arith.constant 96 : index
        %swap3A_167 = tpu.vector_load %arg10[%swap3A_165, %swap3A_166] {strides = array<i32>} : memref<128x128xf32, #tpu.memory_space<vmem>>, vector<16xf32>,
        tpu.vector_store %arg10[%swap3A_165, %swap3A_166], %mul3A_164 {strides = array<i32>} : memref<128x128xf32, #tpu.memory_space<vmem>>, vector<16xf32>,
        %get3A_168 = arith.index_cast %scan3A_95 : i32 to index
        %get3A_169 = arith.constant 112 : index
        %get3A_170 = tpu.vector_load %arg10[%get3A_168, %get3A_169] {strides = array<i32>} : memref<128x128xf32, #tpu.memory_space<vmem>>, vector<16xf32>,
        %max3A_171 = arith.constant 0.000000e+00 : f32
        %max3A_172 = vector.broadcast %max3A_171 : f32 to vector<16xf32>
        %max3A_173 = arith.maximumf %get3A_170, %max3A_172 : vector<16xf32>
        %mul3A_174 = arith.mulf %max3A_173, %gather3A : vector<16xf32>
        %swap3A_175 = arith.index_cast %scan3A_95 : i32 to index
        %swap3A_176 = arith.constant 112 : index
        %swap3A_177 = tpu.vector_load %arg10[%swap3A_175, %swap3A_176] {strides = array<i32>} : memref<128x128xf32, #tpu.memory_space<vmem>>, vector<16xf32>,
        tpu.vector_store %arg10[%swap3A_175, %swap3A_176], %mul3A_174 {strides = array<i32>} : memref<128x128xf32, #tpu.memory_space<vmem>>, vector<16xf32>,
      }
      %scan3A_94 = arith.constant 128 : i32
      "tpu.region"() ({
        %run_scoped3A = tpu.sem_alloc : memref<!tpu.dma_semaphore, #tpu.memory_space<semaphore_mem>>
        %dma_start3A_95 = arith.constant 0 : i32
        %dma_start3A_96 = arith.constant 0 : i32
        %dma_start3A_97 = tpu.memref_slice %arg11[%dma_start3A_95, %dma_start3A_96] : memref<10000x128xf32, #tpu.memory_space<vmem_shared>> -> memref<10000x128xf32, #tpu.memory_space<vmem_shared>>
        tpu.enqueue_indirect_dma source(%arg10 : memref<128x128xf32, #tpu.memory_space<vmem>>) target(%dma_start3A_97 : memref<10000x128xf32, #tpu.memory_space<vmem_shared>>) offsets(%arg8 : memref<128xi32, #tpu.memory_space<vmem>>) semaphore(%run_scoped3A : memref<!tpu.dma_semaphore, #tpu.memory_space<semaphore_mem>>) {add = true}
        %dma_wait3A_98 = arith.constant 0 : i32
        %dma_wait3A_99 = arith.constant 0 : i32
        %dma_wait3A_100 = tpu.memref_slice %arg11[%dma_wait3A_98, %dma_wait3A_99] : memref<10000x128xf32, #tpu.memory_space<vmem_shared>> -> memref<10000x128xf32, #tpu.memory_space<vmem_shared>>
        tpu.wait_indirect_dma semaphore(%run_scoped3A : memref<!tpu.dma_semaphore, #tpu.memory_space<semaphore_mem>>) src(%arg10 : memref<128x128xf32, #tpu.memory_space<vmem>>) dst(%dma_wait3A_100 : memref<10000x128xf32, #tpu.memory_space<vmem_shared>>)
        tpu.yield
      }) : () -> ()
    }
    %scan3A_19 = arith.constant 80 : i32
    %barrier3A_20 = arith.constant 0 : index
    tpu.barrier barrier_id(%barrier3A_20)
    %mul3A_21 = arith.constant 10000 : i32
    %mul3A_22 = arith.muli %arg0, %mul3A_21 : i32
    %add3A = arith.addi %mul3A_22, %mul3A_5 : i32
    %lt3A_23 = arith.constant 15 : i32
    %lt3A_24 = arith.cmpi slt, %arg1, %lt3A_23 : i32
    %convert_element_type3A_25 = arith.extui %lt3A_24 : i1 to i32
    %cond3A_26 = arith.constant 0 : i32
    %cond3A_27 = arith.cmpi ne, %convert_element_type3A_25, %cond3A_26 : i32
    scf.if %cond3A_27 {
      "tpu.region"() ({
        %run_scoped3A = tpu.sem_alloc : memref<!tpu.dma_semaphore, #tpu.memory_space<semaphore_mem>>
        %dma_start3A = arith.constant 0 : i32
        %dma_start3A_33 = tpu.memref_slice %arg6[%add3A, %dma_start3A] : memref<20000x128xf32, #tpu.memory_space<hbm>> -> memref<624x128xf32, #tpu.memory_space<hbm>>
        %dma_start3A_34 = arith.constant 0 : i32
        %dma_start3A_35 = tpu.memref_slice %arg11[%mul3A_5, %dma_start3A_34] : memref<10000x128xf32, #tpu.memory_space<vmem_shared>> -> memref<624x128xf32, #tpu.memory_space<vmem_shared>>
        tpu.enqueue_dma source(%dma_start3A_35 : memref<624x128xf32, #tpu.memory_space<vmem_shared>>) target(%dma_start3A_33 : memref<624x128xf32, #tpu.memory_space<hbm>>) target_semaphore(%run_scoped3A : memref<!tpu.dma_semaphore, #tpu.memory_space<semaphore_mem>>)
        %dma_wait3A = arith.constant 0 : i32
        %dma_wait3A_36 = tpu.memref_slice %arg6[%add3A, %dma_wait3A] : memref<20000x128xf32, #tpu.memory_space<hbm>> -> memref<624x128xf32, #tpu.memory_space<hbm>>
        %dma_wait3A_37 = arith.constant 0 : i32
        %dma_wait3A_38 = tpu.memref_slice %arg11[%mul3A_5, %dma_wait3A_37] : memref<10000x128xf32, #tpu.memory_space<vmem_shared>> -> memref<624x128xf32, #tpu.memory_space<vmem_shared>>
        tpu.wait_dma2 semaphore(%run_scoped3A : memref<!tpu.dma_semaphore, #tpu.memory_space<semaphore_mem>>) src(%dma_wait3A_38 : memref<624x128xf32, #tpu.memory_space<vmem_shared>>) dst(%dma_wait3A_36 : memref<624x128xf32, #tpu.memory_space<hbm>>)
        tpu.yield
      }) : () -> ()
    } else {
    }
    %eq3A_28 = arith.constant 15 : i32
    %eq3A_29 = arith.cmpi eq, %arg1, %eq3A_28 : i32
    %convert_element_type3A_30 = arith.extui %eq3A_29 : i1 to i32
    %cond3A_31 = arith.constant 0 : i32
    %cond3A_32 = arith.cmpi ne, %convert_element_type3A_30, %cond3A_31 : i32
    scf.if %cond3A_32 {
      "tpu.region"() ({
        %run_scoped3A = tpu.sem_alloc : memref<!tpu.dma_semaphore, #tpu.memory_space<semaphore_mem>>
        %dma_start3A = arith.constant 0 : i32
        %dma_start3A_33 = tpu.memref_slice %arg6[%add3A, %dma_start3A] : memref<20000x128xf32, #tpu.memory_space<hbm>> -> memref<640x128xf32, #tpu.memory_space<hbm>>
        %dma_start3A_34 = arith.constant 0 : i32
        %dma_start3A_35 = tpu.memref_slice %arg11[%mul3A_5, %dma_start3A_34] : memref<10000x128xf32, #tpu.memory_space<vmem_shared>> -> memref<640x128xf32, #tpu.memory_space<vmem_shared>>
        tpu.enqueue_dma source(%dma_start3A_35 : memref<640x128xf32, #tpu.memory_space<vmem_shared>>) target(%dma_start3A_33 : memref<640x128xf32, #tpu.memory_space<hbm>>) target_semaphore(%run_scoped3A : memref<!tpu.dma_semaphore, #tpu.memory_space<semaphore_mem>>)
        %dma_wait3A = arith.constant 0 : i32
        %dma_wait3A_36 = tpu.memref_slice %arg6[%add3A, %dma_wait3A] : memref<20000x128xf32, #tpu.memory_space<hbm>> -> memref<640x128xf32, #tpu.memory_space<hbm>>
        %dma_wait3A_37 = arith.constant 0 : i32
        %dma_wait3A_38 = tpu.memref_slice %arg11[%mul3A_5, %dma_wait3A_37] : memref<10000x128xf32, #tpu.memory_space<vmem_shared>> -> memref<640x128xf32, #tpu.memory_space<vmem_shared>>
        tpu.wait_dma2 semaphore(%run_scoped3A : memref<!tpu.dma_semaphore, #tpu.memory_space<semaphore_mem>>) src(%dma_wait3A_38 : memref<640x128xf32, #tpu.memory_space<vmem_shared>>) dst(%dma_wait3A_36 : memref<640x128xf32, #tpu.memory_space<hbm>>)
        tpu.yield
      }) : () -> ()
    } else {
    }
    return
  }
}

#map = affine_map<(d0, d1) -> (0, 0)>
#map1 = affine_map<(d0, d1) -> (0)>
module attributes {stable_mosaic.version = 14 : i64} {
  func.func @_k(%arg0: i32, %arg1: i32, %arg2: memref<20000x128xf32, #tpu.memory_space<hbm>>, %arg3: memref<163840xi32, #tpu.memory_space<hbm>>, %arg4: memref<163840xi32, #tpu.memory_space<hbm>>, %arg5: memref<163840xf32, #tpu.memory_space<hbm>>, %arg6: memref<20000x128xf32, #tpu.memory_space<hbm>>, %arg7: memref<128xi32, #tpu.memory_space<vmem>>, %arg8: memref<128xi32, #tpu.memory_space<vmem>>, %arg9: memref<128xf32, #tpu.memory_space<vmem>>, %arg10: memref<128x128xf32, #tpu.memory_space<vmem>>, %arg11: memref<10000x128xf32, #tpu.memory_space<vmem_shared>>, %arg12: memref<!tpu.dma_semaphore, #tpu.memory_space<semaphore_mem>>) attributes {dimension_semantics = [#tpu.dimension_semantics<core_parallel>, #tpu.dimension_semantics<subcore_parallel>], iteration_bounds = array<i64: 2, 16>, scalar_prefetch = 0 : i64, scratch_operands = 6 : i64, tpu.core_type = #tpu.core_type<sc_vector_subcore>, window_params = [{transform_indices = #map}, {transform_indices = #map1}, {transform_indices = #map1}, {transform_indices = #map1}, {transform_indices = #map}]} {
    %scan3A = arith.constant 0 : i32
    %scan3A_0 = arith.constant 0 : i32
    %scan3A_1 = arith.constant 128 : i32
    %scan3A_2 = arith.addi %scan3A_0, %scan3A_1 : i32
    %scan3A_3 = arith.constant 1 : i32
    scf.for %scan3A_33 = %scan3A_0 to %scan3A_2 step %scan3A_3  : i32 {
      %broadcast_in_dim3A = arith.constant 0.000000e+00 : f32
      %broadcast_in_dim3A_34 = vector.broadcast %broadcast_in_dim3A : f32 to vector<16xf32>
      %swap3A = arith.index_cast %scan3A_33 : i32 to index
      %swap3A_35 = arith.constant 0 : index
      %swap3A_36 = tpu.vector_load %arg10[%swap3A, %swap3A_35] {strides = array<i32>} : memref<128x128xf32, #tpu.memory_space<vmem>>, vector<16xf32>,
      tpu.vector_store %arg10[%swap3A, %swap3A_35], %broadcast_in_dim3A_34 {strides = array<i32>} : memref<128x128xf32, #tpu.memory_space<vmem>>, vector<16xf32>,
      %broadcast_in_dim3A_37 = arith.constant 0.000000e+00 : f32
      %broadcast_in_dim3A_38 = vector.broadcast %broadcast_in_dim3A_37 : f32 to vector<16xf32>
      %swap3A_39 = arith.index_cast %scan3A_33 : i32 to index
      %swap3A_40 = arith.constant 16 : index
      %swap3A_41 = tpu.vector_load %arg10[%swap3A_39, %swap3A_40] {strides = array<i32>} : memref<128x128xf32, #tpu.memory_space<vmem>>, vector<16xf32>,
      tpu.vector_store %arg10[%swap3A_39, %swap3A_40], %broadcast_in_dim3A_38 {strides = array<i32>} : memref<128x128xf32, #tpu.memory_space<vmem>>, vector<16xf32>,
      %broadcast_in_dim3A_42 = arith.constant 0.000000e+00 : f32
      %broadcast_in_dim3A_43 = vector.broadcast %broadcast_in_dim3A_42 : f32 to vector<16xf32>
      %swap3A_44 = arith.index_cast %scan3A_33 : i32 to index
      %swap3A_45 = arith.constant 32 : index
      %swap3A_46 = tpu.vector_load %arg10[%swap3A_44, %swap3A_45] {strides = array<i32>} : memref<128x128xf32, #tpu.memory_space<vmem>>, vector<16xf32>,
      tpu.vector_store %arg10[%swap3A_44, %swap3A_45], %broadcast_in_dim3A_43 {strides = array<i32>} : memref<128x128xf32, #tpu.memory_space<vmem>>, vector<16xf32>,
      %broadcast_in_dim3A_47 = arith.constant 0.000000e+00 : f32
      %broadcast_in_dim3A_48 = vector.broadcast %broadcast_in_dim3A_47 : f32 to vector<16xf32>
      %swap3A_49 = arith.index_cast %scan3A_33 : i32 to index
      %swap3A_50 = arith.constant 48 : index
      %swap3A_51 = tpu.vector_load %arg10[%swap3A_49, %swap3A_50] {strides = array<i32>} : memref<128x128xf32, #tpu.memory_space<vmem>>, vector<16xf32>,
      tpu.vector_store %arg10[%swap3A_49, %swap3A_50], %broadcast_in_dim3A_48 {strides = array<i32>} : memref<128x128xf32, #tpu.memory_space<vmem>>, vector<16xf32>,
      %broadcast_in_dim3A_52 = arith.constant 0.000000e+00 : f32
      %broadcast_in_dim3A_53 = vector.broadcast %broadcast_in_dim3A_52 : f32 to vector<16xf32>
      %swap3A_54 = arith.index_cast %scan3A_33 : i32 to index
      %swap3A_55 = arith.constant 64 : index
      %swap3A_56 = tpu.vector_load %arg10[%swap3A_54, %swap3A_55] {strides = array<i32>} : memref<128x128xf32, #tpu.memory_space<vmem>>, vector<16xf32>,
      tpu.vector_store %arg10[%swap3A_54, %swap3A_55], %broadcast_in_dim3A_53 {strides = array<i32>} : memref<128x128xf32, #tpu.memory_space<vmem>>, vector<16xf32>,
      %broadcast_in_dim3A_57 = arith.constant 0.000000e+00 : f32
      %broadcast_in_dim3A_58 = vector.broadcast %broadcast_in_dim3A_57 : f32 to vector<16xf32>
      %swap3A_59 = arith.index_cast %scan3A_33 : i32 to index
      %swap3A_60 = arith.constant 80 : index
      %swap3A_61 = tpu.vector_load %arg10[%swap3A_59, %swap3A_60] {strides = array<i32>} : memref<128x128xf32, #tpu.memory_space<vmem>>, vector<16xf32>,
      tpu.vector_store %arg10[%swap3A_59, %swap3A_60], %broadcast_in_dim3A_58 {strides = array<i32>} : memref<128x128xf32, #tpu.memory_space<vmem>>, vector<16xf32>,
      %broadcast_in_dim3A_62 = arith.constant 0.000000e+00 : f32
      %broadcast_in_dim3A_63 = vector.broadcast %broadcast_in_dim3A_62 : f32 to vector<16xf32>
      %swap3A_64 = arith.index_cast %scan3A_33 : i32 to index
      %swap3A_65 = arith.constant 96 : index
      %swap3A_66 = tpu.vector_load %arg10[%swap3A_64, %swap3A_65] {strides = array<i32>} : memref<128x128xf32, #tpu.memory_space<vmem>>, vector<16xf32>,
      tpu.vector_store %arg10[%swap3A_64, %swap3A_65], %broadcast_in_dim3A_63 {strides = array<i32>} : memref<128x128xf32, #tpu.memory_space<vmem>>, vector<16xf32>,
      %broadcast_in_dim3A_67 = arith.constant 0.000000e+00 : f32
      %broadcast_in_dim3A_68 = vector.broadcast %broadcast_in_dim3A_67 : f32 to vector<16xf32>
      %swap3A_69 = arith.index_cast %scan3A_33 : i32 to index
      %swap3A_70 = arith.constant 112 : index
      %swap3A_71 = tpu.vector_load %arg10[%swap3A_69, %swap3A_70] {strides = array<i32>} : memref<128x128xf32, #tpu.memory_space<vmem>>, vector<16xf32>,
      tpu.vector_store %arg10[%swap3A_69, %swap3A_70], %broadcast_in_dim3A_68 {strides = array<i32>} : memref<128x128xf32, #tpu.memory_space<vmem>>, vector<16xf32>,
    }
    %scan3A_4 = arith.constant 128 : i32
    %mul3A = arith.constant 624 : i32
    %mul3A_5 = arith.muli %arg1, %mul3A : i32
    %lt3A = arith.constant 15 : i32
    %lt3A_6 = arith.cmpi slt, %arg1, %lt3A : i32
    %convert_element_type3A = arith.extui %lt3A_6 : i1 to i32
    %cond3A = arith.constant 0 : i32
    %cond3A_7 = arith.cmpi ne, %convert_element_type3A, %cond3A : i32
    scf.if %cond3A_7 {
      %add3A_33 = arith.constant 0 : i32
      %add3A_34 = arith.addi %mul3A_5, %add3A_33 : i32
      "tpu.region"() ({
        %run_scoped3A = tpu.sem_alloc : memref<!tpu.dma_semaphore, #tpu.memory_space<semaphore_mem>>
        %dma_start3A = arith.constant 0 : i32
        %dma_start3A_43 = tpu.memref_slice %arg11[%add3A_34, %dma_start3A] : memref<10000x128xf32, #tpu.memory_space<vmem_shared>> -> memref<128x128xf32, #tpu.memory_space<vmem_shared>>
        %dma_start3A_44 = arith.constant 0 : i32
        %dma_start3A_45 = tpu.memref_slice %arg11[%add3A_34, %dma_start3A_44] : memref<10000x128xf32, #tpu.memory_space<vmem_shared>> -> memref<128x128xf32, #tpu.memory_space<vmem_shared>>
        tpu.enqueue_dma source(%arg10 : memref<128x128xf32, #tpu.memory_space<vmem>>) target(%dma_start3A_45 : memref<128x128xf32, #tpu.memory_space<vmem_shared>>) target_semaphore(%run_scoped3A : memref<!tpu.dma_semaphore, #tpu.memory_space<semaphore_mem>>)
        %dma_wait3A = arith.constant 0 : i32
        %dma_wait3A_46 = tpu.memref_slice %arg11[%add3A_34, %dma_wait3A] : memref<10000x128xf32, #tpu.memory_space<vmem_shared>> -> memref<128x128xf32, #tpu.memory_space<vmem_shared>>
        %dma_wait3A_47 = arith.constant 0 : i32
        %dma_wait3A_48 = tpu.memref_slice %arg11[%add3A_34, %dma_wait3A_47] : memref<10000x128xf32, #tpu.memory_space<vmem_shared>> -> memref<128x128xf32, #tpu.memory_space<vmem_shared>>
        tpu.wait_dma2 semaphore(%run_scoped3A : memref<!tpu.dma_semaphore, #tpu.memory_space<semaphore_mem>>) src(%arg10 : memref<128x128xf32, #tpu.memory_space<vmem>>) dst(%dma_wait3A_48 : memref<128x128xf32, #tpu.memory_space<vmem_shared>>)
        tpu.yield
      }) : () -> ()
      %add3A_35 = arith.constant 128 : i32
      %add3A_36 = arith.addi %mul3A_5, %add3A_35 : i32
      "tpu.region"() ({
        %run_scoped3A = tpu.sem_alloc : memref<!tpu.dma_semaphore, #tpu.memory_space<semaphore_mem>>
        %dma_start3A = arith.constant 0 : i32
        %dma_start3A_43 = tpu.memref_slice %arg11[%add3A_36, %dma_start3A] : memref<10000x128xf32, #tpu.memory_space<vmem_shared>> -> memref<128x128xf32, #tpu.memory_space<vmem_shared>>
        %dma_start3A_44 = arith.constant 0 : i32
        %dma_start3A_45 = tpu.memref_slice %arg11[%add3A_36, %dma_start3A_44] : memref<10000x128xf32, #tpu.memory_space<vmem_shared>> -> memref<128x128xf32, #tpu.memory_space<vmem_shared>>
        tpu.enqueue_dma source(%arg10 : memref<128x128xf32, #tpu.memory_space<vmem>>) target(%dma_start3A_45 : memref<128x128xf32, #tpu.memory_space<vmem_shared>>) target_semaphore(%run_scoped3A : memref<!tpu.dma_semaphore, #tpu.memory_space<semaphore_mem>>)
        %dma_wait3A = arith.constant 0 : i32
        %dma_wait3A_46 = tpu.memref_slice %arg11[%add3A_36, %dma_wait3A] : memref<10000x128xf32, #tpu.memory_space<vmem_shared>> -> memref<128x128xf32, #tpu.memory_space<vmem_shared>>
        %dma_wait3A_47 = arith.constant 0 : i32
        %dma_wait3A_48 = tpu.memref_slice %arg11[%add3A_36, %dma_wait3A_47] : memref<10000x128xf32, #tpu.memory_space<vmem_shared>> -> memref<128x128xf32, #tpu.memory_space<vmem_shared>>
        tpu.wait_dma2 semaphore(%run_scoped3A : memref<!tpu.dma_semaphore, #tpu.memory_space<semaphore_mem>>) src(%arg10 : memref<128x128xf32, #tpu.memory_space<vmem>>) dst(%dma_wait3A_48 : memref<128x128xf32, #tpu.memory_space<vmem_shared>>)
        tpu.yield
      }) : () -> ()
      %add3A_37 = arith.constant 256 : i32
      %add3A_38 = arith.addi %mul3A_5, %add3A_37 : i32
      "tpu.region"() ({
        %run_scoped3A = tpu.sem_alloc : memref<!tpu.dma_semaphore, #tpu.memory_space<semaphore_mem>>
        %dma_start3A = arith.constant 0 : i32
        %dma_start3A_43 = tpu.memref_slice %arg11[%add3A_38, %dma_start3A] : memref<10000x128xf32, #tpu.memory_space<vmem_shared>> -> memref<128x128xf32, #tpu.memory_space<vmem_shared>>
        %dma_start3A_44 = arith.constant 0 : i32
        %dma_start3A_45 = tpu.memref_slice %arg11[%add3A_38, %dma_start3A_44] : memref<10000x128xf32, #tpu.memory_space<vmem_shared>> -> memref<128x128xf32, #tpu.memory_space<vmem_shared>>
        tpu.enqueue_dma source(%arg10 : memref<128x128xf32, #tpu.memory_space<vmem>>) target(%dma_start3A_45 : memref<128x128xf32, #tpu.memory_space<vmem_shared>>) target_semaphore(%run_scoped3A : memref<!tpu.dma_semaphore, #tpu.memory_space<semaphore_mem>>)
        %dma_wait3A = arith.constant 0 : i32
        %dma_wait3A_46 = tpu.memref_slice %arg11[%add3A_38, %dma_wait3A] : memref<10000x128xf32, #tpu.memory_space<vmem_shared>> -> memref<128x128xf32, #tpu.memory_space<vmem_shared>>
        %dma_wait3A_47 = arith.constant 0 : i32
        %dma_wait3A_48 = tpu.memref_slice %arg11[%add3A_38, %dma_wait3A_47] : memref<10000x128xf32, #tpu.memory_space<vmem_shared>> -> memref<128x128xf32, #tpu.memory_space<vmem_shared>>
        tpu.wait_dma2 semaphore(%run_scoped3A : memref<!tpu.dma_semaphore, #tpu.memory_space<semaphore_mem>>) src(%arg10 : memref<128x128xf32, #tpu.memory_space<vmem>>) dst(%dma_wait3A_48 : memref<128x128xf32, #tpu.memory_space<vmem_shared>>)
        tpu.yield
      }) : () -> ()
      %add3A_39 = arith.constant 384 : i32
      %add3A_40 = arith.addi %mul3A_5, %add3A_39 : i32
      "tpu.region"() ({
        %run_scoped3A = tpu.sem_alloc : memref<!tpu.dma_semaphore, #tpu.memory_space<semaphore_mem>>
        %dma_start3A = arith.constant 0 : i32
        %dma_start3A_43 = tpu.memref_slice %arg11[%add3A_40, %dma_start3A] : memref<10000x128xf32, #tpu.memory_space<vmem_shared>> -> memref<128x128xf32, #tpu.memory_space<vmem_shared>>
        %dma_start3A_44 = arith.constant 0 : i32
        %dma_start3A_45 = tpu.memref_slice %arg11[%add3A_40, %dma_start3A_44] : memref<10000x128xf32, #tpu.memory_space<vmem_shared>> -> memref<128x128xf32, #tpu.memory_space<vmem_shared>>
        tpu.enqueue_dma source(%arg10 : memref<128x128xf32, #tpu.memory_space<vmem>>) target(%dma_start3A_45 : memref<128x128xf32, #tpu.memory_space<vmem_shared>>) target_semaphore(%run_scoped3A : memref<!tpu.dma_semaphore, #tpu.memory_space<semaphore_mem>>)
        %dma_wait3A = arith.constant 0 : i32
        %dma_wait3A_46 = tpu.memref_slice %arg11[%add3A_40, %dma_wait3A] : memref<10000x128xf32, #tpu.memory_space<vmem_shared>> -> memref<128x128xf32, #tpu.memory_space<vmem_shared>>
        %dma_wait3A_47 = arith.constant 0 : i32
        %dma_wait3A_48 = tpu.memref_slice %arg11[%add3A_40, %dma_wait3A_47] : memref<10000x128xf32, #tpu.memory_space<vmem_shared>> -> memref<128x128xf32, #tpu.memory_space<vmem_shared>>
        tpu.wait_dma2 semaphore(%run_scoped3A : memref<!tpu.dma_semaphore, #tpu.memory_space<semaphore_mem>>) src(%arg10 : memref<128x128xf32, #tpu.memory_space<vmem>>) dst(%dma_wait3A_48 : memref<128x128xf32, #tpu.memory_space<vmem_shared>>)
        tpu.yield
      }) : () -> ()
      %add3A_41 = arith.constant 512 : i32
      %add3A_42 = arith.addi %mul3A_5, %add3A_41 : i32
      "tpu.region"() ({
        %run_scoped3A = tpu.sem_alloc : memref<!tpu.dma_semaphore, #tpu.memory_space<semaphore_mem>>
        %dma_start3A = arith.constant 0 : i32
        %dma_start3A_43 = arith.constant 0 : i32
        %dma_start3A_44 = tpu.memref_slice %arg10[%dma_start3A, %dma_start3A_43] : memref<128x128xf32, #tpu.memory_space<vmem>> -> memref<112x128xf32, #tpu.memory_space<vmem>>
        %dma_start3A_45 = arith.constant 0 : i32
        %dma_start3A_46 = tpu.memref_slice %arg11[%add3A_42, %dma_start3A_45] : memref<10000x128xf32, #tpu.memory_space<vmem_shared>> -> memref<112x128xf32, #tpu.memory_space<vmem_shared>>
        %dma_start3A_47 = arith.constant 0 : i32
        %dma_start3A_48 = tpu.memref_slice %arg11[%add3A_42, %dma_start3A_47] : memref<10000x128xf32, #tpu.memory_space<vmem_shared>> -> memref<112x128xf32, #tpu.memory_space<vmem_shared>>
        %dma_start3A_49 = arith.constant 0 : i32
        %dma_start3A_50 = arith.constant 0 : i32
        %dma_start3A_51 = tpu.memref_slice %arg10[%dma_start3A_49, %dma_start3A_50] : memref<128x128xf32, #tpu.memory_space<vmem>> -> memref<112x128xf32, #tpu.memory_space<vmem>>
        tpu.enqueue_dma source(%dma_start3A_51 : memref<112x128xf32, #tpu.memory_space<vmem>>) target(%dma_start3A_48 : memref<112x128xf32, #tpu.memory_space<vmem_shared>>) target_semaphore(%run_scoped3A : memref<!tpu.dma_semaphore, #tpu.memory_space<semaphore_mem>>)
        %dma_wait3A = arith.constant 0 : i32
        %dma_wait3A_52 = arith.constant 0 : i32
        %dma_wait3A_53 = tpu.memref_slice %arg10[%dma_wait3A, %dma_wait3A_52] : memref<128x128xf32, #tpu.memory_space<vmem>> -> memref<112x128xf32, #tpu.memory_space<vmem>>
        %dma_wait3A_54 = arith.constant 0 : i32
        %dma_wait3A_55 = tpu.memref_slice %arg11[%add3A_42, %dma_wait3A_54] : memref<10000x128xf32, #tpu.memory_space<vmem_shared>> -> memref<112x128xf32, #tpu.memory_space<vmem_shared>>
        %dma_wait3A_56 = arith.constant 0 : i32
        %dma_wait3A_57 = tpu.memref_slice %arg11[%add3A_42, %dma_wait3A_56] : memref<10000x128xf32, #tpu.memory_space<vmem_shared>> -> memref<112x128xf32, #tpu.memory_space<vmem_shared>>
        %dma_wait3A_58 = arith.constant 0 : i32
        %dma_wait3A_59 = arith.constant 0 : i32
        %dma_wait3A_60 = tpu.memref_slice %arg10[%dma_wait3A_58, %dma_wait3A_59] : memref<128x128xf32, #tpu.memory_space<vmem>> -> memref<112x128xf32, #tpu.memory_space<vmem>>
        tpu.wait_dma2 semaphore(%run_scoped3A : memref<!tpu.dma_semaphore, #tpu.memory_space<semaphore_mem>>) src(%dma_wait3A_60 : memref<112x128xf32, #tpu.memory_space<vmem>>) dst(%dma_wait3A_57 : memref<112x128xf32, #tpu.memory_space<vmem_shared>>)
        tpu.yield
      }) : () -> ()
    } else {
    }
    %eq3A = arith.constant 15 : i32
    %eq3A_8 = arith.cmpi eq, %arg1, %eq3A : i32
    %convert_element_type3A_9 = arith.extui %eq3A_8 : i1 to i32
    %cond3A_10 = arith.constant 0 : i32
    %cond3A_11 = arith.cmpi ne, %convert_element_type3A_9, %cond3A_10 : i32
    scf.if %cond3A_11 {
      %add3A_33 = arith.constant 0 : i32
      %add3A_34 = arith.addi %mul3A_5, %add3A_33 : i32
      "tpu.region"() ({
        %run_scoped3A = tpu.sem_alloc : memref<!tpu.dma_semaphore, #tpu.memory_space<semaphore_mem>>
        %dma_start3A = arith.constant 0 : i32
        %dma_start3A_43 = tpu.memref_slice %arg11[%add3A_34, %dma_start3A] : memref<10000x128xf32, #tpu.memory_space<vmem_shared>> -> memref<128x128xf32, #tpu.memory_space<vmem_shared>>
        %dma_start3A_44 = arith.constant 0 : i32
        %dma_start3A_45 = tpu.memref_slice %arg11[%add3A_34, %dma_start3A_44] : memref<10000x128xf32, #tpu.memory_space<vmem_shared>> -> memref<128x128xf32, #tpu.memory_space<vmem_shared>>
        tpu.enqueue_dma source(%arg10 : memref<128x128xf32, #tpu.memory_space<vmem>>) target(%dma_start3A_45 : memref<128x128xf32, #tpu.memory_space<vmem_shared>>) target_semaphore(%run_scoped3A : memref<!tpu.dma_semaphore, #tpu.memory_space<semaphore_mem>>)
        %dma_wait3A = arith.constant 0 : i32
        %dma_wait3A_46 = tpu.memref_slice %arg11[%add3A_34, %dma_wait3A] : memref<10000x128xf32, #tpu.memory_space<vmem_shared>> -> memref<128x128xf32, #tpu.memory_space<vmem_shared>>
        %dma_wait3A_47 = arith.constant 0 : i32
        %dma_wait3A_48 = tpu.memref_slice %arg11[%add3A_34, %dma_wait3A_47] : memref<10000x128xf32, #tpu.memory_space<vmem_shared>> -> memref<128x128xf32, #tpu.memory_space<vmem_shared>>
        tpu.wait_dma2 semaphore(%run_scoped3A : memref<!tpu.dma_semaphore, #tpu.memory_space<semaphore_mem>>) src(%arg10 : memref<128x128xf32, #tpu.memory_space<vmem>>) dst(%dma_wait3A_48 : memref<128x128xf32, #tpu.memory_space<vmem_shared>>)
        tpu.yield
      }) : () -> ()
      %add3A_35 = arith.constant 128 : i32
      %add3A_36 = arith.addi %mul3A_5, %add3A_35 : i32
      "tpu.region"() ({
        %run_scoped3A = tpu.sem_alloc : memref<!tpu.dma_semaphore, #tpu.memory_space<semaphore_mem>>
        %dma_start3A = arith.constant 0 : i32
        %dma_start3A_43 = tpu.memref_slice %arg11[%add3A_36, %dma_start3A] : memref<10000x128xf32, #tpu.memory_space<vmem_shared>> -> memref<128x128xf32, #tpu.memory_space<vmem_shared>>
        %dma_start3A_44 = arith.constant 0 : i32
        %dma_start3A_45 = tpu.memref_slice %arg11[%add3A_36, %dma_start3A_44] : memref<10000x128xf32, #tpu.memory_space<vmem_shared>> -> memref<128x128xf32, #tpu.memory_space<vmem_shared>>
        tpu.enqueue_dma source(%arg10 : memref<128x128xf32, #tpu.memory_space<vmem>>) target(%dma_start3A_45 : memref<128x128xf32, #tpu.memory_space<vmem_shared>>) target_semaphore(%run_scoped3A : memref<!tpu.dma_semaphore, #tpu.memory_space<semaphore_mem>>)
        %dma_wait3A = arith.constant 0 : i32
        %dma_wait3A_46 = tpu.memref_slice %arg11[%add3A_36, %dma_wait3A] : memref<10000x128xf32, #tpu.memory_space<vmem_shared>> -> memref<128x128xf32, #tpu.memory_space<vmem_shared>>
        %dma_wait3A_47 = arith.constant 0 : i32
        %dma_wait3A_48 = tpu.memref_slice %arg11[%add3A_36, %dma_wait3A_47] : memref<10000x128xf32, #tpu.memory_space<vmem_shared>> -> memref<128x128xf32, #tpu.memory_space<vmem_shared>>
        tpu.wait_dma2 semaphore(%run_scoped3A : memref<!tpu.dma_semaphore, #tpu.memory_space<semaphore_mem>>) src(%arg10 : memref<128x128xf32, #tpu.memory_space<vmem>>) dst(%dma_wait3A_48 : memref<128x128xf32, #tpu.memory_space<vmem_shared>>)
        tpu.yield
      }) : () -> ()
      %add3A_37 = arith.constant 256 : i32
      %add3A_38 = arith.addi %mul3A_5, %add3A_37 : i32
      "tpu.region"() ({
        %run_scoped3A = tpu.sem_alloc : memref<!tpu.dma_semaphore, #tpu.memory_space<semaphore_mem>>
        %dma_start3A = arith.constant 0 : i32
        %dma_start3A_43 = tpu.memref_slice %arg11[%add3A_38, %dma_start3A] : memref<10000x128xf32, #tpu.memory_space<vmem_shared>> -> memref<128x128xf32, #tpu.memory_space<vmem_shared>>
        %dma_start3A_44 = arith.constant 0 : i32
        %dma_start3A_45 = tpu.memref_slice %arg11[%add3A_38, %dma_start3A_44] : memref<10000x128xf32, #tpu.memory_space<vmem_shared>> -> memref<128x128xf32, #tpu.memory_space<vmem_shared>>
        tpu.enqueue_dma source(%arg10 : memref<128x128xf32, #tpu.memory_space<vmem>>) target(%dma_start3A_45 : memref<128x128xf32, #tpu.memory_space<vmem_shared>>) target_semaphore(%run_scoped3A : memref<!tpu.dma_semaphore, #tpu.memory_space<semaphore_mem>>)
        %dma_wait3A = arith.constant 0 : i32
        %dma_wait3A_46 = tpu.memref_slice %arg11[%add3A_38, %dma_wait3A] : memref<10000x128xf32, #tpu.memory_space<vmem_shared>> -> memref<128x128xf32, #tpu.memory_space<vmem_shared>>
        %dma_wait3A_47 = arith.constant 0 : i32
        %dma_wait3A_48 = tpu.memref_slice %arg11[%add3A_38, %dma_wait3A_47] : memref<10000x128xf32, #tpu.memory_space<vmem_shared>> -> memref<128x128xf32, #tpu.memory_space<vmem_shared>>
        tpu.wait_dma2 semaphore(%run_scoped3A : memref<!tpu.dma_semaphore, #tpu.memory_space<semaphore_mem>>) src(%arg10 : memref<128x128xf32, #tpu.memory_space<vmem>>) dst(%dma_wait3A_48 : memref<128x128xf32, #tpu.memory_space<vmem_shared>>)
        tpu.yield
      }) : () -> ()
      %add3A_39 = arith.constant 384 : i32
      %add3A_40 = arith.addi %mul3A_5, %add3A_39 : i32
      "tpu.region"() ({
        %run_scoped3A = tpu.sem_alloc : memref<!tpu.dma_semaphore, #tpu.memory_space<semaphore_mem>>
        %dma_start3A = arith.constant 0 : i32
        %dma_start3A_43 = tpu.memref_slice %arg11[%add3A_40, %dma_start3A] : memref<10000x128xf32, #tpu.memory_space<vmem_shared>> -> memref<128x128xf32, #tpu.memory_space<vmem_shared>>
        %dma_start3A_44 = arith.constant 0 : i32
        %dma_start3A_45 = tpu.memref_slice %arg11[%add3A_40, %dma_start3A_44] : memref<10000x128xf32, #tpu.memory_space<vmem_shared>> -> memref<128x128xf32, #tpu.memory_space<vmem_shared>>
        tpu.enqueue_dma source(%arg10 : memref<128x128xf32, #tpu.memory_space<vmem>>) target(%dma_start3A_45 : memref<128x128xf32, #tpu.memory_space<vmem_shared>>) target_semaphore(%run_scoped3A : memref<!tpu.dma_semaphore, #tpu.memory_space<semaphore_mem>>)
        %dma_wait3A = arith.constant 0 : i32
        %dma_wait3A_46 = tpu.memref_slice %arg11[%add3A_40, %dma_wait3A] : memref<10000x128xf32, #tpu.memory_space<vmem_shared>> -> memref<128x128xf32, #tpu.memory_space<vmem_shared>>
        %dma_wait3A_47 = arith.constant 0 : i32
        %dma_wait3A_48 = tpu.memref_slice %arg11[%add3A_40, %dma_wait3A_47] : memref<10000x128xf32, #tpu.memory_space<vmem_shared>> -> memref<128x128xf32, #tpu.memory_space<vmem_shared>>
        tpu.wait_dma2 semaphore(%run_scoped3A : memref<!tpu.dma_semaphore, #tpu.memory_space<semaphore_mem>>) src(%arg10 : memref<128x128xf32, #tpu.memory_space<vmem>>) dst(%dma_wait3A_48 : memref<128x128xf32, #tpu.memory_space<vmem_shared>>)
        tpu.yield
      }) : () -> ()
      %add3A_41 = arith.constant 512 : i32
      %add3A_42 = arith.addi %mul3A_5, %add3A_41 : i32
      "tpu.region"() ({
        %run_scoped3A = tpu.sem_alloc : memref<!tpu.dma_semaphore, #tpu.memory_space<semaphore_mem>>
        %dma_start3A = arith.constant 0 : i32
        %dma_start3A_43 = tpu.memref_slice %arg11[%add3A_42, %dma_start3A] : memref<10000x128xf32, #tpu.memory_space<vmem_shared>> -> memref<128x128xf32, #tpu.memory_space<vmem_shared>>
        %dma_start3A_44 = arith.constant 0 : i32
        %dma_start3A_45 = tpu.memref_slice %arg11[%add3A_42, %dma_start3A_44] : memref<10000x128xf32, #tpu.memory_space<vmem_shared>> -> memref<128x128xf32, #tpu.memory_space<vmem_shared>>
        tpu.enqueue_dma source(%arg10 : memref<128x128xf32, #tpu.memory_space<vmem>>) target(%dma_start3A_45 : memref<128x128xf32, #tpu.memory_space<vmem_shared>>) target_semaphore(%run_scoped3A : memref<!tpu.dma_semaphore, #tpu.memory_space<semaphore_mem>>)
        %dma_wait3A = arith.constant 0 : i32
        %dma_wait3A_46 = tpu.memref_slice %arg11[%add3A_42, %dma_wait3A] : memref<10000x128xf32, #tpu.memory_space<vmem_shared>> -> memref<128x128xf32, #tpu.memory_space<vmem_shared>>
        %dma_wait3A_47 = arith.constant 0 : i32
        %dma_wait3A_48 = tpu.memref_slice %arg11[%add3A_42, %dma_wait3A_47] : memref<10000x128xf32, #tpu.memory_space<vmem_shared>> -> memref<128x128xf32, #tpu.memory_space<vmem_shared>>
        tpu.wait_dma2 semaphore(%run_scoped3A : memref<!tpu.dma_semaphore, #tpu.memory_space<semaphore_mem>>) src(%arg10 : memref<128x128xf32, #tpu.memory_space<vmem>>) dst(%dma_wait3A_48 : memref<128x128xf32, #tpu.memory_space<vmem_shared>>)
        tpu.yield
      }) : () -> ()
    } else {
    }
    %barrier3A = arith.constant 0 : index
    tpu.barrier barrier_id(%barrier3A)
    %mul3A_12 = arith.constant 10240 : i32
    %mul3A_13 = arith.muli %arg1, %mul3A_12 : i32
    %scan3A_14 = arith.constant 0 : i32
    %scan3A_15 = arith.constant 0 : i32
    %scan3A_16 = arith.constant 80 : i32
    %scan3A_17 = arith.addi %scan3A_15, %scan3A_16 : i32
    %scan3A_18 = arith.constant 1 : i32
    scf.for %scan3A_33 = %scan3A_15 to %scan3A_17 step %scan3A_18  : i32 {
      %mul3A_34 = arith.constant 128 : i32
      %mul3A_35 = arith.muli %scan3A_33, %mul3A_34 : i32
      %add3A_36 = arith.addi %mul3A_13, %mul3A_35 : i32
      "tpu.region"() ({
        %run_scoped3A = tpu.sem_alloc : memref<!tpu.dma_semaphore, #tpu.memory_space<semaphore_mem>>
        %dma_start3A_95 = tpu.memref_slice %arg3[%add3A_36] : memref<163840xi32, #tpu.memory_space<hbm>> -> memref<128xi32, #tpu.memory_space<hbm>>
        %dma_start3A_96 = tpu.memref_slice %arg3[%add3A_36] : memref<163840xi32, #tpu.memory_space<hbm>> -> memref<128xi32, #tpu.memory_space<hbm>>
        tpu.enqueue_dma source(%dma_start3A_96 : memref<128xi32, #tpu.memory_space<hbm>>) target(%arg7 : memref<128xi32, #tpu.memory_space<vmem>>) target_semaphore(%run_scoped3A : memref<!tpu.dma_semaphore, #tpu.memory_space<semaphore_mem>>)
        %dma_wait3A_97 = tpu.memref_slice %arg3[%add3A_36] : memref<163840xi32, #tpu.memory_space<hbm>> -> memref<128xi32, #tpu.memory_space<hbm>>
        %dma_wait3A_98 = tpu.memref_slice %arg3[%add3A_36] : memref<163840xi32, #tpu.memory_space<hbm>> -> memref<128xi32, #tpu.memory_space<hbm>>
        tpu.wait_dma2 semaphore(%run_scoped3A : memref<!tpu.dma_semaphore, #tpu.memory_space<semaphore_mem>>) src(%dma_wait3A_98 : memref<128xi32, #tpu.memory_space<hbm>>) dst(%arg7 : memref<128xi32, #tpu.memory_space<vmem>>)
        tpu.yield
      }) : () -> ()
      "tpu.region"() ({
        %run_scoped3A = tpu.sem_alloc : memref<!tpu.dma_semaphore, #tpu.memory_space<semaphore_mem>>
        %dma_start3A_95 = tpu.memref_slice %arg4[%add3A_36] : memref<163840xi32, #tpu.memory_space<hbm>> -> memref<128xi32, #tpu.memory_space<hbm>>
        %dma_start3A_96 = tpu.memref_slice %arg4[%add3A_36] : memref<163840xi32, #tpu.memory_space<hbm>> -> memref<128xi32, #tpu.memory_space<hbm>>
        tpu.enqueue_dma source(%dma_start3A_96 : memref<128xi32, #tpu.memory_space<hbm>>) target(%arg8 : memref<128xi32, #tpu.memory_space<vmem>>) target_semaphore(%run_scoped3A : memref<!tpu.dma_semaphore, #tpu.memory_space<semaphore_mem>>)
        %dma_wait3A_97 = tpu.memref_slice %arg4[%add3A_36] : memref<163840xi32, #tpu.memory_space<hbm>> -> memref<128xi32, #tpu.memory_space<hbm>>
        %dma_wait3A_98 = tpu.memref_slice %arg4[%add3A_36] : memref<163840xi32, #tpu.memory_space<hbm>> -> memref<128xi32, #tpu.memory_space<hbm>>
        tpu.wait_dma2 semaphore(%run_scoped3A : memref<!tpu.dma_semaphore, #tpu.memory_space<semaphore_mem>>) src(%dma_wait3A_98 : memref<128xi32, #tpu.memory_space<hbm>>) dst(%arg8 : memref<128xi32, #tpu.memory_space<vmem>>)
        tpu.yield
      }) : () -> ()
      "tpu.region"() ({
        %run_scoped3A = tpu.sem_alloc : memref<!tpu.dma_semaphore, #tpu.memory_space<semaphore_mem>>
        %dma_start3A_95 = tpu.memref_slice %arg5[%add3A_36] : memref<163840xf32, #tpu.memory_space<hbm>> -> memref<128xf32, #tpu.memory_space<hbm>>
        %dma_start3A_96 = tpu.memref_slice %arg5[%add3A_36] : memref<163840xf32, #tpu.memory_space<hbm>> -> memref<128xf32, #tpu.memory_space<hbm>>
        tpu.enqueue_dma source(%dma_start3A_96 : memref<128xf32, #tpu.memory_space<hbm>>) target(%arg9 : memref<128xf32, #tpu.memory_space<vmem>>) target_semaphore(%run_scoped3A : memref<!tpu.dma_semaphore, #tpu.memory_space<semaphore_mem>>)
        %dma_wait3A_97 = tpu.memref_slice %arg5[%add3A_36] : memref<163840xf32, #tpu.memory_space<hbm>> -> memref<128xf32, #tpu.memory_space<hbm>>
        %dma_wait3A_98 = tpu.memref_slice %arg5[%add3A_36] : memref<163840xf32, #tpu.memory_space<hbm>> -> memref<128xf32, #tpu.memory_space<hbm>>
        tpu.wait_dma2 semaphore(%run_scoped3A : memref<!tpu.dma_semaphore, #tpu.memory_space<semaphore_mem>>) src(%dma_wait3A_98 : memref<128xf32, #tpu.memory_space<hbm>>) dst(%arg9 : memref<128xf32, #tpu.memory_space<vmem>>)
        tpu.yield
      }) : () -> ()
      %mul3A_37 = arith.constant 10000 : i32
      %mul3A_38 = arith.muli %arg0, %mul3A_37 : i32
      %get3A = arith.constant 0 : index
      %get3A_39 = tpu.vector_load %arg7[%get3A] {strides = array<i32>} : memref<128xi32, #tpu.memory_space<vmem>>, vector<16xi32>,
      %add3A_40 = vector.broadcast %mul3A_38 : i32 to vector<16xi32>
      %add3A_41 = arith.addi %get3A_39, %add3A_40 : vector<16xi32>
      %swap3A = arith.constant 0 : index
      %swap3A_42 = tpu.vector_load %arg7[%swap3A] {strides = array<i32>} : memref<128xi32, #tpu.memory_space<vmem>>, vector<16xi32>,
      tpu.vector_store %arg7[%swap3A], %add3A_41 {strides = array<i32>} : memref<128xi32, #tpu.memory_space<vmem>>, vector<16xi32>,
      %get3A_43 = arith.constant 16 : index
      %get3A_44 = tpu.vector_load %arg7[%get3A_43] {strides = array<i32>} : memref<128xi32, #tpu.memory_space<vmem>>, vector<16xi32>,
      %add3A_45 = vector.broadcast %mul3A_38 : i32 to vector<16xi32>
      %add3A_46 = arith.addi %get3A_44, %add3A_45 : vector<16xi32>
      %swap3A_47 = arith.constant 16 : index
      %swap3A_48 = tpu.vector_load %arg7[%swap3A_47] {strides = array<i32>} : memref<128xi32, #tpu.memory_space<vmem>>, vector<16xi32>,
      tpu.vector_store %arg7[%swap3A_47], %add3A_46 {strides = array<i32>} : memref<128xi32, #tpu.memory_space<vmem>>, vector<16xi32>,
      %get3A_49 = arith.constant 32 : index
      %get3A_50 = tpu.vector_load %arg7[%get3A_49] {strides = array<i32>} : memref<128xi32, #tpu.memory_space<vmem>>, vector<16xi32>,
      %add3A_51 = vector.broadcast %mul3A_38 : i32 to vector<16xi32>
      %add3A_52 = arith.addi %get3A_50, %add3A_51 : vector<16xi32>
      %swap3A_53 = arith.constant 32 : index
      %swap3A_54 = tpu.vector_load %arg7[%swap3A_53] {strides = array<i32>} : memref<128xi32, #tpu.memory_space<vmem>>, vector<16xi32>,
      tpu.vector_store %arg7[%swap3A_53], %add3A_52 {strides = array<i32>} : memref<128xi32, #tpu.memory_space<vmem>>, vector<16xi32>,
      %get3A_55 = arith.constant 48 : index
      %get3A_56 = tpu.vector_load %arg7[%get3A_55] {strides = array<i32>} : memref<128xi32, #tpu.memory_space<vmem>>, vector<16xi32>,
      %add3A_57 = vector.broadcast %mul3A_38 : i32 to vector<16xi32>
      %add3A_58 = arith.addi %get3A_56, %add3A_57 : vector<16xi32>
      %swap3A_59 = arith.constant 48 : index
      %swap3A_60 = tpu.vector_load %arg7[%swap3A_59] {strides = array<i32>} : memref<128xi32, #tpu.memory_space<vmem>>, vector<16xi32>,
      tpu.vector_store %arg7[%swap3A_59], %add3A_58 {strides = array<i32>} : memref<128xi32, #tpu.memory_space<vmem>>, vector<16xi32>,
      %get3A_61 = arith.constant 64 : index
      %get3A_62 = tpu.vector_load %arg7[%get3A_61] {strides = array<i32>} : memref<128xi32, #tpu.memory_space<vmem>>, vector<16xi32>,
      %add3A_63 = vector.broadcast %mul3A_38 : i32 to vector<16xi32>
      %add3A_64 = arith.addi %get3A_62, %add3A_63 : vector<16xi32>
      %swap3A_65 = arith.constant 64 : index
      %swap3A_66 = tpu.vector_load %arg7[%swap3A_65] {strides = array<i32>} : memref<128xi32, #tpu.memory_space<vmem>>, vector<16xi32>,
      tpu.vector_store %arg7[%swap3A_65], %add3A_64 {strides = array<i32>} : memref<128xi32, #tpu.memory_space<vmem>>, vector<16xi32>,
      %get3A_67 = arith.constant 80 : index
      %get3A_68 = tpu.vector_load %arg7[%get3A_67] {strides = array<i32>} : memref<128xi32, #tpu.memory_space<vmem>>, vector<16xi32>,
      %add3A_69 = vector.broadcast %mul3A_38 : i32 to vector<16xi32>
      %add3A_70 = arith.addi %get3A_68, %add3A_69 : vector<16xi32>
      %swap3A_71 = arith.constant 80 : index
      %swap3A_72 = tpu.vector_load %arg7[%swap3A_71] {strides = array<i32>} : memref<128xi32, #tpu.memory_space<vmem>>, vector<16xi32>,
      tpu.vector_store %arg7[%swap3A_71], %add3A_70 {strides = array<i32>} : memref<128xi32, #tpu.memory_space<vmem>>, vector<16xi32>,
      %get3A_73 = arith.constant 96 : index
      %get3A_74 = tpu.vector_load %arg7[%get3A_73] {strides = array<i32>} : memref<128xi32, #tpu.memory_space<vmem>>, vector<16xi32>,
      %add3A_75 = vector.broadcast %mul3A_38 : i32 to vector<16xi32>
      %add3A_76 = arith.addi %get3A_74, %add3A_75 : vector<16xi32>
      %swap3A_77 = arith.constant 96 : index
      %swap3A_78 = tpu.vector_load %arg7[%swap3A_77] {strides = array<i32>} : memref<128xi32, #tpu.memory_space<vmem>>, vector<16xi32>,
      tpu.vector_store %arg7[%swap3A_77], %add3A_76 {strides = array<i32>} : memref<128xi32, #tpu.memory_space<vmem>>, vector<16xi32>,
      %get3A_79 = arith.constant 112 : index
      %get3A_80 = tpu.vector_load %arg7[%get3A_79] {strides = array<i32>} : memref<128xi32, #tpu.memory_space<vmem>>, vector<16xi32>,
      %add3A_81 = vector.broadcast %mul3A_38 : i32 to vector<16xi32>
      %add3A_82 = arith.addi %get3A_80, %add3A_81 : vector<16xi32>
      %swap3A_83 = arith.constant 112 : index
      %swap3A_84 = tpu.vector_load %arg7[%swap3A_83] {strides = array<i32>} : memref<128xi32, #tpu.memory_space<vmem>>, vector<16xi32>,
      tpu.vector_store %arg7[%swap3A_83], %add3A_82 {strides = array<i32>} : memref<128xi32, #tpu.memory_space<vmem>>, vector<16xi32>,
      %dma_start3A = arith.constant 0 : i32
      %dma_start3A_85 = arith.constant 0 : i32
      %dma_start3A_86 = tpu.memref_slice %arg2[%dma_start3A, %dma_start3A_85] : memref<20000x128xf32, #tpu.memory_space<hbm>> -> memref<20000x128xf32, #tpu.memory_space<hbm>>
      tpu.enqueue_indirect_dma source(%dma_start3A_86 : memref<20000x128xf32, #tpu.memory_space<hbm>>) target(%arg10 : memref<128x128xf32, #tpu.memory_space<vmem>>) offsets(%arg7 : memref<128xi32, #tpu.memory_space<vmem>>) semaphore(%arg12 : memref<!tpu.dma_semaphore, #tpu.memory_space<semaphore_mem>>)
      %dma_wait3A = arith.constant 0 : i32
      %dma_wait3A_87 = arith.constant 0 : i32
      %dma_wait3A_88 = tpu.memref_slice %arg2[%dma_wait3A, %dma_wait3A_87] : memref<20000x128xf32, #tpu.memory_space<hbm>> -> memref<20000x128xf32, #tpu.memory_space<hbm>>
      tpu.wait_indirect_dma semaphore(%arg12 : memref<!tpu.dma_semaphore, #tpu.memory_space<semaphore_mem>>) src(%dma_wait3A_88 : memref<20000x128xf32, #tpu.memory_space<hbm>>) dst(%arg10 : memref<128x128xf32, #tpu.memory_space<vmem>>)
      %scan3A_89 = arith.constant 0 : i32
      %scan3A_90 = arith.constant 0 : i32
      %scan3A_91 = arith.constant 128 : i32
      %scan3A_92 = arith.addi %scan3A_90, %scan3A_91 : i32
      %scan3A_93 = arith.constant 1 : i32
      scf.for %scan3A_95 = %scan3A_90 to %scan3A_92 step %scan3A_93  : i32 {
        %broadcast_in_dim3A = arith.constant 0 : i32
        %broadcast_in_dim3A_96 = vector.broadcast %broadcast_in_dim3A : i32 to vector<16xi32>
        %add3A_97 = vector.broadcast %scan3A_95 : i32 to vector<16xi32>
        %add3A_98 = arith.addi %broadcast_in_dim3A_96, %add3A_97 : vector<16xi32>
        %gather3A = tpu.vector_load_idx %arg9[%add3A_98] : memref<128xf32, #tpu.memory_space<vmem>>[vector<16xi32>], vector<16xf32>,
        %get3A_99 = arith.index_cast %scan3A_95 : i32 to index
        %get3A_100 = arith.constant 0 : index
        %get3A_101 = tpu.vector_load %arg10[%get3A_99, %get3A_100] {strides = array<i32>} : memref<128x128xf32, #tpu.memory_space<vmem>>, vector<16xf32>,
        %mul3A_102 = arith.mulf %get3A_101, %gather3A : vector<16xf32>
        %swap3A_103 = arith.index_cast %scan3A_95 : i32 to index
        %swap3A_104 = arith.constant 0 : index
        %swap3A_105 = tpu.vector_load %arg10[%swap3A_103, %swap3A_104] {strides = array<i32>} : memref<128x128xf32, #tpu.memory_space<vmem>>, vector<16xf32>,
        tpu.vector_store %arg10[%swap3A_103, %swap3A_104], %mul3A_102 {strides = array<i32>} : memref<128x128xf32, #tpu.memory_space<vmem>>, vector<16xf32>,
        %get3A_106 = arith.index_cast %scan3A_95 : i32 to index
        %get3A_107 = arith.constant 16 : index
        %get3A_108 = tpu.vector_load %arg10[%get3A_106, %get3A_107] {strides = array<i32>} : memref<128x128xf32, #tpu.memory_space<vmem>>, vector<16xf32>,
        %mul3A_109 = arith.mulf %get3A_108, %gather3A : vector<16xf32>
        %swap3A_110 = arith.index_cast %scan3A_95 : i32 to index
        %swap3A_111 = arith.constant 16 : index
        %swap3A_112 = tpu.vector_load %arg10[%swap3A_110, %swap3A_111] {strides = array<i32>} : memref<128x128xf32, #tpu.memory_space<vmem>>, vector<16xf32>,
        tpu.vector_store %arg10[%swap3A_110, %swap3A_111], %mul3A_109 {strides = array<i32>} : memref<128x128xf32, #tpu.memory_space<vmem>>, vector<16xf32>,
        %get3A_113 = arith.index_cast %scan3A_95 : i32 to index
        %get3A_114 = arith.constant 32 : index
        %get3A_115 = tpu.vector_load %arg10[%get3A_113, %get3A_114] {strides = array<i32>} : memref<128x128xf32, #tpu.memory_space<vmem>>, vector<16xf32>,
        %mul3A_116 = arith.mulf %get3A_115, %gather3A : vector<16xf32>
        %swap3A_117 = arith.index_cast %scan3A_95 : i32 to index
        %swap3A_118 = arith.constant 32 : index
        %swap3A_119 = tpu.vector_load %arg10[%swap3A_117, %swap3A_118] {strides = array<i32>} : memref<128x128xf32, #tpu.memory_space<vmem>>, vector<16xf32>,
        tpu.vector_store %arg10[%swap3A_117, %swap3A_118], %mul3A_116 {strides = array<i32>} : memref<128x128xf32, #tpu.memory_space<vmem>>, vector<16xf32>,
        %get3A_120 = arith.index_cast %scan3A_95 : i32 to index
        %get3A_121 = arith.constant 48 : index
        %get3A_122 = tpu.vector_load %arg10[%get3A_120, %get3A_121] {strides = array<i32>} : memref<128x128xf32, #tpu.memory_space<vmem>>, vector<16xf32>,
        %mul3A_123 = arith.mulf %get3A_122, %gather3A : vector<16xf32>
        %swap3A_124 = arith.index_cast %scan3A_95 : i32 to index
        %swap3A_125 = arith.constant 48 : index
        %swap3A_126 = tpu.vector_load %arg10[%swap3A_124, %swap3A_125] {strides = array<i32>} : memref<128x128xf32, #tpu.memory_space<vmem>>, vector<16xf32>,
        tpu.vector_store %arg10[%swap3A_124, %swap3A_125], %mul3A_123 {strides = array<i32>} : memref<128x128xf32, #tpu.memory_space<vmem>>, vector<16xf32>,
        %get3A_127 = arith.index_cast %scan3A_95 : i32 to index
        %get3A_128 = arith.constant 64 : index
        %get3A_129 = tpu.vector_load %arg10[%get3A_127, %get3A_128] {strides = array<i32>} : memref<128x128xf32, #tpu.memory_space<vmem>>, vector<16xf32>,
        %mul3A_130 = arith.mulf %get3A_129, %gather3A : vector<16xf32>
        %swap3A_131 = arith.index_cast %scan3A_95 : i32 to index
        %swap3A_132 = arith.constant 64 : index
        %swap3A_133 = tpu.vector_load %arg10[%swap3A_131, %swap3A_132] {strides = array<i32>} : memref<128x128xf32, #tpu.memory_space<vmem>>, vector<16xf32>,
        tpu.vector_store %arg10[%swap3A_131, %swap3A_132], %mul3A_130 {strides = array<i32>} : memref<128x128xf32, #tpu.memory_space<vmem>>, vector<16xf32>,
        %get3A_134 = arith.index_cast %scan3A_95 : i32 to index
        %get3A_135 = arith.constant 80 : index
        %get3A_136 = tpu.vector_load %arg10[%get3A_134, %get3A_135] {strides = array<i32>} : memref<128x128xf32, #tpu.memory_space<vmem>>, vector<16xf32>,
        %mul3A_137 = arith.mulf %get3A_136, %gather3A : vector<16xf32>
        %swap3A_138 = arith.index_cast %scan3A_95 : i32 to index
        %swap3A_139 = arith.constant 80 : index
        %swap3A_140 = tpu.vector_load %arg10[%swap3A_138, %swap3A_139] {strides = array<i32>} : memref<128x128xf32, #tpu.memory_space<vmem>>, vector<16xf32>,
        tpu.vector_store %arg10[%swap3A_138, %swap3A_139], %mul3A_137 {strides = array<i32>} : memref<128x128xf32, #tpu.memory_space<vmem>>, vector<16xf32>,
        %get3A_141 = arith.index_cast %scan3A_95 : i32 to index
        %get3A_142 = arith.constant 96 : index
        %get3A_143 = tpu.vector_load %arg10[%get3A_141, %get3A_142] {strides = array<i32>} : memref<128x128xf32, #tpu.memory_space<vmem>>, vector<16xf32>,
        %mul3A_144 = arith.mulf %get3A_143, %gather3A : vector<16xf32>
        %swap3A_145 = arith.index_cast %scan3A_95 : i32 to index
        %swap3A_146 = arith.constant 96 : index
        %swap3A_147 = tpu.vector_load %arg10[%swap3A_145, %swap3A_146] {strides = array<i32>} : memref<128x128xf32, #tpu.memory_space<vmem>>, vector<16xf32>,
        tpu.vector_store %arg10[%swap3A_145, %swap3A_146], %mul3A_144 {strides = array<i32>} : memref<128x128xf32, #tpu.memory_space<vmem>>, vector<16xf32>,
        %get3A_148 = arith.index_cast %scan3A_95 : i32 to index
        %get3A_149 = arith.constant 112 : index
        %get3A_150 = tpu.vector_load %arg10[%get3A_148, %get3A_149] {strides = array<i32>} : memref<128x128xf32, #tpu.memory_space<vmem>>, vector<16xf32>,
        %mul3A_151 = arith.mulf %get3A_150, %gather3A : vector<16xf32>
        %swap3A_152 = arith.index_cast %scan3A_95 : i32 to index
        %swap3A_153 = arith.constant 112 : index
        %swap3A_154 = tpu.vector_load %arg10[%swap3A_152, %swap3A_153] {strides = array<i32>} : memref<128x128xf32, #tpu.memory_space<vmem>>, vector<16xf32>,
        tpu.vector_store %arg10[%swap3A_152, %swap3A_153], %mul3A_151 {strides = array<i32>} : memref<128x128xf32, #tpu.memory_space<vmem>>, vector<16xf32>,
      }
      %scan3A_94 = arith.constant 128 : i32
      "tpu.region"() ({
        %run_scoped3A = tpu.sem_alloc : memref<!tpu.dma_semaphore, #tpu.memory_space<semaphore_mem>>
        %dma_start3A_95 = arith.constant 0 : i32
        %dma_start3A_96 = arith.constant 0 : i32
        %dma_start3A_97 = tpu.memref_slice %arg11[%dma_start3A_95, %dma_start3A_96] : memref<10000x128xf32, #tpu.memory_space<vmem_shared>> -> memref<10000x128xf32, #tpu.memory_space<vmem_shared>>
        tpu.enqueue_indirect_dma source(%arg10 : memref<128x128xf32, #tpu.memory_space<vmem>>) target(%dma_start3A_97 : memref<10000x128xf32, #tpu.memory_space<vmem_shared>>) offsets(%arg8 : memref<128xi32, #tpu.memory_space<vmem>>) semaphore(%run_scoped3A : memref<!tpu.dma_semaphore, #tpu.memory_space<semaphore_mem>>) {add = true}
        %dma_wait3A_98 = arith.constant 0 : i32
        %dma_wait3A_99 = arith.constant 0 : i32
        %dma_wait3A_100 = tpu.memref_slice %arg11[%dma_wait3A_98, %dma_wait3A_99] : memref<10000x128xf32, #tpu.memory_space<vmem_shared>> -> memref<10000x128xf32, #tpu.memory_space<vmem_shared>>
        tpu.wait_indirect_dma semaphore(%run_scoped3A : memref<!tpu.dma_semaphore, #tpu.memory_space<semaphore_mem>>) src(%arg10 : memref<128x128xf32, #tpu.memory_space<vmem>>) dst(%dma_wait3A_100 : memref<10000x128xf32, #tpu.memory_space<vmem_shared>>)
        tpu.yield
      }) : () -> ()
    }
    %scan3A_19 = arith.constant 80 : i32
    %barrier3A_20 = arith.constant 0 : index
    tpu.barrier barrier_id(%barrier3A_20)
    %mul3A_21 = arith.constant 10000 : i32
    %mul3A_22 = arith.muli %arg0, %mul3A_21 : i32
    %add3A = arith.addi %mul3A_22, %mul3A_5 : i32
    %lt3A_23 = arith.constant 15 : i32
    %lt3A_24 = arith.cmpi slt, %arg1, %lt3A_23 : i32
    %convert_element_type3A_25 = arith.extui %lt3A_24 : i1 to i32
    %cond3A_26 = arith.constant 0 : i32
    %cond3A_27 = arith.cmpi ne, %convert_element_type3A_25, %cond3A_26 : i32
    scf.if %cond3A_27 {
      "tpu.region"() ({
        %run_scoped3A = tpu.sem_alloc : memref<!tpu.dma_semaphore, #tpu.memory_space<semaphore_mem>>
        %dma_start3A = arith.constant 0 : i32
        %dma_start3A_33 = tpu.memref_slice %arg6[%add3A, %dma_start3A] : memref<20000x128xf32, #tpu.memory_space<hbm>> -> memref<624x128xf32, #tpu.memory_space<hbm>>
        %dma_start3A_34 = arith.constant 0 : i32
        %dma_start3A_35 = tpu.memref_slice %arg11[%mul3A_5, %dma_start3A_34] : memref<10000x128xf32, #tpu.memory_space<vmem_shared>> -> memref<624x128xf32, #tpu.memory_space<vmem_shared>>
        tpu.enqueue_dma source(%dma_start3A_35 : memref<624x128xf32, #tpu.memory_space<vmem_shared>>) target(%dma_start3A_33 : memref<624x128xf32, #tpu.memory_space<hbm>>) target_semaphore(%run_scoped3A : memref<!tpu.dma_semaphore, #tpu.memory_space<semaphore_mem>>)
        %dma_wait3A = arith.constant 0 : i32
        %dma_wait3A_36 = tpu.memref_slice %arg6[%add3A, %dma_wait3A] : memref<20000x128xf32, #tpu.memory_space<hbm>> -> memref<624x128xf32, #tpu.memory_space<hbm>>
        %dma_wait3A_37 = arith.constant 0 : i32
        %dma_wait3A_38 = tpu.memref_slice %arg11[%mul3A_5, %dma_wait3A_37] : memref<10000x128xf32, #tpu.memory_space<vmem_shared>> -> memref<624x128xf32, #tpu.memory_space<vmem_shared>>
        tpu.wait_dma2 semaphore(%run_scoped3A : memref<!tpu.dma_semaphore, #tpu.memory_space<semaphore_mem>>) src(%dma_wait3A_38 : memref<624x128xf32, #tpu.memory_space<vmem_shared>>) dst(%dma_wait3A_36 : memref<624x128xf32, #tpu.memory_space<hbm>>)
        tpu.yield
      }) : () -> ()
    } else {
    }
    %eq3A_28 = arith.constant 15 : i32
    %eq3A_29 = arith.cmpi eq, %arg1, %eq3A_28 : i32
    %convert_element_type3A_30 = arith.extui %eq3A_29 : i1 to i32
    %cond3A_31 = arith.constant 0 : i32
    %cond3A_32 = arith.cmpi ne, %convert_element_type3A_30, %cond3A_31 : i32
    scf.if %cond3A_32 {
      "tpu.region"() ({
        %run_scoped3A = tpu.sem_alloc : memref<!tpu.dma_semaphore, #tpu.memory_space<semaphore_mem>>
        %dma_start3A = arith.constant 0 : i32
        %dma_start3A_33 = tpu.memref_slice %arg6[%add3A, %dma_start3A] : memref<20000x128xf32, #tpu.memory_space<hbm>> -> memref<640x128xf32, #tpu.memory_space<hbm>>
        %dma_start3A_34 = arith.constant 0 : i32
        %dma_start3A_35 = tpu.memref_slice %arg11[%mul3A_5, %dma_start3A_34] : memref<10000x128xf32, #tpu.memory_space<vmem_shared>> -> memref<640x128xf32, #tpu.memory_space<vmem_shared>>
        tpu.enqueue_dma source(%dma_start3A_35 : memref<640x128xf32, #tpu.memory_space<vmem_shared>>) target(%dma_start3A_33 : memref<640x128xf32, #tpu.memory_space<hbm>>) target_semaphore(%run_scoped3A : memref<!tpu.dma_semaphore, #tpu.memory_space<semaphore_mem>>)
        %dma_wait3A = arith.constant 0 : i32
        %dma_wait3A_36 = tpu.memref_slice %arg6[%add3A, %dma_wait3A] : memref<20000x128xf32, #tpu.memory_space<hbm>> -> memref<640x128xf32, #tpu.memory_space<hbm>>
        %dma_wait3A_37 = arith.constant 0 : i32
        %dma_wait3A_38 = tpu.memref_slice %arg11[%mul3A_5, %dma_wait3A_37] : memref<10000x128xf32, #tpu.memory_space<vmem_shared>> -> memref<640x128xf32, #tpu.memory_space<vmem_shared>>
        tpu.wait_dma2 semaphore(%run_scoped3A : memref<!tpu.dma_semaphore, #tpu.memory_space<semaphore_mem>>) src(%dma_wait3A_38 : memref<640x128xf32, #tpu.memory_space<vmem_shared>>) dst(%dma_wait3A_36 : memref<640x128xf32, #tpu.memory_space<hbm>>)
        tpu.yield
      }) : () -> ()
    } else {
    }
    return
  }
}

#map = affine_map<(d0, d1) -> (0, 0)>
#map1 = affine_map<(d0, d1) -> (0)>
module attributes {stable_mosaic.version = 14 : i64} {
  func.func @_k(%arg0: i32, %arg1: i32, %arg2: memref<20000x128xf32, #tpu.memory_space<hbm>>, %arg3: memref<163840xi32, #tpu.memory_space<hbm>>, %arg4: memref<163840xi32, #tpu.memory_space<hbm>>, %arg5: memref<163840xf32, #tpu.memory_space<hbm>>, %arg6: memref<20000x128xf32, #tpu.memory_space<hbm>>, %arg7: memref<128xi32, #tpu.memory_space<vmem>>, %arg8: memref<128xi32, #tpu.memory_space<vmem>>, %arg9: memref<128xf32, #tpu.memory_space<vmem>>, %arg10: memref<128x128xf32, #tpu.memory_space<vmem>>, %arg11: memref<10000x128xf32, #tpu.memory_space<vmem_shared>>, %arg12: memref<!tpu.dma_semaphore, #tpu.memory_space<semaphore_mem>>) attributes {dimension_semantics = [#tpu.dimension_semantics<core_parallel>, #tpu.dimension_semantics<subcore_parallel>], iteration_bounds = array<i64: 2, 16>, scalar_prefetch = 0 : i64, scratch_operands = 6 : i64, tpu.core_type = #tpu.core_type<sc_vector_subcore>, window_params = [{transform_indices = #map}, {transform_indices = #map1}, {transform_indices = #map1}, {transform_indices = #map1}, {transform_indices = #map}]} {
    %scan3A = arith.constant 0 : i32
    %scan3A_0 = arith.constant 0 : i32
    %scan3A_1 = arith.constant 128 : i32
    %scan3A_2 = arith.addi %scan3A_0, %scan3A_1 : i32
    %scan3A_3 = arith.constant 1 : i32
    scf.for %scan3A_33 = %scan3A_0 to %scan3A_2 step %scan3A_3  : i32 {
      %broadcast_in_dim3A = arith.constant 0.000000e+00 : f32
      %broadcast_in_dim3A_34 = vector.broadcast %broadcast_in_dim3A : f32 to vector<16xf32>
      %swap3A = arith.index_cast %scan3A_33 : i32 to index
      %swap3A_35 = arith.constant 0 : index
      %swap3A_36 = tpu.vector_load %arg10[%swap3A, %swap3A_35] {strides = array<i32>} : memref<128x128xf32, #tpu.memory_space<vmem>>, vector<16xf32>,
      tpu.vector_store %arg10[%swap3A, %swap3A_35], %broadcast_in_dim3A_34 {strides = array<i32>} : memref<128x128xf32, #tpu.memory_space<vmem>>, vector<16xf32>,
      %broadcast_in_dim3A_37 = arith.constant 0.000000e+00 : f32
      %broadcast_in_dim3A_38 = vector.broadcast %broadcast_in_dim3A_37 : f32 to vector<16xf32>
      %swap3A_39 = arith.index_cast %scan3A_33 : i32 to index
      %swap3A_40 = arith.constant 16 : index
      %swap3A_41 = tpu.vector_load %arg10[%swap3A_39, %swap3A_40] {strides = array<i32>} : memref<128x128xf32, #tpu.memory_space<vmem>>, vector<16xf32>,
      tpu.vector_store %arg10[%swap3A_39, %swap3A_40], %broadcast_in_dim3A_38 {strides = array<i32>} : memref<128x128xf32, #tpu.memory_space<vmem>>, vector<16xf32>,
      %broadcast_in_dim3A_42 = arith.constant 0.000000e+00 : f32
      %broadcast_in_dim3A_43 = vector.broadcast %broadcast_in_dim3A_42 : f32 to vector<16xf32>
      %swap3A_44 = arith.index_cast %scan3A_33 : i32 to index
      %swap3A_45 = arith.constant 32 : index
      %swap3A_46 = tpu.vector_load %arg10[%swap3A_44, %swap3A_45] {strides = array<i32>} : memref<128x128xf32, #tpu.memory_space<vmem>>, vector<16xf32>,
      tpu.vector_store %arg10[%swap3A_44, %swap3A_45], %broadcast_in_dim3A_43 {strides = array<i32>} : memref<128x128xf32, #tpu.memory_space<vmem>>, vector<16xf32>,
      %broadcast_in_dim3A_47 = arith.constant 0.000000e+00 : f32
      %broadcast_in_dim3A_48 = vector.broadcast %broadcast_in_dim3A_47 : f32 to vector<16xf32>
      %swap3A_49 = arith.index_cast %scan3A_33 : i32 to index
      %swap3A_50 = arith.constant 48 : index
      %swap3A_51 = tpu.vector_load %arg10[%swap3A_49, %swap3A_50] {strides = array<i32>} : memref<128x128xf32, #tpu.memory_space<vmem>>, vector<16xf32>,
      tpu.vector_store %arg10[%swap3A_49, %swap3A_50], %broadcast_in_dim3A_48 {strides = array<i32>} : memref<128x128xf32, #tpu.memory_space<vmem>>, vector<16xf32>,
      %broadcast_in_dim3A_52 = arith.constant 0.000000e+00 : f32
      %broadcast_in_dim3A_53 = vector.broadcast %broadcast_in_dim3A_52 : f32 to vector<16xf32>
      %swap3A_54 = arith.index_cast %scan3A_33 : i32 to index
      %swap3A_55 = arith.constant 64 : index
      %swap3A_56 = tpu.vector_load %arg10[%swap3A_54, %swap3A_55] {strides = array<i32>} : memref<128x128xf32, #tpu.memory_space<vmem>>, vector<16xf32>,
      tpu.vector_store %arg10[%swap3A_54, %swap3A_55], %broadcast_in_dim3A_53 {strides = array<i32>} : memref<128x128xf32, #tpu.memory_space<vmem>>, vector<16xf32>,
      %broadcast_in_dim3A_57 = arith.constant 0.000000e+00 : f32
      %broadcast_in_dim3A_58 = vector.broadcast %broadcast_in_dim3A_57 : f32 to vector<16xf32>
      %swap3A_59 = arith.index_cast %scan3A_33 : i32 to index
      %swap3A_60 = arith.constant 80 : index
      %swap3A_61 = tpu.vector_load %arg10[%swap3A_59, %swap3A_60] {strides = array<i32>} : memref<128x128xf32, #tpu.memory_space<vmem>>, vector<16xf32>,
      tpu.vector_store %arg10[%swap3A_59, %swap3A_60], %broadcast_in_dim3A_58 {strides = array<i32>} : memref<128x128xf32, #tpu.memory_space<vmem>>, vector<16xf32>,
      %broadcast_in_dim3A_62 = arith.constant 0.000000e+00 : f32
      %broadcast_in_dim3A_63 = vector.broadcast %broadcast_in_dim3A_62 : f32 to vector<16xf32>
      %swap3A_64 = arith.index_cast %scan3A_33 : i32 to index
      %swap3A_65 = arith.constant 96 : index
      %swap3A_66 = tpu.vector_load %arg10[%swap3A_64, %swap3A_65] {strides = array<i32>} : memref<128x128xf32, #tpu.memory_space<vmem>>, vector<16xf32>,
      tpu.vector_store %arg10[%swap3A_64, %swap3A_65], %broadcast_in_dim3A_63 {strides = array<i32>} : memref<128x128xf32, #tpu.memory_space<vmem>>, vector<16xf32>,
      %broadcast_in_dim3A_67 = arith.constant 0.000000e+00 : f32
      %broadcast_in_dim3A_68 = vector.broadcast %broadcast_in_dim3A_67 : f32 to vector<16xf32>
      %swap3A_69 = arith.index_cast %scan3A_33 : i32 to index
      %swap3A_70 = arith.constant 112 : index
      %swap3A_71 = tpu.vector_load %arg10[%swap3A_69, %swap3A_70] {strides = array<i32>} : memref<128x128xf32, #tpu.memory_space<vmem>>, vector<16xf32>,
      tpu.vector_store %arg10[%swap3A_69, %swap3A_70], %broadcast_in_dim3A_68 {strides = array<i32>} : memref<128x128xf32, #tpu.memory_space<vmem>>, vector<16xf32>,
    }
    %scan3A_4 = arith.constant 128 : i32
    %mul3A = arith.constant 624 : i32
    %mul3A_5 = arith.muli %arg1, %mul3A : i32
    %lt3A = arith.constant 15 : i32
    %lt3A_6 = arith.cmpi slt, %arg1, %lt3A : i32
    %convert_element_type3A = arith.extui %lt3A_6 : i1 to i32
    %cond3A = arith.constant 0 : i32
    %cond3A_7 = arith.cmpi ne, %convert_element_type3A, %cond3A : i32
    scf.if %cond3A_7 {
      %add3A_33 = arith.constant 0 : i32
      %add3A_34 = arith.addi %mul3A_5, %add3A_33 : i32
      "tpu.region"() ({
        %run_scoped3A = tpu.sem_alloc : memref<!tpu.dma_semaphore, #tpu.memory_space<semaphore_mem>>
        %dma_start3A = arith.constant 0 : i32
        %dma_start3A_43 = tpu.memref_slice %arg11[%add3A_34, %dma_start3A] : memref<10000x128xf32, #tpu.memory_space<vmem_shared>> -> memref<128x128xf32, #tpu.memory_space<vmem_shared>>
        %dma_start3A_44 = arith.constant 0 : i32
        %dma_start3A_45 = tpu.memref_slice %arg11[%add3A_34, %dma_start3A_44] : memref<10000x128xf32, #tpu.memory_space<vmem_shared>> -> memref<128x128xf32, #tpu.memory_space<vmem_shared>>
        tpu.enqueue_dma source(%arg10 : memref<128x128xf32, #tpu.memory_space<vmem>>) target(%dma_start3A_45 : memref<128x128xf32, #tpu.memory_space<vmem_shared>>) target_semaphore(%run_scoped3A : memref<!tpu.dma_semaphore, #tpu.memory_space<semaphore_mem>>)
        %dma_wait3A = arith.constant 0 : i32
        %dma_wait3A_46 = tpu.memref_slice %arg11[%add3A_34, %dma_wait3A] : memref<10000x128xf32, #tpu.memory_space<vmem_shared>> -> memref<128x128xf32, #tpu.memory_space<vmem_shared>>
        %dma_wait3A_47 = arith.constant 0 : i32
        %dma_wait3A_48 = tpu.memref_slice %arg11[%add3A_34, %dma_wait3A_47] : memref<10000x128xf32, #tpu.memory_space<vmem_shared>> -> memref<128x128xf32, #tpu.memory_space<vmem_shared>>
        tpu.wait_dma2 semaphore(%run_scoped3A : memref<!tpu.dma_semaphore, #tpu.memory_space<semaphore_mem>>) src(%arg10 : memref<128x128xf32, #tpu.memory_space<vmem>>) dst(%dma_wait3A_48 : memref<128x128xf32, #tpu.memory_space<vmem_shared>>)
        tpu.yield
      }) : () -> ()
      %add3A_35 = arith.constant 128 : i32
      %add3A_36 = arith.addi %mul3A_5, %add3A_35 : i32
      "tpu.region"() ({
        %run_scoped3A = tpu.sem_alloc : memref<!tpu.dma_semaphore, #tpu.memory_space<semaphore_mem>>
        %dma_start3A = arith.constant 0 : i32
        %dma_start3A_43 = tpu.memref_slice %arg11[%add3A_36, %dma_start3A] : memref<10000x128xf32, #tpu.memory_space<vmem_shared>> -> memref<128x128xf32, #tpu.memory_space<vmem_shared>>
        %dma_start3A_44 = arith.constant 0 : i32
        %dma_start3A_45 = tpu.memref_slice %arg11[%add3A_36, %dma_start3A_44] : memref<10000x128xf32, #tpu.memory_space<vmem_shared>> -> memref<128x128xf32, #tpu.memory_space<vmem_shared>>
        tpu.enqueue_dma source(%arg10 : memref<128x128xf32, #tpu.memory_space<vmem>>) target(%dma_start3A_45 : memref<128x128xf32, #tpu.memory_space<vmem_shared>>) target_semaphore(%run_scoped3A : memref<!tpu.dma_semaphore, #tpu.memory_space<semaphore_mem>>)
        %dma_wait3A = arith.constant 0 : i32
        %dma_wait3A_46 = tpu.memref_slice %arg11[%add3A_36, %dma_wait3A] : memref<10000x128xf32, #tpu.memory_space<vmem_shared>> -> memref<128x128xf32, #tpu.memory_space<vmem_shared>>
        %dma_wait3A_47 = arith.constant 0 : i32
        %dma_wait3A_48 = tpu.memref_slice %arg11[%add3A_36, %dma_wait3A_47] : memref<10000x128xf32, #tpu.memory_space<vmem_shared>> -> memref<128x128xf32, #tpu.memory_space<vmem_shared>>
        tpu.wait_dma2 semaphore(%run_scoped3A : memref<!tpu.dma_semaphore, #tpu.memory_space<semaphore_mem>>) src(%arg10 : memref<128x128xf32, #tpu.memory_space<vmem>>) dst(%dma_wait3A_48 : memref<128x128xf32, #tpu.memory_space<vmem_shared>>)
        tpu.yield
      }) : () -> ()
      %add3A_37 = arith.constant 256 : i32
      %add3A_38 = arith.addi %mul3A_5, %add3A_37 : i32
      "tpu.region"() ({
        %run_scoped3A = tpu.sem_alloc : memref<!tpu.dma_semaphore, #tpu.memory_space<semaphore_mem>>
        %dma_start3A = arith.constant 0 : i32
        %dma_start3A_43 = tpu.memref_slice %arg11[%add3A_38, %dma_start3A] : memref<10000x128xf32, #tpu.memory_space<vmem_shared>> -> memref<128x128xf32, #tpu.memory_space<vmem_shared>>
        %dma_start3A_44 = arith.constant 0 : i32
        %dma_start3A_45 = tpu.memref_slice %arg11[%add3A_38, %dma_start3A_44] : memref<10000x128xf32, #tpu.memory_space<vmem_shared>> -> memref<128x128xf32, #tpu.memory_space<vmem_shared>>
        tpu.enqueue_dma source(%arg10 : memref<128x128xf32, #tpu.memory_space<vmem>>) target(%dma_start3A_45 : memref<128x128xf32, #tpu.memory_space<vmem_shared>>) target_semaphore(%run_scoped3A : memref<!tpu.dma_semaphore, #tpu.memory_space<semaphore_mem>>)
        %dma_wait3A = arith.constant 0 : i32
        %dma_wait3A_46 = tpu.memref_slice %arg11[%add3A_38, %dma_wait3A] : memref<10000x128xf32, #tpu.memory_space<vmem_shared>> -> memref<128x128xf32, #tpu.memory_space<vmem_shared>>
        %dma_wait3A_47 = arith.constant 0 : i32
        %dma_wait3A_48 = tpu.memref_slice %arg11[%add3A_38, %dma_wait3A_47] : memref<10000x128xf32, #tpu.memory_space<vmem_shared>> -> memref<128x128xf32, #tpu.memory_space<vmem_shared>>
        tpu.wait_dma2 semaphore(%run_scoped3A : memref<!tpu.dma_semaphore, #tpu.memory_space<semaphore_mem>>) src(%arg10 : memref<128x128xf32, #tpu.memory_space<vmem>>) dst(%dma_wait3A_48 : memref<128x128xf32, #tpu.memory_space<vmem_shared>>)
        tpu.yield
      }) : () -> ()
      %add3A_39 = arith.constant 384 : i32
      %add3A_40 = arith.addi %mul3A_5, %add3A_39 : i32
      "tpu.region"() ({
        %run_scoped3A = tpu.sem_alloc : memref<!tpu.dma_semaphore, #tpu.memory_space<semaphore_mem>>
        %dma_start3A = arith.constant 0 : i32
        %dma_start3A_43 = tpu.memref_slice %arg11[%add3A_40, %dma_start3A] : memref<10000x128xf32, #tpu.memory_space<vmem_shared>> -> memref<128x128xf32, #tpu.memory_space<vmem_shared>>
        %dma_start3A_44 = arith.constant 0 : i32
        %dma_start3A_45 = tpu.memref_slice %arg11[%add3A_40, %dma_start3A_44] : memref<10000x128xf32, #tpu.memory_space<vmem_shared>> -> memref<128x128xf32, #tpu.memory_space<vmem_shared>>
        tpu.enqueue_dma source(%arg10 : memref<128x128xf32, #tpu.memory_space<vmem>>) target(%dma_start3A_45 : memref<128x128xf32, #tpu.memory_space<vmem_shared>>) target_semaphore(%run_scoped3A : memref<!tpu.dma_semaphore, #tpu.memory_space<semaphore_mem>>)
        %dma_wait3A = arith.constant 0 : i32
        %dma_wait3A_46 = tpu.memref_slice %arg11[%add3A_40, %dma_wait3A] : memref<10000x128xf32, #tpu.memory_space<vmem_shared>> -> memref<128x128xf32, #tpu.memory_space<vmem_shared>>
        %dma_wait3A_47 = arith.constant 0 : i32
        %dma_wait3A_48 = tpu.memref_slice %arg11[%add3A_40, %dma_wait3A_47] : memref<10000x128xf32, #tpu.memory_space<vmem_shared>> -> memref<128x128xf32, #tpu.memory_space<vmem_shared>>
        tpu.wait_dma2 semaphore(%run_scoped3A : memref<!tpu.dma_semaphore, #tpu.memory_space<semaphore_mem>>) src(%arg10 : memref<128x128xf32, #tpu.memory_space<vmem>>) dst(%dma_wait3A_48 : memref<128x128xf32, #tpu.memory_space<vmem_shared>>)
        tpu.yield
      }) : () -> ()
      %add3A_41 = arith.constant 512 : i32
      %add3A_42 = arith.addi %mul3A_5, %add3A_41 : i32
      "tpu.region"() ({
        %run_scoped3A = tpu.sem_alloc : memref<!tpu.dma_semaphore, #tpu.memory_space<semaphore_mem>>
        %dma_start3A = arith.constant 0 : i32
        %dma_start3A_43 = arith.constant 0 : i32
        %dma_start3A_44 = tpu.memref_slice %arg10[%dma_start3A, %dma_start3A_43] : memref<128x128xf32, #tpu.memory_space<vmem>> -> memref<112x128xf32, #tpu.memory_space<vmem>>
        %dma_start3A_45 = arith.constant 0 : i32
        %dma_start3A_46 = tpu.memref_slice %arg11[%add3A_42, %dma_start3A_45] : memref<10000x128xf32, #tpu.memory_space<vmem_shared>> -> memref<112x128xf32, #tpu.memory_space<vmem_shared>>
        %dma_start3A_47 = arith.constant 0 : i32
        %dma_start3A_48 = tpu.memref_slice %arg11[%add3A_42, %dma_start3A_47] : memref<10000x128xf32, #tpu.memory_space<vmem_shared>> -> memref<112x128xf32, #tpu.memory_space<vmem_shared>>
        %dma_start3A_49 = arith.constant 0 : i32
        %dma_start3A_50 = arith.constant 0 : i32
        %dma_start3A_51 = tpu.memref_slice %arg10[%dma_start3A_49, %dma_start3A_50] : memref<128x128xf32, #tpu.memory_space<vmem>> -> memref<112x128xf32, #tpu.memory_space<vmem>>
        tpu.enqueue_dma source(%dma_start3A_51 : memref<112x128xf32, #tpu.memory_space<vmem>>) target(%dma_start3A_48 : memref<112x128xf32, #tpu.memory_space<vmem_shared>>) target_semaphore(%run_scoped3A : memref<!tpu.dma_semaphore, #tpu.memory_space<semaphore_mem>>)
        %dma_wait3A = arith.constant 0 : i32
        %dma_wait3A_52 = arith.constant 0 : i32
        %dma_wait3A_53 = tpu.memref_slice %arg10[%dma_wait3A, %dma_wait3A_52] : memref<128x128xf32, #tpu.memory_space<vmem>> -> memref<112x128xf32, #tpu.memory_space<vmem>>
        %dma_wait3A_54 = arith.constant 0 : i32
        %dma_wait3A_55 = tpu.memref_slice %arg11[%add3A_42, %dma_wait3A_54] : memref<10000x128xf32, #tpu.memory_space<vmem_shared>> -> memref<112x128xf32, #tpu.memory_space<vmem_shared>>
        %dma_wait3A_56 = arith.constant 0 : i32
        %dma_wait3A_57 = tpu.memref_slice %arg11[%add3A_42, %dma_wait3A_56] : memref<10000x128xf32, #tpu.memory_space<vmem_shared>> -> memref<112x128xf32, #tpu.memory_space<vmem_shared>>
        %dma_wait3A_58 = arith.constant 0 : i32
        %dma_wait3A_59 = arith.constant 0 : i32
        %dma_wait3A_60 = tpu.memref_slice %arg10[%dma_wait3A_58, %dma_wait3A_59] : memref<128x128xf32, #tpu.memory_space<vmem>> -> memref<112x128xf32, #tpu.memory_space<vmem>>
        tpu.wait_dma2 semaphore(%run_scoped3A : memref<!tpu.dma_semaphore, #tpu.memory_space<semaphore_mem>>) src(%dma_wait3A_60 : memref<112x128xf32, #tpu.memory_space<vmem>>) dst(%dma_wait3A_57 : memref<112x128xf32, #tpu.memory_space<vmem_shared>>)
        tpu.yield
      }) : () -> ()
    } else {
    }
    %eq3A = arith.constant 15 : i32
    %eq3A_8 = arith.cmpi eq, %arg1, %eq3A : i32
    %convert_element_type3A_9 = arith.extui %eq3A_8 : i1 to i32
    %cond3A_10 = arith.constant 0 : i32
    %cond3A_11 = arith.cmpi ne, %convert_element_type3A_9, %cond3A_10 : i32
    scf.if %cond3A_11 {
      %add3A_33 = arith.constant 0 : i32
      %add3A_34 = arith.addi %mul3A_5, %add3A_33 : i32
      "tpu.region"() ({
        %run_scoped3A = tpu.sem_alloc : memref<!tpu.dma_semaphore, #tpu.memory_space<semaphore_mem>>
        %dma_start3A = arith.constant 0 : i32
        %dma_start3A_43 = tpu.memref_slice %arg11[%add3A_34, %dma_start3A] : memref<10000x128xf32, #tpu.memory_space<vmem_shared>> -> memref<128x128xf32, #tpu.memory_space<vmem_shared>>
        %dma_start3A_44 = arith.constant 0 : i32
        %dma_start3A_45 = tpu.memref_slice %arg11[%add3A_34, %dma_start3A_44] : memref<10000x128xf32, #tpu.memory_space<vmem_shared>> -> memref<128x128xf32, #tpu.memory_space<vmem_shared>>
        tpu.enqueue_dma source(%arg10 : memref<128x128xf32, #tpu.memory_space<vmem>>) target(%dma_start3A_45 : memref<128x128xf32, #tpu.memory_space<vmem_shared>>) target_semaphore(%run_scoped3A : memref<!tpu.dma_semaphore, #tpu.memory_space<semaphore_mem>>)
        %dma_wait3A = arith.constant 0 : i32
        %dma_wait3A_46 = tpu.memref_slice %arg11[%add3A_34, %dma_wait3A] : memref<10000x128xf32, #tpu.memory_space<vmem_shared>> -> memref<128x128xf32, #tpu.memory_space<vmem_shared>>
        %dma_wait3A_47 = arith.constant 0 : i32
        %dma_wait3A_48 = tpu.memref_slice %arg11[%add3A_34, %dma_wait3A_47] : memref<10000x128xf32, #tpu.memory_space<vmem_shared>> -> memref<128x128xf32, #tpu.memory_space<vmem_shared>>
        tpu.wait_dma2 semaphore(%run_scoped3A : memref<!tpu.dma_semaphore, #tpu.memory_space<semaphore_mem>>) src(%arg10 : memref<128x128xf32, #tpu.memory_space<vmem>>) dst(%dma_wait3A_48 : memref<128x128xf32, #tpu.memory_space<vmem_shared>>)
        tpu.yield
      }) : () -> ()
      %add3A_35 = arith.constant 128 : i32
      %add3A_36 = arith.addi %mul3A_5, %add3A_35 : i32
      "tpu.region"() ({
        %run_scoped3A = tpu.sem_alloc : memref<!tpu.dma_semaphore, #tpu.memory_space<semaphore_mem>>
        %dma_start3A = arith.constant 0 : i32
        %dma_start3A_43 = tpu.memref_slice %arg11[%add3A_36, %dma_start3A] : memref<10000x128xf32, #tpu.memory_space<vmem_shared>> -> memref<128x128xf32, #tpu.memory_space<vmem_shared>>
        %dma_start3A_44 = arith.constant 0 : i32
        %dma_start3A_45 = tpu.memref_slice %arg11[%add3A_36, %dma_start3A_44] : memref<10000x128xf32, #tpu.memory_space<vmem_shared>> -> memref<128x128xf32, #tpu.memory_space<vmem_shared>>
        tpu.enqueue_dma source(%arg10 : memref<128x128xf32, #tpu.memory_space<vmem>>) target(%dma_start3A_45 : memref<128x128xf32, #tpu.memory_space<vmem_shared>>) target_semaphore(%run_scoped3A : memref<!tpu.dma_semaphore, #tpu.memory_space<semaphore_mem>>)
        %dma_wait3A = arith.constant 0 : i32
        %dma_wait3A_46 = tpu.memref_slice %arg11[%add3A_36, %dma_wait3A] : memref<10000x128xf32, #tpu.memory_space<vmem_shared>> -> memref<128x128xf32, #tpu.memory_space<vmem_shared>>
        %dma_wait3A_47 = arith.constant 0 : i32
        %dma_wait3A_48 = tpu.memref_slice %arg11[%add3A_36, %dma_wait3A_47] : memref<10000x128xf32, #tpu.memory_space<vmem_shared>> -> memref<128x128xf32, #tpu.memory_space<vmem_shared>>
        tpu.wait_dma2 semaphore(%run_scoped3A : memref<!tpu.dma_semaphore, #tpu.memory_space<semaphore_mem>>) src(%arg10 : memref<128x128xf32, #tpu.memory_space<vmem>>) dst(%dma_wait3A_48 : memref<128x128xf32, #tpu.memory_space<vmem_shared>>)
        tpu.yield
      }) : () -> ()
      %add3A_37 = arith.constant 256 : i32
      %add3A_38 = arith.addi %mul3A_5, %add3A_37 : i32
      "tpu.region"() ({
        %run_scoped3A = tpu.sem_alloc : memref<!tpu.dma_semaphore, #tpu.memory_space<semaphore_mem>>
        %dma_start3A = arith.constant 0 : i32
        %dma_start3A_43 = tpu.memref_slice %arg11[%add3A_38, %dma_start3A] : memref<10000x128xf32, #tpu.memory_space<vmem_shared>> -> memref<128x128xf32, #tpu.memory_space<vmem_shared>>
        %dma_start3A_44 = arith.constant 0 : i32
        %dma_start3A_45 = tpu.memref_slice %arg11[%add3A_38, %dma_start3A_44] : memref<10000x128xf32, #tpu.memory_space<vmem_shared>> -> memref<128x128xf32, #tpu.memory_space<vmem_shared>>
        tpu.enqueue_dma source(%arg10 : memref<128x128xf32, #tpu.memory_space<vmem>>) target(%dma_start3A_45 : memref<128x128xf32, #tpu.memory_space<vmem_shared>>) target_semaphore(%run_scoped3A : memref<!tpu.dma_semaphore, #tpu.memory_space<semaphore_mem>>)
        %dma_wait3A = arith.constant 0 : i32
        %dma_wait3A_46 = tpu.memref_slice %arg11[%add3A_38, %dma_wait3A] : memref<10000x128xf32, #tpu.memory_space<vmem_shared>> -> memref<128x128xf32, #tpu.memory_space<vmem_shared>>
        %dma_wait3A_47 = arith.constant 0 : i32
        %dma_wait3A_48 = tpu.memref_slice %arg11[%add3A_38, %dma_wait3A_47] : memref<10000x128xf32, #tpu.memory_space<vmem_shared>> -> memref<128x128xf32, #tpu.memory_space<vmem_shared>>
        tpu.wait_dma2 semaphore(%run_scoped3A : memref<!tpu.dma_semaphore, #tpu.memory_space<semaphore_mem>>) src(%arg10 : memref<128x128xf32, #tpu.memory_space<vmem>>) dst(%dma_wait3A_48 : memref<128x128xf32, #tpu.memory_space<vmem_shared>>)
        tpu.yield
      }) : () -> ()
      %add3A_39 = arith.constant 384 : i32
      %add3A_40 = arith.addi %mul3A_5, %add3A_39 : i32
      "tpu.region"() ({
        %run_scoped3A = tpu.sem_alloc : memref<!tpu.dma_semaphore, #tpu.memory_space<semaphore_mem>>
        %dma_start3A = arith.constant 0 : i32
        %dma_start3A_43 = tpu.memref_slice %arg11[%add3A_40, %dma_start3A] : memref<10000x128xf32, #tpu.memory_space<vmem_shared>> -> memref<128x128xf32, #tpu.memory_space<vmem_shared>>
        %dma_start3A_44 = arith.constant 0 : i32
        %dma_start3A_45 = tpu.memref_slice %arg11[%add3A_40, %dma_start3A_44] : memref<10000x128xf32, #tpu.memory_space<vmem_shared>> -> memref<128x128xf32, #tpu.memory_space<vmem_shared>>
        tpu.enqueue_dma source(%arg10 : memref<128x128xf32, #tpu.memory_space<vmem>>) target(%dma_start3A_45 : memref<128x128xf32, #tpu.memory_space<vmem_shared>>) target_semaphore(%run_scoped3A : memref<!tpu.dma_semaphore, #tpu.memory_space<semaphore_mem>>)
        %dma_wait3A = arith.constant 0 : i32
        %dma_wait3A_46 = tpu.memref_slice %arg11[%add3A_40, %dma_wait3A] : memref<10000x128xf32, #tpu.memory_space<vmem_shared>> -> memref<128x128xf32, #tpu.memory_space<vmem_shared>>
        %dma_wait3A_47 = arith.constant 0 : i32
        %dma_wait3A_48 = tpu.memref_slice %arg11[%add3A_40, %dma_wait3A_47] : memref<10000x128xf32, #tpu.memory_space<vmem_shared>> -> memref<128x128xf32, #tpu.memory_space<vmem_shared>>
        tpu.wait_dma2 semaphore(%run_scoped3A : memref<!tpu.dma_semaphore, #tpu.memory_space<semaphore_mem>>) src(%arg10 : memref<128x128xf32, #tpu.memory_space<vmem>>) dst(%dma_wait3A_48 : memref<128x128xf32, #tpu.memory_space<vmem_shared>>)
        tpu.yield
      }) : () -> ()
      %add3A_41 = arith.constant 512 : i32
      %add3A_42 = arith.addi %mul3A_5, %add3A_41 : i32
      "tpu.region"() ({
        %run_scoped3A = tpu.sem_alloc : memref<!tpu.dma_semaphore, #tpu.memory_space<semaphore_mem>>
        %dma_start3A = arith.constant 0 : i32
        %dma_start3A_43 = tpu.memref_slice %arg11[%add3A_42, %dma_start3A] : memref<10000x128xf32, #tpu.memory_space<vmem_shared>> -> memref<128x128xf32, #tpu.memory_space<vmem_shared>>
        %dma_start3A_44 = arith.constant 0 : i32
        %dma_start3A_45 = tpu.memref_slice %arg11[%add3A_42, %dma_start3A_44] : memref<10000x128xf32, #tpu.memory_space<vmem_shared>> -> memref<128x128xf32, #tpu.memory_space<vmem_shared>>
        tpu.enqueue_dma source(%arg10 : memref<128x128xf32, #tpu.memory_space<vmem>>) target(%dma_start3A_45 : memref<128x128xf32, #tpu.memory_space<vmem_shared>>) target_semaphore(%run_scoped3A : memref<!tpu.dma_semaphore, #tpu.memory_space<semaphore_mem>>)
        %dma_wait3A = arith.constant 0 : i32
        %dma_wait3A_46 = tpu.memref_slice %arg11[%add3A_42, %dma_wait3A] : memref<10000x128xf32, #tpu.memory_space<vmem_shared>> -> memref<128x128xf32, #tpu.memory_space<vmem_shared>>
        %dma_wait3A_47 = arith.constant 0 : i32
        %dma_wait3A_48 = tpu.memref_slice %arg11[%add3A_42, %dma_wait3A_47] : memref<10000x128xf32, #tpu.memory_space<vmem_shared>> -> memref<128x128xf32, #tpu.memory_space<vmem_shared>>
        tpu.wait_dma2 semaphore(%run_scoped3A : memref<!tpu.dma_semaphore, #tpu.memory_space<semaphore_mem>>) src(%arg10 : memref<128x128xf32, #tpu.memory_space<vmem>>) dst(%dma_wait3A_48 : memref<128x128xf32, #tpu.memory_space<vmem_shared>>)
        tpu.yield
      }) : () -> ()
    } else {
    }
    %barrier3A = arith.constant 0 : index
    tpu.barrier barrier_id(%barrier3A)
    %mul3A_12 = arith.constant 10240 : i32
    %mul3A_13 = arith.muli %arg1, %mul3A_12 : i32
    %scan3A_14 = arith.constant 0 : i32
    %scan3A_15 = arith.constant 0 : i32
    %scan3A_16 = arith.constant 80 : i32
    %scan3A_17 = arith.addi %scan3A_15, %scan3A_16 : i32
    %scan3A_18 = arith.constant 1 : i32
    scf.for %scan3A_33 = %scan3A_15 to %scan3A_17 step %scan3A_18  : i32 {
      %mul3A_34 = arith.constant 128 : i32
      %mul3A_35 = arith.muli %scan3A_33, %mul3A_34 : i32
      %add3A_36 = arith.addi %mul3A_13, %mul3A_35 : i32
      "tpu.region"() ({
        %run_scoped3A = tpu.sem_alloc : memref<!tpu.dma_semaphore, #tpu.memory_space<semaphore_mem>>
        %dma_start3A_95 = tpu.memref_slice %arg3[%add3A_36] : memref<163840xi32, #tpu.memory_space<hbm>> -> memref<128xi32, #tpu.memory_space<hbm>>
        %dma_start3A_96 = tpu.memref_slice %arg3[%add3A_36] : memref<163840xi32, #tpu.memory_space<hbm>> -> memref<128xi32, #tpu.memory_space<hbm>>
        tpu.enqueue_dma source(%dma_start3A_96 : memref<128xi32, #tpu.memory_space<hbm>>) target(%arg7 : memref<128xi32, #tpu.memory_space<vmem>>) target_semaphore(%run_scoped3A : memref<!tpu.dma_semaphore, #tpu.memory_space<semaphore_mem>>)
        %dma_wait3A_97 = tpu.memref_slice %arg3[%add3A_36] : memref<163840xi32, #tpu.memory_space<hbm>> -> memref<128xi32, #tpu.memory_space<hbm>>
        %dma_wait3A_98 = tpu.memref_slice %arg3[%add3A_36] : memref<163840xi32, #tpu.memory_space<hbm>> -> memref<128xi32, #tpu.memory_space<hbm>>
        tpu.wait_dma2 semaphore(%run_scoped3A : memref<!tpu.dma_semaphore, #tpu.memory_space<semaphore_mem>>) src(%dma_wait3A_98 : memref<128xi32, #tpu.memory_space<hbm>>) dst(%arg7 : memref<128xi32, #tpu.memory_space<vmem>>)
        tpu.yield
      }) : () -> ()
      "tpu.region"() ({
        %run_scoped3A = tpu.sem_alloc : memref<!tpu.dma_semaphore, #tpu.memory_space<semaphore_mem>>
        %dma_start3A_95 = tpu.memref_slice %arg4[%add3A_36] : memref<163840xi32, #tpu.memory_space<hbm>> -> memref<128xi32, #tpu.memory_space<hbm>>
        %dma_start3A_96 = tpu.memref_slice %arg4[%add3A_36] : memref<163840xi32, #tpu.memory_space<hbm>> -> memref<128xi32, #tpu.memory_space<hbm>>
        tpu.enqueue_dma source(%dma_start3A_96 : memref<128xi32, #tpu.memory_space<hbm>>) target(%arg8 : memref<128xi32, #tpu.memory_space<vmem>>) target_semaphore(%run_scoped3A : memref<!tpu.dma_semaphore, #tpu.memory_space<semaphore_mem>>)
        %dma_wait3A_97 = tpu.memref_slice %arg4[%add3A_36] : memref<163840xi32, #tpu.memory_space<hbm>> -> memref<128xi32, #tpu.memory_space<hbm>>
        %dma_wait3A_98 = tpu.memref_slice %arg4[%add3A_36] : memref<163840xi32, #tpu.memory_space<hbm>> -> memref<128xi32, #tpu.memory_space<hbm>>
        tpu.wait_dma2 semaphore(%run_scoped3A : memref<!tpu.dma_semaphore, #tpu.memory_space<semaphore_mem>>) src(%dma_wait3A_98 : memref<128xi32, #tpu.memory_space<hbm>>) dst(%arg8 : memref<128xi32, #tpu.memory_space<vmem>>)
        tpu.yield
      }) : () -> ()
      "tpu.region"() ({
        %run_scoped3A = tpu.sem_alloc : memref<!tpu.dma_semaphore, #tpu.memory_space<semaphore_mem>>
        %dma_start3A_95 = tpu.memref_slice %arg5[%add3A_36] : memref<163840xf32, #tpu.memory_space<hbm>> -> memref<128xf32, #tpu.memory_space<hbm>>
        %dma_start3A_96 = tpu.memref_slice %arg5[%add3A_36] : memref<163840xf32, #tpu.memory_space<hbm>> -> memref<128xf32, #tpu.memory_space<hbm>>
        tpu.enqueue_dma source(%dma_start3A_96 : memref<128xf32, #tpu.memory_space<hbm>>) target(%arg9 : memref<128xf32, #tpu.memory_space<vmem>>) target_semaphore(%run_scoped3A : memref<!tpu.dma_semaphore, #tpu.memory_space<semaphore_mem>>)
        %dma_wait3A_97 = tpu.memref_slice %arg5[%add3A_36] : memref<163840xf32, #tpu.memory_space<hbm>> -> memref<128xf32, #tpu.memory_space<hbm>>
        %dma_wait3A_98 = tpu.memref_slice %arg5[%add3A_36] : memref<163840xf32, #tpu.memory_space<hbm>> -> memref<128xf32, #tpu.memory_space<hbm>>
        tpu.wait_dma2 semaphore(%run_scoped3A : memref<!tpu.dma_semaphore, #tpu.memory_space<semaphore_mem>>) src(%dma_wait3A_98 : memref<128xf32, #tpu.memory_space<hbm>>) dst(%arg9 : memref<128xf32, #tpu.memory_space<vmem>>)
        tpu.yield
      }) : () -> ()
      %mul3A_37 = arith.constant 10000 : i32
      %mul3A_38 = arith.muli %arg0, %mul3A_37 : i32
      %get3A = arith.constant 0 : index
      %get3A_39 = tpu.vector_load %arg7[%get3A] {strides = array<i32>} : memref<128xi32, #tpu.memory_space<vmem>>, vector<16xi32>,
      %add3A_40 = vector.broadcast %mul3A_38 : i32 to vector<16xi32>
      %add3A_41 = arith.addi %get3A_39, %add3A_40 : vector<16xi32>
      %swap3A = arith.constant 0 : index
      %swap3A_42 = tpu.vector_load %arg7[%swap3A] {strides = array<i32>} : memref<128xi32, #tpu.memory_space<vmem>>, vector<16xi32>,
      tpu.vector_store %arg7[%swap3A], %add3A_41 {strides = array<i32>} : memref<128xi32, #tpu.memory_space<vmem>>, vector<16xi32>,
      %get3A_43 = arith.constant 16 : index
      %get3A_44 = tpu.vector_load %arg7[%get3A_43] {strides = array<i32>} : memref<128xi32, #tpu.memory_space<vmem>>, vector<16xi32>,
      %add3A_45 = vector.broadcast %mul3A_38 : i32 to vector<16xi32>
      %add3A_46 = arith.addi %get3A_44, %add3A_45 : vector<16xi32>
      %swap3A_47 = arith.constant 16 : index
      %swap3A_48 = tpu.vector_load %arg7[%swap3A_47] {strides = array<i32>} : memref<128xi32, #tpu.memory_space<vmem>>, vector<16xi32>,
      tpu.vector_store %arg7[%swap3A_47], %add3A_46 {strides = array<i32>} : memref<128xi32, #tpu.memory_space<vmem>>, vector<16xi32>,
      %get3A_49 = arith.constant 32 : index
      %get3A_50 = tpu.vector_load %arg7[%get3A_49] {strides = array<i32>} : memref<128xi32, #tpu.memory_space<vmem>>, vector<16xi32>,
      %add3A_51 = vector.broadcast %mul3A_38 : i32 to vector<16xi32>
      %add3A_52 = arith.addi %get3A_50, %add3A_51 : vector<16xi32>
      %swap3A_53 = arith.constant 32 : index
      %swap3A_54 = tpu.vector_load %arg7[%swap3A_53] {strides = array<i32>} : memref<128xi32, #tpu.memory_space<vmem>>, vector<16xi32>,
      tpu.vector_store %arg7[%swap3A_53], %add3A_52 {strides = array<i32>} : memref<128xi32, #tpu.memory_space<vmem>>, vector<16xi32>,
      %get3A_55 = arith.constant 48 : index
      %get3A_56 = tpu.vector_load %arg7[%get3A_55] {strides = array<i32>} : memref<128xi32, #tpu.memory_space<vmem>>, vector<16xi32>,
      %add3A_57 = vector.broadcast %mul3A_38 : i32 to vector<16xi32>
      %add3A_58 = arith.addi %get3A_56, %add3A_57 : vector<16xi32>
      %swap3A_59 = arith.constant 48 : index
      %swap3A_60 = tpu.vector_load %arg7[%swap3A_59] {strides = array<i32>} : memref<128xi32, #tpu.memory_space<vmem>>, vector<16xi32>,
      tpu.vector_store %arg7[%swap3A_59], %add3A_58 {strides = array<i32>} : memref<128xi32, #tpu.memory_space<vmem>>, vector<16xi32>,
      %get3A_61 = arith.constant 64 : index
      %get3A_62 = tpu.vector_load %arg7[%get3A_61] {strides = array<i32>} : memref<128xi32, #tpu.memory_space<vmem>>, vector<16xi32>,
      %add3A_63 = vector.broadcast %mul3A_38 : i32 to vector<16xi32>
      %add3A_64 = arith.addi %get3A_62, %add3A_63 : vector<16xi32>
      %swap3A_65 = arith.constant 64 : index
      %swap3A_66 = tpu.vector_load %arg7[%swap3A_65] {strides = array<i32>} : memref<128xi32, #tpu.memory_space<vmem>>, vector<16xi32>,
      tpu.vector_store %arg7[%swap3A_65], %add3A_64 {strides = array<i32>} : memref<128xi32, #tpu.memory_space<vmem>>, vector<16xi32>,
      %get3A_67 = arith.constant 80 : index
      %get3A_68 = tpu.vector_load %arg7[%get3A_67] {strides = array<i32>} : memref<128xi32, #tpu.memory_space<vmem>>, vector<16xi32>,
      %add3A_69 = vector.broadcast %mul3A_38 : i32 to vector<16xi32>
      %add3A_70 = arith.addi %get3A_68, %add3A_69 : vector<16xi32>
      %swap3A_71 = arith.constant 80 : index
      %swap3A_72 = tpu.vector_load %arg7[%swap3A_71] {strides = array<i32>} : memref<128xi32, #tpu.memory_space<vmem>>, vector<16xi32>,
      tpu.vector_store %arg7[%swap3A_71], %add3A_70 {strides = array<i32>} : memref<128xi32, #tpu.memory_space<vmem>>, vector<16xi32>,
      %get3A_73 = arith.constant 96 : index
      %get3A_74 = tpu.vector_load %arg7[%get3A_73] {strides = array<i32>} : memref<128xi32, #tpu.memory_space<vmem>>, vector<16xi32>,
      %add3A_75 = vector.broadcast %mul3A_38 : i32 to vector<16xi32>
      %add3A_76 = arith.addi %get3A_74, %add3A_75 : vector<16xi32>
      %swap3A_77 = arith.constant 96 : index
      %swap3A_78 = tpu.vector_load %arg7[%swap3A_77] {strides = array<i32>} : memref<128xi32, #tpu.memory_space<vmem>>, vector<16xi32>,
      tpu.vector_store %arg7[%swap3A_77], %add3A_76 {strides = array<i32>} : memref<128xi32, #tpu.memory_space<vmem>>, vector<16xi32>,
      %get3A_79 = arith.constant 112 : index
      %get3A_80 = tpu.vector_load %arg7[%get3A_79] {strides = array<i32>} : memref<128xi32, #tpu.memory_space<vmem>>, vector<16xi32>,
      %add3A_81 = vector.broadcast %mul3A_38 : i32 to vector<16xi32>
      %add3A_82 = arith.addi %get3A_80, %add3A_81 : vector<16xi32>
      %swap3A_83 = arith.constant 112 : index
      %swap3A_84 = tpu.vector_load %arg7[%swap3A_83] {strides = array<i32>} : memref<128xi32, #tpu.memory_space<vmem>>, vector<16xi32>,
      tpu.vector_store %arg7[%swap3A_83], %add3A_82 {strides = array<i32>} : memref<128xi32, #tpu.memory_space<vmem>>, vector<16xi32>,
      %dma_start3A = arith.constant 0 : i32
      %dma_start3A_85 = arith.constant 0 : i32
      %dma_start3A_86 = tpu.memref_slice %arg2[%dma_start3A, %dma_start3A_85] : memref<20000x128xf32, #tpu.memory_space<hbm>> -> memref<20000x128xf32, #tpu.memory_space<hbm>>
      tpu.enqueue_indirect_dma source(%dma_start3A_86 : memref<20000x128xf32, #tpu.memory_space<hbm>>) target(%arg10 : memref<128x128xf32, #tpu.memory_space<vmem>>) offsets(%arg7 : memref<128xi32, #tpu.memory_space<vmem>>) semaphore(%arg12 : memref<!tpu.dma_semaphore, #tpu.memory_space<semaphore_mem>>)
      %dma_wait3A = arith.constant 0 : i32
      %dma_wait3A_87 = arith.constant 0 : i32
      %dma_wait3A_88 = tpu.memref_slice %arg2[%dma_wait3A, %dma_wait3A_87] : memref<20000x128xf32, #tpu.memory_space<hbm>> -> memref<20000x128xf32, #tpu.memory_space<hbm>>
      tpu.wait_indirect_dma semaphore(%arg12 : memref<!tpu.dma_semaphore, #tpu.memory_space<semaphore_mem>>) src(%dma_wait3A_88 : memref<20000x128xf32, #tpu.memory_space<hbm>>) dst(%arg10 : memref<128x128xf32, #tpu.memory_space<vmem>>)
      %scan3A_89 = arith.constant 0 : i32
      %scan3A_90 = arith.constant 0 : i32
      %scan3A_91 = arith.constant 128 : i32
      %scan3A_92 = arith.addi %scan3A_90, %scan3A_91 : i32
      %scan3A_93 = arith.constant 1 : i32
      scf.for %scan3A_95 = %scan3A_90 to %scan3A_92 step %scan3A_93  : i32 {
        %broadcast_in_dim3A = arith.constant 0 : i32
        %broadcast_in_dim3A_96 = vector.broadcast %broadcast_in_dim3A : i32 to vector<16xi32>
        %add3A_97 = vector.broadcast %scan3A_95 : i32 to vector<16xi32>
        %add3A_98 = arith.addi %broadcast_in_dim3A_96, %add3A_97 : vector<16xi32>
        %gather3A = tpu.vector_load_idx %arg9[%add3A_98] : memref<128xf32, #tpu.memory_space<vmem>>[vector<16xi32>], vector<16xf32>,
        %get3A_99 = arith.index_cast %scan3A_95 : i32 to index
        %get3A_100 = arith.constant 0 : index
        %get3A_101 = tpu.vector_load %arg10[%get3A_99, %get3A_100] {strides = array<i32>} : memref<128x128xf32, #tpu.memory_space<vmem>>, vector<16xf32>,
        %mul3A_102 = arith.mulf %get3A_101, %gather3A : vector<16xf32>
        %swap3A_103 = arith.index_cast %scan3A_95 : i32 to index
        %swap3A_104 = arith.constant 0 : index
        %swap3A_105 = tpu.vector_load %arg10[%swap3A_103, %swap3A_104] {strides = array<i32>} : memref<128x128xf32, #tpu.memory_space<vmem>>, vector<16xf32>,
        tpu.vector_store %arg10[%swap3A_103, %swap3A_104], %mul3A_102 {strides = array<i32>} : memref<128x128xf32, #tpu.memory_space<vmem>>, vector<16xf32>,
        %get3A_106 = arith.index_cast %scan3A_95 : i32 to index
        %get3A_107 = arith.constant 16 : index
        %get3A_108 = tpu.vector_load %arg10[%get3A_106, %get3A_107] {strides = array<i32>} : memref<128x128xf32, #tpu.memory_space<vmem>>, vector<16xf32>,
        %mul3A_109 = arith.mulf %get3A_108, %gather3A : vector<16xf32>
        %swap3A_110 = arith.index_cast %scan3A_95 : i32 to index
        %swap3A_111 = arith.constant 16 : index
        %swap3A_112 = tpu.vector_load %arg10[%swap3A_110, %swap3A_111] {strides = array<i32>} : memref<128x128xf32, #tpu.memory_space<vmem>>, vector<16xf32>,
        tpu.vector_store %arg10[%swap3A_110, %swap3A_111], %mul3A_109 {strides = array<i32>} : memref<128x128xf32, #tpu.memory_space<vmem>>, vector<16xf32>,
        %get3A_113 = arith.index_cast %scan3A_95 : i32 to index
        %get3A_114 = arith.constant 32 : index
        %get3A_115 = tpu.vector_load %arg10[%get3A_113, %get3A_114] {strides = array<i32>} : memref<128x128xf32, #tpu.memory_space<vmem>>, vector<16xf32>,
        %mul3A_116 = arith.mulf %get3A_115, %gather3A : vector<16xf32>
        %swap3A_117 = arith.index_cast %scan3A_95 : i32 to index
        %swap3A_118 = arith.constant 32 : index
        %swap3A_119 = tpu.vector_load %arg10[%swap3A_117, %swap3A_118] {strides = array<i32>} : memref<128x128xf32, #tpu.memory_space<vmem>>, vector<16xf32>,
        tpu.vector_store %arg10[%swap3A_117, %swap3A_118], %mul3A_116 {strides = array<i32>} : memref<128x128xf32, #tpu.memory_space<vmem>>, vector<16xf32>,
        %get3A_120 = arith.index_cast %scan3A_95 : i32 to index
        %get3A_121 = arith.constant 48 : index
        %get3A_122 = tpu.vector_load %arg10[%get3A_120, %get3A_121] {strides = array<i32>} : memref<128x128xf32, #tpu.memory_space<vmem>>, vector<16xf32>,
        %mul3A_123 = arith.mulf %get3A_122, %gather3A : vector<16xf32>
        %swap3A_124 = arith.index_cast %scan3A_95 : i32 to index
        %swap3A_125 = arith.constant 48 : index
        %swap3A_126 = tpu.vector_load %arg10[%swap3A_124, %swap3A_125] {strides = array<i32>} : memref<128x128xf32, #tpu.memory_space<vmem>>, vector<16xf32>,
        tpu.vector_store %arg10[%swap3A_124, %swap3A_125], %mul3A_123 {strides = array<i32>} : memref<128x128xf32, #tpu.memory_space<vmem>>, vector<16xf32>,
        %get3A_127 = arith.index_cast %scan3A_95 : i32 to index
        %get3A_128 = arith.constant 64 : index
        %get3A_129 = tpu.vector_load %arg10[%get3A_127, %get3A_128] {strides = array<i32>} : memref<128x128xf32, #tpu.memory_space<vmem>>, vector<16xf32>,
        %mul3A_130 = arith.mulf %get3A_129, %gather3A : vector<16xf32>
        %swap3A_131 = arith.index_cast %scan3A_95 : i32 to index
        %swap3A_132 = arith.constant 64 : index
        %swap3A_133 = tpu.vector_load %arg10[%swap3A_131, %swap3A_132] {strides = array<i32>} : memref<128x128xf32, #tpu.memory_space<vmem>>, vector<16xf32>,
        tpu.vector_store %arg10[%swap3A_131, %swap3A_132], %mul3A_130 {strides = array<i32>} : memref<128x128xf32, #tpu.memory_space<vmem>>, vector<16xf32>,
        %get3A_134 = arith.index_cast %scan3A_95 : i32 to index
        %get3A_135 = arith.constant 80 : index
        %get3A_136 = tpu.vector_load %arg10[%get3A_134, %get3A_135] {strides = array<i32>} : memref<128x128xf32, #tpu.memory_space<vmem>>, vector<16xf32>,
        %mul3A_137 = arith.mulf %get3A_136, %gather3A : vector<16xf32>
        %swap3A_138 = arith.index_cast %scan3A_95 : i32 to index
        %swap3A_139 = arith.constant 80 : index
        %swap3A_140 = tpu.vector_load %arg10[%swap3A_138, %swap3A_139] {strides = array<i32>} : memref<128x128xf32, #tpu.memory_space<vmem>>, vector<16xf32>,
        tpu.vector_store %arg10[%swap3A_138, %swap3A_139], %mul3A_137 {strides = array<i32>} : memref<128x128xf32, #tpu.memory_space<vmem>>, vector<16xf32>,
        %get3A_141 = arith.index_cast %scan3A_95 : i32 to index
        %get3A_142 = arith.constant 96 : index
        %get3A_143 = tpu.vector_load %arg10[%get3A_141, %get3A_142] {strides = array<i32>} : memref<128x128xf32, #tpu.memory_space<vmem>>, vector<16xf32>,
        %mul3A_144 = arith.mulf %get3A_143, %gather3A : vector<16xf32>
        %swap3A_145 = arith.index_cast %scan3A_95 : i32 to index
        %swap3A_146 = arith.constant 96 : index
        %swap3A_147 = tpu.vector_load %arg10[%swap3A_145, %swap3A_146] {strides = array<i32>} : memref<128x128xf32, #tpu.memory_space<vmem>>, vector<16xf32>,
        tpu.vector_store %arg10[%swap3A_145, %swap3A_146], %mul3A_144 {strides = array<i32>} : memref<128x128xf32, #tpu.memory_space<vmem>>, vector<16xf32>,
        %get3A_148 = arith.index_cast %scan3A_95 : i32 to index
        %get3A_149 = arith.constant 112 : index
        %get3A_150 = tpu.vector_load %arg10[%get3A_148, %get3A_149] {strides = array<i32>} : memref<128x128xf32, #tpu.memory_space<vmem>>, vector<16xf32>,
        %mul3A_151 = arith.mulf %get3A_150, %gather3A : vector<16xf32>
        %swap3A_152 = arith.index_cast %scan3A_95 : i32 to index
        %swap3A_153 = arith.constant 112 : index
        %swap3A_154 = tpu.vector_load %arg10[%swap3A_152, %swap3A_153] {strides = array<i32>} : memref<128x128xf32, #tpu.memory_space<vmem>>, vector<16xf32>,
        tpu.vector_store %arg10[%swap3A_152, %swap3A_153], %mul3A_151 {strides = array<i32>} : memref<128x128xf32, #tpu.memory_space<vmem>>, vector<16xf32>,
      }
      %scan3A_94 = arith.constant 128 : i32
      "tpu.region"() ({
        %run_scoped3A = tpu.sem_alloc : memref<!tpu.dma_semaphore, #tpu.memory_space<semaphore_mem>>
        %dma_start3A_95 = arith.constant 0 : i32
        %dma_start3A_96 = arith.constant 0 : i32
        %dma_start3A_97 = tpu.memref_slice %arg11[%dma_start3A_95, %dma_start3A_96] : memref<10000x128xf32, #tpu.memory_space<vmem_shared>> -> memref<10000x128xf32, #tpu.memory_space<vmem_shared>>
        tpu.enqueue_indirect_dma source(%arg10 : memref<128x128xf32, #tpu.memory_space<vmem>>) target(%dma_start3A_97 : memref<10000x128xf32, #tpu.memory_space<vmem_shared>>) offsets(%arg8 : memref<128xi32, #tpu.memory_space<vmem>>) semaphore(%run_scoped3A : memref<!tpu.dma_semaphore, #tpu.memory_space<semaphore_mem>>) {add = true}
        %dma_wait3A_98 = arith.constant 0 : i32
        %dma_wait3A_99 = arith.constant 0 : i32
        %dma_wait3A_100 = tpu.memref_slice %arg11[%dma_wait3A_98, %dma_wait3A_99] : memref<10000x128xf32, #tpu.memory_space<vmem_shared>> -> memref<10000x128xf32, #tpu.memory_space<vmem_shared>>
        tpu.wait_indirect_dma semaphore(%run_scoped3A : memref<!tpu.dma_semaphore, #tpu.memory_space<semaphore_mem>>) src(%arg10 : memref<128x128xf32, #tpu.memory_space<vmem>>) dst(%dma_wait3A_100 : memref<10000x128xf32, #tpu.memory_space<vmem_shared>>)
        tpu.yield
      }) : () -> ()
    }
    %scan3A_19 = arith.constant 80 : i32
    %barrier3A_20 = arith.constant 0 : index
    tpu.barrier barrier_id(%barrier3A_20)
    %mul3A_21 = arith.constant 10000 : i32
    %mul3A_22 = arith.muli %arg0, %mul3A_21 : i32
    %add3A = arith.addi %mul3A_22, %mul3A_5 : i32
    %lt3A_23 = arith.constant 15 : i32
    %lt3A_24 = arith.cmpi slt, %arg1, %lt3A_23 : i32
    %convert_element_type3A_25 = arith.extui %lt3A_24 : i1 to i32
    %cond3A_26 = arith.constant 0 : i32
    %cond3A_27 = arith.cmpi ne, %convert_element_type3A_25, %cond3A_26 : i32
    scf.if %cond3A_27 {
      "tpu.region"() ({
        %run_scoped3A = tpu.sem_alloc : memref<!tpu.dma_semaphore, #tpu.memory_space<semaphore_mem>>
        %dma_start3A = arith.constant 0 : i32
        %dma_start3A_33 = tpu.memref_slice %arg6[%add3A, %dma_start3A] : memref<20000x128xf32, #tpu.memory_space<hbm>> -> memref<624x128xf32, #tpu.memory_space<hbm>>
        %dma_start3A_34 = arith.constant 0 : i32
        %dma_start3A_35 = tpu.memref_slice %arg11[%mul3A_5, %dma_start3A_34] : memref<10000x128xf32, #tpu.memory_space<vmem_shared>> -> memref<624x128xf32, #tpu.memory_space<vmem_shared>>
        tpu.enqueue_dma source(%dma_start3A_35 : memref<624x128xf32, #tpu.memory_space<vmem_shared>>) target(%dma_start3A_33 : memref<624x128xf32, #tpu.memory_space<hbm>>) target_semaphore(%run_scoped3A : memref<!tpu.dma_semaphore, #tpu.memory_space<semaphore_mem>>)
        %dma_wait3A = arith.constant 0 : i32
        %dma_wait3A_36 = tpu.memref_slice %arg6[%add3A, %dma_wait3A] : memref<20000x128xf32, #tpu.memory_space<hbm>> -> memref<624x128xf32, #tpu.memory_space<hbm>>
        %dma_wait3A_37 = arith.constant 0 : i32
        %dma_wait3A_38 = tpu.memref_slice %arg11[%mul3A_5, %dma_wait3A_37] : memref<10000x128xf32, #tpu.memory_space<vmem_shared>> -> memref<624x128xf32, #tpu.memory_space<vmem_shared>>
        tpu.wait_dma2 semaphore(%run_scoped3A : memref<!tpu.dma_semaphore, #tpu.memory_space<semaphore_mem>>) src(%dma_wait3A_38 : memref<624x128xf32, #tpu.memory_space<vmem_shared>>) dst(%dma_wait3A_36 : memref<624x128xf32, #tpu.memory_space<hbm>>)
        tpu.yield
      }) : () -> ()
    } else {
    }
    %eq3A_28 = arith.constant 15 : i32
    %eq3A_29 = arith.cmpi eq, %arg1, %eq3A_28 : i32
    %convert_element_type3A_30 = arith.extui %eq3A_29 : i1 to i32
    %cond3A_31 = arith.constant 0 : i32
    %cond3A_32 = arith.cmpi ne, %convert_element_type3A_30, %cond3A_31 : i32
    scf.if %cond3A_32 {
      "tpu.region"() ({
        %run_scoped3A = tpu.sem_alloc : memref<!tpu.dma_semaphore, #tpu.memory_space<semaphore_mem>>
        %dma_start3A = arith.constant 0 : i32
        %dma_start3A_33 = tpu.memref_slice %arg6[%add3A, %dma_start3A] : memref<20000x128xf32, #tpu.memory_space<hbm>> -> memref<640x128xf32, #tpu.memory_space<hbm>>
        %dma_start3A_34 = arith.constant 0 : i32
        %dma_start3A_35 = tpu.memref_slice %arg11[%mul3A_5, %dma_start3A_34] : memref<10000x128xf32, #tpu.memory_space<vmem_shared>> -> memref<640x128xf32, #tpu.memory_space<vmem_shared>>
        tpu.enqueue_dma source(%dma_start3A_35 : memref<640x128xf32, #tpu.memory_space<vmem_shared>>) target(%dma_start3A_33 : memref<640x128xf32, #tpu.memory_space<hbm>>) target_semaphore(%run_scoped3A : memref<!tpu.dma_semaphore, #tpu.memory_space<semaphore_mem>>)
        %dma_wait3A = arith.constant 0 : i32
        %dma_wait3A_36 = tpu.memref_slice %arg6[%add3A, %dma_wait3A] : memref<20000x128xf32, #tpu.memory_space<hbm>> -> memref<640x128xf32, #tpu.memory_space<hbm>>
        %dma_wait3A_37 = arith.constant 0 : i32
        %dma_wait3A_38 = tpu.memref_slice %arg11[%mul3A_5, %dma_wait3A_37] : memref<10000x128xf32, #tpu.memory_space<vmem_shared>> -> memref<640x128xf32, #tpu.memory_space<vmem_shared>>
        tpu.wait_dma2 semaphore(%run_scoped3A : memref<!tpu.dma_semaphore, #tpu.memory_space<semaphore_mem>>) src(%dma_wait3A_38 : memref<640x128xf32, #tpu.memory_space<vmem_shared>>) dst(%dma_wait3A_36 : memref<640x128xf32, #tpu.memory_space<hbm>>)
        tpu.yield
      }) : () -> ()
    } else {
    }
    return
  }
}

#map = affine_map<(d0, d1) -> (0, 0)>
#map1 = affine_map<(d0, d1) -> (0)>
module attributes {stable_mosaic.version = 14 : i64} {
  func.func @_k(%arg0: i32, %arg1: i32, %arg2: memref<20000x128xf32, #tpu.memory_space<hbm>>, %arg3: memref<163840xi32, #tpu.memory_space<hbm>>, %arg4: memref<163840xi32, #tpu.memory_space<hbm>>, %arg5: memref<163840xf32, #tpu.memory_space<hbm>>, %arg6: memref<20000x128xf32, #tpu.memory_space<hbm>>, %arg7: memref<128xi32, #tpu.memory_space<vmem>>, %arg8: memref<128xi32, #tpu.memory_space<vmem>>, %arg9: memref<128xf32, #tpu.memory_space<vmem>>, %arg10: memref<128x128xf32, #tpu.memory_space<vmem>>, %arg11: memref<10000x128xf32, #tpu.memory_space<vmem_shared>>, %arg12: memref<!tpu.dma_semaphore, #tpu.memory_space<semaphore_mem>>) attributes {dimension_semantics = [#tpu.dimension_semantics<core_parallel>, #tpu.dimension_semantics<subcore_parallel>], iteration_bounds = array<i64: 2, 16>, scalar_prefetch = 0 : i64, scratch_operands = 6 : i64, tpu.core_type = #tpu.core_type<sc_vector_subcore>, window_params = [{transform_indices = #map}, {transform_indices = #map1}, {transform_indices = #map1}, {transform_indices = #map1}, {transform_indices = #map}]} {
    %scan3A = arith.constant 0 : i32
    %scan3A_0 = arith.constant 0 : i32
    %scan3A_1 = arith.constant 128 : i32
    %scan3A_2 = arith.addi %scan3A_0, %scan3A_1 : i32
    %scan3A_3 = arith.constant 1 : i32
    scf.for %scan3A_33 = %scan3A_0 to %scan3A_2 step %scan3A_3  : i32 {
      %broadcast_in_dim3A = arith.constant 0.000000e+00 : f32
      %broadcast_in_dim3A_34 = vector.broadcast %broadcast_in_dim3A : f32 to vector<16xf32>
      %swap3A = arith.index_cast %scan3A_33 : i32 to index
      %swap3A_35 = arith.constant 0 : index
      %swap3A_36 = tpu.vector_load %arg10[%swap3A, %swap3A_35] {strides = array<i32>} : memref<128x128xf32, #tpu.memory_space<vmem>>, vector<16xf32>,
      tpu.vector_store %arg10[%swap3A, %swap3A_35], %broadcast_in_dim3A_34 {strides = array<i32>} : memref<128x128xf32, #tpu.memory_space<vmem>>, vector<16xf32>,
      %broadcast_in_dim3A_37 = arith.constant 0.000000e+00 : f32
      %broadcast_in_dim3A_38 = vector.broadcast %broadcast_in_dim3A_37 : f32 to vector<16xf32>
      %swap3A_39 = arith.index_cast %scan3A_33 : i32 to index
      %swap3A_40 = arith.constant 16 : index
      %swap3A_41 = tpu.vector_load %arg10[%swap3A_39, %swap3A_40] {strides = array<i32>} : memref<128x128xf32, #tpu.memory_space<vmem>>, vector<16xf32>,
      tpu.vector_store %arg10[%swap3A_39, %swap3A_40], %broadcast_in_dim3A_38 {strides = array<i32>} : memref<128x128xf32, #tpu.memory_space<vmem>>, vector<16xf32>,
      %broadcast_in_dim3A_42 = arith.constant 0.000000e+00 : f32
      %broadcast_in_dim3A_43 = vector.broadcast %broadcast_in_dim3A_42 : f32 to vector<16xf32>
      %swap3A_44 = arith.index_cast %scan3A_33 : i32 to index
      %swap3A_45 = arith.constant 32 : index
      %swap3A_46 = tpu.vector_load %arg10[%swap3A_44, %swap3A_45] {strides = array<i32>} : memref<128x128xf32, #tpu.memory_space<vmem>>, vector<16xf32>,
      tpu.vector_store %arg10[%swap3A_44, %swap3A_45], %broadcast_in_dim3A_43 {strides = array<i32>} : memref<128x128xf32, #tpu.memory_space<vmem>>, vector<16xf32>,
      %broadcast_in_dim3A_47 = arith.constant 0.000000e+00 : f32
      %broadcast_in_dim3A_48 = vector.broadcast %broadcast_in_dim3A_47 : f32 to vector<16xf32>
      %swap3A_49 = arith.index_cast %scan3A_33 : i32 to index
      %swap3A_50 = arith.constant 48 : index
      %swap3A_51 = tpu.vector_load %arg10[%swap3A_49, %swap3A_50] {strides = array<i32>} : memref<128x128xf32, #tpu.memory_space<vmem>>, vector<16xf32>,
      tpu.vector_store %arg10[%swap3A_49, %swap3A_50], %broadcast_in_dim3A_48 {strides = array<i32>} : memref<128x128xf32, #tpu.memory_space<vmem>>, vector<16xf32>,
      %broadcast_in_dim3A_52 = arith.constant 0.000000e+00 : f32
      %broadcast_in_dim3A_53 = vector.broadcast %broadcast_in_dim3A_52 : f32 to vector<16xf32>
      %swap3A_54 = arith.index_cast %scan3A_33 : i32 to index
      %swap3A_55 = arith.constant 64 : index
      %swap3A_56 = tpu.vector_load %arg10[%swap3A_54, %swap3A_55] {strides = array<i32>} : memref<128x128xf32, #tpu.memory_space<vmem>>, vector<16xf32>,
      tpu.vector_store %arg10[%swap3A_54, %swap3A_55], %broadcast_in_dim3A_53 {strides = array<i32>} : memref<128x128xf32, #tpu.memory_space<vmem>>, vector<16xf32>,
      %broadcast_in_dim3A_57 = arith.constant 0.000000e+00 : f32
      %broadcast_in_dim3A_58 = vector.broadcast %broadcast_in_dim3A_57 : f32 to vector<16xf32>
      %swap3A_59 = arith.index_cast %scan3A_33 : i32 to index
      %swap3A_60 = arith.constant 80 : index
      %swap3A_61 = tpu.vector_load %arg10[%swap3A_59, %swap3A_60] {strides = array<i32>} : memref<128x128xf32, #tpu.memory_space<vmem>>, vector<16xf32>,
      tpu.vector_store %arg10[%swap3A_59, %swap3A_60], %broadcast_in_dim3A_58 {strides = array<i32>} : memref<128x128xf32, #tpu.memory_space<vmem>>, vector<16xf32>,
      %broadcast_in_dim3A_62 = arith.constant 0.000000e+00 : f32
      %broadcast_in_dim3A_63 = vector.broadcast %broadcast_in_dim3A_62 : f32 to vector<16xf32>
      %swap3A_64 = arith.index_cast %scan3A_33 : i32 to index
      %swap3A_65 = arith.constant 96 : index
      %swap3A_66 = tpu.vector_load %arg10[%swap3A_64, %swap3A_65] {strides = array<i32>} : memref<128x128xf32, #tpu.memory_space<vmem>>, vector<16xf32>,
      tpu.vector_store %arg10[%swap3A_64, %swap3A_65], %broadcast_in_dim3A_63 {strides = array<i32>} : memref<128x128xf32, #tpu.memory_space<vmem>>, vector<16xf32>,
      %broadcast_in_dim3A_67 = arith.constant 0.000000e+00 : f32
      %broadcast_in_dim3A_68 = vector.broadcast %broadcast_in_dim3A_67 : f32 to vector<16xf32>
      %swap3A_69 = arith.index_cast %scan3A_33 : i32 to index
      %swap3A_70 = arith.constant 112 : index
      %swap3A_71 = tpu.vector_load %arg10[%swap3A_69, %swap3A_70] {strides = array<i32>} : memref<128x128xf32, #tpu.memory_space<vmem>>, vector<16xf32>,
      tpu.vector_store %arg10[%swap3A_69, %swap3A_70], %broadcast_in_dim3A_68 {strides = array<i32>} : memref<128x128xf32, #tpu.memory_space<vmem>>, vector<16xf32>,
    }
    %scan3A_4 = arith.constant 128 : i32
    %mul3A = arith.constant 624 : i32
    %mul3A_5 = arith.muli %arg1, %mul3A : i32
    %lt3A = arith.constant 15 : i32
    %lt3A_6 = arith.cmpi slt, %arg1, %lt3A : i32
    %convert_element_type3A = arith.extui %lt3A_6 : i1 to i32
    %cond3A = arith.constant 0 : i32
    %cond3A_7 = arith.cmpi ne, %convert_element_type3A, %cond3A : i32
    scf.if %cond3A_7 {
      %add3A_33 = arith.constant 0 : i32
      %add3A_34 = arith.addi %mul3A_5, %add3A_33 : i32
      "tpu.region"() ({
        %run_scoped3A = tpu.sem_alloc : memref<!tpu.dma_semaphore, #tpu.memory_space<semaphore_mem>>
        %dma_start3A = arith.constant 0 : i32
        %dma_start3A_43 = tpu.memref_slice %arg11[%add3A_34, %dma_start3A] : memref<10000x128xf32, #tpu.memory_space<vmem_shared>> -> memref<128x128xf32, #tpu.memory_space<vmem_shared>>
        %dma_start3A_44 = arith.constant 0 : i32
        %dma_start3A_45 = tpu.memref_slice %arg11[%add3A_34, %dma_start3A_44] : memref<10000x128xf32, #tpu.memory_space<vmem_shared>> -> memref<128x128xf32, #tpu.memory_space<vmem_shared>>
        tpu.enqueue_dma source(%arg10 : memref<128x128xf32, #tpu.memory_space<vmem>>) target(%dma_start3A_45 : memref<128x128xf32, #tpu.memory_space<vmem_shared>>) target_semaphore(%run_scoped3A : memref<!tpu.dma_semaphore, #tpu.memory_space<semaphore_mem>>)
        %dma_wait3A = arith.constant 0 : i32
        %dma_wait3A_46 = tpu.memref_slice %arg11[%add3A_34, %dma_wait3A] : memref<10000x128xf32, #tpu.memory_space<vmem_shared>> -> memref<128x128xf32, #tpu.memory_space<vmem_shared>>
        %dma_wait3A_47 = arith.constant 0 : i32
        %dma_wait3A_48 = tpu.memref_slice %arg11[%add3A_34, %dma_wait3A_47] : memref<10000x128xf32, #tpu.memory_space<vmem_shared>> -> memref<128x128xf32, #tpu.memory_space<vmem_shared>>
        tpu.wait_dma2 semaphore(%run_scoped3A : memref<!tpu.dma_semaphore, #tpu.memory_space<semaphore_mem>>) src(%arg10 : memref<128x128xf32, #tpu.memory_space<vmem>>) dst(%dma_wait3A_48 : memref<128x128xf32, #tpu.memory_space<vmem_shared>>)
        tpu.yield
      }) : () -> ()
      %add3A_35 = arith.constant 128 : i32
      %add3A_36 = arith.addi %mul3A_5, %add3A_35 : i32
      "tpu.region"() ({
        %run_scoped3A = tpu.sem_alloc : memref<!tpu.dma_semaphore, #tpu.memory_space<semaphore_mem>>
        %dma_start3A = arith.constant 0 : i32
        %dma_start3A_43 = tpu.memref_slice %arg11[%add3A_36, %dma_start3A] : memref<10000x128xf32, #tpu.memory_space<vmem_shared>> -> memref<128x128xf32, #tpu.memory_space<vmem_shared>>
        %dma_start3A_44 = arith.constant 0 : i32
        %dma_start3A_45 = tpu.memref_slice %arg11[%add3A_36, %dma_start3A_44] : memref<10000x128xf32, #tpu.memory_space<vmem_shared>> -> memref<128x128xf32, #tpu.memory_space<vmem_shared>>
        tpu.enqueue_dma source(%arg10 : memref<128x128xf32, #tpu.memory_space<vmem>>) target(%dma_start3A_45 : memref<128x128xf32, #tpu.memory_space<vmem_shared>>) target_semaphore(%run_scoped3A : memref<!tpu.dma_semaphore, #tpu.memory_space<semaphore_mem>>)
        %dma_wait3A = arith.constant 0 : i32
        %dma_wait3A_46 = tpu.memref_slice %arg11[%add3A_36, %dma_wait3A] : memref<10000x128xf32, #tpu.memory_space<vmem_shared>> -> memref<128x128xf32, #tpu.memory_space<vmem_shared>>
        %dma_wait3A_47 = arith.constant 0 : i32
        %dma_wait3A_48 = tpu.memref_slice %arg11[%add3A_36, %dma_wait3A_47] : memref<10000x128xf32, #tpu.memory_space<vmem_shared>> -> memref<128x128xf32, #tpu.memory_space<vmem_shared>>
        tpu.wait_dma2 semaphore(%run_scoped3A : memref<!tpu.dma_semaphore, #tpu.memory_space<semaphore_mem>>) src(%arg10 : memref<128x128xf32, #tpu.memory_space<vmem>>) dst(%dma_wait3A_48 : memref<128x128xf32, #tpu.memory_space<vmem_shared>>)
        tpu.yield
      }) : () -> ()
      %add3A_37 = arith.constant 256 : i32
      %add3A_38 = arith.addi %mul3A_5, %add3A_37 : i32
      "tpu.region"() ({
        %run_scoped3A = tpu.sem_alloc : memref<!tpu.dma_semaphore, #tpu.memory_space<semaphore_mem>>
        %dma_start3A = arith.constant 0 : i32
        %dma_start3A_43 = tpu.memref_slice %arg11[%add3A_38, %dma_start3A] : memref<10000x128xf32, #tpu.memory_space<vmem_shared>> -> memref<128x128xf32, #tpu.memory_space<vmem_shared>>
        %dma_start3A_44 = arith.constant 0 : i32
        %dma_start3A_45 = tpu.memref_slice %arg11[%add3A_38, %dma_start3A_44] : memref<10000x128xf32, #tpu.memory_space<vmem_shared>> -> memref<128x128xf32, #tpu.memory_space<vmem_shared>>
        tpu.enqueue_dma source(%arg10 : memref<128x128xf32, #tpu.memory_space<vmem>>) target(%dma_start3A_45 : memref<128x128xf32, #tpu.memory_space<vmem_shared>>) target_semaphore(%run_scoped3A : memref<!tpu.dma_semaphore, #tpu.memory_space<semaphore_mem>>)
        %dma_wait3A = arith.constant 0 : i32
        %dma_wait3A_46 = tpu.memref_slice %arg11[%add3A_38, %dma_wait3A] : memref<10000x128xf32, #tpu.memory_space<vmem_shared>> -> memref<128x128xf32, #tpu.memory_space<vmem_shared>>
        %dma_wait3A_47 = arith.constant 0 : i32
        %dma_wait3A_48 = tpu.memref_slice %arg11[%add3A_38, %dma_wait3A_47] : memref<10000x128xf32, #tpu.memory_space<vmem_shared>> -> memref<128x128xf32, #tpu.memory_space<vmem_shared>>
        tpu.wait_dma2 semaphore(%run_scoped3A : memref<!tpu.dma_semaphore, #tpu.memory_space<semaphore_mem>>) src(%arg10 : memref<128x128xf32, #tpu.memory_space<vmem>>) dst(%dma_wait3A_48 : memref<128x128xf32, #tpu.memory_space<vmem_shared>>)
        tpu.yield
      }) : () -> ()
      %add3A_39 = arith.constant 384 : i32
      %add3A_40 = arith.addi %mul3A_5, %add3A_39 : i32
      "tpu.region"() ({
        %run_scoped3A = tpu.sem_alloc : memref<!tpu.dma_semaphore, #tpu.memory_space<semaphore_mem>>
        %dma_start3A = arith.constant 0 : i32
        %dma_start3A_43 = tpu.memref_slice %arg11[%add3A_40, %dma_start3A] : memref<10000x128xf32, #tpu.memory_space<vmem_shared>> -> memref<128x128xf32, #tpu.memory_space<vmem_shared>>
        %dma_start3A_44 = arith.constant 0 : i32
        %dma_start3A_45 = tpu.memref_slice %arg11[%add3A_40, %dma_start3A_44] : memref<10000x128xf32, #tpu.memory_space<vmem_shared>> -> memref<128x128xf32, #tpu.memory_space<vmem_shared>>
        tpu.enqueue_dma source(%arg10 : memref<128x128xf32, #tpu.memory_space<vmem>>) target(%dma_start3A_45 : memref<128x128xf32, #tpu.memory_space<vmem_shared>>) target_semaphore(%run_scoped3A : memref<!tpu.dma_semaphore, #tpu.memory_space<semaphore_mem>>)
        %dma_wait3A = arith.constant 0 : i32
        %dma_wait3A_46 = tpu.memref_slice %arg11[%add3A_40, %dma_wait3A] : memref<10000x128xf32, #tpu.memory_space<vmem_shared>> -> memref<128x128xf32, #tpu.memory_space<vmem_shared>>
        %dma_wait3A_47 = arith.constant 0 : i32
        %dma_wait3A_48 = tpu.memref_slice %arg11[%add3A_40, %dma_wait3A_47] : memref<10000x128xf32, #tpu.memory_space<vmem_shared>> -> memref<128x128xf32, #tpu.memory_space<vmem_shared>>
        tpu.wait_dma2 semaphore(%run_scoped3A : memref<!tpu.dma_semaphore, #tpu.memory_space<semaphore_mem>>) src(%arg10 : memref<128x128xf32, #tpu.memory_space<vmem>>) dst(%dma_wait3A_48 : memref<128x128xf32, #tpu.memory_space<vmem_shared>>)
        tpu.yield
      }) : () -> ()
      %add3A_41 = arith.constant 512 : i32
      %add3A_42 = arith.addi %mul3A_5, %add3A_41 : i32
      "tpu.region"() ({
        %run_scoped3A = tpu.sem_alloc : memref<!tpu.dma_semaphore, #tpu.memory_space<semaphore_mem>>
        %dma_start3A = arith.constant 0 : i32
        %dma_start3A_43 = arith.constant 0 : i32
        %dma_start3A_44 = tpu.memref_slice %arg10[%dma_start3A, %dma_start3A_43] : memref<128x128xf32, #tpu.memory_space<vmem>> -> memref<112x128xf32, #tpu.memory_space<vmem>>
        %dma_start3A_45 = arith.constant 0 : i32
        %dma_start3A_46 = tpu.memref_slice %arg11[%add3A_42, %dma_start3A_45] : memref<10000x128xf32, #tpu.memory_space<vmem_shared>> -> memref<112x128xf32, #tpu.memory_space<vmem_shared>>
        %dma_start3A_47 = arith.constant 0 : i32
        %dma_start3A_48 = tpu.memref_slice %arg11[%add3A_42, %dma_start3A_47] : memref<10000x128xf32, #tpu.memory_space<vmem_shared>> -> memref<112x128xf32, #tpu.memory_space<vmem_shared>>
        %dma_start3A_49 = arith.constant 0 : i32
        %dma_start3A_50 = arith.constant 0 : i32
        %dma_start3A_51 = tpu.memref_slice %arg10[%dma_start3A_49, %dma_start3A_50] : memref<128x128xf32, #tpu.memory_space<vmem>> -> memref<112x128xf32, #tpu.memory_space<vmem>>
        tpu.enqueue_dma source(%dma_start3A_51 : memref<112x128xf32, #tpu.memory_space<vmem>>) target(%dma_start3A_48 : memref<112x128xf32, #tpu.memory_space<vmem_shared>>) target_semaphore(%run_scoped3A : memref<!tpu.dma_semaphore, #tpu.memory_space<semaphore_mem>>)
        %dma_wait3A = arith.constant 0 : i32
        %dma_wait3A_52 = arith.constant 0 : i32
        %dma_wait3A_53 = tpu.memref_slice %arg10[%dma_wait3A, %dma_wait3A_52] : memref<128x128xf32, #tpu.memory_space<vmem>> -> memref<112x128xf32, #tpu.memory_space<vmem>>
        %dma_wait3A_54 = arith.constant 0 : i32
        %dma_wait3A_55 = tpu.memref_slice %arg11[%add3A_42, %dma_wait3A_54] : memref<10000x128xf32, #tpu.memory_space<vmem_shared>> -> memref<112x128xf32, #tpu.memory_space<vmem_shared>>
        %dma_wait3A_56 = arith.constant 0 : i32
        %dma_wait3A_57 = tpu.memref_slice %arg11[%add3A_42, %dma_wait3A_56] : memref<10000x128xf32, #tpu.memory_space<vmem_shared>> -> memref<112x128xf32, #tpu.memory_space<vmem_shared>>
        %dma_wait3A_58 = arith.constant 0 : i32
        %dma_wait3A_59 = arith.constant 0 : i32
        %dma_wait3A_60 = tpu.memref_slice %arg10[%dma_wait3A_58, %dma_wait3A_59] : memref<128x128xf32, #tpu.memory_space<vmem>> -> memref<112x128xf32, #tpu.memory_space<vmem>>
        tpu.wait_dma2 semaphore(%run_scoped3A : memref<!tpu.dma_semaphore, #tpu.memory_space<semaphore_mem>>) src(%dma_wait3A_60 : memref<112x128xf32, #tpu.memory_space<vmem>>) dst(%dma_wait3A_57 : memref<112x128xf32, #tpu.memory_space<vmem_shared>>)
        tpu.yield
      }) : () -> ()
    } else {
    }
    %eq3A = arith.constant 15 : i32
    %eq3A_8 = arith.cmpi eq, %arg1, %eq3A : i32
    %convert_element_type3A_9 = arith.extui %eq3A_8 : i1 to i32
    %cond3A_10 = arith.constant 0 : i32
    %cond3A_11 = arith.cmpi ne, %convert_element_type3A_9, %cond3A_10 : i32
    scf.if %cond3A_11 {
      %add3A_33 = arith.constant 0 : i32
      %add3A_34 = arith.addi %mul3A_5, %add3A_33 : i32
      "tpu.region"() ({
        %run_scoped3A = tpu.sem_alloc : memref<!tpu.dma_semaphore, #tpu.memory_space<semaphore_mem>>
        %dma_start3A = arith.constant 0 : i32
        %dma_start3A_43 = tpu.memref_slice %arg11[%add3A_34, %dma_start3A] : memref<10000x128xf32, #tpu.memory_space<vmem_shared>> -> memref<128x128xf32, #tpu.memory_space<vmem_shared>>
        %dma_start3A_44 = arith.constant 0 : i32
        %dma_start3A_45 = tpu.memref_slice %arg11[%add3A_34, %dma_start3A_44] : memref<10000x128xf32, #tpu.memory_space<vmem_shared>> -> memref<128x128xf32, #tpu.memory_space<vmem_shared>>
        tpu.enqueue_dma source(%arg10 : memref<128x128xf32, #tpu.memory_space<vmem>>) target(%dma_start3A_45 : memref<128x128xf32, #tpu.memory_space<vmem_shared>>) target_semaphore(%run_scoped3A : memref<!tpu.dma_semaphore, #tpu.memory_space<semaphore_mem>>)
        %dma_wait3A = arith.constant 0 : i32
        %dma_wait3A_46 = tpu.memref_slice %arg11[%add3A_34, %dma_wait3A] : memref<10000x128xf32, #tpu.memory_space<vmem_shared>> -> memref<128x128xf32, #tpu.memory_space<vmem_shared>>
        %dma_wait3A_47 = arith.constant 0 : i32
        %dma_wait3A_48 = tpu.memref_slice %arg11[%add3A_34, %dma_wait3A_47] : memref<10000x128xf32, #tpu.memory_space<vmem_shared>> -> memref<128x128xf32, #tpu.memory_space<vmem_shared>>
        tpu.wait_dma2 semaphore(%run_scoped3A : memref<!tpu.dma_semaphore, #tpu.memory_space<semaphore_mem>>) src(%arg10 : memref<128x128xf32, #tpu.memory_space<vmem>>) dst(%dma_wait3A_48 : memref<128x128xf32, #tpu.memory_space<vmem_shared>>)
        tpu.yield
      }) : () -> ()
      %add3A_35 = arith.constant 128 : i32
      %add3A_36 = arith.addi %mul3A_5, %add3A_35 : i32
      "tpu.region"() ({
        %run_scoped3A = tpu.sem_alloc : memref<!tpu.dma_semaphore, #tpu.memory_space<semaphore_mem>>
        %dma_start3A = arith.constant 0 : i32
        %dma_start3A_43 = tpu.memref_slice %arg11[%add3A_36, %dma_start3A] : memref<10000x128xf32, #tpu.memory_space<vmem_shared>> -> memref<128x128xf32, #tpu.memory_space<vmem_shared>>
        %dma_start3A_44 = arith.constant 0 : i32
        %dma_start3A_45 = tpu.memref_slice %arg11[%add3A_36, %dma_start3A_44] : memref<10000x128xf32, #tpu.memory_space<vmem_shared>> -> memref<128x128xf32, #tpu.memory_space<vmem_shared>>
        tpu.enqueue_dma source(%arg10 : memref<128x128xf32, #tpu.memory_space<vmem>>) target(%dma_start3A_45 : memref<128x128xf32, #tpu.memory_space<vmem_shared>>) target_semaphore(%run_scoped3A : memref<!tpu.dma_semaphore, #tpu.memory_space<semaphore_mem>>)
        %dma_wait3A = arith.constant 0 : i32
        %dma_wait3A_46 = tpu.memref_slice %arg11[%add3A_36, %dma_wait3A] : memref<10000x128xf32, #tpu.memory_space<vmem_shared>> -> memref<128x128xf32, #tpu.memory_space<vmem_shared>>
        %dma_wait3A_47 = arith.constant 0 : i32
        %dma_wait3A_48 = tpu.memref_slice %arg11[%add3A_36, %dma_wait3A_47] : memref<10000x128xf32, #tpu.memory_space<vmem_shared>> -> memref<128x128xf32, #tpu.memory_space<vmem_shared>>
        tpu.wait_dma2 semaphore(%run_scoped3A : memref<!tpu.dma_semaphore, #tpu.memory_space<semaphore_mem>>) src(%arg10 : memref<128x128xf32, #tpu.memory_space<vmem>>) dst(%dma_wait3A_48 : memref<128x128xf32, #tpu.memory_space<vmem_shared>>)
        tpu.yield
      }) : () -> ()
      %add3A_37 = arith.constant 256 : i32
      %add3A_38 = arith.addi %mul3A_5, %add3A_37 : i32
      "tpu.region"() ({
        %run_scoped3A = tpu.sem_alloc : memref<!tpu.dma_semaphore, #tpu.memory_space<semaphore_mem>>
        %dma_start3A = arith.constant 0 : i32
        %dma_start3A_43 = tpu.memref_slice %arg11[%add3A_38, %dma_start3A] : memref<10000x128xf32, #tpu.memory_space<vmem_shared>> -> memref<128x128xf32, #tpu.memory_space<vmem_shared>>
        %dma_start3A_44 = arith.constant 0 : i32
        %dma_start3A_45 = tpu.memref_slice %arg11[%add3A_38, %dma_start3A_44] : memref<10000x128xf32, #tpu.memory_space<vmem_shared>> -> memref<128x128xf32, #tpu.memory_space<vmem_shared>>
        tpu.enqueue_dma source(%arg10 : memref<128x128xf32, #tpu.memory_space<vmem>>) target(%dma_start3A_45 : memref<128x128xf32, #tpu.memory_space<vmem_shared>>) target_semaphore(%run_scoped3A : memref<!tpu.dma_semaphore, #tpu.memory_space<semaphore_mem>>)
        %dma_wait3A = arith.constant 0 : i32
        %dma_wait3A_46 = tpu.memref_slice %arg11[%add3A_38, %dma_wait3A] : memref<10000x128xf32, #tpu.memory_space<vmem_shared>> -> memref<128x128xf32, #tpu.memory_space<vmem_shared>>
        %dma_wait3A_47 = arith.constant 0 : i32
        %dma_wait3A_48 = tpu.memref_slice %arg11[%add3A_38, %dma_wait3A_47] : memref<10000x128xf32, #tpu.memory_space<vmem_shared>> -> memref<128x128xf32, #tpu.memory_space<vmem_shared>>
        tpu.wait_dma2 semaphore(%run_scoped3A : memref<!tpu.dma_semaphore, #tpu.memory_space<semaphore_mem>>) src(%arg10 : memref<128x128xf32, #tpu.memory_space<vmem>>) dst(%dma_wait3A_48 : memref<128x128xf32, #tpu.memory_space<vmem_shared>>)
        tpu.yield
      }) : () -> ()
      %add3A_39 = arith.constant 384 : i32
      %add3A_40 = arith.addi %mul3A_5, %add3A_39 : i32
      "tpu.region"() ({
        %run_scoped3A = tpu.sem_alloc : memref<!tpu.dma_semaphore, #tpu.memory_space<semaphore_mem>>
        %dma_start3A = arith.constant 0 : i32
        %dma_start3A_43 = tpu.memref_slice %arg11[%add3A_40, %dma_start3A] : memref<10000x128xf32, #tpu.memory_space<vmem_shared>> -> memref<128x128xf32, #tpu.memory_space<vmem_shared>>
        %dma_start3A_44 = arith.constant 0 : i32
        %dma_start3A_45 = tpu.memref_slice %arg11[%add3A_40, %dma_start3A_44] : memref<10000x128xf32, #tpu.memory_space<vmem_shared>> -> memref<128x128xf32, #tpu.memory_space<vmem_shared>>
        tpu.enqueue_dma source(%arg10 : memref<128x128xf32, #tpu.memory_space<vmem>>) target(%dma_start3A_45 : memref<128x128xf32, #tpu.memory_space<vmem_shared>>) target_semaphore(%run_scoped3A : memref<!tpu.dma_semaphore, #tpu.memory_space<semaphore_mem>>)
        %dma_wait3A = arith.constant 0 : i32
        %dma_wait3A_46 = tpu.memref_slice %arg11[%add3A_40, %dma_wait3A] : memref<10000x128xf32, #tpu.memory_space<vmem_shared>> -> memref<128x128xf32, #tpu.memory_space<vmem_shared>>
        %dma_wait3A_47 = arith.constant 0 : i32
        %dma_wait3A_48 = tpu.memref_slice %arg11[%add3A_40, %dma_wait3A_47] : memref<10000x128xf32, #tpu.memory_space<vmem_shared>> -> memref<128x128xf32, #tpu.memory_space<vmem_shared>>
        tpu.wait_dma2 semaphore(%run_scoped3A : memref<!tpu.dma_semaphore, #tpu.memory_space<semaphore_mem>>) src(%arg10 : memref<128x128xf32, #tpu.memory_space<vmem>>) dst(%dma_wait3A_48 : memref<128x128xf32, #tpu.memory_space<vmem_shared>>)
        tpu.yield
      }) : () -> ()
      %add3A_41 = arith.constant 512 : i32
      %add3A_42 = arith.addi %mul3A_5, %add3A_41 : i32
      "tpu.region"() ({
        %run_scoped3A = tpu.sem_alloc : memref<!tpu.dma_semaphore, #tpu.memory_space<semaphore_mem>>
        %dma_start3A = arith.constant 0 : i32
        %dma_start3A_43 = tpu.memref_slice %arg11[%add3A_42, %dma_start3A] : memref<10000x128xf32, #tpu.memory_space<vmem_shared>> -> memref<128x128xf32, #tpu.memory_space<vmem_shared>>
        %dma_start3A_44 = arith.constant 0 : i32
        %dma_start3A_45 = tpu.memref_slice %arg11[%add3A_42, %dma_start3A_44] : memref<10000x128xf32, #tpu.memory_space<vmem_shared>> -> memref<128x128xf32, #tpu.memory_space<vmem_shared>>
        tpu.enqueue_dma source(%arg10 : memref<128x128xf32, #tpu.memory_space<vmem>>) target(%dma_start3A_45 : memref<128x128xf32, #tpu.memory_space<vmem_shared>>) target_semaphore(%run_scoped3A : memref<!tpu.dma_semaphore, #tpu.memory_space<semaphore_mem>>)
        %dma_wait3A = arith.constant 0 : i32
        %dma_wait3A_46 = tpu.memref_slice %arg11[%add3A_42, %dma_wait3A] : memref<10000x128xf32, #tpu.memory_space<vmem_shared>> -> memref<128x128xf32, #tpu.memory_space<vmem_shared>>
        %dma_wait3A_47 = arith.constant 0 : i32
        %dma_wait3A_48 = tpu.memref_slice %arg11[%add3A_42, %dma_wait3A_47] : memref<10000x128xf32, #tpu.memory_space<vmem_shared>> -> memref<128x128xf32, #tpu.memory_space<vmem_shared>>
        tpu.wait_dma2 semaphore(%run_scoped3A : memref<!tpu.dma_semaphore, #tpu.memory_space<semaphore_mem>>) src(%arg10 : memref<128x128xf32, #tpu.memory_space<vmem>>) dst(%dma_wait3A_48 : memref<128x128xf32, #tpu.memory_space<vmem_shared>>)
        tpu.yield
      }) : () -> ()
    } else {
    }
    %barrier3A = arith.constant 0 : index
    tpu.barrier barrier_id(%barrier3A)
    %mul3A_12 = arith.constant 10240 : i32
    %mul3A_13 = arith.muli %arg1, %mul3A_12 : i32
    %scan3A_14 = arith.constant 0 : i32
    %scan3A_15 = arith.constant 0 : i32
    %scan3A_16 = arith.constant 80 : i32
    %scan3A_17 = arith.addi %scan3A_15, %scan3A_16 : i32
    %scan3A_18 = arith.constant 1 : i32
    scf.for %scan3A_33 = %scan3A_15 to %scan3A_17 step %scan3A_18  : i32 {
      %mul3A_34 = arith.constant 128 : i32
      %mul3A_35 = arith.muli %scan3A_33, %mul3A_34 : i32
      %add3A_36 = arith.addi %mul3A_13, %mul3A_35 : i32
      "tpu.region"() ({
        %run_scoped3A = tpu.sem_alloc : memref<!tpu.dma_semaphore, #tpu.memory_space<semaphore_mem>>
        %dma_start3A_95 = tpu.memref_slice %arg3[%add3A_36] : memref<163840xi32, #tpu.memory_space<hbm>> -> memref<128xi32, #tpu.memory_space<hbm>>
        %dma_start3A_96 = tpu.memref_slice %arg3[%add3A_36] : memref<163840xi32, #tpu.memory_space<hbm>> -> memref<128xi32, #tpu.memory_space<hbm>>
        tpu.enqueue_dma source(%dma_start3A_96 : memref<128xi32, #tpu.memory_space<hbm>>) target(%arg7 : memref<128xi32, #tpu.memory_space<vmem>>) target_semaphore(%run_scoped3A : memref<!tpu.dma_semaphore, #tpu.memory_space<semaphore_mem>>)
        %dma_wait3A_97 = tpu.memref_slice %arg3[%add3A_36] : memref<163840xi32, #tpu.memory_space<hbm>> -> memref<128xi32, #tpu.memory_space<hbm>>
        %dma_wait3A_98 = tpu.memref_slice %arg3[%add3A_36] : memref<163840xi32, #tpu.memory_space<hbm>> -> memref<128xi32, #tpu.memory_space<hbm>>
        tpu.wait_dma2 semaphore(%run_scoped3A : memref<!tpu.dma_semaphore, #tpu.memory_space<semaphore_mem>>) src(%dma_wait3A_98 : memref<128xi32, #tpu.memory_space<hbm>>) dst(%arg7 : memref<128xi32, #tpu.memory_space<vmem>>)
        tpu.yield
      }) : () -> ()
      "tpu.region"() ({
        %run_scoped3A = tpu.sem_alloc : memref<!tpu.dma_semaphore, #tpu.memory_space<semaphore_mem>>
        %dma_start3A_95 = tpu.memref_slice %arg4[%add3A_36] : memref<163840xi32, #tpu.memory_space<hbm>> -> memref<128xi32, #tpu.memory_space<hbm>>
        %dma_start3A_96 = tpu.memref_slice %arg4[%add3A_36] : memref<163840xi32, #tpu.memory_space<hbm>> -> memref<128xi32, #tpu.memory_space<hbm>>
        tpu.enqueue_dma source(%dma_start3A_96 : memref<128xi32, #tpu.memory_space<hbm>>) target(%arg8 : memref<128xi32, #tpu.memory_space<vmem>>) target_semaphore(%run_scoped3A : memref<!tpu.dma_semaphore, #tpu.memory_space<semaphore_mem>>)
        %dma_wait3A_97 = tpu.memref_slice %arg4[%add3A_36] : memref<163840xi32, #tpu.memory_space<hbm>> -> memref<128xi32, #tpu.memory_space<hbm>>
        %dma_wait3A_98 = tpu.memref_slice %arg4[%add3A_36] : memref<163840xi32, #tpu.memory_space<hbm>> -> memref<128xi32, #tpu.memory_space<hbm>>
        tpu.wait_dma2 semaphore(%run_scoped3A : memref<!tpu.dma_semaphore, #tpu.memory_space<semaphore_mem>>) src(%dma_wait3A_98 : memref<128xi32, #tpu.memory_space<hbm>>) dst(%arg8 : memref<128xi32, #tpu.memory_space<vmem>>)
        tpu.yield
      }) : () -> ()
      "tpu.region"() ({
        %run_scoped3A = tpu.sem_alloc : memref<!tpu.dma_semaphore, #tpu.memory_space<semaphore_mem>>
        %dma_start3A_95 = tpu.memref_slice %arg5[%add3A_36] : memref<163840xf32, #tpu.memory_space<hbm>> -> memref<128xf32, #tpu.memory_space<hbm>>
        %dma_start3A_96 = tpu.memref_slice %arg5[%add3A_36] : memref<163840xf32, #tpu.memory_space<hbm>> -> memref<128xf32, #tpu.memory_space<hbm>>
        tpu.enqueue_dma source(%dma_start3A_96 : memref<128xf32, #tpu.memory_space<hbm>>) target(%arg9 : memref<128xf32, #tpu.memory_space<vmem>>) target_semaphore(%run_scoped3A : memref<!tpu.dma_semaphore, #tpu.memory_space<semaphore_mem>>)
        %dma_wait3A_97 = tpu.memref_slice %arg5[%add3A_36] : memref<163840xf32, #tpu.memory_space<hbm>> -> memref<128xf32, #tpu.memory_space<hbm>>
        %dma_wait3A_98 = tpu.memref_slice %arg5[%add3A_36] : memref<163840xf32, #tpu.memory_space<hbm>> -> memref<128xf32, #tpu.memory_space<hbm>>
        tpu.wait_dma2 semaphore(%run_scoped3A : memref<!tpu.dma_semaphore, #tpu.memory_space<semaphore_mem>>) src(%dma_wait3A_98 : memref<128xf32, #tpu.memory_space<hbm>>) dst(%arg9 : memref<128xf32, #tpu.memory_space<vmem>>)
        tpu.yield
      }) : () -> ()
      %mul3A_37 = arith.constant 10000 : i32
      %mul3A_38 = arith.muli %arg0, %mul3A_37 : i32
      %get3A = arith.constant 0 : index
      %get3A_39 = tpu.vector_load %arg7[%get3A] {strides = array<i32>} : memref<128xi32, #tpu.memory_space<vmem>>, vector<16xi32>,
      %add3A_40 = vector.broadcast %mul3A_38 : i32 to vector<16xi32>
      %add3A_41 = arith.addi %get3A_39, %add3A_40 : vector<16xi32>
      %swap3A = arith.constant 0 : index
      %swap3A_42 = tpu.vector_load %arg7[%swap3A] {strides = array<i32>} : memref<128xi32, #tpu.memory_space<vmem>>, vector<16xi32>,
      tpu.vector_store %arg7[%swap3A], %add3A_41 {strides = array<i32>} : memref<128xi32, #tpu.memory_space<vmem>>, vector<16xi32>,
      %get3A_43 = arith.constant 16 : index
      %get3A_44 = tpu.vector_load %arg7[%get3A_43] {strides = array<i32>} : memref<128xi32, #tpu.memory_space<vmem>>, vector<16xi32>,
      %add3A_45 = vector.broadcast %mul3A_38 : i32 to vector<16xi32>
      %add3A_46 = arith.addi %get3A_44, %add3A_45 : vector<16xi32>
      %swap3A_47 = arith.constant 16 : index
      %swap3A_48 = tpu.vector_load %arg7[%swap3A_47] {strides = array<i32>} : memref<128xi32, #tpu.memory_space<vmem>>, vector<16xi32>,
      tpu.vector_store %arg7[%swap3A_47], %add3A_46 {strides = array<i32>} : memref<128xi32, #tpu.memory_space<vmem>>, vector<16xi32>,
      %get3A_49 = arith.constant 32 : index
      %get3A_50 = tpu.vector_load %arg7[%get3A_49] {strides = array<i32>} : memref<128xi32, #tpu.memory_space<vmem>>, vector<16xi32>,
      %add3A_51 = vector.broadcast %mul3A_38 : i32 to vector<16xi32>
      %add3A_52 = arith.addi %get3A_50, %add3A_51 : vector<16xi32>
      %swap3A_53 = arith.constant 32 : index
      %swap3A_54 = tpu.vector_load %arg7[%swap3A_53] {strides = array<i32>} : memref<128xi32, #tpu.memory_space<vmem>>, vector<16xi32>,
      tpu.vector_store %arg7[%swap3A_53], %add3A_52 {strides = array<i32>} : memref<128xi32, #tpu.memory_space<vmem>>, vector<16xi32>,
      %get3A_55 = arith.constant 48 : index
      %get3A_56 = tpu.vector_load %arg7[%get3A_55] {strides = array<i32>} : memref<128xi32, #tpu.memory_space<vmem>>, vector<16xi32>,
      %add3A_57 = vector.broadcast %mul3A_38 : i32 to vector<16xi32>
      %add3A_58 = arith.addi %get3A_56, %add3A_57 : vector<16xi32>
      %swap3A_59 = arith.constant 48 : index
      %swap3A_60 = tpu.vector_load %arg7[%swap3A_59] {strides = array<i32>} : memref<128xi32, #tpu.memory_space<vmem>>, vector<16xi32>,
      tpu.vector_store %arg7[%swap3A_59], %add3A_58 {strides = array<i32>} : memref<128xi32, #tpu.memory_space<vmem>>, vector<16xi32>,
      %get3A_61 = arith.constant 64 : index
      %get3A_62 = tpu.vector_load %arg7[%get3A_61] {strides = array<i32>} : memref<128xi32, #tpu.memory_space<vmem>>, vector<16xi32>,
      %add3A_63 = vector.broadcast %mul3A_38 : i32 to vector<16xi32>
      %add3A_64 = arith.addi %get3A_62, %add3A_63 : vector<16xi32>
      %swap3A_65 = arith.constant 64 : index
      %swap3A_66 = tpu.vector_load %arg7[%swap3A_65] {strides = array<i32>} : memref<128xi32, #tpu.memory_space<vmem>>, vector<16xi32>,
      tpu.vector_store %arg7[%swap3A_65], %add3A_64 {strides = array<i32>} : memref<128xi32, #tpu.memory_space<vmem>>, vector<16xi32>,
      %get3A_67 = arith.constant 80 : index
      %get3A_68 = tpu.vector_load %arg7[%get3A_67] {strides = array<i32>} : memref<128xi32, #tpu.memory_space<vmem>>, vector<16xi32>,
      %add3A_69 = vector.broadcast %mul3A_38 : i32 to vector<16xi32>
      %add3A_70 = arith.addi %get3A_68, %add3A_69 : vector<16xi32>
      %swap3A_71 = arith.constant 80 : index
      %swap3A_72 = tpu.vector_load %arg7[%swap3A_71] {strides = array<i32>} : memref<128xi32, #tpu.memory_space<vmem>>, vector<16xi32>,
      tpu.vector_store %arg7[%swap3A_71], %add3A_70 {strides = array<i32>} : memref<128xi32, #tpu.memory_space<vmem>>, vector<16xi32>,
      %get3A_73 = arith.constant 96 : index
      %get3A_74 = tpu.vector_load %arg7[%get3A_73] {strides = array<i32>} : memref<128xi32, #tpu.memory_space<vmem>>, vector<16xi32>,
      %add3A_75 = vector.broadcast %mul3A_38 : i32 to vector<16xi32>
      %add3A_76 = arith.addi %get3A_74, %add3A_75 : vector<16xi32>
      %swap3A_77 = arith.constant 96 : index
      %swap3A_78 = tpu.vector_load %arg7[%swap3A_77] {strides = array<i32>} : memref<128xi32, #tpu.memory_space<vmem>>, vector<16xi32>,
      tpu.vector_store %arg7[%swap3A_77], %add3A_76 {strides = array<i32>} : memref<128xi32, #tpu.memory_space<vmem>>, vector<16xi32>,
      %get3A_79 = arith.constant 112 : index
      %get3A_80 = tpu.vector_load %arg7[%get3A_79] {strides = array<i32>} : memref<128xi32, #tpu.memory_space<vmem>>, vector<16xi32>,
      %add3A_81 = vector.broadcast %mul3A_38 : i32 to vector<16xi32>
      %add3A_82 = arith.addi %get3A_80, %add3A_81 : vector<16xi32>
      %swap3A_83 = arith.constant 112 : index
      %swap3A_84 = tpu.vector_load %arg7[%swap3A_83] {strides = array<i32>} : memref<128xi32, #tpu.memory_space<vmem>>, vector<16xi32>,
      tpu.vector_store %arg7[%swap3A_83], %add3A_82 {strides = array<i32>} : memref<128xi32, #tpu.memory_space<vmem>>, vector<16xi32>,
      %dma_start3A = arith.constant 0 : i32
      %dma_start3A_85 = arith.constant 0 : i32
      %dma_start3A_86 = tpu.memref_slice %arg2[%dma_start3A, %dma_start3A_85] : memref<20000x128xf32, #tpu.memory_space<hbm>> -> memref<20000x128xf32, #tpu.memory_space<hbm>>
      tpu.enqueue_indirect_dma source(%dma_start3A_86 : memref<20000x128xf32, #tpu.memory_space<hbm>>) target(%arg10 : memref<128x128xf32, #tpu.memory_space<vmem>>) offsets(%arg7 : memref<128xi32, #tpu.memory_space<vmem>>) semaphore(%arg12 : memref<!tpu.dma_semaphore, #tpu.memory_space<semaphore_mem>>)
      %dma_wait3A = arith.constant 0 : i32
      %dma_wait3A_87 = arith.constant 0 : i32
      %dma_wait3A_88 = tpu.memref_slice %arg2[%dma_wait3A, %dma_wait3A_87] : memref<20000x128xf32, #tpu.memory_space<hbm>> -> memref<20000x128xf32, #tpu.memory_space<hbm>>
      tpu.wait_indirect_dma semaphore(%arg12 : memref<!tpu.dma_semaphore, #tpu.memory_space<semaphore_mem>>) src(%dma_wait3A_88 : memref<20000x128xf32, #tpu.memory_space<hbm>>) dst(%arg10 : memref<128x128xf32, #tpu.memory_space<vmem>>)
      %scan3A_89 = arith.constant 0 : i32
      %scan3A_90 = arith.constant 0 : i32
      %scan3A_91 = arith.constant 128 : i32
      %scan3A_92 = arith.addi %scan3A_90, %scan3A_91 : i32
      %scan3A_93 = arith.constant 1 : i32
      scf.for %scan3A_95 = %scan3A_90 to %scan3A_92 step %scan3A_93  : i32 {
        %broadcast_in_dim3A = arith.constant 0 : i32
        %broadcast_in_dim3A_96 = vector.broadcast %broadcast_in_dim3A : i32 to vector<16xi32>
        %add3A_97 = vector.broadcast %scan3A_95 : i32 to vector<16xi32>
        %add3A_98 = arith.addi %broadcast_in_dim3A_96, %add3A_97 : vector<16xi32>
        %gather3A = tpu.vector_load_idx %arg9[%add3A_98] : memref<128xf32, #tpu.memory_space<vmem>>[vector<16xi32>], vector<16xf32>,
        %get3A_99 = arith.index_cast %scan3A_95 : i32 to index
        %get3A_100 = arith.constant 0 : index
        %get3A_101 = tpu.vector_load %arg10[%get3A_99, %get3A_100] {strides = array<i32>} : memref<128x128xf32, #tpu.memory_space<vmem>>, vector<16xf32>,
        %max3A = arith.constant 0.000000e+00 : f32
        %max3A_102 = vector.broadcast %max3A : f32 to vector<16xf32>
        %max3A_103 = arith.maximumf %get3A_101, %max3A_102 : vector<16xf32>
        %mul3A_104 = arith.mulf %max3A_103, %gather3A : vector<16xf32>
        %swap3A_105 = arith.index_cast %scan3A_95 : i32 to index
        %swap3A_106 = arith.constant 0 : index
        %swap3A_107 = tpu.vector_load %arg10[%swap3A_105, %swap3A_106] {strides = array<i32>} : memref<128x128xf32, #tpu.memory_space<vmem>>, vector<16xf32>,
        tpu.vector_store %arg10[%swap3A_105, %swap3A_106], %mul3A_104 {strides = array<i32>} : memref<128x128xf32, #tpu.memory_space<vmem>>, vector<16xf32>,
        %get3A_108 = arith.index_cast %scan3A_95 : i32 to index
        %get3A_109 = arith.constant 16 : index
        %get3A_110 = tpu.vector_load %arg10[%get3A_108, %get3A_109] {strides = array<i32>} : memref<128x128xf32, #tpu.memory_space<vmem>>, vector<16xf32>,
        %max3A_111 = arith.constant 0.000000e+00 : f32
        %max3A_112 = vector.broadcast %max3A_111 : f32 to vector<16xf32>
        %max3A_113 = arith.maximumf %get3A_110, %max3A_112 : vector<16xf32>
        %mul3A_114 = arith.mulf %max3A_113, %gather3A : vector<16xf32>
        %swap3A_115 = arith.index_cast %scan3A_95 : i32 to index
        %swap3A_116 = arith.constant 16 : index
        %swap3A_117 = tpu.vector_load %arg10[%swap3A_115, %swap3A_116] {strides = array<i32>} : memref<128x128xf32, #tpu.memory_space<vmem>>, vector<16xf32>,
        tpu.vector_store %arg10[%swap3A_115, %swap3A_116], %mul3A_114 {strides = array<i32>} : memref<128x128xf32, #tpu.memory_space<vmem>>, vector<16xf32>,
        %get3A_118 = arith.index_cast %scan3A_95 : i32 to index
        %get3A_119 = arith.constant 32 : index
        %get3A_120 = tpu.vector_load %arg10[%get3A_118, %get3A_119] {strides = array<i32>} : memref<128x128xf32, #tpu.memory_space<vmem>>, vector<16xf32>,
        %max3A_121 = arith.constant 0.000000e+00 : f32
        %max3A_122 = vector.broadcast %max3A_121 : f32 to vector<16xf32>
        %max3A_123 = arith.maximumf %get3A_120, %max3A_122 : vector<16xf32>
        %mul3A_124 = arith.mulf %max3A_123, %gather3A : vector<16xf32>
        %swap3A_125 = arith.index_cast %scan3A_95 : i32 to index
        %swap3A_126 = arith.constant 32 : index
        %swap3A_127 = tpu.vector_load %arg10[%swap3A_125, %swap3A_126] {strides = array<i32>} : memref<128x128xf32, #tpu.memory_space<vmem>>, vector<16xf32>,
        tpu.vector_store %arg10[%swap3A_125, %swap3A_126], %mul3A_124 {strides = array<i32>} : memref<128x128xf32, #tpu.memory_space<vmem>>, vector<16xf32>,
        %get3A_128 = arith.index_cast %scan3A_95 : i32 to index
        %get3A_129 = arith.constant 48 : index
        %get3A_130 = tpu.vector_load %arg10[%get3A_128, %get3A_129] {strides = array<i32>} : memref<128x128xf32, #tpu.memory_space<vmem>>, vector<16xf32>,
        %max3A_131 = arith.constant 0.000000e+00 : f32
        %max3A_132 = vector.broadcast %max3A_131 : f32 to vector<16xf32>
        %max3A_133 = arith.maximumf %get3A_130, %max3A_132 : vector<16xf32>
        %mul3A_134 = arith.mulf %max3A_133, %gather3A : vector<16xf32>
        %swap3A_135 = arith.index_cast %scan3A_95 : i32 to index
        %swap3A_136 = arith.constant 48 : index
        %swap3A_137 = tpu.vector_load %arg10[%swap3A_135, %swap3A_136] {strides = array<i32>} : memref<128x128xf32, #tpu.memory_space<vmem>>, vector<16xf32>,
        tpu.vector_store %arg10[%swap3A_135, %swap3A_136], %mul3A_134 {strides = array<i32>} : memref<128x128xf32, #tpu.memory_space<vmem>>, vector<16xf32>,
        %get3A_138 = arith.index_cast %scan3A_95 : i32 to index
        %get3A_139 = arith.constant 64 : index
        %get3A_140 = tpu.vector_load %arg10[%get3A_138, %get3A_139] {strides = array<i32>} : memref<128x128xf32, #tpu.memory_space<vmem>>, vector<16xf32>,
        %max3A_141 = arith.constant 0.000000e+00 : f32
        %max3A_142 = vector.broadcast %max3A_141 : f32 to vector<16xf32>
        %max3A_143 = arith.maximumf %get3A_140, %max3A_142 : vector<16xf32>
        %mul3A_144 = arith.mulf %max3A_143, %gather3A : vector<16xf32>
        %swap3A_145 = arith.index_cast %scan3A_95 : i32 to index
        %swap3A_146 = arith.constant 64 : index
        %swap3A_147 = tpu.vector_load %arg10[%swap3A_145, %swap3A_146] {strides = array<i32>} : memref<128x128xf32, #tpu.memory_space<vmem>>, vector<16xf32>,
        tpu.vector_store %arg10[%swap3A_145, %swap3A_146], %mul3A_144 {strides = array<i32>} : memref<128x128xf32, #tpu.memory_space<vmem>>, vector<16xf32>,
        %get3A_148 = arith.index_cast %scan3A_95 : i32 to index
        %get3A_149 = arith.constant 80 : index
        %get3A_150 = tpu.vector_load %arg10[%get3A_148, %get3A_149] {strides = array<i32>} : memref<128x128xf32, #tpu.memory_space<vmem>>, vector<16xf32>,
        %max3A_151 = arith.constant 0.000000e+00 : f32
        %max3A_152 = vector.broadcast %max3A_151 : f32 to vector<16xf32>
        %max3A_153 = arith.maximumf %get3A_150, %max3A_152 : vector<16xf32>
        %mul3A_154 = arith.mulf %max3A_153, %gather3A : vector<16xf32>
        %swap3A_155 = arith.index_cast %scan3A_95 : i32 to index
        %swap3A_156 = arith.constant 80 : index
        %swap3A_157 = tpu.vector_load %arg10[%swap3A_155, %swap3A_156] {strides = array<i32>} : memref<128x128xf32, #tpu.memory_space<vmem>>, vector<16xf32>,
        tpu.vector_store %arg10[%swap3A_155, %swap3A_156], %mul3A_154 {strides = array<i32>} : memref<128x128xf32, #tpu.memory_space<vmem>>, vector<16xf32>,
        %get3A_158 = arith.index_cast %scan3A_95 : i32 to index
        %get3A_159 = arith.constant 96 : index
        %get3A_160 = tpu.vector_load %arg10[%get3A_158, %get3A_159] {strides = array<i32>} : memref<128x128xf32, #tpu.memory_space<vmem>>, vector<16xf32>,
        %max3A_161 = arith.constant 0.000000e+00 : f32
        %max3A_162 = vector.broadcast %max3A_161 : f32 to vector<16xf32>
        %max3A_163 = arith.maximumf %get3A_160, %max3A_162 : vector<16xf32>
        %mul3A_164 = arith.mulf %max3A_163, %gather3A : vector<16xf32>
        %swap3A_165 = arith.index_cast %scan3A_95 : i32 to index
        %swap3A_166 = arith.constant 96 : index
        %swap3A_167 = tpu.vector_load %arg10[%swap3A_165, %swap3A_166] {strides = array<i32>} : memref<128x128xf32, #tpu.memory_space<vmem>>, vector<16xf32>,
        tpu.vector_store %arg10[%swap3A_165, %swap3A_166], %mul3A_164 {strides = array<i32>} : memref<128x128xf32, #tpu.memory_space<vmem>>, vector<16xf32>,
        %get3A_168 = arith.index_cast %scan3A_95 : i32 to index
        %get3A_169 = arith.constant 112 : index
        %get3A_170 = tpu.vector_load %arg10[%get3A_168, %get3A_169] {strides = array<i32>} : memref<128x128xf32, #tpu.memory_space<vmem>>, vector<16xf32>,
        %max3A_171 = arith.constant 0.000000e+00 : f32
        %max3A_172 = vector.broadcast %max3A_171 : f32 to vector<16xf32>
        %max3A_173 = arith.maximumf %get3A_170, %max3A_172 : vector<16xf32>
        %mul3A_174 = arith.mulf %max3A_173, %gather3A : vector<16xf32>
        %swap3A_175 = arith.index_cast %scan3A_95 : i32 to index
        %swap3A_176 = arith.constant 112 : index
        %swap3A_177 = tpu.vector_load %arg10[%swap3A_175, %swap3A_176] {strides = array<i32>} : memref<128x128xf32, #tpu.memory_space<vmem>>, vector<16xf32>,
        tpu.vector_store %arg10[%swap3A_175, %swap3A_176], %mul3A_174 {strides = array<i32>} : memref<128x128xf32, #tpu.memory_space<vmem>>, vector<16xf32>,
      }
      %scan3A_94 = arith.constant 128 : i32
      "tpu.region"() ({
        %run_scoped3A = tpu.sem_alloc : memref<!tpu.dma_semaphore, #tpu.memory_space<semaphore_mem>>
        %dma_start3A_95 = arith.constant 0 : i32
        %dma_start3A_96 = arith.constant 0 : i32
        %dma_start3A_97 = tpu.memref_slice %arg11[%dma_start3A_95, %dma_start3A_96] : memref<10000x128xf32, #tpu.memory_space<vmem_shared>> -> memref<10000x128xf32, #tpu.memory_space<vmem_shared>>
        tpu.enqueue_indirect_dma source(%arg10 : memref<128x128xf32, #tpu.memory_space<vmem>>) target(%dma_start3A_97 : memref<10000x128xf32, #tpu.memory_space<vmem_shared>>) offsets(%arg8 : memref<128xi32, #tpu.memory_space<vmem>>) semaphore(%run_scoped3A : memref<!tpu.dma_semaphore, #tpu.memory_space<semaphore_mem>>) {add = true}
        %dma_wait3A_98 = arith.constant 0 : i32
        %dma_wait3A_99 = arith.constant 0 : i32
        %dma_wait3A_100 = tpu.memref_slice %arg11[%dma_wait3A_98, %dma_wait3A_99] : memref<10000x128xf32, #tpu.memory_space<vmem_shared>> -> memref<10000x128xf32, #tpu.memory_space<vmem_shared>>
        tpu.wait_indirect_dma semaphore(%run_scoped3A : memref<!tpu.dma_semaphore, #tpu.memory_space<semaphore_mem>>) src(%arg10 : memref<128x128xf32, #tpu.memory_space<vmem>>) dst(%dma_wait3A_100 : memref<10000x128xf32, #tpu.memory_space<vmem_shared>>)
        tpu.yield
      }) : () -> ()
    }
    %scan3A_19 = arith.constant 80 : i32
    %barrier3A_20 = arith.constant 0 : index
    tpu.barrier barrier_id(%barrier3A_20)
    %mul3A_21 = arith.constant 10000 : i32
    %mul3A_22 = arith.muli %arg0, %mul3A_21 : i32
    %add3A = arith.addi %mul3A_22, %mul3A_5 : i32
    %lt3A_23 = arith.constant 15 : i32
    %lt3A_24 = arith.cmpi slt, %arg1, %lt3A_23 : i32
    %convert_element_type3A_25 = arith.extui %lt3A_24 : i1 to i32
    %cond3A_26 = arith.constant 0 : i32
    %cond3A_27 = arith.cmpi ne, %convert_element_type3A_25, %cond3A_26 : i32
    scf.if %cond3A_27 {
      "tpu.region"() ({
        %run_scoped3A = tpu.sem_alloc : memref<!tpu.dma_semaphore, #tpu.memory_space<semaphore_mem>>
        %dma_start3A = arith.constant 0 : i32
        %dma_start3A_33 = tpu.memref_slice %arg6[%add3A, %dma_start3A] : memref<20000x128xf32, #tpu.memory_space<hbm>> -> memref<624x128xf32, #tpu.memory_space<hbm>>
        %dma_start3A_34 = arith.constant 0 : i32
        %dma_start3A_35 = tpu.memref_slice %arg11[%mul3A_5, %dma_start3A_34] : memref<10000x128xf32, #tpu.memory_space<vmem_shared>> -> memref<624x128xf32, #tpu.memory_space<vmem_shared>>
        tpu.enqueue_dma source(%dma_start3A_35 : memref<624x128xf32, #tpu.memory_space<vmem_shared>>) target(%dma_start3A_33 : memref<624x128xf32, #tpu.memory_space<hbm>>) target_semaphore(%run_scoped3A : memref<!tpu.dma_semaphore, #tpu.memory_space<semaphore_mem>>)
        %dma_wait3A = arith.constant 0 : i32
        %dma_wait3A_36 = tpu.memref_slice %arg6[%add3A, %dma_wait3A] : memref<20000x128xf32, #tpu.memory_space<hbm>> -> memref<624x128xf32, #tpu.memory_space<hbm>>
        %dma_wait3A_37 = arith.constant 0 : i32
        %dma_wait3A_38 = tpu.memref_slice %arg11[%mul3A_5, %dma_wait3A_37] : memref<10000x128xf32, #tpu.memory_space<vmem_shared>> -> memref<624x128xf32, #tpu.memory_space<vmem_shared>>
        tpu.wait_dma2 semaphore(%run_scoped3A : memref<!tpu.dma_semaphore, #tpu.memory_space<semaphore_mem>>) src(%dma_wait3A_38 : memref<624x128xf32, #tpu.memory_space<vmem_shared>>) dst(%dma_wait3A_36 : memref<624x128xf32, #tpu.memory_space<hbm>>)
        tpu.yield
      }) : () -> ()
    } else {
    }
    %eq3A_28 = arith.constant 15 : i32
    %eq3A_29 = arith.cmpi eq, %arg1, %eq3A_28 : i32
    %convert_element_type3A_30 = arith.extui %eq3A_29 : i1 to i32
    %cond3A_31 = arith.constant 0 : i32
    %cond3A_32 = arith.cmpi ne, %convert_element_type3A_30, %cond3A_31 : i32
    scf.if %cond3A_32 {
      "tpu.region"() ({
        %run_scoped3A = tpu.sem_alloc : memref<!tpu.dma_semaphore, #tpu.memory_space<semaphore_mem>>
        %dma_start3A = arith.constant 0 : i32
        %dma_start3A_33 = tpu.memref_slice %arg6[%add3A, %dma_start3A] : memref<20000x128xf32, #tpu.memory_space<hbm>> -> memref<640x128xf32, #tpu.memory_space<hbm>>
        %dma_start3A_34 = arith.constant 0 : i32
        %dma_start3A_35 = tpu.memref_slice %arg11[%mul3A_5, %dma_start3A_34] : memref<10000x128xf32, #tpu.memory_space<vmem_shared>> -> memref<640x128xf32, #tpu.memory_space<vmem_shared>>
        tpu.enqueue_dma source(%dma_start3A_35 : memref<640x128xf32, #tpu.memory_space<vmem_shared>>) target(%dma_start3A_33 : memref<640x128xf32, #tpu.memory_space<hbm>>) target_semaphore(%run_scoped3A : memref<!tpu.dma_semaphore, #tpu.memory_space<semaphore_mem>>)
        %dma_wait3A = arith.constant 0 : i32
        %dma_wait3A_36 = tpu.memref_slice %arg6[%add3A, %dma_wait3A] : memref<20000x128xf32, #tpu.memory_space<hbm>> -> memref<640x128xf32, #tpu.memory_space<hbm>>
        %dma_wait3A_37 = arith.constant 0 : i32
        %dma_wait3A_38 = tpu.memref_slice %arg11[%mul3A_5, %dma_wait3A_37] : memref<10000x128xf32, #tpu.memory_space<vmem_shared>> -> memref<640x128xf32, #tpu.memory_space<vmem_shared>>
        tpu.wait_dma2 semaphore(%run_scoped3A : memref<!tpu.dma_semaphore, #tpu.memory_space<semaphore_mem>>) src(%dma_wait3A_38 : memref<640x128xf32, #tpu.memory_space<vmem_shared>>) dst(%dma_wait3A_36 : memref<640x128xf32, #tpu.memory_space<hbm>>)
        tpu.yield
      }) : () -> ()
    } else {
    }
    return
  }
}

#map = affine_map<(d0, d1) -> (0, 0)>
#map1 = affine_map<(d0, d1) -> (0)>
module attributes {stable_mosaic.version = 14 : i64} {
  func.func @_k(%arg0: i32, %arg1: i32, %arg2: memref<10000x128xf32, #tpu.memory_space<hbm>>, %arg3: memref<163840xi32, #tpu.memory_space<hbm>>, %arg4: memref<163840xi32, #tpu.memory_space<hbm>>, %arg5: memref<163840xf32, #tpu.memory_space<hbm>>, %arg6: memref<20000x128xf32, #tpu.memory_space<hbm>>, %arg7: memref<128xi32, #tpu.memory_space<vmem>>, %arg8: memref<128xi32, #tpu.memory_space<vmem>>, %arg9: memref<128xf32, #tpu.memory_space<vmem>>, %arg10: memref<128x128xf32, #tpu.memory_space<vmem>>, %arg11: memref<10000x128xf32, #tpu.memory_space<vmem_shared>>, %arg12: memref<!tpu.dma_semaphore, #tpu.memory_space<semaphore_mem>>) attributes {dimension_semantics = [#tpu.dimension_semantics<core_parallel>, #tpu.dimension_semantics<subcore_parallel>], iteration_bounds = array<i64: 2, 16>, scalar_prefetch = 0 : i64, scratch_operands = 6 : i64, tpu.core_type = #tpu.core_type<sc_vector_subcore>, window_params = [{transform_indices = #map}, {transform_indices = #map1}, {transform_indices = #map1}, {transform_indices = #map1}, {transform_indices = #map}]} {
    %scan3A = arith.constant 0 : i32
    %scan3A_0 = arith.constant 0 : i32
    %scan3A_1 = arith.constant 128 : i32
    %scan3A_2 = arith.addi %scan3A_0, %scan3A_1 : i32
    %scan3A_3 = arith.constant 1 : i32
    scf.for %scan3A_36 = %scan3A_0 to %scan3A_2 step %scan3A_3  : i32 {
      %broadcast_in_dim3A = arith.constant 0.000000e+00 : f32
      %broadcast_in_dim3A_37 = vector.broadcast %broadcast_in_dim3A : f32 to vector<16xf32>
      %swap3A = arith.index_cast %scan3A_36 : i32 to index
      %swap3A_38 = arith.constant 0 : index
      %swap3A_39 = tpu.vector_load %arg10[%swap3A, %swap3A_38] {strides = array<i32>} : memref<128x128xf32, #tpu.memory_space<vmem>>, vector<16xf32>,
      tpu.vector_store %arg10[%swap3A, %swap3A_38], %broadcast_in_dim3A_37 {strides = array<i32>} : memref<128x128xf32, #tpu.memory_space<vmem>>, vector<16xf32>,
      %broadcast_in_dim3A_40 = arith.constant 0.000000e+00 : f32
      %broadcast_in_dim3A_41 = vector.broadcast %broadcast_in_dim3A_40 : f32 to vector<16xf32>
      %swap3A_42 = arith.index_cast %scan3A_36 : i32 to index
      %swap3A_43 = arith.constant 16 : index
      %swap3A_44 = tpu.vector_load %arg10[%swap3A_42, %swap3A_43] {strides = array<i32>} : memref<128x128xf32, #tpu.memory_space<vmem>>, vector<16xf32>,
      tpu.vector_store %arg10[%swap3A_42, %swap3A_43], %broadcast_in_dim3A_41 {strides = array<i32>} : memref<128x128xf32, #tpu.memory_space<vmem>>, vector<16xf32>,
      %broadcast_in_dim3A_45 = arith.constant 0.000000e+00 : f32
      %broadcast_in_dim3A_46 = vector.broadcast %broadcast_in_dim3A_45 : f32 to vector<16xf32>
      %swap3A_47 = arith.index_cast %scan3A_36 : i32 to index
      %swap3A_48 = arith.constant 32 : index
      %swap3A_49 = tpu.vector_load %arg10[%swap3A_47, %swap3A_48] {strides = array<i32>} : memref<128x128xf32, #tpu.memory_space<vmem>>, vector<16xf32>,
      tpu.vector_store %arg10[%swap3A_47, %swap3A_48], %broadcast_in_dim3A_46 {strides = array<i32>} : memref<128x128xf32, #tpu.memory_space<vmem>>, vector<16xf32>,
      %broadcast_in_dim3A_50 = arith.constant 0.000000e+00 : f32
      %broadcast_in_dim3A_51 = vector.broadcast %broadcast_in_dim3A_50 : f32 to vector<16xf32>
      %swap3A_52 = arith.index_cast %scan3A_36 : i32 to index
      %swap3A_53 = arith.constant 48 : index
      %swap3A_54 = tpu.vector_load %arg10[%swap3A_52, %swap3A_53] {strides = array<i32>} : memref<128x128xf32, #tpu.memory_space<vmem>>, vector<16xf32>,
      tpu.vector_store %arg10[%swap3A_52, %swap3A_53], %broadcast_in_dim3A_51 {strides = array<i32>} : memref<128x128xf32, #tpu.memory_space<vmem>>, vector<16xf32>,
      %broadcast_in_dim3A_55 = arith.constant 0.000000e+00 : f32
      %broadcast_in_dim3A_56 = vector.broadcast %broadcast_in_dim3A_55 : f32 to vector<16xf32>
      %swap3A_57 = arith.index_cast %scan3A_36 : i32 to index
      %swap3A_58 = arith.constant 64 : index
      %swap3A_59 = tpu.vector_load %arg10[%swap3A_57, %swap3A_58] {strides = array<i32>} : memref<128x128xf32, #tpu.memory_space<vmem>>, vector<16xf32>,
      tpu.vector_store %arg10[%swap3A_57, %swap3A_58], %broadcast_in_dim3A_56 {strides = array<i32>} : memref<128x128xf32, #tpu.memory_space<vmem>>, vector<16xf32>,
      %broadcast_in_dim3A_60 = arith.constant 0.000000e+00 : f32
      %broadcast_in_dim3A_61 = vector.broadcast %broadcast_in_dim3A_60 : f32 to vector<16xf32>
      %swap3A_62 = arith.index_cast %scan3A_36 : i32 to index
      %swap3A_63 = arith.constant 80 : index
      %swap3A_64 = tpu.vector_load %arg10[%swap3A_62, %swap3A_63] {strides = array<i32>} : memref<128x128xf32, #tpu.memory_space<vmem>>, vector<16xf32>,
      tpu.vector_store %arg10[%swap3A_62, %swap3A_63], %broadcast_in_dim3A_61 {strides = array<i32>} : memref<128x128xf32, #tpu.memory_space<vmem>>, vector<16xf32>,
      %broadcast_in_dim3A_65 = arith.constant 0.000000e+00 : f32
      %broadcast_in_dim3A_66 = vector.broadcast %broadcast_in_dim3A_65 : f32 to vector<16xf32>
      %swap3A_67 = arith.index_cast %scan3A_36 : i32 to index
      %swap3A_68 = arith.constant 96 : index
      %swap3A_69 = tpu.vector_load %arg10[%swap3A_67, %swap3A_68] {strides = array<i32>} : memref<128x128xf32, #tpu.memory_space<vmem>>, vector<16xf32>,
      tpu.vector_store %arg10[%swap3A_67, %swap3A_68], %broadcast_in_dim3A_66 {strides = array<i32>} : memref<128x128xf32, #tpu.memory_space<vmem>>, vector<16xf32>,
      %broadcast_in_dim3A_70 = arith.constant 0.000000e+00 : f32
      %broadcast_in_dim3A_71 = vector.broadcast %broadcast_in_dim3A_70 : f32 to vector<16xf32>
      %swap3A_72 = arith.index_cast %scan3A_36 : i32 to index
      %swap3A_73 = arith.constant 112 : index
      %swap3A_74 = tpu.vector_load %arg10[%swap3A_72, %swap3A_73] {strides = array<i32>} : memref<128x128xf32, #tpu.memory_space<vmem>>, vector<16xf32>,
      tpu.vector_store %arg10[%swap3A_72, %swap3A_73], %broadcast_in_dim3A_71 {strides = array<i32>} : memref<128x128xf32, #tpu.memory_space<vmem>>, vector<16xf32>,
    }
    %scan3A_4 = arith.constant 128 : i32
    %mul3A = arith.constant 624 : i32
    %mul3A_5 = arith.muli %arg1, %mul3A : i32
    %lt3A = arith.constant 15 : i32
    %lt3A_6 = arith.cmpi slt, %arg1, %lt3A : i32
    %convert_element_type3A = arith.extui %lt3A_6 : i1 to i32
    %cond3A = arith.constant 0 : i32
    %cond3A_7 = arith.cmpi ne, %convert_element_type3A, %cond3A : i32
    scf.if %cond3A_7 {
      %add3A_36 = arith.constant 0 : i32
      %add3A_37 = arith.addi %mul3A_5, %add3A_36 : i32
      "tpu.region"() ({
        %run_scoped3A = tpu.sem_alloc : memref<!tpu.dma_semaphore, #tpu.memory_space<semaphore_mem>>
        %dma_start3A = arith.constant 0 : i32
        %dma_start3A_46 = tpu.memref_slice %arg11[%add3A_37, %dma_start3A] : memref<10000x128xf32, #tpu.memory_space<vmem_shared>> -> memref<128x128xf32, #tpu.memory_space<vmem_shared>>
        %dma_start3A_47 = arith.constant 0 : i32
        %dma_start3A_48 = tpu.memref_slice %arg11[%add3A_37, %dma_start3A_47] : memref<10000x128xf32, #tpu.memory_space<vmem_shared>> -> memref<128x128xf32, #tpu.memory_space<vmem_shared>>
        tpu.enqueue_dma source(%arg10 : memref<128x128xf32, #tpu.memory_space<vmem>>) target(%dma_start3A_48 : memref<128x128xf32, #tpu.memory_space<vmem_shared>>) target_semaphore(%run_scoped3A : memref<!tpu.dma_semaphore, #tpu.memory_space<semaphore_mem>>)
        %dma_wait3A = arith.constant 0 : i32
        %dma_wait3A_49 = tpu.memref_slice %arg11[%add3A_37, %dma_wait3A] : memref<10000x128xf32, #tpu.memory_space<vmem_shared>> -> memref<128x128xf32, #tpu.memory_space<vmem_shared>>
        %dma_wait3A_50 = arith.constant 0 : i32
        %dma_wait3A_51 = tpu.memref_slice %arg11[%add3A_37, %dma_wait3A_50] : memref<10000x128xf32, #tpu.memory_space<vmem_shared>> -> memref<128x128xf32, #tpu.memory_space<vmem_shared>>
        tpu.wait_dma2 semaphore(%run_scoped3A : memref<!tpu.dma_semaphore, #tpu.memory_space<semaphore_mem>>) src(%arg10 : memref<128x128xf32, #tpu.memory_space<vmem>>) dst(%dma_wait3A_51 : memref<128x128xf32, #tpu.memory_space<vmem_shared>>)
        tpu.yield
      }) : () -> ()
      %add3A_38 = arith.constant 128 : i32
      %add3A_39 = arith.addi %mul3A_5, %add3A_38 : i32
      "tpu.region"() ({
        %run_scoped3A = tpu.sem_alloc : memref<!tpu.dma_semaphore, #tpu.memory_space<semaphore_mem>>
        %dma_start3A = arith.constant 0 : i32
        %dma_start3A_46 = tpu.memref_slice %arg11[%add3A_39, %dma_start3A] : memref<10000x128xf32, #tpu.memory_space<vmem_shared>> -> memref<128x128xf32, #tpu.memory_space<vmem_shared>>
        %dma_start3A_47 = arith.constant 0 : i32
        %dma_start3A_48 = tpu.memref_slice %arg11[%add3A_39, %dma_start3A_47] : memref<10000x128xf32, #tpu.memory_space<vmem_shared>> -> memref<128x128xf32, #tpu.memory_space<vmem_shared>>
        tpu.enqueue_dma source(%arg10 : memref<128x128xf32, #tpu.memory_space<vmem>>) target(%dma_start3A_48 : memref<128x128xf32, #tpu.memory_space<vmem_shared>>) target_semaphore(%run_scoped3A : memref<!tpu.dma_semaphore, #tpu.memory_space<semaphore_mem>>)
        %dma_wait3A = arith.constant 0 : i32
        %dma_wait3A_49 = tpu.memref_slice %arg11[%add3A_39, %dma_wait3A] : memref<10000x128xf32, #tpu.memory_space<vmem_shared>> -> memref<128x128xf32, #tpu.memory_space<vmem_shared>>
        %dma_wait3A_50 = arith.constant 0 : i32
        %dma_wait3A_51 = tpu.memref_slice %arg11[%add3A_39, %dma_wait3A_50] : memref<10000x128xf32, #tpu.memory_space<vmem_shared>> -> memref<128x128xf32, #tpu.memory_space<vmem_shared>>
        tpu.wait_dma2 semaphore(%run_scoped3A : memref<!tpu.dma_semaphore, #tpu.memory_space<semaphore_mem>>) src(%arg10 : memref<128x128xf32, #tpu.memory_space<vmem>>) dst(%dma_wait3A_51 : memref<128x128xf32, #tpu.memory_space<vmem_shared>>)
        tpu.yield
      }) : () -> ()
      %add3A_40 = arith.constant 256 : i32
      %add3A_41 = arith.addi %mul3A_5, %add3A_40 : i32
      "tpu.region"() ({
        %run_scoped3A = tpu.sem_alloc : memref<!tpu.dma_semaphore, #tpu.memory_space<semaphore_mem>>
        %dma_start3A = arith.constant 0 : i32
        %dma_start3A_46 = tpu.memref_slice %arg11[%add3A_41, %dma_start3A] : memref<10000x128xf32, #tpu.memory_space<vmem_shared>> -> memref<128x128xf32, #tpu.memory_space<vmem_shared>>
        %dma_start3A_47 = arith.constant 0 : i32
        %dma_start3A_48 = tpu.memref_slice %arg11[%add3A_41, %dma_start3A_47] : memref<10000x128xf32, #tpu.memory_space<vmem_shared>> -> memref<128x128xf32, #tpu.memory_space<vmem_shared>>
        tpu.enqueue_dma source(%arg10 : memref<128x128xf32, #tpu.memory_space<vmem>>) target(%dma_start3A_48 : memref<128x128xf32, #tpu.memory_space<vmem_shared>>) target_semaphore(%run_scoped3A : memref<!tpu.dma_semaphore, #tpu.memory_space<semaphore_mem>>)
        %dma_wait3A = arith.constant 0 : i32
        %dma_wait3A_49 = tpu.memref_slice %arg11[%add3A_41, %dma_wait3A] : memref<10000x128xf32, #tpu.memory_space<vmem_shared>> -> memref<128x128xf32, #tpu.memory_space<vmem_shared>>
        %dma_wait3A_50 = arith.constant 0 : i32
        %dma_wait3A_51 = tpu.memref_slice %arg11[%add3A_41, %dma_wait3A_50] : memref<10000x128xf32, #tpu.memory_space<vmem_shared>> -> memref<128x128xf32, #tpu.memory_space<vmem_shared>>
        tpu.wait_dma2 semaphore(%run_scoped3A : memref<!tpu.dma_semaphore, #tpu.memory_space<semaphore_mem>>) src(%arg10 : memref<128x128xf32, #tpu.memory_space<vmem>>) dst(%dma_wait3A_51 : memref<128x128xf32, #tpu.memory_space<vmem_shared>>)
        tpu.yield
      }) : () -> ()
      %add3A_42 = arith.constant 384 : i32
      %add3A_43 = arith.addi %mul3A_5, %add3A_42 : i32
      "tpu.region"() ({
        %run_scoped3A = tpu.sem_alloc : memref<!tpu.dma_semaphore, #tpu.memory_space<semaphore_mem>>
        %dma_start3A = arith.constant 0 : i32
        %dma_start3A_46 = tpu.memref_slice %arg11[%add3A_43, %dma_start3A] : memref<10000x128xf32, #tpu.memory_space<vmem_shared>> -> memref<128x128xf32, #tpu.memory_space<vmem_shared>>
        %dma_start3A_47 = arith.constant 0 : i32
        %dma_start3A_48 = tpu.memref_slice %arg11[%add3A_43, %dma_start3A_47] : memref<10000x128xf32, #tpu.memory_space<vmem_shared>> -> memref<128x128xf32, #tpu.memory_space<vmem_shared>>
        tpu.enqueue_dma source(%arg10 : memref<128x128xf32, #tpu.memory_space<vmem>>) target(%dma_start3A_48 : memref<128x128xf32, #tpu.memory_space<vmem_shared>>) target_semaphore(%run_scoped3A : memref<!tpu.dma_semaphore, #tpu.memory_space<semaphore_mem>>)
        %dma_wait3A = arith.constant 0 : i32
        %dma_wait3A_49 = tpu.memref_slice %arg11[%add3A_43, %dma_wait3A] : memref<10000x128xf32, #tpu.memory_space<vmem_shared>> -> memref<128x128xf32, #tpu.memory_space<vmem_shared>>
        %dma_wait3A_50 = arith.constant 0 : i32
        %dma_wait3A_51 = tpu.memref_slice %arg11[%add3A_43, %dma_wait3A_50] : memref<10000x128xf32, #tpu.memory_space<vmem_shared>> -> memref<128x128xf32, #tpu.memory_space<vmem_shared>>
        tpu.wait_dma2 semaphore(%run_scoped3A : memref<!tpu.dma_semaphore, #tpu.memory_space<semaphore_mem>>) src(%arg10 : memref<128x128xf32, #tpu.memory_space<vmem>>) dst(%dma_wait3A_51 : memref<128x128xf32, #tpu.memory_space<vmem_shared>>)
        tpu.yield
      }) : () -> ()
      %add3A_44 = arith.constant 512 : i32
      %add3A_45 = arith.addi %mul3A_5, %add3A_44 : i32
      "tpu.region"() ({
        %run_scoped3A = tpu.sem_alloc : memref<!tpu.dma_semaphore, #tpu.memory_space<semaphore_mem>>
        %dma_start3A = arith.constant 0 : i32
        %dma_start3A_46 = arith.constant 0 : i32
        %dma_start3A_47 = tpu.memref_slice %arg10[%dma_start3A, %dma_start3A_46] : memref<128x128xf32, #tpu.memory_space<vmem>> -> memref<112x128xf32, #tpu.memory_space<vmem>>
        %dma_start3A_48 = arith.constant 0 : i32
        %dma_start3A_49 = tpu.memref_slice %arg11[%add3A_45, %dma_start3A_48] : memref<10000x128xf32, #tpu.memory_space<vmem_shared>> -> memref<112x128xf32, #tpu.memory_space<vmem_shared>>
        %dma_start3A_50 = arith.constant 0 : i32
        %dma_start3A_51 = tpu.memref_slice %arg11[%add3A_45, %dma_start3A_50] : memref<10000x128xf32, #tpu.memory_space<vmem_shared>> -> memref<112x128xf32, #tpu.memory_space<vmem_shared>>
        %dma_start3A_52 = arith.constant 0 : i32
        %dma_start3A_53 = arith.constant 0 : i32
        %dma_start3A_54 = tpu.memref_slice %arg10[%dma_start3A_52, %dma_start3A_53] : memref<128x128xf32, #tpu.memory_space<vmem>> -> memref<112x128xf32, #tpu.memory_space<vmem>>
        tpu.enqueue_dma source(%dma_start3A_54 : memref<112x128xf32, #tpu.memory_space<vmem>>) target(%dma_start3A_51 : memref<112x128xf32, #tpu.memory_space<vmem_shared>>) target_semaphore(%run_scoped3A : memref<!tpu.dma_semaphore, #tpu.memory_space<semaphore_mem>>)
        %dma_wait3A = arith.constant 0 : i32
        %dma_wait3A_55 = arith.constant 0 : i32
        %dma_wait3A_56 = tpu.memref_slice %arg10[%dma_wait3A, %dma_wait3A_55] : memref<128x128xf32, #tpu.memory_space<vmem>> -> memref<112x128xf32, #tpu.memory_space<vmem>>
        %dma_wait3A_57 = arith.constant 0 : i32
        %dma_wait3A_58 = tpu.memref_slice %arg11[%add3A_45, %dma_wait3A_57] : memref<10000x128xf32, #tpu.memory_space<vmem_shared>> -> memref<112x128xf32, #tpu.memory_space<vmem_shared>>
        %dma_wait3A_59 = arith.constant 0 : i32
        %dma_wait3A_60 = tpu.memref_slice %arg11[%add3A_45, %dma_wait3A_59] : memref<10000x128xf32, #tpu.memory_space<vmem_shared>> -> memref<112x128xf32, #tpu.memory_space<vmem_shared>>
        %dma_wait3A_61 = arith.constant 0 : i32
        %dma_wait3A_62 = arith.constant 0 : i32
        %dma_wait3A_63 = tpu.memref_slice %arg10[%dma_wait3A_61, %dma_wait3A_62] : memref<128x128xf32, #tpu.memory_space<vmem>> -> memref<112x128xf32, #tpu.memory_space<vmem>>
        tpu.wait_dma2 semaphore(%run_scoped3A : memref<!tpu.dma_semaphore, #tpu.memory_space<semaphore_mem>>) src(%dma_wait3A_63 : memref<112x128xf32, #tpu.memory_space<vmem>>) dst(%dma_wait3A_60 : memref<112x128xf32, #tpu.memory_space<vmem_shared>>)
        tpu.yield
      }) : () -> ()
    } else {
    }
    %eq3A = arith.constant 15 : i32
    %eq3A_8 = arith.cmpi eq, %arg1, %eq3A : i32
    %convert_element_type3A_9 = arith.extui %eq3A_8 : i1 to i32
    %cond3A_10 = arith.constant 0 : i32
    %cond3A_11 = arith.cmpi ne, %convert_element_type3A_9, %cond3A_10 : i32
    scf.if %cond3A_11 {
      %add3A_36 = arith.constant 0 : i32
      %add3A_37 = arith.addi %mul3A_5, %add3A_36 : i32
      "tpu.region"() ({
        %run_scoped3A = tpu.sem_alloc : memref<!tpu.dma_semaphore, #tpu.memory_space<semaphore_mem>>
        %dma_start3A = arith.constant 0 : i32
        %dma_start3A_46 = tpu.memref_slice %arg11[%add3A_37, %dma_start3A] : memref<10000x128xf32, #tpu.memory_space<vmem_shared>> -> memref<128x128xf32, #tpu.memory_space<vmem_shared>>
        %dma_start3A_47 = arith.constant 0 : i32
        %dma_start3A_48 = tpu.memref_slice %arg11[%add3A_37, %dma_start3A_47] : memref<10000x128xf32, #tpu.memory_space<vmem_shared>> -> memref<128x128xf32, #tpu.memory_space<vmem_shared>>
        tpu.enqueue_dma source(%arg10 : memref<128x128xf32, #tpu.memory_space<vmem>>) target(%dma_start3A_48 : memref<128x128xf32, #tpu.memory_space<vmem_shared>>) target_semaphore(%run_scoped3A : memref<!tpu.dma_semaphore, #tpu.memory_space<semaphore_mem>>)
        %dma_wait3A = arith.constant 0 : i32
        %dma_wait3A_49 = tpu.memref_slice %arg11[%add3A_37, %dma_wait3A] : memref<10000x128xf32, #tpu.memory_space<vmem_shared>> -> memref<128x128xf32, #tpu.memory_space<vmem_shared>>
        %dma_wait3A_50 = arith.constant 0 : i32
        %dma_wait3A_51 = tpu.memref_slice %arg11[%add3A_37, %dma_wait3A_50] : memref<10000x128xf32, #tpu.memory_space<vmem_shared>> -> memref<128x128xf32, #tpu.memory_space<vmem_shared>>
        tpu.wait_dma2 semaphore(%run_scoped3A : memref<!tpu.dma_semaphore, #tpu.memory_space<semaphore_mem>>) src(%arg10 : memref<128x128xf32, #tpu.memory_space<vmem>>) dst(%dma_wait3A_51 : memref<128x128xf32, #tpu.memory_space<vmem_shared>>)
        tpu.yield
      }) : () -> ()
      %add3A_38 = arith.constant 128 : i32
      %add3A_39 = arith.addi %mul3A_5, %add3A_38 : i32
      "tpu.region"() ({
        %run_scoped3A = tpu.sem_alloc : memref<!tpu.dma_semaphore, #tpu.memory_space<semaphore_mem>>
        %dma_start3A = arith.constant 0 : i32
        %dma_start3A_46 = tpu.memref_slice %arg11[%add3A_39, %dma_start3A] : memref<10000x128xf32, #tpu.memory_space<vmem_shared>> -> memref<128x128xf32, #tpu.memory_space<vmem_shared>>
        %dma_start3A_47 = arith.constant 0 : i32
        %dma_start3A_48 = tpu.memref_slice %arg11[%add3A_39, %dma_start3A_47] : memref<10000x128xf32, #tpu.memory_space<vmem_shared>> -> memref<128x128xf32, #tpu.memory_space<vmem_shared>>
        tpu.enqueue_dma source(%arg10 : memref<128x128xf32, #tpu.memory_space<vmem>>) target(%dma_start3A_48 : memref<128x128xf32, #tpu.memory_space<vmem_shared>>) target_semaphore(%run_scoped3A : memref<!tpu.dma_semaphore, #tpu.memory_space<semaphore_mem>>)
        %dma_wait3A = arith.constant 0 : i32
        %dma_wait3A_49 = tpu.memref_slice %arg11[%add3A_39, %dma_wait3A] : memref<10000x128xf32, #tpu.memory_space<vmem_shared>> -> memref<128x128xf32, #tpu.memory_space<vmem_shared>>
        %dma_wait3A_50 = arith.constant 0 : i32
        %dma_wait3A_51 = tpu.memref_slice %arg11[%add3A_39, %dma_wait3A_50] : memref<10000x128xf32, #tpu.memory_space<vmem_shared>> -> memref<128x128xf32, #tpu.memory_space<vmem_shared>>
        tpu.wait_dma2 semaphore(%run_scoped3A : memref<!tpu.dma_semaphore, #tpu.memory_space<semaphore_mem>>) src(%arg10 : memref<128x128xf32, #tpu.memory_space<vmem>>) dst(%dma_wait3A_51 : memref<128x128xf32, #tpu.memory_space<vmem_shared>>)
        tpu.yield
      }) : () -> ()
      %add3A_40 = arith.constant 256 : i32
      %add3A_41 = arith.addi %mul3A_5, %add3A_40 : i32
      "tpu.region"() ({
        %run_scoped3A = tpu.sem_alloc : memref<!tpu.dma_semaphore, #tpu.memory_space<semaphore_mem>>
        %dma_start3A = arith.constant 0 : i32
        %dma_start3A_46 = tpu.memref_slice %arg11[%add3A_41, %dma_start3A] : memref<10000x128xf32, #tpu.memory_space<vmem_shared>> -> memref<128x128xf32, #tpu.memory_space<vmem_shared>>
        %dma_start3A_47 = arith.constant 0 : i32
        %dma_start3A_48 = tpu.memref_slice %arg11[%add3A_41, %dma_start3A_47] : memref<10000x128xf32, #tpu.memory_space<vmem_shared>> -> memref<128x128xf32, #tpu.memory_space<vmem_shared>>
        tpu.enqueue_dma source(%arg10 : memref<128x128xf32, #tpu.memory_space<vmem>>) target(%dma_start3A_48 : memref<128x128xf32, #tpu.memory_space<vmem_shared>>) target_semaphore(%run_scoped3A : memref<!tpu.dma_semaphore, #tpu.memory_space<semaphore_mem>>)
        %dma_wait3A = arith.constant 0 : i32
        %dma_wait3A_49 = tpu.memref_slice %arg11[%add3A_41, %dma_wait3A] : memref<10000x128xf32, #tpu.memory_space<vmem_shared>> -> memref<128x128xf32, #tpu.memory_space<vmem_shared>>
        %dma_wait3A_50 = arith.constant 0 : i32
        %dma_wait3A_51 = tpu.memref_slice %arg11[%add3A_41, %dma_wait3A_50] : memref<10000x128xf32, #tpu.memory_space<vmem_shared>> -> memref<128x128xf32, #tpu.memory_space<vmem_shared>>
        tpu.wait_dma2 semaphore(%run_scoped3A : memref<!tpu.dma_semaphore, #tpu.memory_space<semaphore_mem>>) src(%arg10 : memref<128x128xf32, #tpu.memory_space<vmem>>) dst(%dma_wait3A_51 : memref<128x128xf32, #tpu.memory_space<vmem_shared>>)
        tpu.yield
      }) : () -> ()
      %add3A_42 = arith.constant 384 : i32
      %add3A_43 = arith.addi %mul3A_5, %add3A_42 : i32
      "tpu.region"() ({
        %run_scoped3A = tpu.sem_alloc : memref<!tpu.dma_semaphore, #tpu.memory_space<semaphore_mem>>
        %dma_start3A = arith.constant 0 : i32
        %dma_start3A_46 = tpu.memref_slice %arg11[%add3A_43, %dma_start3A] : memref<10000x128xf32, #tpu.memory_space<vmem_shared>> -> memref<128x128xf32, #tpu.memory_space<vmem_shared>>
        %dma_start3A_47 = arith.constant 0 : i32
        %dma_start3A_48 = tpu.memref_slice %arg11[%add3A_43, %dma_start3A_47] : memref<10000x128xf32, #tpu.memory_space<vmem_shared>> -> memref<128x128xf32, #tpu.memory_space<vmem_shared>>
        tpu.enqueue_dma source(%arg10 : memref<128x128xf32, #tpu.memory_space<vmem>>) target(%dma_start3A_48 : memref<128x128xf32, #tpu.memory_space<vmem_shared>>) target_semaphore(%run_scoped3A : memref<!tpu.dma_semaphore, #tpu.memory_space<semaphore_mem>>)
        %dma_wait3A = arith.constant 0 : i32
        %dma_wait3A_49 = tpu.memref_slice %arg11[%add3A_43, %dma_wait3A] : memref<10000x128xf32, #tpu.memory_space<vmem_shared>> -> memref<128x128xf32, #tpu.memory_space<vmem_shared>>
        %dma_wait3A_50 = arith.constant 0 : i32
        %dma_wait3A_51 = tpu.memref_slice %arg11[%add3A_43, %dma_wait3A_50] : memref<10000x128xf32, #tpu.memory_space<vmem_shared>> -> memref<128x128xf32, #tpu.memory_space<vmem_shared>>
        tpu.wait_dma2 semaphore(%run_scoped3A : memref<!tpu.dma_semaphore, #tpu.memory_space<semaphore_mem>>) src(%arg10 : memref<128x128xf32, #tpu.memory_space<vmem>>) dst(%dma_wait3A_51 : memref<128x128xf32, #tpu.memory_space<vmem_shared>>)
        tpu.yield
      }) : () -> ()
      %add3A_44 = arith.constant 512 : i32
      %add3A_45 = arith.addi %mul3A_5, %add3A_44 : i32
      "tpu.region"() ({
        %run_scoped3A = tpu.sem_alloc : memref<!tpu.dma_semaphore, #tpu.memory_space<semaphore_mem>>
        %dma_start3A = arith.constant 0 : i32
        %dma_start3A_46 = tpu.memref_slice %arg11[%add3A_45, %dma_start3A] : memref<10000x128xf32, #tpu.memory_space<vmem_shared>> -> memref<128x128xf32, #tpu.memory_space<vmem_shared>>
        %dma_start3A_47 = arith.constant 0 : i32
        %dma_start3A_48 = tpu.memref_slice %arg11[%add3A_45, %dma_start3A_47] : memref<10000x128xf32, #tpu.memory_space<vmem_shared>> -> memref<128x128xf32, #tpu.memory_space<vmem_shared>>
        tpu.enqueue_dma source(%arg10 : memref<128x128xf32, #tpu.memory_space<vmem>>) target(%dma_start3A_48 : memref<128x128xf32, #tpu.memory_space<vmem_shared>>) target_semaphore(%run_scoped3A : memref<!tpu.dma_semaphore, #tpu.memory_space<semaphore_mem>>)
        %dma_wait3A = arith.constant 0 : i32
        %dma_wait3A_49 = tpu.memref_slice %arg11[%add3A_45, %dma_wait3A] : memref<10000x128xf32, #tpu.memory_space<vmem_shared>> -> memref<128x128xf32, #tpu.memory_space<vmem_shared>>
        %dma_wait3A_50 = arith.constant 0 : i32
        %dma_wait3A_51 = tpu.memref_slice %arg11[%add3A_45, %dma_wait3A_50] : memref<10000x128xf32, #tpu.memory_space<vmem_shared>> -> memref<128x128xf32, #tpu.memory_space<vmem_shared>>
        tpu.wait_dma2 semaphore(%run_scoped3A : memref<!tpu.dma_semaphore, #tpu.memory_space<semaphore_mem>>) src(%arg10 : memref<128x128xf32, #tpu.memory_space<vmem>>) dst(%dma_wait3A_51 : memref<128x128xf32, #tpu.memory_space<vmem_shared>>)
        tpu.yield
      }) : () -> ()
    } else {
    }
    %barrier3A = arith.constant 0 : index
    tpu.barrier barrier_id(%barrier3A)
    %mul3A_12 = arith.constant 16 : i32
    %mul3A_13 = arith.muli %arg0, %mul3A_12 : i32
    %add3A = arith.addi %mul3A_13, %arg1 : i32
    %mul3A_14 = arith.constant 5120 : i32
    %mul3A_15 = arith.muli %add3A, %mul3A_14 : i32
    %scan3A_16 = arith.constant 0 : i32
    %scan3A_17 = arith.constant 0 : i32
    %scan3A_18 = arith.constant 40 : i32
    %scan3A_19 = arith.addi %scan3A_17, %scan3A_18 : i32
    %scan3A_20 = arith.constant 1 : i32
    scf.for %scan3A_36 = %scan3A_17 to %scan3A_19 step %scan3A_20  : i32 {
      %mul3A_37 = arith.constant 128 : i32
      %mul3A_38 = arith.muli %scan3A_36, %mul3A_37 : i32
      %add3A_39 = arith.addi %mul3A_15, %mul3A_38 : i32
      "tpu.region"() ({
        %run_scoped3A = tpu.sem_alloc : memref<!tpu.dma_semaphore, #tpu.memory_space<semaphore_mem>>
        %dma_start3A_50 = tpu.memref_slice %arg3[%add3A_39] : memref<163840xi32, #tpu.memory_space<hbm>> -> memref<128xi32, #tpu.memory_space<hbm>>
        %dma_start3A_51 = tpu.memref_slice %arg3[%add3A_39] : memref<163840xi32, #tpu.memory_space<hbm>> -> memref<128xi32, #tpu.memory_space<hbm>>
        tpu.enqueue_dma source(%dma_start3A_51 : memref<128xi32, #tpu.memory_space<hbm>>) target(%arg7 : memref<128xi32, #tpu.memory_space<vmem>>) target_semaphore(%run_scoped3A : memref<!tpu.dma_semaphore, #tpu.memory_space<semaphore_mem>>)
        %dma_wait3A_52 = tpu.memref_slice %arg3[%add3A_39] : memref<163840xi32, #tpu.memory_space<hbm>> -> memref<128xi32, #tpu.memory_space<hbm>>
        %dma_wait3A_53 = tpu.memref_slice %arg3[%add3A_39] : memref<163840xi32, #tpu.memory_space<hbm>> -> memref<128xi32, #tpu.memory_space<hbm>>
        tpu.wait_dma2 semaphore(%run_scoped3A : memref<!tpu.dma_semaphore, #tpu.memory_space<semaphore_mem>>) src(%dma_wait3A_53 : memref<128xi32, #tpu.memory_space<hbm>>) dst(%arg7 : memref<128xi32, #tpu.memory_space<vmem>>)
        tpu.yield
      }) : () -> ()
      "tpu.region"() ({
        %run_scoped3A = tpu.sem_alloc : memref<!tpu.dma_semaphore, #tpu.memory_space<semaphore_mem>>
        %dma_start3A_50 = tpu.memref_slice %arg4[%add3A_39] : memref<163840xi32, #tpu.memory_space<hbm>> -> memref<128xi32, #tpu.memory_space<hbm>>
        %dma_start3A_51 = tpu.memref_slice %arg4[%add3A_39] : memref<163840xi32, #tpu.memory_space<hbm>> -> memref<128xi32, #tpu.memory_space<hbm>>
        tpu.enqueue_dma source(%dma_start3A_51 : memref<128xi32, #tpu.memory_space<hbm>>) target(%arg8 : memref<128xi32, #tpu.memory_space<vmem>>) target_semaphore(%run_scoped3A : memref<!tpu.dma_semaphore, #tpu.memory_space<semaphore_mem>>)
        %dma_wait3A_52 = tpu.memref_slice %arg4[%add3A_39] : memref<163840xi32, #tpu.memory_space<hbm>> -> memref<128xi32, #tpu.memory_space<hbm>>
        %dma_wait3A_53 = tpu.memref_slice %arg4[%add3A_39] : memref<163840xi32, #tpu.memory_space<hbm>> -> memref<128xi32, #tpu.memory_space<hbm>>
        tpu.wait_dma2 semaphore(%run_scoped3A : memref<!tpu.dma_semaphore, #tpu.memory_space<semaphore_mem>>) src(%dma_wait3A_53 : memref<128xi32, #tpu.memory_space<hbm>>) dst(%arg8 : memref<128xi32, #tpu.memory_space<vmem>>)
        tpu.yield
      }) : () -> ()
      "tpu.region"() ({
        %run_scoped3A = tpu.sem_alloc : memref<!tpu.dma_semaphore, #tpu.memory_space<semaphore_mem>>
        %dma_start3A_50 = tpu.memref_slice %arg5[%add3A_39] : memref<163840xf32, #tpu.memory_space<hbm>> -> memref<128xf32, #tpu.memory_space<hbm>>
        %dma_start3A_51 = tpu.memref_slice %arg5[%add3A_39] : memref<163840xf32, #tpu.memory_space<hbm>> -> memref<128xf32, #tpu.memory_space<hbm>>
        tpu.enqueue_dma source(%dma_start3A_51 : memref<128xf32, #tpu.memory_space<hbm>>) target(%arg9 : memref<128xf32, #tpu.memory_space<vmem>>) target_semaphore(%run_scoped3A : memref<!tpu.dma_semaphore, #tpu.memory_space<semaphore_mem>>)
        %dma_wait3A_52 = tpu.memref_slice %arg5[%add3A_39] : memref<163840xf32, #tpu.memory_space<hbm>> -> memref<128xf32, #tpu.memory_space<hbm>>
        %dma_wait3A_53 = tpu.memref_slice %arg5[%add3A_39] : memref<163840xf32, #tpu.memory_space<hbm>> -> memref<128xf32, #tpu.memory_space<hbm>>
        tpu.wait_dma2 semaphore(%run_scoped3A : memref<!tpu.dma_semaphore, #tpu.memory_space<semaphore_mem>>) src(%dma_wait3A_53 : memref<128xf32, #tpu.memory_space<hbm>>) dst(%arg9 : memref<128xf32, #tpu.memory_space<vmem>>)
        tpu.yield
      }) : () -> ()
      %dma_start3A = arith.constant 0 : i32
      %dma_start3A_40 = arith.constant 0 : i32
      %dma_start3A_41 = tpu.memref_slice %arg2[%dma_start3A, %dma_start3A_40] : memref<10000x128xf32, #tpu.memory_space<hbm>> -> memref<10000x128xf32, #tpu.memory_space<hbm>>
      tpu.enqueue_indirect_dma source(%dma_start3A_41 : memref<10000x128xf32, #tpu.memory_space<hbm>>) target(%arg10 : memref<128x128xf32, #tpu.memory_space<vmem>>) offsets(%arg7 : memref<128xi32, #tpu.memory_space<vmem>>) semaphore(%arg12 : memref<!tpu.dma_semaphore, #tpu.memory_space<semaphore_mem>>)
      %dma_wait3A = arith.constant 0 : i32
      %dma_wait3A_42 = arith.constant 0 : i32
      %dma_wait3A_43 = tpu.memref_slice %arg2[%dma_wait3A, %dma_wait3A_42] : memref<10000x128xf32, #tpu.memory_space<hbm>> -> memref<10000x128xf32, #tpu.memory_space<hbm>>
      tpu.wait_indirect_dma semaphore(%arg12 : memref<!tpu.dma_semaphore, #tpu.memory_space<semaphore_mem>>) src(%dma_wait3A_43 : memref<10000x128xf32, #tpu.memory_space<hbm>>) dst(%arg10 : memref<128x128xf32, #tpu.memory_space<vmem>>)
      %scan3A_44 = arith.constant 0 : i32
      %scan3A_45 = arith.constant 0 : i32
      %scan3A_46 = arith.constant 128 : i32
      %scan3A_47 = arith.addi %scan3A_45, %scan3A_46 : i32
      %scan3A_48 = arith.constant 1 : i32
      scf.for %scan3A_50 = %scan3A_45 to %scan3A_47 step %scan3A_48  : i32 {
        %broadcast_in_dim3A = arith.constant 0 : i32
        %broadcast_in_dim3A_51 = vector.broadcast %broadcast_in_dim3A : i32 to vector<16xi32>
        %add3A_52 = vector.broadcast %scan3A_50 : i32 to vector<16xi32>
        %add3A_53 = arith.addi %broadcast_in_dim3A_51, %add3A_52 : vector<16xi32>
        %gather3A = tpu.vector_load_idx %arg9[%add3A_53] : memref<128xf32, #tpu.memory_space<vmem>>[vector<16xi32>], vector<16xf32>,
        %get3A = arith.index_cast %scan3A_50 : i32 to index
        %get3A_54 = arith.constant 0 : index
        %get3A_55 = tpu.vector_load %arg10[%get3A, %get3A_54] {strides = array<i32>} : memref<128x128xf32, #tpu.memory_space<vmem>>, vector<16xf32>,
        %mul3A_56 = arith.mulf %get3A_55, %gather3A : vector<16xf32>
        %swap3A = arith.index_cast %scan3A_50 : i32 to index
        %swap3A_57 = arith.constant 0 : index
        %swap3A_58 = tpu.vector_load %arg10[%swap3A, %swap3A_57] {strides = array<i32>} : memref<128x128xf32, #tpu.memory_space<vmem>>, vector<16xf32>,
        tpu.vector_store %arg10[%swap3A, %swap3A_57], %mul3A_56 {strides = array<i32>} : memref<128x128xf32, #tpu.memory_space<vmem>>, vector<16xf32>,
        %get3A_59 = arith.index_cast %scan3A_50 : i32 to index
        %get3A_60 = arith.constant 16 : index
        %get3A_61 = tpu.vector_load %arg10[%get3A_59, %get3A_60] {strides = array<i32>} : memref<128x128xf32, #tpu.memory_space<vmem>>, vector<16xf32>,
        %mul3A_62 = arith.mulf %get3A_61, %gather3A : vector<16xf32>
        %swap3A_63 = arith.index_cast %scan3A_50 : i32 to index
        %swap3A_64 = arith.constant 16 : index
        %swap3A_65 = tpu.vector_load %arg10[%swap3A_63, %swap3A_64] {strides = array<i32>} : memref<128x128xf32, #tpu.memory_space<vmem>>, vector<16xf32>,
        tpu.vector_store %arg10[%swap3A_63, %swap3A_64], %mul3A_62 {strides = array<i32>} : memref<128x128xf32, #tpu.memory_space<vmem>>, vector<16xf32>,
        %get3A_66 = arith.index_cast %scan3A_50 : i32 to index
        %get3A_67 = arith.constant 32 : index
        %get3A_68 = tpu.vector_load %arg10[%get3A_66, %get3A_67] {strides = array<i32>} : memref<128x128xf32, #tpu.memory_space<vmem>>, vector<16xf32>,
        %mul3A_69 = arith.mulf %get3A_68, %gather3A : vector<16xf32>
        %swap3A_70 = arith.index_cast %scan3A_50 : i32 to index
        %swap3A_71 = arith.constant 32 : index
        %swap3A_72 = tpu.vector_load %arg10[%swap3A_70, %swap3A_71] {strides = array<i32>} : memref<128x128xf32, #tpu.memory_space<vmem>>, vector<16xf32>,
        tpu.vector_store %arg10[%swap3A_70, %swap3A_71], %mul3A_69 {strides = array<i32>} : memref<128x128xf32, #tpu.memory_space<vmem>>, vector<16xf32>,
        %get3A_73 = arith.index_cast %scan3A_50 : i32 to index
        %get3A_74 = arith.constant 48 : index
        %get3A_75 = tpu.vector_load %arg10[%get3A_73, %get3A_74] {strides = array<i32>} : memref<128x128xf32, #tpu.memory_space<vmem>>, vector<16xf32>,
        %mul3A_76 = arith.mulf %get3A_75, %gather3A : vector<16xf32>
        %swap3A_77 = arith.index_cast %scan3A_50 : i32 to index
        %swap3A_78 = arith.constant 48 : index
        %swap3A_79 = tpu.vector_load %arg10[%swap3A_77, %swap3A_78] {strides = array<i32>} : memref<128x128xf32, #tpu.memory_space<vmem>>, vector<16xf32>,
        tpu.vector_store %arg10[%swap3A_77, %swap3A_78], %mul3A_76 {strides = array<i32>} : memref<128x128xf32, #tpu.memory_space<vmem>>, vector<16xf32>,
        %get3A_80 = arith.index_cast %scan3A_50 : i32 to index
        %get3A_81 = arith.constant 64 : index
        %get3A_82 = tpu.vector_load %arg10[%get3A_80, %get3A_81] {strides = array<i32>} : memref<128x128xf32, #tpu.memory_space<vmem>>, vector<16xf32>,
        %mul3A_83 = arith.mulf %get3A_82, %gather3A : vector<16xf32>
        %swap3A_84 = arith.index_cast %scan3A_50 : i32 to index
        %swap3A_85 = arith.constant 64 : index
        %swap3A_86 = tpu.vector_load %arg10[%swap3A_84, %swap3A_85] {strides = array<i32>} : memref<128x128xf32, #tpu.memory_space<vmem>>, vector<16xf32>,
        tpu.vector_store %arg10[%swap3A_84, %swap3A_85], %mul3A_83 {strides = array<i32>} : memref<128x128xf32, #tpu.memory_space<vmem>>, vector<16xf32>,
        %get3A_87 = arith.index_cast %scan3A_50 : i32 to index
        %get3A_88 = arith.constant 80 : index
        %get3A_89 = tpu.vector_load %arg10[%get3A_87, %get3A_88] {strides = array<i32>} : memref<128x128xf32, #tpu.memory_space<vmem>>, vector<16xf32>,
        %mul3A_90 = arith.mulf %get3A_89, %gather3A : vector<16xf32>
        %swap3A_91 = arith.index_cast %scan3A_50 : i32 to index
        %swap3A_92 = arith.constant 80 : index
        %swap3A_93 = tpu.vector_load %arg10[%swap3A_91, %swap3A_92] {strides = array<i32>} : memref<128x128xf32, #tpu.memory_space<vmem>>, vector<16xf32>,
        tpu.vector_store %arg10[%swap3A_91, %swap3A_92], %mul3A_90 {strides = array<i32>} : memref<128x128xf32, #tpu.memory_space<vmem>>, vector<16xf32>,
        %get3A_94 = arith.index_cast %scan3A_50 : i32 to index
        %get3A_95 = arith.constant 96 : index
        %get3A_96 = tpu.vector_load %arg10[%get3A_94, %get3A_95] {strides = array<i32>} : memref<128x128xf32, #tpu.memory_space<vmem>>, vector<16xf32>,
        %mul3A_97 = arith.mulf %get3A_96, %gather3A : vector<16xf32>
        %swap3A_98 = arith.index_cast %scan3A_50 : i32 to index
        %swap3A_99 = arith.constant 96 : index
        %swap3A_100 = tpu.vector_load %arg10[%swap3A_98, %swap3A_99] {strides = array<i32>} : memref<128x128xf32, #tpu.memory_space<vmem>>, vector<16xf32>,
        tpu.vector_store %arg10[%swap3A_98, %swap3A_99], %mul3A_97 {strides = array<i32>} : memref<128x128xf32, #tpu.memory_space<vmem>>, vector<16xf32>,
        %get3A_101 = arith.index_cast %scan3A_50 : i32 to index
        %get3A_102 = arith.constant 112 : index
        %get3A_103 = tpu.vector_load %arg10[%get3A_101, %get3A_102] {strides = array<i32>} : memref<128x128xf32, #tpu.memory_space<vmem>>, vector<16xf32>,
        %mul3A_104 = arith.mulf %get3A_103, %gather3A : vector<16xf32>
        %swap3A_105 = arith.index_cast %scan3A_50 : i32 to index
        %swap3A_106 = arith.constant 112 : index
        %swap3A_107 = tpu.vector_load %arg10[%swap3A_105, %swap3A_106] {strides = array<i32>} : memref<128x128xf32, #tpu.memory_space<vmem>>, vector<16xf32>,
        tpu.vector_store %arg10[%swap3A_105, %swap3A_106], %mul3A_104 {strides = array<i32>} : memref<128x128xf32, #tpu.memory_space<vmem>>, vector<16xf32>,
      }
      %scan3A_49 = arith.constant 128 : i32
      "tpu.region"() ({
        %run_scoped3A = tpu.sem_alloc : memref<!tpu.dma_semaphore, #tpu.memory_space<semaphore_mem>>
        %dma_start3A_50 = arith.constant 0 : i32
        %dma_start3A_51 = arith.constant 0 : i32
        %dma_start3A_52 = tpu.memref_slice %arg11[%dma_start3A_50, %dma_start3A_51] : memref<10000x128xf32, #tpu.memory_space<vmem_shared>> -> memref<10000x128xf32, #tpu.memory_space<vmem_shared>>
        tpu.enqueue_indirect_dma source(%arg10 : memref<128x128xf32, #tpu.memory_space<vmem>>) target(%dma_start3A_52 : memref<10000x128xf32, #tpu.memory_space<vmem_shared>>) offsets(%arg8 : memref<128xi32, #tpu.memory_space<vmem>>) semaphore(%run_scoped3A : memref<!tpu.dma_semaphore, #tpu.memory_space<semaphore_mem>>) {add = true}
        %dma_wait3A_53 = arith.constant 0 : i32
        %dma_wait3A_54 = arith.constant 0 : i32
        %dma_wait3A_55 = tpu.memref_slice %arg11[%dma_wait3A_53, %dma_wait3A_54] : memref<10000x128xf32, #tpu.memory_space<vmem_shared>> -> memref<10000x128xf32, #tpu.memory_space<vmem_shared>>
        tpu.wait_indirect_dma semaphore(%run_scoped3A : memref<!tpu.dma_semaphore, #tpu.memory_space<semaphore_mem>>) src(%arg10 : memref<128x128xf32, #tpu.memory_space<vmem>>) dst(%dma_wait3A_55 : memref<10000x128xf32, #tpu.memory_space<vmem_shared>>)
        tpu.yield
      }) : () -> ()
    }
    %scan3A_21 = arith.constant 40 : i32
    %barrier3A_22 = arith.constant 0 : index
    tpu.barrier barrier_id(%barrier3A_22)
    %mul3A_23 = arith.constant 10000 : i32
    %mul3A_24 = arith.muli %arg0, %mul3A_23 : i32
    %add3A_25 = arith.addi %mul3A_24, %mul3A_5 : i32
    %lt3A_26 = arith.constant 15 : i32
    %lt3A_27 = arith.cmpi slt, %arg1, %lt3A_26 : i32
    %convert_element_type3A_28 = arith.extui %lt3A_27 : i1 to i32
    %cond3A_29 = arith.constant 0 : i32
    %cond3A_30 = arith.cmpi ne, %convert_element_type3A_28, %cond3A_29 : i32
    scf.if %cond3A_30 {
      "tpu.region"() ({
        %run_scoped3A = tpu.sem_alloc : memref<!tpu.dma_semaphore, #tpu.memory_space<semaphore_mem>>
        %dma_start3A = arith.constant 0 : i32
        %dma_start3A_36 = tpu.memref_slice %arg6[%add3A_25, %dma_start3A] : memref<20000x128xf32, #tpu.memory_space<hbm>> -> memref<624x128xf32, #tpu.memory_space<hbm>>
        %dma_start3A_37 = arith.constant 0 : i32
        %dma_start3A_38 = tpu.memref_slice %arg11[%mul3A_5, %dma_start3A_37] : memref<10000x128xf32, #tpu.memory_space<vmem_shared>> -> memref<624x128xf32, #tpu.memory_space<vmem_shared>>
        tpu.enqueue_dma source(%dma_start3A_38 : memref<624x128xf32, #tpu.memory_space<vmem_shared>>) target(%dma_start3A_36 : memref<624x128xf32, #tpu.memory_space<hbm>>) target_semaphore(%run_scoped3A : memref<!tpu.dma_semaphore, #tpu.memory_space<semaphore_mem>>)
        %dma_wait3A = arith.constant 0 : i32
        %dma_wait3A_39 = tpu.memref_slice %arg6[%add3A_25, %dma_wait3A] : memref<20000x128xf32, #tpu.memory_space<hbm>> -> memref<624x128xf32, #tpu.memory_space<hbm>>
        %dma_wait3A_40 = arith.constant 0 : i32
        %dma_wait3A_41 = tpu.memref_slice %arg11[%mul3A_5, %dma_wait3A_40] : memref<10000x128xf32, #tpu.memory_space<vmem_shared>> -> memref<624x128xf32, #tpu.memory_space<vmem_shared>>
        tpu.wait_dma2 semaphore(%run_scoped3A : memref<!tpu.dma_semaphore, #tpu.memory_space<semaphore_mem>>) src(%dma_wait3A_41 : memref<624x128xf32, #tpu.memory_space<vmem_shared>>) dst(%dma_wait3A_39 : memref<624x128xf32, #tpu.memory_space<hbm>>)
        tpu.yield
      }) : () -> ()
    } else {
    }
    %eq3A_31 = arith.constant 15 : i32
    %eq3A_32 = arith.cmpi eq, %arg1, %eq3A_31 : i32
    %convert_element_type3A_33 = arith.extui %eq3A_32 : i1 to i32
    %cond3A_34 = arith.constant 0 : i32
    %cond3A_35 = arith.cmpi ne, %convert_element_type3A_33, %cond3A_34 : i32
    scf.if %cond3A_35 {
      "tpu.region"() ({
        %run_scoped3A = tpu.sem_alloc : memref<!tpu.dma_semaphore, #tpu.memory_space<semaphore_mem>>
        %dma_start3A = arith.constant 0 : i32
        %dma_start3A_36 = tpu.memref_slice %arg6[%add3A_25, %dma_start3A] : memref<20000x128xf32, #tpu.memory_space<hbm>> -> memref<640x128xf32, #tpu.memory_space<hbm>>
        %dma_start3A_37 = arith.constant 0 : i32
        %dma_start3A_38 = tpu.memref_slice %arg11[%mul3A_5, %dma_start3A_37] : memref<10000x128xf32, #tpu.memory_space<vmem_shared>> -> memref<640x128xf32, #tpu.memory_space<vmem_shared>>
        tpu.enqueue_dma source(%dma_start3A_38 : memref<640x128xf32, #tpu.memory_space<vmem_shared>>) target(%dma_start3A_36 : memref<640x128xf32, #tpu.memory_space<hbm>>) target_semaphore(%run_scoped3A : memref<!tpu.dma_semaphore, #tpu.memory_space<semaphore_mem>>)
        %dma_wait3A = arith.constant 0 : i32
        %dma_wait3A_39 = tpu.memref_slice %arg6[%add3A_25, %dma_wait3A] : memref<20000x128xf32, #tpu.memory_space<hbm>> -> memref<640x128xf32, #tpu.memory_space<hbm>>
        %dma_wait3A_40 = arith.constant 0 : i32
        %dma_wait3A_41 = tpu.memref_slice %arg11[%mul3A_5, %dma_wait3A_40] : memref<10000x128xf32, #tpu.memory_space<vmem_shared>> -> memref<640x128xf32, #tpu.memory_space<vmem_shared>>
        tpu.wait_dma2 semaphore(%run_scoped3A : memref<!tpu.dma_semaphore, #tpu.memory_space<semaphore_mem>>) src(%dma_wait3A_41 : memref<640x128xf32, #tpu.memory_space<vmem_shared>>) dst(%dma_wait3A_39 : memref<640x128xf32, #tpu.memory_space<hbm>>)
        tpu.yield
      }) : () -> ()
    } else {
    }
    return
  }
}

#map = affine_map<(d0, d1) -> (0, 0)>
#map1 = affine_map<(d0, d1) -> (0)>
module attributes {stable_mosaic.version = 14 : i64} {
  func.func @_k(%arg0: i32, %arg1: i32, %arg2: memref<20000x128xf32, #tpu.memory_space<hbm>>, %arg3: memref<163840xi32, #tpu.memory_space<hbm>>, %arg4: memref<163840xi32, #tpu.memory_space<hbm>>, %arg5: memref<163840xf32, #tpu.memory_space<hbm>>, %arg6: memref<20000x128xf32, #tpu.memory_space<hbm>>, %arg7: memref<128xi32, #tpu.memory_space<vmem>>, %arg8: memref<128xi32, #tpu.memory_space<vmem>>, %arg9: memref<128xf32, #tpu.memory_space<vmem>>, %arg10: memref<128x128xf32, #tpu.memory_space<vmem>>, %arg11: memref<10000x128xf32, #tpu.memory_space<vmem_shared>>, %arg12: memref<!tpu.dma_semaphore, #tpu.memory_space<semaphore_mem>>) attributes {dimension_semantics = [#tpu.dimension_semantics<core_parallel>, #tpu.dimension_semantics<subcore_parallel>], iteration_bounds = array<i64: 2, 16>, scalar_prefetch = 0 : i64, scratch_operands = 6 : i64, tpu.core_type = #tpu.core_type<sc_vector_subcore>, window_params = [{transform_indices = #map}, {transform_indices = #map1}, {transform_indices = #map1}, {transform_indices = #map1}, {transform_indices = #map}]} {
    %scan3A = arith.constant 0 : i32
    %scan3A_0 = arith.constant 0 : i32
    %scan3A_1 = arith.constant 128 : i32
    %scan3A_2 = arith.addi %scan3A_0, %scan3A_1 : i32
    %scan3A_3 = arith.constant 1 : i32
    scf.for %scan3A_33 = %scan3A_0 to %scan3A_2 step %scan3A_3  : i32 {
      %broadcast_in_dim3A = arith.constant 0.000000e+00 : f32
      %broadcast_in_dim3A_34 = vector.broadcast %broadcast_in_dim3A : f32 to vector<16xf32>
      %swap3A = arith.index_cast %scan3A_33 : i32 to index
      %swap3A_35 = arith.constant 0 : index
      %swap3A_36 = tpu.vector_load %arg10[%swap3A, %swap3A_35] {strides = array<i32>} : memref<128x128xf32, #tpu.memory_space<vmem>>, vector<16xf32>,
      tpu.vector_store %arg10[%swap3A, %swap3A_35], %broadcast_in_dim3A_34 {strides = array<i32>} : memref<128x128xf32, #tpu.memory_space<vmem>>, vector<16xf32>,
      %broadcast_in_dim3A_37 = arith.constant 0.000000e+00 : f32
      %broadcast_in_dim3A_38 = vector.broadcast %broadcast_in_dim3A_37 : f32 to vector<16xf32>
      %swap3A_39 = arith.index_cast %scan3A_33 : i32 to index
      %swap3A_40 = arith.constant 16 : index
      %swap3A_41 = tpu.vector_load %arg10[%swap3A_39, %swap3A_40] {strides = array<i32>} : memref<128x128xf32, #tpu.memory_space<vmem>>, vector<16xf32>,
      tpu.vector_store %arg10[%swap3A_39, %swap3A_40], %broadcast_in_dim3A_38 {strides = array<i32>} : memref<128x128xf32, #tpu.memory_space<vmem>>, vector<16xf32>,
      %broadcast_in_dim3A_42 = arith.constant 0.000000e+00 : f32
      %broadcast_in_dim3A_43 = vector.broadcast %broadcast_in_dim3A_42 : f32 to vector<16xf32>
      %swap3A_44 = arith.index_cast %scan3A_33 : i32 to index
      %swap3A_45 = arith.constant 32 : index
      %swap3A_46 = tpu.vector_load %arg10[%swap3A_44, %swap3A_45] {strides = array<i32>} : memref<128x128xf32, #tpu.memory_space<vmem>>, vector<16xf32>,
      tpu.vector_store %arg10[%swap3A_44, %swap3A_45], %broadcast_in_dim3A_43 {strides = array<i32>} : memref<128x128xf32, #tpu.memory_space<vmem>>, vector<16xf32>,
      %broadcast_in_dim3A_47 = arith.constant 0.000000e+00 : f32
      %broadcast_in_dim3A_48 = vector.broadcast %broadcast_in_dim3A_47 : f32 to vector<16xf32>
      %swap3A_49 = arith.index_cast %scan3A_33 : i32 to index
      %swap3A_50 = arith.constant 48 : index
      %swap3A_51 = tpu.vector_load %arg10[%swap3A_49, %swap3A_50] {strides = array<i32>} : memref<128x128xf32, #tpu.memory_space<vmem>>, vector<16xf32>,
      tpu.vector_store %arg10[%swap3A_49, %swap3A_50], %broadcast_in_dim3A_48 {strides = array<i32>} : memref<128x128xf32, #tpu.memory_space<vmem>>, vector<16xf32>,
      %broadcast_in_dim3A_52 = arith.constant 0.000000e+00 : f32
      %broadcast_in_dim3A_53 = vector.broadcast %broadcast_in_dim3A_52 : f32 to vector<16xf32>
      %swap3A_54 = arith.index_cast %scan3A_33 : i32 to index
      %swap3A_55 = arith.constant 64 : index
      %swap3A_56 = tpu.vector_load %arg10[%swap3A_54, %swap3A_55] {strides = array<i32>} : memref<128x128xf32, #tpu.memory_space<vmem>>, vector<16xf32>,
      tpu.vector_store %arg10[%swap3A_54, %swap3A_55], %broadcast_in_dim3A_53 {strides = array<i32>} : memref<128x128xf32, #tpu.memory_space<vmem>>, vector<16xf32>,
      %broadcast_in_dim3A_57 = arith.constant 0.000000e+00 : f32
      %broadcast_in_dim3A_58 = vector.broadcast %broadcast_in_dim3A_57 : f32 to vector<16xf32>
      %swap3A_59 = arith.index_cast %scan3A_33 : i32 to index
      %swap3A_60 = arith.constant 80 : index
      %swap3A_61 = tpu.vector_load %arg10[%swap3A_59, %swap3A_60] {strides = array<i32>} : memref<128x128xf32, #tpu.memory_space<vmem>>, vector<16xf32>,
      tpu.vector_store %arg10[%swap3A_59, %swap3A_60], %broadcast_in_dim3A_58 {strides = array<i32>} : memref<128x128xf32, #tpu.memory_space<vmem>>, vector<16xf32>,
      %broadcast_in_dim3A_62 = arith.constant 0.000000e+00 : f32
      %broadcast_in_dim3A_63 = vector.broadcast %broadcast_in_dim3A_62 : f32 to vector<16xf32>
      %swap3A_64 = arith.index_cast %scan3A_33 : i32 to index
      %swap3A_65 = arith.constant 96 : index
      %swap3A_66 = tpu.vector_load %arg10[%swap3A_64, %swap3A_65] {strides = array<i32>} : memref<128x128xf32, #tpu.memory_space<vmem>>, vector<16xf32>,
      tpu.vector_store %arg10[%swap3A_64, %swap3A_65], %broadcast_in_dim3A_63 {strides = array<i32>} : memref<128x128xf32, #tpu.memory_space<vmem>>, vector<16xf32>,
      %broadcast_in_dim3A_67 = arith.constant 0.000000e+00 : f32
      %broadcast_in_dim3A_68 = vector.broadcast %broadcast_in_dim3A_67 : f32 to vector<16xf32>
      %swap3A_69 = arith.index_cast %scan3A_33 : i32 to index
      %swap3A_70 = arith.constant 112 : index
      %swap3A_71 = tpu.vector_load %arg10[%swap3A_69, %swap3A_70] {strides = array<i32>} : memref<128x128xf32, #tpu.memory_space<vmem>>, vector<16xf32>,
      tpu.vector_store %arg10[%swap3A_69, %swap3A_70], %broadcast_in_dim3A_68 {strides = array<i32>} : memref<128x128xf32, #tpu.memory_space<vmem>>, vector<16xf32>,
    }
    %scan3A_4 = arith.constant 128 : i32
    %mul3A = arith.constant 624 : i32
    %mul3A_5 = arith.muli %arg1, %mul3A : i32
    %lt3A = arith.constant 15 : i32
    %lt3A_6 = arith.cmpi slt, %arg1, %lt3A : i32
    %convert_element_type3A = arith.extui %lt3A_6 : i1 to i32
    %cond3A = arith.constant 0 : i32
    %cond3A_7 = arith.cmpi ne, %convert_element_type3A, %cond3A : i32
    scf.if %cond3A_7 {
      %add3A_33 = arith.constant 0 : i32
      %add3A_34 = arith.addi %mul3A_5, %add3A_33 : i32
      "tpu.region"() ({
        %run_scoped3A = tpu.sem_alloc : memref<!tpu.dma_semaphore, #tpu.memory_space<semaphore_mem>>
        %dma_start3A = arith.constant 0 : i32
        %dma_start3A_43 = tpu.memref_slice %arg11[%add3A_34, %dma_start3A] : memref<10000x128xf32, #tpu.memory_space<vmem_shared>> -> memref<128x128xf32, #tpu.memory_space<vmem_shared>>
        %dma_start3A_44 = arith.constant 0 : i32
        %dma_start3A_45 = tpu.memref_slice %arg11[%add3A_34, %dma_start3A_44] : memref<10000x128xf32, #tpu.memory_space<vmem_shared>> -> memref<128x128xf32, #tpu.memory_space<vmem_shared>>
        tpu.enqueue_dma source(%arg10 : memref<128x128xf32, #tpu.memory_space<vmem>>) target(%dma_start3A_45 : memref<128x128xf32, #tpu.memory_space<vmem_shared>>) target_semaphore(%run_scoped3A : memref<!tpu.dma_semaphore, #tpu.memory_space<semaphore_mem>>)
        %dma_wait3A = arith.constant 0 : i32
        %dma_wait3A_46 = tpu.memref_slice %arg11[%add3A_34, %dma_wait3A] : memref<10000x128xf32, #tpu.memory_space<vmem_shared>> -> memref<128x128xf32, #tpu.memory_space<vmem_shared>>
        %dma_wait3A_47 = arith.constant 0 : i32
        %dma_wait3A_48 = tpu.memref_slice %arg11[%add3A_34, %dma_wait3A_47] : memref<10000x128xf32, #tpu.memory_space<vmem_shared>> -> memref<128x128xf32, #tpu.memory_space<vmem_shared>>
        tpu.wait_dma2 semaphore(%run_scoped3A : memref<!tpu.dma_semaphore, #tpu.memory_space<semaphore_mem>>) src(%arg10 : memref<128x128xf32, #tpu.memory_space<vmem>>) dst(%dma_wait3A_48 : memref<128x128xf32, #tpu.memory_space<vmem_shared>>)
        tpu.yield
      }) : () -> ()
      %add3A_35 = arith.constant 128 : i32
      %add3A_36 = arith.addi %mul3A_5, %add3A_35 : i32
      "tpu.region"() ({
        %run_scoped3A = tpu.sem_alloc : memref<!tpu.dma_semaphore, #tpu.memory_space<semaphore_mem>>
        %dma_start3A = arith.constant 0 : i32
        %dma_start3A_43 = tpu.memref_slice %arg11[%add3A_36, %dma_start3A] : memref<10000x128xf32, #tpu.memory_space<vmem_shared>> -> memref<128x128xf32, #tpu.memory_space<vmem_shared>>
        %dma_start3A_44 = arith.constant 0 : i32
        %dma_start3A_45 = tpu.memref_slice %arg11[%add3A_36, %dma_start3A_44] : memref<10000x128xf32, #tpu.memory_space<vmem_shared>> -> memref<128x128xf32, #tpu.memory_space<vmem_shared>>
        tpu.enqueue_dma source(%arg10 : memref<128x128xf32, #tpu.memory_space<vmem>>) target(%dma_start3A_45 : memref<128x128xf32, #tpu.memory_space<vmem_shared>>) target_semaphore(%run_scoped3A : memref<!tpu.dma_semaphore, #tpu.memory_space<semaphore_mem>>)
        %dma_wait3A = arith.constant 0 : i32
        %dma_wait3A_46 = tpu.memref_slice %arg11[%add3A_36, %dma_wait3A] : memref<10000x128xf32, #tpu.memory_space<vmem_shared>> -> memref<128x128xf32, #tpu.memory_space<vmem_shared>>
        %dma_wait3A_47 = arith.constant 0 : i32
        %dma_wait3A_48 = tpu.memref_slice %arg11[%add3A_36, %dma_wait3A_47] : memref<10000x128xf32, #tpu.memory_space<vmem_shared>> -> memref<128x128xf32, #tpu.memory_space<vmem_shared>>
        tpu.wait_dma2 semaphore(%run_scoped3A : memref<!tpu.dma_semaphore, #tpu.memory_space<semaphore_mem>>) src(%arg10 : memref<128x128xf32, #tpu.memory_space<vmem>>) dst(%dma_wait3A_48 : memref<128x128xf32, #tpu.memory_space<vmem_shared>>)
        tpu.yield
      }) : () -> ()
      %add3A_37 = arith.constant 256 : i32
      %add3A_38 = arith.addi %mul3A_5, %add3A_37 : i32
      "tpu.region"() ({
        %run_scoped3A = tpu.sem_alloc : memref<!tpu.dma_semaphore, #tpu.memory_space<semaphore_mem>>
        %dma_start3A = arith.constant 0 : i32
        %dma_start3A_43 = tpu.memref_slice %arg11[%add3A_38, %dma_start3A] : memref<10000x128xf32, #tpu.memory_space<vmem_shared>> -> memref<128x128xf32, #tpu.memory_space<vmem_shared>>
        %dma_start3A_44 = arith.constant 0 : i32
        %dma_start3A_45 = tpu.memref_slice %arg11[%add3A_38, %dma_start3A_44] : memref<10000x128xf32, #tpu.memory_space<vmem_shared>> -> memref<128x128xf32, #tpu.memory_space<vmem_shared>>
        tpu.enqueue_dma source(%arg10 : memref<128x128xf32, #tpu.memory_space<vmem>>) target(%dma_start3A_45 : memref<128x128xf32, #tpu.memory_space<vmem_shared>>) target_semaphore(%run_scoped3A : memref<!tpu.dma_semaphore, #tpu.memory_space<semaphore_mem>>)
        %dma_wait3A = arith.constant 0 : i32
        %dma_wait3A_46 = tpu.memref_slice %arg11[%add3A_38, %dma_wait3A] : memref<10000x128xf32, #tpu.memory_space<vmem_shared>> -> memref<128x128xf32, #tpu.memory_space<vmem_shared>>
        %dma_wait3A_47 = arith.constant 0 : i32
        %dma_wait3A_48 = tpu.memref_slice %arg11[%add3A_38, %dma_wait3A_47] : memref<10000x128xf32, #tpu.memory_space<vmem_shared>> -> memref<128x128xf32, #tpu.memory_space<vmem_shared>>
        tpu.wait_dma2 semaphore(%run_scoped3A : memref<!tpu.dma_semaphore, #tpu.memory_space<semaphore_mem>>) src(%arg10 : memref<128x128xf32, #tpu.memory_space<vmem>>) dst(%dma_wait3A_48 : memref<128x128xf32, #tpu.memory_space<vmem_shared>>)
        tpu.yield
      }) : () -> ()
      %add3A_39 = arith.constant 384 : i32
      %add3A_40 = arith.addi %mul3A_5, %add3A_39 : i32
      "tpu.region"() ({
        %run_scoped3A = tpu.sem_alloc : memref<!tpu.dma_semaphore, #tpu.memory_space<semaphore_mem>>
        %dma_start3A = arith.constant 0 : i32
        %dma_start3A_43 = tpu.memref_slice %arg11[%add3A_40, %dma_start3A] : memref<10000x128xf32, #tpu.memory_space<vmem_shared>> -> memref<128x128xf32, #tpu.memory_space<vmem_shared>>
        %dma_start3A_44 = arith.constant 0 : i32
        %dma_start3A_45 = tpu.memref_slice %arg11[%add3A_40, %dma_start3A_44] : memref<10000x128xf32, #tpu.memory_space<vmem_shared>> -> memref<128x128xf32, #tpu.memory_space<vmem_shared>>
        tpu.enqueue_dma source(%arg10 : memref<128x128xf32, #tpu.memory_space<vmem>>) target(%dma_start3A_45 : memref<128x128xf32, #tpu.memory_space<vmem_shared>>) target_semaphore(%run_scoped3A : memref<!tpu.dma_semaphore, #tpu.memory_space<semaphore_mem>>)
        %dma_wait3A = arith.constant 0 : i32
        %dma_wait3A_46 = tpu.memref_slice %arg11[%add3A_40, %dma_wait3A] : memref<10000x128xf32, #tpu.memory_space<vmem_shared>> -> memref<128x128xf32, #tpu.memory_space<vmem_shared>>
        %dma_wait3A_47 = arith.constant 0 : i32
        %dma_wait3A_48 = tpu.memref_slice %arg11[%add3A_40, %dma_wait3A_47] : memref<10000x128xf32, #tpu.memory_space<vmem_shared>> -> memref<128x128xf32, #tpu.memory_space<vmem_shared>>
        tpu.wait_dma2 semaphore(%run_scoped3A : memref<!tpu.dma_semaphore, #tpu.memory_space<semaphore_mem>>) src(%arg10 : memref<128x128xf32, #tpu.memory_space<vmem>>) dst(%dma_wait3A_48 : memref<128x128xf32, #tpu.memory_space<vmem_shared>>)
        tpu.yield
      }) : () -> ()
      %add3A_41 = arith.constant 512 : i32
      %add3A_42 = arith.addi %mul3A_5, %add3A_41 : i32
      "tpu.region"() ({
        %run_scoped3A = tpu.sem_alloc : memref<!tpu.dma_semaphore, #tpu.memory_space<semaphore_mem>>
        %dma_start3A = arith.constant 0 : i32
        %dma_start3A_43 = arith.constant 0 : i32
        %dma_start3A_44 = tpu.memref_slice %arg10[%dma_start3A, %dma_start3A_43] : memref<128x128xf32, #tpu.memory_space<vmem>> -> memref<112x128xf32, #tpu.memory_space<vmem>>
        %dma_start3A_45 = arith.constant 0 : i32
        %dma_start3A_46 = tpu.memref_slice %arg11[%add3A_42, %dma_start3A_45] : memref<10000x128xf32, #tpu.memory_space<vmem_shared>> -> memref<112x128xf32, #tpu.memory_space<vmem_shared>>
        %dma_start3A_47 = arith.constant 0 : i32
        %dma_start3A_48 = tpu.memref_slice %arg11[%add3A_42, %dma_start3A_47] : memref<10000x128xf32, #tpu.memory_space<vmem_shared>> -> memref<112x128xf32, #tpu.memory_space<vmem_shared>>
        %dma_start3A_49 = arith.constant 0 : i32
        %dma_start3A_50 = arith.constant 0 : i32
        %dma_start3A_51 = tpu.memref_slice %arg10[%dma_start3A_49, %dma_start3A_50] : memref<128x128xf32, #tpu.memory_space<vmem>> -> memref<112x128xf32, #tpu.memory_space<vmem>>
        tpu.enqueue_dma source(%dma_start3A_51 : memref<112x128xf32, #tpu.memory_space<vmem>>) target(%dma_start3A_48 : memref<112x128xf32, #tpu.memory_space<vmem_shared>>) target_semaphore(%run_scoped3A : memref<!tpu.dma_semaphore, #tpu.memory_space<semaphore_mem>>)
        %dma_wait3A = arith.constant 0 : i32
        %dma_wait3A_52 = arith.constant 0 : i32
        %dma_wait3A_53 = tpu.memref_slice %arg10[%dma_wait3A, %dma_wait3A_52] : memref<128x128xf32, #tpu.memory_space<vmem>> -> memref<112x128xf32, #tpu.memory_space<vmem>>
        %dma_wait3A_54 = arith.constant 0 : i32
        %dma_wait3A_55 = tpu.memref_slice %arg11[%add3A_42, %dma_wait3A_54] : memref<10000x128xf32, #tpu.memory_space<vmem_shared>> -> memref<112x128xf32, #tpu.memory_space<vmem_shared>>
        %dma_wait3A_56 = arith.constant 0 : i32
        %dma_wait3A_57 = tpu.memref_slice %arg11[%add3A_42, %dma_wait3A_56] : memref<10000x128xf32, #tpu.memory_space<vmem_shared>> -> memref<112x128xf32, #tpu.memory_space<vmem_shared>>
        %dma_wait3A_58 = arith.constant 0 : i32
        %dma_wait3A_59 = arith.constant 0 : i32
        %dma_wait3A_60 = tpu.memref_slice %arg10[%dma_wait3A_58, %dma_wait3A_59] : memref<128x128xf32, #tpu.memory_space<vmem>> -> memref<112x128xf32, #tpu.memory_space<vmem>>
        tpu.wait_dma2 semaphore(%run_scoped3A : memref<!tpu.dma_semaphore, #tpu.memory_space<semaphore_mem>>) src(%dma_wait3A_60 : memref<112x128xf32, #tpu.memory_space<vmem>>) dst(%dma_wait3A_57 : memref<112x128xf32, #tpu.memory_space<vmem_shared>>)
        tpu.yield
      }) : () -> ()
    } else {
    }
    %eq3A = arith.constant 15 : i32
    %eq3A_8 = arith.cmpi eq, %arg1, %eq3A : i32
    %convert_element_type3A_9 = arith.extui %eq3A_8 : i1 to i32
    %cond3A_10 = arith.constant 0 : i32
    %cond3A_11 = arith.cmpi ne, %convert_element_type3A_9, %cond3A_10 : i32
    scf.if %cond3A_11 {
      %add3A_33 = arith.constant 0 : i32
      %add3A_34 = arith.addi %mul3A_5, %add3A_33 : i32
      "tpu.region"() ({
        %run_scoped3A = tpu.sem_alloc : memref<!tpu.dma_semaphore, #tpu.memory_space<semaphore_mem>>
        %dma_start3A = arith.constant 0 : i32
        %dma_start3A_43 = tpu.memref_slice %arg11[%add3A_34, %dma_start3A] : memref<10000x128xf32, #tpu.memory_space<vmem_shared>> -> memref<128x128xf32, #tpu.memory_space<vmem_shared>>
        %dma_start3A_44 = arith.constant 0 : i32
        %dma_start3A_45 = tpu.memref_slice %arg11[%add3A_34, %dma_start3A_44] : memref<10000x128xf32, #tpu.memory_space<vmem_shared>> -> memref<128x128xf32, #tpu.memory_space<vmem_shared>>
        tpu.enqueue_dma source(%arg10 : memref<128x128xf32, #tpu.memory_space<vmem>>) target(%dma_start3A_45 : memref<128x128xf32, #tpu.memory_space<vmem_shared>>) target_semaphore(%run_scoped3A : memref<!tpu.dma_semaphore, #tpu.memory_space<semaphore_mem>>)
        %dma_wait3A = arith.constant 0 : i32
        %dma_wait3A_46 = tpu.memref_slice %arg11[%add3A_34, %dma_wait3A] : memref<10000x128xf32, #tpu.memory_space<vmem_shared>> -> memref<128x128xf32, #tpu.memory_space<vmem_shared>>
        %dma_wait3A_47 = arith.constant 0 : i32
        %dma_wait3A_48 = tpu.memref_slice %arg11[%add3A_34, %dma_wait3A_47] : memref<10000x128xf32, #tpu.memory_space<vmem_shared>> -> memref<128x128xf32, #tpu.memory_space<vmem_shared>>
        tpu.wait_dma2 semaphore(%run_scoped3A : memref<!tpu.dma_semaphore, #tpu.memory_space<semaphore_mem>>) src(%arg10 : memref<128x128xf32, #tpu.memory_space<vmem>>) dst(%dma_wait3A_48 : memref<128x128xf32, #tpu.memory_space<vmem_shared>>)
        tpu.yield
      }) : () -> ()
      %add3A_35 = arith.constant 128 : i32
      %add3A_36 = arith.addi %mul3A_5, %add3A_35 : i32
      "tpu.region"() ({
        %run_scoped3A = tpu.sem_alloc : memref<!tpu.dma_semaphore, #tpu.memory_space<semaphore_mem>>
        %dma_start3A = arith.constant 0 : i32
        %dma_start3A_43 = tpu.memref_slice %arg11[%add3A_36, %dma_start3A] : memref<10000x128xf32, #tpu.memory_space<vmem_shared>> -> memref<128x128xf32, #tpu.memory_space<vmem_shared>>
        %dma_start3A_44 = arith.constant 0 : i32
        %dma_start3A_45 = tpu.memref_slice %arg11[%add3A_36, %dma_start3A_44] : memref<10000x128xf32, #tpu.memory_space<vmem_shared>> -> memref<128x128xf32, #tpu.memory_space<vmem_shared>>
        tpu.enqueue_dma source(%arg10 : memref<128x128xf32, #tpu.memory_space<vmem>>) target(%dma_start3A_45 : memref<128x128xf32, #tpu.memory_space<vmem_shared>>) target_semaphore(%run_scoped3A : memref<!tpu.dma_semaphore, #tpu.memory_space<semaphore_mem>>)
        %dma_wait3A = arith.constant 0 : i32
        %dma_wait3A_46 = tpu.memref_slice %arg11[%add3A_36, %dma_wait3A] : memref<10000x128xf32, #tpu.memory_space<vmem_shared>> -> memref<128x128xf32, #tpu.memory_space<vmem_shared>>
        %dma_wait3A_47 = arith.constant 0 : i32
        %dma_wait3A_48 = tpu.memref_slice %arg11[%add3A_36, %dma_wait3A_47] : memref<10000x128xf32, #tpu.memory_space<vmem_shared>> -> memref<128x128xf32, #tpu.memory_space<vmem_shared>>
        tpu.wait_dma2 semaphore(%run_scoped3A : memref<!tpu.dma_semaphore, #tpu.memory_space<semaphore_mem>>) src(%arg10 : memref<128x128xf32, #tpu.memory_space<vmem>>) dst(%dma_wait3A_48 : memref<128x128xf32, #tpu.memory_space<vmem_shared>>)
        tpu.yield
      }) : () -> ()
      %add3A_37 = arith.constant 256 : i32
      %add3A_38 = arith.addi %mul3A_5, %add3A_37 : i32
      "tpu.region"() ({
        %run_scoped3A = tpu.sem_alloc : memref<!tpu.dma_semaphore, #tpu.memory_space<semaphore_mem>>
        %dma_start3A = arith.constant 0 : i32
        %dma_start3A_43 = tpu.memref_slice %arg11[%add3A_38, %dma_start3A] : memref<10000x128xf32, #tpu.memory_space<vmem_shared>> -> memref<128x128xf32, #tpu.memory_space<vmem_shared>>
        %dma_start3A_44 = arith.constant 0 : i32
        %dma_start3A_45 = tpu.memref_slice %arg11[%add3A_38, %dma_start3A_44] : memref<10000x128xf32, #tpu.memory_space<vmem_shared>> -> memref<128x128xf32, #tpu.memory_space<vmem_shared>>
        tpu.enqueue_dma source(%arg10 : memref<128x128xf32, #tpu.memory_space<vmem>>) target(%dma_start3A_45 : memref<128x128xf32, #tpu.memory_space<vmem_shared>>) target_semaphore(%run_scoped3A : memref<!tpu.dma_semaphore, #tpu.memory_space<semaphore_mem>>)
        %dma_wait3A = arith.constant 0 : i32
        %dma_wait3A_46 = tpu.memref_slice %arg11[%add3A_38, %dma_wait3A] : memref<10000x128xf32, #tpu.memory_space<vmem_shared>> -> memref<128x128xf32, #tpu.memory_space<vmem_shared>>
        %dma_wait3A_47 = arith.constant 0 : i32
        %dma_wait3A_48 = tpu.memref_slice %arg11[%add3A_38, %dma_wait3A_47] : memref<10000x128xf32, #tpu.memory_space<vmem_shared>> -> memref<128x128xf32, #tpu.memory_space<vmem_shared>>
        tpu.wait_dma2 semaphore(%run_scoped3A : memref<!tpu.dma_semaphore, #tpu.memory_space<semaphore_mem>>) src(%arg10 : memref<128x128xf32, #tpu.memory_space<vmem>>) dst(%dma_wait3A_48 : memref<128x128xf32, #tpu.memory_space<vmem_shared>>)
        tpu.yield
      }) : () -> ()
      %add3A_39 = arith.constant 384 : i32
      %add3A_40 = arith.addi %mul3A_5, %add3A_39 : i32
      "tpu.region"() ({
        %run_scoped3A = tpu.sem_alloc : memref<!tpu.dma_semaphore, #tpu.memory_space<semaphore_mem>>
        %dma_start3A = arith.constant 0 : i32
        %dma_start3A_43 = tpu.memref_slice %arg11[%add3A_40, %dma_start3A] : memref<10000x128xf32, #tpu.memory_space<vmem_shared>> -> memref<128x128xf32, #tpu.memory_space<vmem_shared>>
        %dma_start3A_44 = arith.constant 0 : i32
        %dma_start3A_45 = tpu.memref_slice %arg11[%add3A_40, %dma_start3A_44] : memref<10000x128xf32, #tpu.memory_space<vmem_shared>> -> memref<128x128xf32, #tpu.memory_space<vmem_shared>>
        tpu.enqueue_dma source(%arg10 : memref<128x128xf32, #tpu.memory_space<vmem>>) target(%dma_start3A_45 : memref<128x128xf32, #tpu.memory_space<vmem_shared>>) target_semaphore(%run_scoped3A : memref<!tpu.dma_semaphore, #tpu.memory_space<semaphore_mem>>)
        %dma_wait3A = arith.constant 0 : i32
        %dma_wait3A_46 = tpu.memref_slice %arg11[%add3A_40, %dma_wait3A] : memref<10000x128xf32, #tpu.memory_space<vmem_shared>> -> memref<128x128xf32, #tpu.memory_space<vmem_shared>>
        %dma_wait3A_47 = arith.constant 0 : i32
        %dma_wait3A_48 = tpu.memref_slice %arg11[%add3A_40, %dma_wait3A_47] : memref<10000x128xf32, #tpu.memory_space<vmem_shared>> -> memref<128x128xf32, #tpu.memory_space<vmem_shared>>
        tpu.wait_dma2 semaphore(%run_scoped3A : memref<!tpu.dma_semaphore, #tpu.memory_space<semaphore_mem>>) src(%arg10 : memref<128x128xf32, #tpu.memory_space<vmem>>) dst(%dma_wait3A_48 : memref<128x128xf32, #tpu.memory_space<vmem_shared>>)
        tpu.yield
      }) : () -> ()
      %add3A_41 = arith.constant 512 : i32
      %add3A_42 = arith.addi %mul3A_5, %add3A_41 : i32
      "tpu.region"() ({
        %run_scoped3A = tpu.sem_alloc : memref<!tpu.dma_semaphore, #tpu.memory_space<semaphore_mem>>
        %dma_start3A = arith.constant 0 : i32
        %dma_start3A_43 = tpu.memref_slice %arg11[%add3A_42, %dma_start3A] : memref<10000x128xf32, #tpu.memory_space<vmem_shared>> -> memref<128x128xf32, #tpu.memory_space<vmem_shared>>
        %dma_start3A_44 = arith.constant 0 : i32
        %dma_start3A_45 = tpu.memref_slice %arg11[%add3A_42, %dma_start3A_44] : memref<10000x128xf32, #tpu.memory_space<vmem_shared>> -> memref<128x128xf32, #tpu.memory_space<vmem_shared>>
        tpu.enqueue_dma source(%arg10 : memref<128x128xf32, #tpu.memory_space<vmem>>) target(%dma_start3A_45 : memref<128x128xf32, #tpu.memory_space<vmem_shared>>) target_semaphore(%run_scoped3A : memref<!tpu.dma_semaphore, #tpu.memory_space<semaphore_mem>>)
        %dma_wait3A = arith.constant 0 : i32
        %dma_wait3A_46 = tpu.memref_slice %arg11[%add3A_42, %dma_wait3A] : memref<10000x128xf32, #tpu.memory_space<vmem_shared>> -> memref<128x128xf32, #tpu.memory_space<vmem_shared>>
        %dma_wait3A_47 = arith.constant 0 : i32
        %dma_wait3A_48 = tpu.memref_slice %arg11[%add3A_42, %dma_wait3A_47] : memref<10000x128xf32, #tpu.memory_space<vmem_shared>> -> memref<128x128xf32, #tpu.memory_space<vmem_shared>>
        tpu.wait_dma2 semaphore(%run_scoped3A : memref<!tpu.dma_semaphore, #tpu.memory_space<semaphore_mem>>) src(%arg10 : memref<128x128xf32, #tpu.memory_space<vmem>>) dst(%dma_wait3A_48 : memref<128x128xf32, #tpu.memory_space<vmem_shared>>)
        tpu.yield
      }) : () -> ()
    } else {
    }
    %barrier3A = arith.constant 0 : index
    tpu.barrier barrier_id(%barrier3A)
    %mul3A_12 = arith.constant 10240 : i32
    %mul3A_13 = arith.muli %arg1, %mul3A_12 : i32
    %scan3A_14 = arith.constant 0 : i32
    %scan3A_15 = arith.constant 0 : i32
    %scan3A_16 = arith.constant 80 : i32
    %scan3A_17 = arith.addi %scan3A_15, %scan3A_16 : i32
    %scan3A_18 = arith.constant 1 : i32
    scf.for %scan3A_33 = %scan3A_15 to %scan3A_17 step %scan3A_18  : i32 {
      %mul3A_34 = arith.constant 128 : i32
      %mul3A_35 = arith.muli %scan3A_33, %mul3A_34 : i32
      %add3A_36 = arith.addi %mul3A_13, %mul3A_35 : i32
      "tpu.region"() ({
        %run_scoped3A = tpu.sem_alloc : memref<!tpu.dma_semaphore, #tpu.memory_space<semaphore_mem>>
        %dma_start3A_95 = tpu.memref_slice %arg3[%add3A_36] : memref<163840xi32, #tpu.memory_space<hbm>> -> memref<128xi32, #tpu.memory_space<hbm>>
        %dma_start3A_96 = tpu.memref_slice %arg3[%add3A_36] : memref<163840xi32, #tpu.memory_space<hbm>> -> memref<128xi32, #tpu.memory_space<hbm>>
        tpu.enqueue_dma source(%dma_start3A_96 : memref<128xi32, #tpu.memory_space<hbm>>) target(%arg7 : memref<128xi32, #tpu.memory_space<vmem>>) target_semaphore(%run_scoped3A : memref<!tpu.dma_semaphore, #tpu.memory_space<semaphore_mem>>)
        %dma_wait3A_97 = tpu.memref_slice %arg3[%add3A_36] : memref<163840xi32, #tpu.memory_space<hbm>> -> memref<128xi32, #tpu.memory_space<hbm>>
        %dma_wait3A_98 = tpu.memref_slice %arg3[%add3A_36] : memref<163840xi32, #tpu.memory_space<hbm>> -> memref<128xi32, #tpu.memory_space<hbm>>
        tpu.wait_dma2 semaphore(%run_scoped3A : memref<!tpu.dma_semaphore, #tpu.memory_space<semaphore_mem>>) src(%dma_wait3A_98 : memref<128xi32, #tpu.memory_space<hbm>>) dst(%arg7 : memref<128xi32, #tpu.memory_space<vmem>>)
        tpu.yield
      }) : () -> ()
      "tpu.region"() ({
        %run_scoped3A = tpu.sem_alloc : memref<!tpu.dma_semaphore, #tpu.memory_space<semaphore_mem>>
        %dma_start3A_95 = tpu.memref_slice %arg4[%add3A_36] : memref<163840xi32, #tpu.memory_space<hbm>> -> memref<128xi32, #tpu.memory_space<hbm>>
        %dma_start3A_96 = tpu.memref_slice %arg4[%add3A_36] : memref<163840xi32, #tpu.memory_space<hbm>> -> memref<128xi32, #tpu.memory_space<hbm>>
        tpu.enqueue_dma source(%dma_start3A_96 : memref<128xi32, #tpu.memory_space<hbm>>) target(%arg8 : memref<128xi32, #tpu.memory_space<vmem>>) target_semaphore(%run_scoped3A : memref<!tpu.dma_semaphore, #tpu.memory_space<semaphore_mem>>)
        %dma_wait3A_97 = tpu.memref_slice %arg4[%add3A_36] : memref<163840xi32, #tpu.memory_space<hbm>> -> memref<128xi32, #tpu.memory_space<hbm>>
        %dma_wait3A_98 = tpu.memref_slice %arg4[%add3A_36] : memref<163840xi32, #tpu.memory_space<hbm>> -> memref<128xi32, #tpu.memory_space<hbm>>
        tpu.wait_dma2 semaphore(%run_scoped3A : memref<!tpu.dma_semaphore, #tpu.memory_space<semaphore_mem>>) src(%dma_wait3A_98 : memref<128xi32, #tpu.memory_space<hbm>>) dst(%arg8 : memref<128xi32, #tpu.memory_space<vmem>>)
        tpu.yield
      }) : () -> ()
      "tpu.region"() ({
        %run_scoped3A = tpu.sem_alloc : memref<!tpu.dma_semaphore, #tpu.memory_space<semaphore_mem>>
        %dma_start3A_95 = tpu.memref_slice %arg5[%add3A_36] : memref<163840xf32, #tpu.memory_space<hbm>> -> memref<128xf32, #tpu.memory_space<hbm>>
        %dma_start3A_96 = tpu.memref_slice %arg5[%add3A_36] : memref<163840xf32, #tpu.memory_space<hbm>> -> memref<128xf32, #tpu.memory_space<hbm>>
        tpu.enqueue_dma source(%dma_start3A_96 : memref<128xf32, #tpu.memory_space<hbm>>) target(%arg9 : memref<128xf32, #tpu.memory_space<vmem>>) target_semaphore(%run_scoped3A : memref<!tpu.dma_semaphore, #tpu.memory_space<semaphore_mem>>)
        %dma_wait3A_97 = tpu.memref_slice %arg5[%add3A_36] : memref<163840xf32, #tpu.memory_space<hbm>> -> memref<128xf32, #tpu.memory_space<hbm>>
        %dma_wait3A_98 = tpu.memref_slice %arg5[%add3A_36] : memref<163840xf32, #tpu.memory_space<hbm>> -> memref<128xf32, #tpu.memory_space<hbm>>
        tpu.wait_dma2 semaphore(%run_scoped3A : memref<!tpu.dma_semaphore, #tpu.memory_space<semaphore_mem>>) src(%dma_wait3A_98 : memref<128xf32, #tpu.memory_space<hbm>>) dst(%arg9 : memref<128xf32, #tpu.memory_space<vmem>>)
        tpu.yield
      }) : () -> ()
      %mul3A_37 = arith.constant 10000 : i32
      %mul3A_38 = arith.muli %arg0, %mul3A_37 : i32
      %get3A = arith.constant 0 : index
      %get3A_39 = tpu.vector_load %arg7[%get3A] {strides = array<i32>} : memref<128xi32, #tpu.memory_space<vmem>>, vector<16xi32>,
      %add3A_40 = vector.broadcast %mul3A_38 : i32 to vector<16xi32>
      %add3A_41 = arith.addi %get3A_39, %add3A_40 : vector<16xi32>
      %swap3A = arith.constant 0 : index
      %swap3A_42 = tpu.vector_load %arg7[%swap3A] {strides = array<i32>} : memref<128xi32, #tpu.memory_space<vmem>>, vector<16xi32>,
      tpu.vector_store %arg7[%swap3A], %add3A_41 {strides = array<i32>} : memref<128xi32, #tpu.memory_space<vmem>>, vector<16xi32>,
      %get3A_43 = arith.constant 16 : index
      %get3A_44 = tpu.vector_load %arg7[%get3A_43] {strides = array<i32>} : memref<128xi32, #tpu.memory_space<vmem>>, vector<16xi32>,
      %add3A_45 = vector.broadcast %mul3A_38 : i32 to vector<16xi32>
      %add3A_46 = arith.addi %get3A_44, %add3A_45 : vector<16xi32>
      %swap3A_47 = arith.constant 16 : index
      %swap3A_48 = tpu.vector_load %arg7[%swap3A_47] {strides = array<i32>} : memref<128xi32, #tpu.memory_space<vmem>>, vector<16xi32>,
      tpu.vector_store %arg7[%swap3A_47], %add3A_46 {strides = array<i32>} : memref<128xi32, #tpu.memory_space<vmem>>, vector<16xi32>,
      %get3A_49 = arith.constant 32 : index
      %get3A_50 = tpu.vector_load %arg7[%get3A_49] {strides = array<i32>} : memref<128xi32, #tpu.memory_space<vmem>>, vector<16xi32>,
      %add3A_51 = vector.broadcast %mul3A_38 : i32 to vector<16xi32>
      %add3A_52 = arith.addi %get3A_50, %add3A_51 : vector<16xi32>
      %swap3A_53 = arith.constant 32 : index
      %swap3A_54 = tpu.vector_load %arg7[%swap3A_53] {strides = array<i32>} : memref<128xi32, #tpu.memory_space<vmem>>, vector<16xi32>,
      tpu.vector_store %arg7[%swap3A_53], %add3A_52 {strides = array<i32>} : memref<128xi32, #tpu.memory_space<vmem>>, vector<16xi32>,
      %get3A_55 = arith.constant 48 : index
      %get3A_56 = tpu.vector_load %arg7[%get3A_55] {strides = array<i32>} : memref<128xi32, #tpu.memory_space<vmem>>, vector<16xi32>,
      %add3A_57 = vector.broadcast %mul3A_38 : i32 to vector<16xi32>
      %add3A_58 = arith.addi %get3A_56, %add3A_57 : vector<16xi32>
      %swap3A_59 = arith.constant 48 : index
      %swap3A_60 = tpu.vector_load %arg7[%swap3A_59] {strides = array<i32>} : memref<128xi32, #tpu.memory_space<vmem>>, vector<16xi32>,
      tpu.vector_store %arg7[%swap3A_59], %add3A_58 {strides = array<i32>} : memref<128xi32, #tpu.memory_space<vmem>>, vector<16xi32>,
      %get3A_61 = arith.constant 64 : index
      %get3A_62 = tpu.vector_load %arg7[%get3A_61] {strides = array<i32>} : memref<128xi32, #tpu.memory_space<vmem>>, vector<16xi32>,
      %add3A_63 = vector.broadcast %mul3A_38 : i32 to vector<16xi32>
      %add3A_64 = arith.addi %get3A_62, %add3A_63 : vector<16xi32>
      %swap3A_65 = arith.constant 64 : index
      %swap3A_66 = tpu.vector_load %arg7[%swap3A_65] {strides = array<i32>} : memref<128xi32, #tpu.memory_space<vmem>>, vector<16xi32>,
      tpu.vector_store %arg7[%swap3A_65], %add3A_64 {strides = array<i32>} : memref<128xi32, #tpu.memory_space<vmem>>, vector<16xi32>,
      %get3A_67 = arith.constant 80 : index
      %get3A_68 = tpu.vector_load %arg7[%get3A_67] {strides = array<i32>} : memref<128xi32, #tpu.memory_space<vmem>>, vector<16xi32>,
      %add3A_69 = vector.broadcast %mul3A_38 : i32 to vector<16xi32>
      %add3A_70 = arith.addi %get3A_68, %add3A_69 : vector<16xi32>
      %swap3A_71 = arith.constant 80 : index
      %swap3A_72 = tpu.vector_load %arg7[%swap3A_71] {strides = array<i32>} : memref<128xi32, #tpu.memory_space<vmem>>, vector<16xi32>,
      tpu.vector_store %arg7[%swap3A_71], %add3A_70 {strides = array<i32>} : memref<128xi32, #tpu.memory_space<vmem>>, vector<16xi32>,
      %get3A_73 = arith.constant 96 : index
      %get3A_74 = tpu.vector_load %arg7[%get3A_73] {strides = array<i32>} : memref<128xi32, #tpu.memory_space<vmem>>, vector<16xi32>,
      %add3A_75 = vector.broadcast %mul3A_38 : i32 to vector<16xi32>
      %add3A_76 = arith.addi %get3A_74, %add3A_75 : vector<16xi32>
      %swap3A_77 = arith.constant 96 : index
      %swap3A_78 = tpu.vector_load %arg7[%swap3A_77] {strides = array<i32>} : memref<128xi32, #tpu.memory_space<vmem>>, vector<16xi32>,
      tpu.vector_store %arg7[%swap3A_77], %add3A_76 {strides = array<i32>} : memref<128xi32, #tpu.memory_space<vmem>>, vector<16xi32>,
      %get3A_79 = arith.constant 112 : index
      %get3A_80 = tpu.vector_load %arg7[%get3A_79] {strides = array<i32>} : memref<128xi32, #tpu.memory_space<vmem>>, vector<16xi32>,
      %add3A_81 = vector.broadcast %mul3A_38 : i32 to vector<16xi32>
      %add3A_82 = arith.addi %get3A_80, %add3A_81 : vector<16xi32>
      %swap3A_83 = arith.constant 112 : index
      %swap3A_84 = tpu.vector_load %arg7[%swap3A_83] {strides = array<i32>} : memref<128xi32, #tpu.memory_space<vmem>>, vector<16xi32>,
      tpu.vector_store %arg7[%swap3A_83], %add3A_82 {strides = array<i32>} : memref<128xi32, #tpu.memory_space<vmem>>, vector<16xi32>,
      %dma_start3A = arith.constant 0 : i32
      %dma_start3A_85 = arith.constant 0 : i32
      %dma_start3A_86 = tpu.memref_slice %arg2[%dma_start3A, %dma_start3A_85] : memref<20000x128xf32, #tpu.memory_space<hbm>> -> memref<20000x128xf32, #tpu.memory_space<hbm>>
      tpu.enqueue_indirect_dma source(%dma_start3A_86 : memref<20000x128xf32, #tpu.memory_space<hbm>>) target(%arg10 : memref<128x128xf32, #tpu.memory_space<vmem>>) offsets(%arg7 : memref<128xi32, #tpu.memory_space<vmem>>) semaphore(%arg12 : memref<!tpu.dma_semaphore, #tpu.memory_space<semaphore_mem>>)
      %dma_wait3A = arith.constant 0 : i32
      %dma_wait3A_87 = arith.constant 0 : i32
      %dma_wait3A_88 = tpu.memref_slice %arg2[%dma_wait3A, %dma_wait3A_87] : memref<20000x128xf32, #tpu.memory_space<hbm>> -> memref<20000x128xf32, #tpu.memory_space<hbm>>
      tpu.wait_indirect_dma semaphore(%arg12 : memref<!tpu.dma_semaphore, #tpu.memory_space<semaphore_mem>>) src(%dma_wait3A_88 : memref<20000x128xf32, #tpu.memory_space<hbm>>) dst(%arg10 : memref<128x128xf32, #tpu.memory_space<vmem>>)
      %scan3A_89 = arith.constant 0 : i32
      %scan3A_90 = arith.constant 0 : i32
      %scan3A_91 = arith.constant 128 : i32
      %scan3A_92 = arith.addi %scan3A_90, %scan3A_91 : i32
      %scan3A_93 = arith.constant 1 : i32
      scf.for %scan3A_95 = %scan3A_90 to %scan3A_92 step %scan3A_93  : i32 {
        %broadcast_in_dim3A = arith.constant 0 : i32
        %broadcast_in_dim3A_96 = vector.broadcast %broadcast_in_dim3A : i32 to vector<16xi32>
        %add3A_97 = vector.broadcast %scan3A_95 : i32 to vector<16xi32>
        %add3A_98 = arith.addi %broadcast_in_dim3A_96, %add3A_97 : vector<16xi32>
        %gather3A = tpu.vector_load_idx %arg9[%add3A_98] : memref<128xf32, #tpu.memory_space<vmem>>[vector<16xi32>], vector<16xf32>,
        %get3A_99 = arith.index_cast %scan3A_95 : i32 to index
        %get3A_100 = arith.constant 0 : index
        %get3A_101 = tpu.vector_load %arg10[%get3A_99, %get3A_100] {strides = array<i32>} : memref<128x128xf32, #tpu.memory_space<vmem>>, vector<16xf32>,
        %mul3A_102 = arith.mulf %get3A_101, %gather3A : vector<16xf32>
        %swap3A_103 = arith.index_cast %scan3A_95 : i32 to index
        %swap3A_104 = arith.constant 0 : index
        %swap3A_105 = tpu.vector_load %arg10[%swap3A_103, %swap3A_104] {strides = array<i32>} : memref<128x128xf32, #tpu.memory_space<vmem>>, vector<16xf32>,
        tpu.vector_store %arg10[%swap3A_103, %swap3A_104], %mul3A_102 {strides = array<i32>} : memref<128x128xf32, #tpu.memory_space<vmem>>, vector<16xf32>,
        %get3A_106 = arith.index_cast %scan3A_95 : i32 to index
        %get3A_107 = arith.constant 16 : index
        %get3A_108 = tpu.vector_load %arg10[%get3A_106, %get3A_107] {strides = array<i32>} : memref<128x128xf32, #tpu.memory_space<vmem>>, vector<16xf32>,
        %mul3A_109 = arith.mulf %get3A_108, %gather3A : vector<16xf32>
        %swap3A_110 = arith.index_cast %scan3A_95 : i32 to index
        %swap3A_111 = arith.constant 16 : index
        %swap3A_112 = tpu.vector_load %arg10[%swap3A_110, %swap3A_111] {strides = array<i32>} : memref<128x128xf32, #tpu.memory_space<vmem>>, vector<16xf32>,
        tpu.vector_store %arg10[%swap3A_110, %swap3A_111], %mul3A_109 {strides = array<i32>} : memref<128x128xf32, #tpu.memory_space<vmem>>, vector<16xf32>,
        %get3A_113 = arith.index_cast %scan3A_95 : i32 to index
        %get3A_114 = arith.constant 32 : index
        %get3A_115 = tpu.vector_load %arg10[%get3A_113, %get3A_114] {strides = array<i32>} : memref<128x128xf32, #tpu.memory_space<vmem>>, vector<16xf32>,
        %mul3A_116 = arith.mulf %get3A_115, %gather3A : vector<16xf32>
        %swap3A_117 = arith.index_cast %scan3A_95 : i32 to index
        %swap3A_118 = arith.constant 32 : index
        %swap3A_119 = tpu.vector_load %arg10[%swap3A_117, %swap3A_118] {strides = array<i32>} : memref<128x128xf32, #tpu.memory_space<vmem>>, vector<16xf32>,
        tpu.vector_store %arg10[%swap3A_117, %swap3A_118], %mul3A_116 {strides = array<i32>} : memref<128x128xf32, #tpu.memory_space<vmem>>, vector<16xf32>,
        %get3A_120 = arith.index_cast %scan3A_95 : i32 to index
        %get3A_121 = arith.constant 48 : index
        %get3A_122 = tpu.vector_load %arg10[%get3A_120, %get3A_121] {strides = array<i32>} : memref<128x128xf32, #tpu.memory_space<vmem>>, vector<16xf32>,
        %mul3A_123 = arith.mulf %get3A_122, %gather3A : vector<16xf32>
        %swap3A_124 = arith.index_cast %scan3A_95 : i32 to index
        %swap3A_125 = arith.constant 48 : index
        %swap3A_126 = tpu.vector_load %arg10[%swap3A_124, %swap3A_125] {strides = array<i32>} : memref<128x128xf32, #tpu.memory_space<vmem>>, vector<16xf32>,
        tpu.vector_store %arg10[%swap3A_124, %swap3A_125], %mul3A_123 {strides = array<i32>} : memref<128x128xf32, #tpu.memory_space<vmem>>, vector<16xf32>,
        %get3A_127 = arith.index_cast %scan3A_95 : i32 to index
        %get3A_128 = arith.constant 64 : index
        %get3A_129 = tpu.vector_load %arg10[%get3A_127, %get3A_128] {strides = array<i32>} : memref<128x128xf32, #tpu.memory_space<vmem>>, vector<16xf32>,
        %mul3A_130 = arith.mulf %get3A_129, %gather3A : vector<16xf32>
        %swap3A_131 = arith.index_cast %scan3A_95 : i32 to index
        %swap3A_132 = arith.constant 64 : index
        %swap3A_133 = tpu.vector_load %arg10[%swap3A_131, %swap3A_132] {strides = array<i32>} : memref<128x128xf32, #tpu.memory_space<vmem>>, vector<16xf32>,
        tpu.vector_store %arg10[%swap3A_131, %swap3A_132], %mul3A_130 {strides = array<i32>} : memref<128x128xf32, #tpu.memory_space<vmem>>, vector<16xf32>,
        %get3A_134 = arith.index_cast %scan3A_95 : i32 to index
        %get3A_135 = arith.constant 80 : index
        %get3A_136 = tpu.vector_load %arg10[%get3A_134, %get3A_135] {strides = array<i32>} : memref<128x128xf32, #tpu.memory_space<vmem>>, vector<16xf32>,
        %mul3A_137 = arith.mulf %get3A_136, %gather3A : vector<16xf32>
        %swap3A_138 = arith.index_cast %scan3A_95 : i32 to index
        %swap3A_139 = arith.constant 80 : index
        %swap3A_140 = tpu.vector_load %arg10[%swap3A_138, %swap3A_139] {strides = array<i32>} : memref<128x128xf32, #tpu.memory_space<vmem>>, vector<16xf32>,
        tpu.vector_store %arg10[%swap3A_138, %swap3A_139], %mul3A_137 {strides = array<i32>} : memref<128x128xf32, #tpu.memory_space<vmem>>, vector<16xf32>,
        %get3A_141 = arith.index_cast %scan3A_95 : i32 to index
        %get3A_142 = arith.constant 96 : index
        %get3A_143 = tpu.vector_load %arg10[%get3A_141, %get3A_142] {strides = array<i32>} : memref<128x128xf32, #tpu.memory_space<vmem>>, vector<16xf32>,
        %mul3A_144 = arith.mulf %get3A_143, %gather3A : vector<16xf32>
        %swap3A_145 = arith.index_cast %scan3A_95 : i32 to index
        %swap3A_146 = arith.constant 96 : index
        %swap3A_147 = tpu.vector_load %arg10[%swap3A_145, %swap3A_146] {strides = array<i32>} : memref<128x128xf32, #tpu.memory_space<vmem>>, vector<16xf32>,
        tpu.vector_store %arg10[%swap3A_145, %swap3A_146], %mul3A_144 {strides = array<i32>} : memref<128x128xf32, #tpu.memory_space<vmem>>, vector<16xf32>,
        %get3A_148 = arith.index_cast %scan3A_95 : i32 to index
        %get3A_149 = arith.constant 112 : index
        %get3A_150 = tpu.vector_load %arg10[%get3A_148, %get3A_149] {strides = array<i32>} : memref<128x128xf32, #tpu.memory_space<vmem>>, vector<16xf32>,
        %mul3A_151 = arith.mulf %get3A_150, %gather3A : vector<16xf32>
        %swap3A_152 = arith.index_cast %scan3A_95 : i32 to index
        %swap3A_153 = arith.constant 112 : index
        %swap3A_154 = tpu.vector_load %arg10[%swap3A_152, %swap3A_153] {strides = array<i32>} : memref<128x128xf32, #tpu.memory_space<vmem>>, vector<16xf32>,
        tpu.vector_store %arg10[%swap3A_152, %swap3A_153], %mul3A_151 {strides = array<i32>} : memref<128x128xf32, #tpu.memory_space<vmem>>, vector<16xf32>,
      }
      %scan3A_94 = arith.constant 128 : i32
      "tpu.region"() ({
        %run_scoped3A = tpu.sem_alloc : memref<!tpu.dma_semaphore, #tpu.memory_space<semaphore_mem>>
        %dma_start3A_95 = arith.constant 0 : i32
        %dma_start3A_96 = arith.constant 0 : i32
        %dma_start3A_97 = tpu.memref_slice %arg11[%dma_start3A_95, %dma_start3A_96] : memref<10000x128xf32, #tpu.memory_space<vmem_shared>> -> memref<10000x128xf32, #tpu.memory_space<vmem_shared>>
        tpu.enqueue_indirect_dma source(%arg10 : memref<128x128xf32, #tpu.memory_space<vmem>>) target(%dma_start3A_97 : memref<10000x128xf32, #tpu.memory_space<vmem_shared>>) offsets(%arg8 : memref<128xi32, #tpu.memory_space<vmem>>) semaphore(%run_scoped3A : memref<!tpu.dma_semaphore, #tpu.memory_space<semaphore_mem>>) {add = true}
        %dma_wait3A_98 = arith.constant 0 : i32
        %dma_wait3A_99 = arith.constant 0 : i32
        %dma_wait3A_100 = tpu.memref_slice %arg11[%dma_wait3A_98, %dma_wait3A_99] : memref<10000x128xf32, #tpu.memory_space<vmem_shared>> -> memref<10000x128xf32, #tpu.memory_space<vmem_shared>>
        tpu.wait_indirect_dma semaphore(%run_scoped3A : memref<!tpu.dma_semaphore, #tpu.memory_space<semaphore_mem>>) src(%arg10 : memref<128x128xf32, #tpu.memory_space<vmem>>) dst(%dma_wait3A_100 : memref<10000x128xf32, #tpu.memory_space<vmem_shared>>)
        tpu.yield
      }) : () -> ()
    }
    %scan3A_19 = arith.constant 80 : i32
    %barrier3A_20 = arith.constant 0 : index
    tpu.barrier barrier_id(%barrier3A_20)
    %mul3A_21 = arith.constant 10000 : i32
    %mul3A_22 = arith.muli %arg0, %mul3A_21 : i32
    %add3A = arith.addi %mul3A_22, %mul3A_5 : i32
    %lt3A_23 = arith.constant 15 : i32
    %lt3A_24 = arith.cmpi slt, %arg1, %lt3A_23 : i32
    %convert_element_type3A_25 = arith.extui %lt3A_24 : i1 to i32
    %cond3A_26 = arith.constant 0 : i32
    %cond3A_27 = arith.cmpi ne, %convert_element_type3A_25, %cond3A_26 : i32
    scf.if %cond3A_27 {
      "tpu.region"() ({
        %run_scoped3A = tpu.sem_alloc : memref<!tpu.dma_semaphore, #tpu.memory_space<semaphore_mem>>
        %dma_start3A = arith.constant 0 : i32
        %dma_start3A_33 = tpu.memref_slice %arg6[%add3A, %dma_start3A] : memref<20000x128xf32, #tpu.memory_space<hbm>> -> memref<624x128xf32, #tpu.memory_space<hbm>>
        %dma_start3A_34 = arith.constant 0 : i32
        %dma_start3A_35 = tpu.memref_slice %arg11[%mul3A_5, %dma_start3A_34] : memref<10000x128xf32, #tpu.memory_space<vmem_shared>> -> memref<624x128xf32, #tpu.memory_space<vmem_shared>>
        tpu.enqueue_dma source(%dma_start3A_35 : memref<624x128xf32, #tpu.memory_space<vmem_shared>>) target(%dma_start3A_33 : memref<624x128xf32, #tpu.memory_space<hbm>>) target_semaphore(%run_scoped3A : memref<!tpu.dma_semaphore, #tpu.memory_space<semaphore_mem>>)
        %dma_wait3A = arith.constant 0 : i32
        %dma_wait3A_36 = tpu.memref_slice %arg6[%add3A, %dma_wait3A] : memref<20000x128xf32, #tpu.memory_space<hbm>> -> memref<624x128xf32, #tpu.memory_space<hbm>>
        %dma_wait3A_37 = arith.constant 0 : i32
        %dma_wait3A_38 = tpu.memref_slice %arg11[%mul3A_5, %dma_wait3A_37] : memref<10000x128xf32, #tpu.memory_space<vmem_shared>> -> memref<624x128xf32, #tpu.memory_space<vmem_shared>>
        tpu.wait_dma2 semaphore(%run_scoped3A : memref<!tpu.dma_semaphore, #tpu.memory_space<semaphore_mem>>) src(%dma_wait3A_38 : memref<624x128xf32, #tpu.memory_space<vmem_shared>>) dst(%dma_wait3A_36 : memref<624x128xf32, #tpu.memory_space<hbm>>)
        tpu.yield
      }) : () -> ()
    } else {
    }
    %eq3A_28 = arith.constant 15 : i32
    %eq3A_29 = arith.cmpi eq, %arg1, %eq3A_28 : i32
    %convert_element_type3A_30 = arith.extui %eq3A_29 : i1 to i32
    %cond3A_31 = arith.constant 0 : i32
    %cond3A_32 = arith.cmpi ne, %convert_element_type3A_30, %cond3A_31 : i32
    scf.if %cond3A_32 {
      "tpu.region"() ({
        %run_scoped3A = tpu.sem_alloc : memref<!tpu.dma_semaphore, #tpu.memory_space<semaphore_mem>>
        %dma_start3A = arith.constant 0 : i32
        %dma_start3A_33 = tpu.memref_slice %arg6[%add3A, %dma_start3A] : memref<20000x128xf32, #tpu.memory_space<hbm>> -> memref<640x128xf32, #tpu.memory_space<hbm>>
        %dma_start3A_34 = arith.constant 0 : i32
        %dma_start3A_35 = tpu.memref_slice %arg11[%mul3A_5, %dma_start3A_34] : memref<10000x128xf32, #tpu.memory_space<vmem_shared>> -> memref<640x128xf32, #tpu.memory_space<vmem_shared>>
        tpu.enqueue_dma source(%dma_start3A_35 : memref<640x128xf32, #tpu.memory_space<vmem_shared>>) target(%dma_start3A_33 : memref<640x128xf32, #tpu.memory_space<hbm>>) target_semaphore(%run_scoped3A : memref<!tpu.dma_semaphore, #tpu.memory_space<semaphore_mem>>)
        %dma_wait3A = arith.constant 0 : i32
        %dma_wait3A_36 = tpu.memref_slice %arg6[%add3A, %dma_wait3A] : memref<20000x128xf32, #tpu.memory_space<hbm>> -> memref<640x128xf32, #tpu.memory_space<hbm>>
        %dma_wait3A_37 = arith.constant 0 : i32
        %dma_wait3A_38 = tpu.memref_slice %arg11[%mul3A_5, %dma_wait3A_37] : memref<10000x128xf32, #tpu.memory_space<vmem_shared>> -> memref<640x128xf32, #tpu.memory_space<vmem_shared>>
        tpu.wait_dma2 semaphore(%run_scoped3A : memref<!tpu.dma_semaphore, #tpu.memory_space<semaphore_mem>>) src(%dma_wait3A_38 : memref<640x128xf32, #tpu.memory_space<vmem_shared>>) dst(%dma_wait3A_36 : memref<640x128xf32, #tpu.memory_space<hbm>>)
        tpu.yield
      }) : () -> ()
    } else {
    }
    return
  }
}

module attributes {stable_mosaic.version = 14 : i64} {
  func.func @body(%arg0: i32, %arg1: memref<2000x256xf32, #tpu.memory_space<vmem>>, %arg2: memref<256x128xf32, #tpu.memory_space<vmem>>, %arg3: memref<2000x128xf32, #tpu.memory_space<vmem>>) attributes {dimension_semantics = [#tpu.dimension_semantics<arbitrary>], iteration_bounds = array<i64: 10>, scalar_prefetch = 0 : i64, scratch_operands = 0 : i64, tpu.core_type = #tpu.core_type<tc>, window_params = [{transform_indices = @transform_0, window_bounds = array<i64: 2000, 256>}, {pipeline_mode = #tpu.pipeline_mode<synchronous>, transform_indices = @transform_1, window_bounds = array<i64: 256, 128>}, {transform_indices = @transform_2, window_bounds = array<i64: 2000, 128>}]} {
    %get3A = arith.constant 0 : index
    %get3A_0 = arith.constant 0 : index
    %get3A_1 = vector.load %arg1[%get3A, %get3A_0] : memref<2000x256xf32, #tpu.memory_space<vmem>>, vector<2000x256xf32>
    %get3A_2 = arith.constant 0 : index
    %get3A_3 = arith.constant 0 : index
    %get3A_4 = vector.load %arg2[%get3A_2, %get3A_3] : memref<256x128xf32, #tpu.memory_space<vmem>>, vector<256x128xf32>
    %dot_general3A = arith.constant dense<0.000000e+00> : vector<2000x128xf32>
    %dot_general3A_5 = tpu.matmul %get3A_1, %get3A_4, %dot_general3A {dimension_numbers = #tpu.dot_dimension_numbers<[1], [0], [0], [1], [0, 0, 1, 1], [], []>, transpose_lhs_hint = false} : vector<2000x256xf32>, vector<256x128xf32>, vector<2000x128xf32> -> vector<2000x128xf32>
    %swap3A = arith.constant 0 : index
    %swap3A_6 = arith.constant 0 : index
    %swap3A_7 = vector.load %arg3[%swap3A, %swap3A_6] : memref<2000x128xf32, #tpu.memory_space<vmem>>, vector<2000x128xf32>
    tpu.vector_store %arg3[%swap3A, %swap3A_6], %dot_general3A_5 {strides = array<i32>} : memref<2000x128xf32, #tpu.memory_space<vmem>>, vector<2000x128xf32>,
    return
  }
  func.func @transform_0(%arg0: i32) -> (i32, i32) {
    %c0_i32 = arith.constant 0 : i32
    %c0_i32_0 = arith.constant 0 : i32
    return %arg0, %c0_i32 : i32, i32
  }
  func.func @transform_1(%arg0: i32) -> (i32, i32) {
    %c0_i32 = arith.constant 0 : i32
    %c0_i32_0 = arith.constant 0 : i32
    %c0_i32_1 = arith.constant 0 : i32
    return %c0_i32, %c0_i32_0 : i32, i32
  }
  func.func @transform_2(%arg0: i32) -> (i32, i32) {
    %c0_i32 = arith.constant 0 : i32
    %c0_i32_0 = arith.constant 0 : i32
    return %arg0, %c0_i32 : i32, i32
  }
}

module attributes {stable_mosaic.version = 14 : i64} {
  func.func @body(%arg0: i32, %arg1: memref<2000x128xf32, #tpu.memory_space<vmem>>, %arg2: memref<128x128xf32, #tpu.memory_space<vmem>>, %arg3: memref<2000x128xf32, #tpu.memory_space<vmem>>) attributes {dimension_semantics = [#tpu.dimension_semantics<arbitrary>], iteration_bounds = array<i64: 10>, scalar_prefetch = 0 : i64, scratch_operands = 0 : i64, tpu.core_type = #tpu.core_type<tc>, window_params = [{transform_indices = @transform_0, window_bounds = array<i64: 2000, 128>}, {pipeline_mode = #tpu.pipeline_mode<synchronous>, transform_indices = @transform_1, window_bounds = array<i64: 128, 128>}, {transform_indices = @transform_2, window_bounds = array<i64: 2000, 128>}]} {
    %get3A = arith.constant 0 : index
    %get3A_0 = arith.constant 0 : index
    %get3A_1 = vector.load %arg1[%get3A, %get3A_0] : memref<2000x128xf32, #tpu.memory_space<vmem>>, vector<2000x128xf32>
    %get3A_2 = arith.constant 0 : index
    %get3A_3 = arith.constant 0 : index
    %get3A_4 = vector.load %arg2[%get3A_2, %get3A_3] : memref<128x128xf32, #tpu.memory_space<vmem>>, vector<128x128xf32>
    %dot_general3A = arith.constant dense<0.000000e+00> : vector<2000x128xf32>
    %dot_general3A_5 = tpu.matmul %get3A_1, %get3A_4, %dot_general3A {dimension_numbers = #tpu.dot_dimension_numbers<[1], [0], [0], [1], [0, 0, 1, 1], [], []>, transpose_lhs_hint = false} : vector<2000x128xf32>, vector<128x128xf32>, vector<2000x128xf32> -> vector<2000x128xf32>
    %swap3A = arith.constant 0 : index
    %swap3A_6 = arith.constant 0 : index
    %swap3A_7 = vector.load %arg3[%swap3A, %swap3A_6] : memref<2000x128xf32, #tpu.memory_space<vmem>>, vector<2000x128xf32>
    tpu.vector_store %arg3[%swap3A, %swap3A_6], %dot_general3A_5 {strides = array<i32>} : memref<2000x128xf32, #tpu.memory_space<vmem>>, vector<2000x128xf32>,
    return
  }
  func.func @transform_0(%arg0: i32) -> (i32, i32) {
    %c0_i32 = arith.constant 0 : i32
    %c0_i32_0 = arith.constant 0 : i32
    return %arg0, %c0_i32 : i32, i32
  }
  func.func @transform_1(%arg0: i32) -> (i32, i32) {
    %c0_i32 = arith.constant 0 : i32
    %c0_i32_0 = arith.constant 0 : i32
    %c0_i32_1 = arith.constant 0 : i32
    return %c0_i32, %c0_i32_0 : i32, i32
  }
  func.func @transform_2(%arg0: i32) -> (i32, i32) {
    %c0_i32 = arith.constant 0 : i32
    %c0_i32_0 = arith.constant 0 : i32
    return %arg0, %c0_i32 : i32, i32
  }
}

module attributes {stable_mosaic.version = 14 : i64} {
  func.func @body(%arg0: i32, %arg1: memref<2x1000x128xf32, #tpu.memory_space<vmem>>, %arg2: memref<2x1000x128xf32, #tpu.memory_space<vmem>>, %arg3: memref<2x1000x128xf32, #tpu.memory_space<vmem>>, %arg4: memref<2x1000x128xf32, #tpu.memory_space<vmem>>, %arg5: memref<128x128xf32, #tpu.memory_space<vmem>>, %arg6: memref<128x128xf32, #tpu.memory_space<vmem>>, %arg7: memref<256x128xf32, #tpu.memory_space<vmem>>, %arg8: memref<1x128xf32, #tpu.memory_space<vmem>>, %arg9: memref<1x8xf32, #tpu.memory_space<vmem>>, %arg10: memref<128x256xf32, #tpu.memory_space<vmem>>, %arg11: memref<128x128xf32, #tpu.memory_space<vmem>>, %arg12: memref<1000x128xf32, #tpu.memory_space<vmem>>, %arg13: memref<1000x8xf32, #tpu.memory_space<vmem>>, %arg14: memref<2x1000x128xf32, #tpu.memory_space<vmem>>, %arg15: memref<1000x128xf32, #tpu.memory_space<vmem>>) attributes {dimension_semantics = [#tpu.dimension_semantics<arbitrary>], iteration_bounds = array<i64: 10>, scalar_prefetch = 0 : i64, scratch_operands = 0 : i64, tpu.core_type = #tpu.core_type<tc>, window_params = [{transform_indices = @transform_0, window_bounds = array<i64: 2, 1000, 128>}, {transform_indices = @transform_1, window_bounds = array<i64: 2, 1000, 128>}, {transform_indices = @transform_2, window_bounds = array<i64: 2, 1000, 128>}, {transform_indices = @transform_3, window_bounds = array<i64: 2, 1000, 128>}, {pipeline_mode = #tpu.pipeline_mode<synchronous>, transform_indices = @transform_4, window_bounds = array<i64: 128, 128>}, {pipeline_mode = #tpu.pipeline_mode<synchronous>, transform_indices = @transform_5, window_bounds = array<i64: 128, 128>}, {pipeline_mode = #tpu.pipeline_mode<synchronous>, transform_indices = @transform_6, window_bounds = array<i64: 256, 128>}, {pipeline_mode = #tpu.pipeline_mode<synchronous>, transform_indices = @transform_7, window_bounds = array<i64: 1, 128>}, {pipeline_mode = #tpu.pipeline_mode<synchronous>, transform_indices = @transform_8, window_bounds = array<i64: 1, 8>}, {pipeline_mode = #tpu.pipeline_mode<synchronous>, transform_indices = @transform_9, window_bounds = array<i64: 128, 256>}, {pipeline_mode = #tpu.pipeline_mode<synchronous>, transform_indices = @transform_10, window_bounds = array<i64: 128, 128>}, {transform_indices = @transform_11, window_bounds = array<i64: 1000, 128>}, {transform_indices = @transform_12, window_bounds = array<i64: 1000, 8>}, {transform_indices = @transform_13, window_bounds = array<i64: 2, 1000, 128>}, {transform_indices = @transform_14, window_bounds = array<i64: 1000, 128>}]} {
    %get3A = arith.constant 0 : index
    %get3A_0 = arith.constant 0 : index
    %get3A_1 = arith.constant 0 : index
    %get3A_2 = vector.load %arg1[%get3A, %get3A_0, %get3A_1] : memref<2x1000x128xf32, #tpu.memory_space<vmem>>, vector<1x1000x128xf32>
    %get3A_3 = vector.shape_cast %get3A_2 : vector<1x1000x128xf32> to vector<1000x128xf32>
    %max3A = arith.constant 0.000000e+00 : f32
    %max3A_4 = vector.broadcast %max3A : f32 to vector<1000x128xf32>
    %max3A_5 = arith.maximumf %get3A_3, %max3A_4 : vector<1000x128xf32>
    %get3A_6 = arith.constant 1 : index
    %get3A_7 = arith.constant 0 : index
    %get3A_8 = arith.constant 0 : index
    %get3A_9 = vector.load %arg1[%get3A_6, %get3A_7, %get3A_8] : memref<2x1000x128xf32, #tpu.memory_space<vmem>>, vector<1x1000x128xf32>
    %get3A_10 = vector.shape_cast %get3A_9 : vector<1x1000x128xf32> to vector<1000x128xf32>
    %max3A_11 = arith.constant 0.000000e+00 : f32
    %max3A_12 = vector.broadcast %max3A_11 : f32 to vector<1000x128xf32>
    %max3A_13 = arith.maximumf %get3A_10, %max3A_12 : vector<1000x128xf32>
    %get3A_14 = arith.constant 0 : index
    %get3A_15 = arith.constant 0 : index
    %get3A_16 = arith.constant 0 : index
    %get3A_17 = vector.load %arg3[%get3A_14, %get3A_15, %get3A_16] : memref<2x1000x128xf32, #tpu.memory_space<vmem>>, vector<1x1000x128xf32>
    %get3A_18 = vector.shape_cast %get3A_17 : vector<1x1000x128xf32> to vector<1000x128xf32>
    %max3A_19 = arith.constant 0.000000e+00 : f32
    %max3A_20 = vector.broadcast %max3A_19 : f32 to vector<1000x128xf32>
    %max3A_21 = arith.maximumf %get3A_18, %max3A_20 : vector<1000x128xf32>
    %get3A_22 = arith.constant 1 : index
    %get3A_23 = arith.constant 0 : index
    %get3A_24 = arith.constant 0 : index
    %get3A_25 = vector.load %arg3[%get3A_22, %get3A_23, %get3A_24] : memref<2x1000x128xf32, #tpu.memory_space<vmem>>, vector<1x1000x128xf32>
    %get3A_26 = vector.shape_cast %get3A_25 : vector<1x1000x128xf32> to vector<1000x128xf32>
    %max3A_27 = arith.constant 0.000000e+00 : f32
    %max3A_28 = vector.broadcast %max3A_27 : f32 to vector<1000x128xf32>
    %max3A_29 = arith.maximumf %get3A_26, %max3A_28 : vector<1000x128xf32>
    %get3A_30 = arith.constant 0 : index
    %get3A_31 = arith.constant 0 : index
    %get3A_32 = arith.constant 0 : index
    %get3A_33 = vector.load %arg2[%get3A_30, %get3A_31, %get3A_32] : memref<2x1000x128xf32, #tpu.memory_space<vmem>>, vector<1x1000x128xf32>
    %get3A_34 = vector.shape_cast %get3A_33 : vector<1x1000x128xf32> to vector<1000x128xf32>
    %mul3A = arith.mulf %get3A_34, %get3A_34 : vector<1000x128xf32>
    %reduce_sum3A = arith.constant dense<0.000000e+00> : vector<1000xf32>
    %reduce_sum3A_35 = vector.multi_reduction <add>, %mul3A, %reduce_sum3A [1] : vector<1000x128xf32> to vector<1000xf32>
    %broadcast_in_dim3A = vector.shape_cast %reduce_sum3A_35 : vector<1000xf32> to vector<1000x1xf32>
    %sqrt3A = math.sqrt %broadcast_in_dim3A : vector<1000x1xf32>
    %max3A_36 = arith.constant 9.99999996E-13 : f32
    %max3A_37 = vector.broadcast %max3A_36 : f32 to vector<1000x1xf32>
    %max3A_38 = arith.maximumf %sqrt3A, %max3A_37 : vector<1000x1xf32>
    %div3A = vector.broadcast %max3A_38 : vector<1000x1xf32> to vector<1000x128xf32>
    %div3A_39 = arith.divf %get3A_34, %div3A : vector<1000x128xf32>
    %logistic3A = arith.negf %div3A_39 : vector<1000x128xf32>
    %logistic3A_40 = math.exp %logistic3A : vector<1000x128xf32>
    %logistic3A_41 = arith.constant 1.000000e+00 : f32
    %logistic3A_42 = vector.broadcast %logistic3A_41 : f32 to vector<1000x128xf32>
    %logistic3A_43 = arith.addf %logistic3A_42, %logistic3A_40 : vector<1000x128xf32>
    %logistic3A_44 = arith.divf %logistic3A_42, %logistic3A_43 : vector<1000x128xf32>
    %get3A_45 = arith.constant 1 : index
    %get3A_46 = arith.constant 0 : index
    %get3A_47 = arith.constant 0 : index
    %get3A_48 = vector.load %arg2[%get3A_45, %get3A_46, %get3A_47] : memref<2x1000x128xf32, #tpu.memory_space<vmem>>, vector<1x1000x128xf32>
    %get3A_49 = vector.shape_cast %get3A_48 : vector<1x1000x128xf32> to vector<1000x128xf32>
    %mul3A_50 = arith.mulf %get3A_49, %get3A_49 : vector<1000x128xf32>
    %reduce_sum3A_51 = arith.constant dense<0.000000e+00> : vector<1000xf32>
    %reduce_sum3A_52 = vector.multi_reduction <add>, %mul3A_50, %reduce_sum3A_51 [1] : vector<1000x128xf32> to vector<1000xf32>
    %broadcast_in_dim3A_53 = vector.shape_cast %reduce_sum3A_52 : vector<1000xf32> to vector<1000x1xf32>
    %sqrt3A_54 = math.sqrt %broadcast_in_dim3A_53 : vector<1000x1xf32>
    %max3A_55 = arith.constant 9.99999996E-13 : f32
    %max3A_56 = vector.broadcast %max3A_55 : f32 to vector<1000x1xf32>
    %max3A_57 = arith.maximumf %sqrt3A_54, %max3A_56 : vector<1000x1xf32>
    %div3A_58 = vector.broadcast %max3A_57 : vector<1000x1xf32> to vector<1000x128xf32>
    %div3A_59 = arith.divf %get3A_49, %div3A_58 : vector<1000x128xf32>
    %logistic3A_60 = arith.negf %div3A_59 : vector<1000x128xf32>
    %logistic3A_61 = math.exp %logistic3A_60 : vector<1000x128xf32>
    %logistic3A_62 = arith.constant 1.000000e+00 : f32
    %logistic3A_63 = vector.broadcast %logistic3A_62 : f32 to vector<1000x128xf32>
    %logistic3A_64 = arith.addf %logistic3A_63, %logistic3A_61 : vector<1000x128xf32>
    %logistic3A_65 = arith.divf %logistic3A_63, %logistic3A_64 : vector<1000x128xf32>
    %get3A_66 = arith.constant 0 : index
    %get3A_67 = arith.constant 0 : index
    %get3A_68 = arith.constant 0 : index
    %get3A_69 = vector.load %arg4[%get3A_66, %get3A_67, %get3A_68] : memref<2x1000x128xf32, #tpu.memory_space<vmem>>, vector<1x1000x128xf32>
    %get3A_70 = vector.shape_cast %get3A_69 : vector<1x1000x128xf32> to vector<1000x128xf32>
    %mul3A_71 = arith.mulf %get3A_70, %get3A_70 : vector<1000x128xf32>
    %reduce_sum3A_72 = arith.constant dense<0.000000e+00> : vector<1000xf32>
    %reduce_sum3A_73 = vector.multi_reduction <add>, %mul3A_71, %reduce_sum3A_72 [1] : vector<1000x128xf32> to vector<1000xf32>
    %broadcast_in_dim3A_74 = vector.shape_cast %reduce_sum3A_73 : vector<1000xf32> to vector<1000x1xf32>
    %sqrt3A_75 = math.sqrt %broadcast_in_dim3A_74 : vector<1000x1xf32>
    %max3A_76 = arith.constant 9.99999996E-13 : f32
    %max3A_77 = vector.broadcast %max3A_76 : f32 to vector<1000x1xf32>
    %max3A_78 = arith.maximumf %sqrt3A_75, %max3A_77 : vector<1000x1xf32>
    %div3A_79 = vector.broadcast %max3A_78 : vector<1000x1xf32> to vector<1000x128xf32>
    %div3A_80 = arith.divf %get3A_70, %div3A_79 : vector<1000x128xf32>
    %logistic3A_81 = arith.negf %div3A_80 : vector<1000x128xf32>
    %logistic3A_82 = math.exp %logistic3A_81 : vector<1000x128xf32>
    %logistic3A_83 = arith.constant 1.000000e+00 : f32
    %logistic3A_84 = vector.broadcast %logistic3A_83 : f32 to vector<1000x128xf32>
    %logistic3A_85 = arith.addf %logistic3A_84, %logistic3A_82 : vector<1000x128xf32>
    %logistic3A_86 = arith.divf %logistic3A_84, %logistic3A_85 : vector<1000x128xf32>
    %get3A_87 = arith.constant 1 : index
    %get3A_88 = arith.constant 0 : index
    %get3A_89 = arith.constant 0 : index
    %get3A_90 = vector.load %arg4[%get3A_87, %get3A_88, %get3A_89] : memref<2x1000x128xf32, #tpu.memory_space<vmem>>, vector<1x1000x128xf32>
    %get3A_91 = vector.shape_cast %get3A_90 : vector<1x1000x128xf32> to vector<1000x128xf32>
    %mul3A_92 = arith.mulf %get3A_91, %get3A_91 : vector<1000x128xf32>
    %reduce_sum3A_93 = arith.constant dense<0.000000e+00> : vector<1000xf32>
    %reduce_sum3A_94 = vector.multi_reduction <add>, %mul3A_92, %reduce_sum3A_93 [1] : vector<1000x128xf32> to vector<1000xf32>
    %broadcast_in_dim3A_95 = vector.shape_cast %reduce_sum3A_94 : vector<1000xf32> to vector<1000x1xf32>
    %sqrt3A_96 = math.sqrt %broadcast_in_dim3A_95 : vector<1000x1xf32>
    %max3A_97 = arith.constant 9.99999996E-13 : f32
    %max3A_98 = vector.broadcast %max3A_97 : f32 to vector<1000x1xf32>
    %max3A_99 = arith.maximumf %sqrt3A_96, %max3A_98 : vector<1000x1xf32>
    %div3A_100 = vector.broadcast %max3A_99 : vector<1000x1xf32> to vector<1000x128xf32>
    %div3A_101 = arith.divf %get3A_91, %div3A_100 : vector<1000x128xf32>
    %logistic3A_102 = arith.negf %div3A_101 : vector<1000x128xf32>
    %logistic3A_103 = math.exp %logistic3A_102 : vector<1000x128xf32>
    %logistic3A_104 = arith.constant 1.000000e+00 : f32
    %logistic3A_105 = vector.broadcast %logistic3A_104 : f32 to vector<1000x128xf32>
    %logistic3A_106 = arith.addf %logistic3A_105, %logistic3A_103 : vector<1000x128xf32>
    %logistic3A_107 = arith.divf %logistic3A_105, %logistic3A_106 : vector<1000x128xf32>
    %get3A_108 = arith.constant 0 : index
    %get3A_109 = arith.constant 0 : index
    %get3A_110 = vector.load %arg5[%get3A_108, %get3A_109] : memref<128x128xf32, #tpu.memory_space<vmem>>, vector<128x128xf32>
    %dot_general3A = arith.constant dense<0.000000e+00> : vector<1000x128xf32>
    %dot_general3A_111 = tpu.matmul %max3A_5, %get3A_110, %dot_general3A {dimension_numbers = #tpu.dot_dimension_numbers<[1], [0], [0], [1], [0, 0, 1, 1], [], []>, transpose_lhs_hint = false} : vector<1000x128xf32>, vector<128x128xf32>, vector<1000x128xf32> -> vector<1000x128xf32>
    %get3A_112 = arith.constant 0 : index
    %get3A_113 = arith.constant 0 : index
    %get3A_114 = vector.load %arg5[%get3A_112, %get3A_113] : memref<128x128xf32, #tpu.memory_space<vmem>>, vector<128x128xf32>
    %dot_general3A_115 = arith.constant dense<0.000000e+00> : vector<1000x128xf32>
    %dot_general3A_116 = tpu.matmul %max3A_13, %get3A_114, %dot_general3A_115 {dimension_numbers = #tpu.dot_dimension_numbers<[1], [0], [0], [1], [0, 0, 1, 1], [], []>, transpose_lhs_hint = false} : vector<1000x128xf32>, vector<128x128xf32>, vector<1000x128xf32> -> vector<1000x128xf32>
    %get3A_117 = arith.constant 0 : index
    %get3A_118 = arith.constant 0 : index
    %get3A_119 = vector.load %arg6[%get3A_117, %get3A_118] : memref<128x128xf32, #tpu.memory_space<vmem>>, vector<128x128xf32>
    %dot_general3A_120 = arith.constant dense<0.000000e+00> : vector<1000x128xf32>
    %dot_general3A_121 = tpu.matmul %max3A_21, %get3A_119, %dot_general3A_120 {dimension_numbers = #tpu.dot_dimension_numbers<[1], [0], [0], [1], [0, 0, 1, 1], [], []>, transpose_lhs_hint = false} : vector<1000x128xf32>, vector<128x128xf32>, vector<1000x128xf32> -> vector<1000x128xf32>
    %get3A_122 = arith.constant 0 : index
    %get3A_123 = arith.constant 0 : index
    %get3A_124 = vector.load %arg6[%get3A_122, %get3A_123] : memref<128x128xf32, #tpu.memory_space<vmem>>, vector<128x128xf32>
    %dot_general3A_125 = arith.constant dense<0.000000e+00> : vector<1000x128xf32>
    %dot_general3A_126 = tpu.matmul %max3A_29, %get3A_124, %dot_general3A_125 {dimension_numbers = #tpu.dot_dimension_numbers<[1], [0], [0], [1], [0, 0, 1, 1], [], []>, transpose_lhs_hint = false} : vector<1000x128xf32>, vector<128x128xf32>, vector<1000x128xf32> -> vector<1000x128xf32>
    %mul3A_127 = arith.mulf %dot_general3A_111, %logistic3A_44 : vector<1000x128xf32>
    %reduce_sum3A_128 = arith.constant dense<0.000000e+00> : vector<1000xf32>
    %reduce_sum3A_129 = vector.multi_reduction <add>, %mul3A_127, %reduce_sum3A_128 [1] : vector<1000x128xf32> to vector<1000xf32>
    %broadcast_in_dim3A_130 = vector.shape_cast %reduce_sum3A_129 : vector<1000xf32> to vector<1000x1xf32>
    %mul3A_131 = arith.mulf %dot_general3A_116, %logistic3A_44 : vector<1000x128xf32>
    %reduce_sum3A_132 = arith.constant dense<0.000000e+00> : vector<1000xf32>
    %reduce_sum3A_133 = vector.multi_reduction <add>, %mul3A_131, %reduce_sum3A_132 [1] : vector<1000x128xf32> to vector<1000xf32>
    %broadcast_in_dim3A_134 = vector.shape_cast %reduce_sum3A_133 : vector<1000xf32> to vector<1000x1xf32>
    %mul3A_135 = arith.mulf %dot_general3A_116, %logistic3A_65 : vector<1000x128xf32>
    %reduce_sum3A_136 = arith.constant dense<0.000000e+00> : vector<1000xf32>
    %reduce_sum3A_137 = vector.multi_reduction <add>, %mul3A_135, %reduce_sum3A_136 [1] : vector<1000x128xf32> to vector<1000xf32>
    %broadcast_in_dim3A_138 = vector.shape_cast %reduce_sum3A_137 : vector<1000xf32> to vector<1000x1xf32>
    %mul3A_139 = arith.mulf %dot_general3A_111, %logistic3A_65 : vector<1000x128xf32>
    %reduce_sum3A_140 = arith.constant dense<0.000000e+00> : vector<1000xf32>
    %reduce_sum3A_141 = vector.multi_reduction <add>, %mul3A_139, %reduce_sum3A_140 [1] : vector<1000x128xf32> to vector<1000xf32>
    %broadcast_in_dim3A_142 = vector.shape_cast %reduce_sum3A_141 : vector<1000xf32> to vector<1000x1xf32>
    %mul3A_143 = arith.mulf %dot_general3A_121, %logistic3A_86 : vector<1000x128xf32>
    %reduce_sum3A_144 = arith.constant dense<0.000000e+00> : vector<1000xf32>
    %reduce_sum3A_145 = vector.multi_reduction <add>, %mul3A_143, %reduce_sum3A_144 [1] : vector<1000x128xf32> to vector<1000xf32>
    %broadcast_in_dim3A_146 = vector.shape_cast %reduce_sum3A_145 : vector<1000xf32> to vector<1000x1xf32>
    %mul3A_147 = arith.mulf %dot_general3A_126, %logistic3A_86 : vector<1000x128xf32>
    %reduce_sum3A_148 = arith.constant dense<0.000000e+00> : vector<1000xf32>
    %reduce_sum3A_149 = vector.multi_reduction <add>, %mul3A_147, %reduce_sum3A_148 [1] : vector<1000x128xf32> to vector<1000xf32>
    %broadcast_in_dim3A_150 = vector.shape_cast %reduce_sum3A_149 : vector<1000xf32> to vector<1000x1xf32>
    %mul3A_151 = arith.mulf %dot_general3A_126, %logistic3A_107 : vector<1000x128xf32>
    %reduce_sum3A_152 = arith.constant dense<0.000000e+00> : vector<1000xf32>
    %reduce_sum3A_153 = vector.multi_reduction <add>, %mul3A_151, %reduce_sum3A_152 [1] : vector<1000x128xf32> to vector<1000xf32>
    %broadcast_in_dim3A_154 = vector.shape_cast %reduce_sum3A_153 : vector<1000xf32> to vector<1000x1xf32>
    %mul3A_155 = arith.mulf %dot_general3A_121, %logistic3A_107 : vector<1000x128xf32>
    %reduce_sum3A_156 = arith.constant dense<0.000000e+00> : vector<1000xf32>
    %reduce_sum3A_157 = vector.multi_reduction <add>, %mul3A_155, %reduce_sum3A_156 [1] : vector<1000x128xf32> to vector<1000xf32>
    %broadcast_in_dim3A_158 = vector.shape_cast %reduce_sum3A_157 : vector<1000xf32> to vector<1000x1xf32>
    %concatenate3A = tpu.concatenate %broadcast_in_dim3A_130, %broadcast_in_dim3A_134, %broadcast_in_dim3A_138, %broadcast_in_dim3A_142, %broadcast_in_dim3A_146, %broadcast_in_dim3A_150, %broadcast_in_dim3A_154, %broadcast_in_dim3A_158 in 1 : vector<1000x1xf32>, vector<1000x1xf32>, vector<1000x1xf32>, vector<1000x1xf32>, vector<1000x1xf32>, vector<1000x1xf32>, vector<1000x1xf32>, vector<1000x1xf32> -> vector<1000x8xf32>
    %get3A_159 = arith.constant 0 : index
    %get3A_160 = arith.constant 0 : index
    %get3A_161 = vector.load %arg9[%get3A_159, %get3A_160] : memref<1x8xf32, #tpu.memory_space<vmem>>, vector<1x8xf32>
    %add3A = vector.broadcast %get3A_161 : vector<1x8xf32> to vector<1000x8xf32>
    %add3A_162 = arith.addf %concatenate3A, %add3A : vector<1000x8xf32>
    %swap3A = arith.constant 0 : index
    %swap3A_163 = arith.constant 0 : index
    %swap3A_164 = vector.load %arg13[%swap3A, %swap3A_163] : memref<1000x8xf32, #tpu.memory_space<vmem>>, vector<1000x8xf32>
    tpu.vector_store %arg13[%swap3A, %swap3A_163], %add3A_162 {strides = array<i32>} : memref<1000x8xf32, #tpu.memory_space<vmem>>, vector<1000x8xf32>,
    %get3A_165 = arith.constant 0 : index
    %get3A_166 = arith.constant 0 : index
    %get3A_167 = vector.load %arg7[%get3A_165, %get3A_166] : memref<256x128xf32, #tpu.memory_space<vmem>>, vector<128x128xf32>
    %dot_general3A_168 = arith.constant dense<0.000000e+00> : vector<1000x128xf32>
    %dot_general3A_169 = tpu.matmul %max3A_5, %get3A_167, %dot_general3A_168 {dimension_numbers = #tpu.dot_dimension_numbers<[1], [0], [0], [1], [0, 0, 1, 1], [], []>, transpose_lhs_hint = false} : vector<1000x128xf32>, vector<128x128xf32>, vector<1000x128xf32> -> vector<1000x128xf32>
    %get3A_170 = arith.constant 128 : index
    %get3A_171 = arith.constant 0 : index
    %get3A_172 = vector.load %arg7[%get3A_170, %get3A_171] : memref<256x128xf32, #tpu.memory_space<vmem>>, vector<128x128xf32>
    %dot_general3A_173 = arith.constant dense<0.000000e+00> : vector<1000x128xf32>
    %dot_general3A_174 = tpu.matmul %max3A_21, %get3A_172, %dot_general3A_173 {dimension_numbers = #tpu.dot_dimension_numbers<[1], [0], [0], [1], [0, 0, 1, 1], [], []>, transpose_lhs_hint = false} : vector<1000x128xf32>, vector<128x128xf32>, vector<1000x128xf32> -> vector<1000x128xf32>
    %add3A_175 = arith.addf %dot_general3A_169, %dot_general3A_174 : vector<1000x128xf32>
    %get3A_176 = arith.constant 0 : index
    %get3A_177 = arith.constant 0 : index
    %get3A_178 = vector.load %arg8[%get3A_176, %get3A_177] : memref<1x128xf32, #tpu.memory_space<vmem>>, vector<1x128xf32>
    %add3A_179 = vector.broadcast %get3A_178 : vector<1x128xf32> to vector<1000x128xf32>
    %add3A_180 = arith.addf %add3A_175, %add3A_179 : vector<1000x128xf32>
    %max3A_181 = arith.constant 0.000000e+00 : f32
    %max3A_182 = vector.broadcast %max3A_181 : f32 to vector<1000x128xf32>
    %max3A_183 = arith.maximumf %add3A_180, %max3A_182 : vector<1000x128xf32>
    %swap3A_184 = arith.constant 0 : index
    %swap3A_185 = arith.constant 0 : index
    %swap3A_186 = vector.load %arg12[%swap3A_184, %swap3A_185] : memref<1000x128xf32, #tpu.memory_space<vmem>>, vector<1000x128xf32>
    tpu.vector_store %arg12[%swap3A_184, %swap3A_185], %max3A_183 {strides = array<i32>} : memref<1000x128xf32, #tpu.memory_space<vmem>>, vector<1000x128xf32>,
    %get3A_187 = arith.constant 0 : index
    %get3A_188 = arith.constant 0 : index
    %get3A_189 = vector.load %arg10[%get3A_187, %get3A_188] : memref<128x256xf32, #tpu.memory_space<vmem>>, vector<128x128xf32>
    %dot_general3A_190 = arith.constant dense<0.000000e+00> : vector<1000x128xf32>
    %dot_general3A_191 = tpu.matmul %max3A_183, %get3A_189, %dot_general3A_190 {dimension_numbers = #tpu.dot_dimension_numbers<[1], [0], [0], [1], [0, 0, 1, 1], [], []>, transpose_lhs_hint = false} : vector<1000x128xf32>, vector<128x128xf32>, vector<1000x128xf32> -> vector<1000x128xf32>
    %swap3A_192 = arith.constant 0 : index
    %swap3A_193 = arith.constant 0 : index
    %swap3A_194 = arith.constant 0 : index
    %swap3A_195 = vector.load %arg14[%swap3A_192, %swap3A_193, %swap3A_194] : memref<2x1000x128xf32, #tpu.memory_space<vmem>>, vector<1x1000x128xf32>
    %swap3A_196 = vector.shape_cast %swap3A_195 : vector<1x1000x128xf32> to vector<1000x128xf32>
    %swap3A_197 = vector.shape_cast %dot_general3A_191 : vector<1000x128xf32> to vector<1x1000x128xf32>
    tpu.vector_store %arg14[%swap3A_192, %swap3A_193, %swap3A_194], %swap3A_197 {strides = array<i32>} : memref<2x1000x128xf32, #tpu.memory_space<vmem>>, vector<1x1000x128xf32>,
    %get3A_198 = arith.constant 0 : index
    %get3A_199 = arith.constant 128 : index
    %get3A_200 = vector.load %arg10[%get3A_198, %get3A_199] : memref<128x256xf32, #tpu.memory_space<vmem>>, vector<128x128xf32>
    %dot_general3A_201 = arith.constant dense<0.000000e+00> : vector<1000x128xf32>
    %dot_general3A_202 = tpu.matmul %max3A_183, %get3A_200, %dot_general3A_201 {dimension_numbers = #tpu.dot_dimension_numbers<[1], [0], [0], [1], [0, 0, 1, 1], [], []>, transpose_lhs_hint = false} : vector<1000x128xf32>, vector<128x128xf32>, vector<1000x128xf32> -> vector<1000x128xf32>
    %swap3A_203 = arith.constant 1 : index
    %swap3A_204 = arith.constant 0 : index
    %swap3A_205 = arith.constant 0 : index
    %swap3A_206 = vector.load %arg14[%swap3A_203, %swap3A_204, %swap3A_205] : memref<2x1000x128xf32, #tpu.memory_space<vmem>>, vector<1x1000x128xf32>
    %swap3A_207 = vector.shape_cast %swap3A_206 : vector<1x1000x128xf32> to vector<1000x128xf32>
    %swap3A_208 = vector.shape_cast %dot_general3A_202 : vector<1000x128xf32> to vector<1x1000x128xf32>
    tpu.vector_store %arg14[%swap3A_203, %swap3A_204, %swap3A_205], %swap3A_208 {strides = array<i32>} : memref<2x1000x128xf32, #tpu.memory_space<vmem>>, vector<1x1000x128xf32>,
    %get3A_209 = arith.constant 0 : index
    %get3A_210 = arith.constant 0 : index
    %get3A_211 = vector.load %arg11[%get3A_209, %get3A_210] : memref<128x128xf32, #tpu.memory_space<vmem>>, vector<128x128xf32>
    %dot_general3A_212 = arith.constant dense<0.000000e+00> : vector<1000x128xf32>
    %dot_general3A_213 = tpu.matmul %max3A_183, %get3A_211, %dot_general3A_212 {dimension_numbers = #tpu.dot_dimension_numbers<[1], [0], [0], [1], [0, 0, 1, 1], [], []>, transpose_lhs_hint = false} : vector<1000x128xf32>, vector<128x128xf32>, vector<1000x128xf32> -> vector<1000x128xf32>
    %swap3A_214 = arith.constant 0 : index
    %swap3A_215 = arith.constant 0 : index
    %swap3A_216 = vector.load %arg15[%swap3A_214, %swap3A_215] : memref<1000x128xf32, #tpu.memory_space<vmem>>, vector<1000x128xf32>
    tpu.vector_store %arg15[%swap3A_214, %swap3A_215], %dot_general3A_213 {strides = array<i32>} : memref<1000x128xf32, #tpu.memory_space<vmem>>, vector<1000x128xf32>,
    return
  }
  func.func @transform_0(%arg0: i32) -> (i32, i32, i32) {
    %c0_i32 = arith.constant 0 : i32
    %c0_i32_0 = arith.constant 0 : i32
    %c0_i32_1 = arith.constant 0 : i32
    return %c0_i32, %arg0, %c0_i32_0 : i32, i32, i32
  }
  func.func @transform_1(%arg0: i32) -> (i32, i32, i32) {
    %c0_i32 = arith.constant 0 : i32
    %c0_i32_0 = arith.constant 0 : i32
    %c0_i32_1 = arith.constant 0 : i32
    return %c0_i32, %arg0, %c0_i32_0 : i32, i32, i32
  }
  func.func @transform_2(%arg0: i32) -> (i32, i32, i32) {
    %c0_i32 = arith.constant 0 : i32
    %c0_i32_0 = arith.constant 0 : i32
    %c0_i32_1 = arith.constant 0 : i32
    return %c0_i32, %arg0, %c0_i32_0 : i32, i32, i32
  }
  func.func @transform_3(%arg0: i32) -> (i32, i32, i32) {
    %c0_i32 = arith.constant 0 : i32
    %c0_i32_0 = arith.constant 0 : i32
    %c0_i32_1 = arith.constant 0 : i32
    return %c0_i32, %arg0, %c0_i32_0 : i32, i32, i32
  }
  func.func @transform_4(%arg0: i32) -> (i32, i32) {
    %c0_i32 = arith.constant 0 : i32
    %c0_i32_0 = arith.constant 0 : i32
    %c0_i32_1 = arith.constant 0 : i32
    return %c0_i32, %c0_i32_0 : i32, i32
  }
  func.func @transform_5(%arg0: i32) -> (i32, i32) {
    %c0_i32 = arith.constant 0 : i32
    %c0_i32_0 = arith.constant 0 : i32
    %c0_i32_1 = arith.constant 0 : i32
    return %c0_i32, %c0_i32_0 : i32, i32
  }
  func.func @transform_6(%arg0: i32) -> (i32, i32) {
    %c0_i32 = arith.constant 0 : i32
    %c0_i32_0 = arith.constant 0 : i32
    %c0_i32_1 = arith.constant 0 : i32
    return %c0_i32, %c0_i32_0 : i32, i32
  }
  func.func @transform_7(%arg0: i32) -> (i32, i32) {
    %c0_i32 = arith.constant 0 : i32
    %c0_i32_0 = arith.constant 0 : i32
    %c0_i32_1 = arith.constant 0 : i32
    return %c0_i32, %c0_i32_0 : i32, i32
  }
  func.func @transform_8(%arg0: i32) -> (i32, i32) {
    %c0_i32 = arith.constant 0 : i32
    %c0_i32_0 = arith.constant 0 : i32
    %c0_i32_1 = arith.constant 0 : i32
    return %c0_i32, %c0_i32_0 : i32, i32
  }
  func.func @transform_9(%arg0: i32) -> (i32, i32) {
    %c0_i32 = arith.constant 0 : i32
    %c0_i32_0 = arith.constant 0 : i32
    %c0_i32_1 = arith.constant 0 : i32
    return %c0_i32, %c0_i32_0 : i32, i32
  }
  func.func @transform_10(%arg0: i32) -> (i32, i32) {
    %c0_i32 = arith.constant 0 : i32
    %c0_i32_0 = arith.constant 0 : i32
    %c0_i32_1 = arith.constant 0 : i32
    return %c0_i32, %c0_i32_0 : i32, i32
  }
  func.func @transform_11(%arg0: i32) -> (i32, i32) {
    %c0_i32 = arith.constant 0 : i32
    %c0_i32_0 = arith.constant 0 : i32
    return %arg0, %c0_i32 : i32, i32
  }
  func.func @transform_12(%arg0: i32) -> (i32, i32) {
    %c0_i32 = arith.constant 0 : i32
    %c0_i32_0 = arith.constant 0 : i32
    return %arg0, %c0_i32 : i32, i32
  }
  func.func @transform_13(%arg0: i32) -> (i32, i32, i32) {
    %c0_i32 = arith.constant 0 : i32
    %c0_i32_0 = arith.constant 0 : i32
    %c0_i32_1 = arith.constant 0 : i32
    return %c0_i32, %arg0, %c0_i32_0 : i32, i32, i32
  }
  func.func @transform_14(%arg0: i32) -> (i32, i32) {
    %c0_i32 = arith.constant 0 : i32
    %c0_i32_0 = arith.constant 0 : i32
    return %arg0, %c0_i32 : i32, i32
  }
}

module attributes {stable_mosaic.version = 14 : i64} {
  func.func @body(%arg0: i32, %arg1: memref<2x2000x128xf32, #tpu.memory_space<vmem>>, %arg2: memref<2000x128xf32, #tpu.memory_space<vmem>>) attributes {dimension_semantics = [#tpu.dimension_semantics<arbitrary>], iteration_bounds = array<i64: 5>, scalar_prefetch = 0 : i64, scratch_operands = 0 : i64, tpu.core_type = #tpu.core_type<tc>, window_params = [{transform_indices = @transform_0, window_bounds = array<i64: 2, 2000, 128>}, {transform_indices = @transform_1, window_bounds = array<i64: 2000, 128>}]} {
    %get3A = arith.constant 0 : index
    %get3A_0 = arith.constant 0 : index
    %get3A_1 = arith.constant 0 : index
    %get3A_2 = vector.load %arg1[%get3A, %get3A_0, %get3A_1] : memref<2x2000x128xf32, #tpu.memory_space<vmem>>, vector<1x2000x128xf32>
    %get3A_3 = vector.shape_cast %get3A_2 : vector<1x2000x128xf32> to vector<2000x128xf32>
    %get3A_4 = arith.constant 1 : index
    %get3A_5 = arith.constant 0 : index
    %get3A_6 = arith.constant 0 : index
    %get3A_7 = vector.load %arg1[%get3A_4, %get3A_5, %get3A_6] : memref<2x2000x128xf32, #tpu.memory_space<vmem>>, vector<1x2000x128xf32>
    %get3A_8 = vector.shape_cast %get3A_7 : vector<1x2000x128xf32> to vector<2000x128xf32>
    %add3A = arith.addf %get3A_3, %get3A_8 : vector<2000x128xf32>
    %swap3A = arith.constant 0 : index
    %swap3A_9 = arith.constant 0 : index
    %swap3A_10 = vector.load %arg2[%swap3A, %swap3A_9] : memref<2000x128xf32, #tpu.memory_space<vmem>>, vector<2000x128xf32>
    tpu.vector_store %arg2[%swap3A, %swap3A_9], %add3A {strides = array<i32>} : memref<2000x128xf32, #tpu.memory_space<vmem>>, vector<2000x128xf32>,
    return
  }
  func.func @transform_0(%arg0: i32) -> (i32, i32, i32) {
    %c0_i32 = arith.constant 0 : i32
    %c0_i32_0 = arith.constant 0 : i32
    %c0_i32_1 = arith.constant 0 : i32
    return %c0_i32, %arg0, %c0_i32_0 : i32, i32, i32
  }
  func.func @transform_1(%arg0: i32) -> (i32, i32) {
    %c0_i32 = arith.constant 0 : i32
    %c0_i32_0 = arith.constant 0 : i32
    return %arg0, %c0_i32 : i32, i32
  }
}

</mosaic_0001>

<sc_bundles>
// kernel: kernel.12.cloned.1.call-start
scs
__scs_entry_jumppad:
0x0: {  	(pc) =	sbr.rel $0x88, $3  }
0x1: {  	(tag) =	ssettag $0x0;
	lr =	simm.s32 $0x1  }
0x2: {  	[smem:$0x3F8F] =	sst lr;
	_ =	strace $0xD0000000  }
0x3: {  	_ = 	snop  }
0x4: {  	_ = 	snop  }
0x5: {  	_ = 	snop  }
0x6: {  	_ = 	snop  }
0x7: {  	_ = 	snop  }
__scs_overlays_trampoline_lowered:
0x8: {  	[smem:$0x3F9E] =	sst s0  }
0x9: {  	[smem:$0x3F9F] =	sst s1  }
0xa: {  	[smem:$0x3FA0] =	sst s2  }
0xb: {  	[smem:$0x3FA1] =	sst s3  }
0xc: {  	[smem:$0x3FA2] =	sst s4  }
0xd: {  	[smem:$0x3FA3] =	sst s5  }
0xe: {  	[smem:$0x3FA4] =	sst s6  }
0xf: {  	[smem:$0x3FA5] =	sst s7  }
0x10: {  	[smem:$0x3FA6] =	sst s8  }
0x11: {  	[smem:$0x3FA7] =	sst s9;
	s0 =	simm.s32 @!p0 $0x0  }
0x12: {  	s1 =	sld [smem:$0x3F8D];
	s0 =	simm.s32 @p0 $0x1  }
0x13: {  	[smem:$0x3FA8] =	sst s0;
	s0 =	simm.s32 @!p1 $0x0  }
0x14: {  	s2 =	sld [smem:$0x3F8C];
	s0 =	simm.s32 @p1 $0x1  }
0x15: {  	[smem:$0x3FA9] =	sst s0;
	s0 =	simm.s32 @!p2 $0x0  }
0x16: {  	s3 =	sld [smem:$0x3FDB];
	s0 =	simm.s32 @p2 $0x1  }
0x17: {  	s4 =	simm.s32 $0x1BF5;
	[smem:$0x3FAB] =	sst s0  }
0x18: {  	s0 =	sld [smem:$0x3F8E];
	_ =	swait.ge [sflag:s4], $0x0  }
0x19: {  	s7 =	sld [smem:$0x3F8F]  }
0x1a: {  	s8 =	sadd.s32 $0xFFFFE003, lr  }
0x1b: {  	s9 =	sadd.s32 $0xFFFFFEF7, lr;
	s5 =	simm.s32 $0xFFFFFFFF;
	p2 =	slt.u32 s8, $0xFFFFF086  }
0x1c: {  	p1 =	slt.u32 s9, $0xF7A;
	s5 =	simm.s32 @!p2 $0x0  }
0x1d: {  	s5 =	simm.s32 @p1 $0x1;
	p0 =	seq.s32 s7, s2  }
0x1e: {  	s7 =	smul.u32 @!p0 $0xF7A, s2;
	p2 =	seq.s32 @!p0 s5, $0x0  }
0x1f: {  	s9 =	smul.u32 $0xF7A, s1;
	s8 =	simm.s32 @!p0 $0x1BF5;
	p2 =	por !p2, p0  }
0x20: {  	[sflag:s8] =	ssyncset.s32 @!p0 $0xFFFFF086;
	s6 =	sadd.s32 @!p0 s3, s7;
	s7 =	simm.s32 @!p0 $0x108  }
0x21: {  	s3 =	sadd.s32 s3, s9;
	s6 =	sadd.s32 @!p0 $0x88, s6;
	s7 =	simm.s32 @p2 $0x1082  }
0x22: {  	[simem:s7], [sflag:s8] =	dma.local @!p0 [hbm:s6], $0xF7A  }
0x23: {  	s9 =	sor.u32 $0xD0000000, s2;
	s6 =	simm.s32 $0x108;
	_ =	swait.ge @!p0 [sflag:s8], $0x0  }
0x24: {  	s3 =	sadd.s32 $0x88, s3;
	s6 =	simm.s32 @!p1 $0x1082;
	[sflag:s4] =	ssyncset.s32 $0xFFFFF086  }
0x25: {  	[simem:s6], [sflag:s4] =	dma.local [hbm:s3], $0xF7A  }
0x26: {  	[smem:$0x3F8F] =	sst s1;
	(tag) =	ssettag s2;
	_ =	strace s9  }
0x27: {  	s1 =	sld [smem:$0x3F9F]  }
0x28: {  	s2 =	sld [smem:$0x3FA0]  }
0x29: {  	s4 =	sld [smem:$0x3FA2]  }
0x2a: {  	p0 =	seq.s32 s5, $0x0;
	s5 =	sld [smem:$0x3FA3]  }
0x2b: {  	s6 =	sld [smem:$0x3FA4]  }
0x2c: {  	s7 =	sld [smem:$0x3FA5]  }
0x2d: {  	s3 =	simm.s32 $0x108;
	s8 =	sld [smem:$0x3FA6]  }
0x2e: {  	s3 =	simm.s32 @!p0 $0x1082;
	s9 =	sld [smem:$0x3FA7]  }
0x2f: {  	lr =	sadd.s32 s0, s3;
	s0 =	sld [smem:$0x3F9E]  }
0x30: {  	s3 =	sld [smem:$0x3FA1]  }
0x31: {  	[smem:$0x3FAA] =	sst s10  }
0x32: {  	s10 =	sld [smem:$0x3FA8];
	_ =	sdelay $0x3  }
0x33: {  	p0 =	seq.s32 s10, $0x1;
	s10 =	sld [smem:$0x3FAA];
	_ =	sdelay $0x3  }
0x34: {  	[smem:$0x3FAA] =	sst s10  }
0x35: {  	s10 =	sld [smem:$0x3FA9];
	_ =	sdelay $0x3  }
0x36: {  	p1 =	seq.s32 s10, $0x1;
	s10 =	sld [smem:$0x3FAA];
	_ =	sdelay $0x3  }
0x37: {  	[smem:$0x3FAA] =	sst s10  }
0x38: {  	s10 =	sld [smem:$0x3FAB]  }
0x39: {  	_ = 	snop;
	(pc) =	sbr.ind lr, $3  }
0x3a: {  	_ = 	snop  }
0x3b: {  	_ = 	snop  }
0x3c: {  	p2 =	seq.s32 s10, $0x1;
	s10 =	sld [smem:$0x3FAA]  }
0x3d: {  	_ =	shalt  }
0x3e: {  	_ =	shalt  }
0x3f: {  	_ =	shalt  }
0x40: {  	_ =	shalt  }
0x41: {  	_ =	shalt  }
0x42: {  	_ =	shalt  }
0x43: {  	_ =	shalt  }
0x44: {  	_ =	shalt  }
0x45: {  	_ =	shalt  }
0x46: {  	_ =	shalt  }
0x47: {  	_ =	shalt  }
0x48: {  	_ =	shalt  }
0x49: {  	_ =	shalt  }
0x4a: {  	_ =	shalt  }
0x4b: {  	_ =	shalt  }
0x4c: {  	_ =	shalt  }
0x4d: {  	_ =	shalt  }
0x4e: {  	_ =	shalt  }
0x4f: {  	_ =	shalt  }
0x50: {  	_ =	shalt  }
0x51: {  	_ =	shalt  }
0x52: {  	_ =	shalt  }
0x53: {  	_ =	shalt  }
0x54: {  	_ =	shalt  }
0x55: {  	_ =	shalt  }
0x56: {  	_ =	shalt  }
0x57: {  	_ =	shalt  }
0x58: {  	_ =	shalt  }
0x59: {  	_ =	shalt  }
0x5a: {  	_ =	shalt  }
0x5b: {  	_ =	shalt  }
0x5c: {  	_ =	shalt  }
0x5d: {  	_ =	shalt  }
0x5e: {  	_ =	shalt  }
0x5f: {  	_ =	shalt  }
0x60: {  	_ =	shalt  }
0x61: {  	_ =	shalt  }
0x62: {  	_ =	shalt  }
0x63: {  	_ =	shalt  }
0x64: {  	_ =	shalt  }
0x65: {  	_ =	shalt  }
0x66: {  	_ =	shalt  }
0x67: {  	_ =	shalt  }
0x68: {  	_ =	shalt  }
0x69: {  	_ =	shalt  }
0x6a: {  	_ =	shalt  }
0x6b: {  	_ =	shalt  }
0x6c: {  	_ =	shalt  }
0x6d: {  	_ =	shalt  }
0x6e: {  	_ =	shalt  }
0x6f: {  	_ =	shalt  }
0x70: {  	_ =	shalt  }
0x71: {  	_ =	shalt  }
0x72: {  	_ =	shalt  }
0x73: {  	_ =	shalt  }
0x74: {  	_ =	shalt  }
0x75: {  	_ =	shalt  }
0x76: {  	_ =	shalt  }
0x77: {  	_ =	shalt  }
0x78: {  	_ =	shalt  }
0x79: {  	_ =	shalt  }
0x7a: {  	_ =	shalt  }
0x7b: {  	_ =	shalt  }
0x7c: {  	_ =	shalt  }
0x7d: {  	_ =	shalt  }
0x7e: {  	_ =	shalt  }
0x7f: {  	_ =	shalt  }
0x80: {  	_ =	shalt  }
0x81: {  	_ =	shalt  }
0x82: {  	_ =	shalt  }
0x83: {  	_ =	shalt  }
0x84: {  	_ =	shalt  }
0x85: {  	_ =	shalt  }
0x86: {  	_ =	shalt  }
0x87: {  	_ =	shalt  }
.Lfunc_end0:
.L_simem_size_0:
called_computation_lowered:
.L_overlay_start_0:
0x88: {  	s2 =	sld [smem:$0x3FD9]  }
0x89: {  	s3 =	sld [smem:$0x3FFE];
	_ =	sdelay $0x1  }
0x8a: {  	s1 =	srdreg.scid  }
0x8b: {  	s0 =	sand.u32 $0x1, s1  }
0x8c: {  	s14 =	sshll.u32 s0, $0xA;
	s2 =	sadd.s32 s3, s2  }
0x8d: {  	s2 =	sadd.s32 s2, s14  }
0x8e: {  	[smem:$0x3FB6] =	sst s2  }
0x8f: {  	_ = 	snop  }
0x90: {  	s2 =	sld [smem:$0x3FD0];
	_ =	sdelay $0x2  }
0x91: {  	s15 =	simm.s32 $0xB;
	s4 =	simm.s32 $0x10  }
0x92: {  	[smem:s4], [sflag:s15] =	dma.local [hbm:s2], $0x1  }
0x93: {  	_ =	swait.eq [sflag:s15], $0x1  }
0x94: {  	[sflag:s15] =	ssyncset.done $0x0  }
0x95: {  	[sflag:s15] =	ssyncadd.s32 $0xFFFFFFFF  }
0x96: {  	s16 =	sld [smem:$0x13];
	(tm) =	ssettm $0x1  }
0x97: {  	s17 =	sld [smem:$0x3FFB];
	_ =	sdelay $0x3  }
0x98: {  	_ =	strace s17  }
0x99: {  	s3 =	sld [smem:$0x3FFC];
	_ =	sdelay $0x3  }
0x9a: {  	_ =	strace s3  }
0x9b: {  	s3 =	sld [smem:$0x3FFD];
	_ =	sdelay $0x3  }
0x9c: {  	_ =	strace s3  }
0x9d: {  	_ =	strace $0x8FFFFFFF  }
0x9e: {  	s18 =	sld [smem:$0x3FDB];
	_ =	sdelay $0x1  }
0x9f: {  	s19 =	simm.s32 $_scs_section_size  }
0xa0: {  	s5 =	simm.s32 $_size__tile_overlayer_lowered;
	s6 =	simm.s32 $_tile_overlayer_lowered  }
0xa1: {  	s22 =	simm.s32 $0x1BFF;
	s21 =	sshll.u32 s6, $0x1;
	s3 =	sadd.s32 s19, s18  }
0xa2: {  	s7 =	simm.s32 $0x0;
	s20 =	sshll.u32 s5, $0x1;
	s5 =	sadd.s32 s21, s3  }
0xa3: {  	[timem:s7], [sflag:s22] =	dma.local [hbm:s5], s20  }
0xa4: {  	_ =	swait.ge [sflag:s22], s20  }
0xa5: {  	s4 =	ssub.s32 $0x0, s20;
	[sflag:s22] =	ssyncset.done $0x0  }
0xa6: {  	[sflag:s22] =	ssyncadd.s32 s4;
	_ =	sdelay $0x1  }
0xa7: {  	s23 =	simm.s32 $0x1B8B  }
0xa8: {  	_ =	swait.ge [sflag:s23], $0x1  }
0xa9: {  	[sflag:s23] =	ssyncset.done $0x0  }
0xaa: {  	s25 =	simm.s32 $0x1B8E;
	s24 =	sld [smem:$0x3FFE];
	[sflag:s23] =	ssyncadd.s32 $0xFFFFFFFF  }
0xab: {  	s26 =	simm.s32 $execute0_lowered;
	[smem:$0x3FD2] =	sst s25  }
0xac: {  	s5 =	sshll.u32 s26, $0x1;
	_ =	strace $0x80000046;
	[dreg:$0x1] =	wrdreg $0xFFFFFFFF  }
0xad: {  	s28 =	simm.s32 $_size_execute0_lowered;
	s3 =	sadd.s32 s3, s5;
	[dreg:$0x0] =	wrdreg $0x0  }
0xae: {  	s5 =	sshll.u32 s28, $0x1;
	[dreg:$0x2] =	wrdreg s3  }
0xaf: {  	[dreg:$0x3] =	wrdreg s5  }
0xb0: {  	[dreg:$0x4] =	wrdreg $0xC0  }
0xb1: {  	_ =	task [dreg:s7], $0x5FFFF  }
0xb2: {  	[dreg:$0x1] =	wrdreg $0xFFFFFFFF  }
0xb3: {  	[dreg:$0x0] =	wrdreg $0x60  }
0xb4: {  	[dreg:$0x2] =	wrdreg s16  }
0xb5: {  	[dreg:$0x3] =	wrdreg s24  }
0xb6: {  	[dreg:$0x4] =	wrdreg $0x41800  }
0xb7: {  	[dreg:$0x5] =	wrdreg $0xA  }
0xb8: {  	_ =	task.clear_ibuf [dreg:s7], $0x6FFFF;
	_ =	strace $0x90000046  }
0xb9: {  	s29 =	simm.s32 $0xA;
	_ =	strace $0x80000048  }
0xba: {  	_ =	swait.ge [sflag:s29], $0x1  }
0xbb: {  	[sflag:s29] =	ssyncadd.s32 $0xFFFFFFFF  }
0xbc: {  	_ =	strace $0x90000048  }
0xbd: {  	_ =	sfence  }
0xbe: {  	s30 =	sld [smem:$0x0];
	_ =	sdelay $0x2  }
0xbf: {  	s31 =	sshll.u32 s1, $0xD;
	s1 =	sshrl.u32 s1, $0x2  }
0xc0: {  	s3 =	sand.u32 $0x4000, s31;
	s1 =	sadd.s32 s1, s30  }
0xc1: {  	s0 =	sor.u32 s3, s0;
	s1 =	sshll.u32 s1, $0x11  }
0xc2: {  	s0 =	sor.u32 s1, s0  }
0xc3: {  	s0 =	sadd.s32 $0x8F2B, s0  }
0xc4: {  	[sflag:s0] =	ssyncadd.remote.s32 $0x1  }
0xc5: {  	_ =	sfence.sel $0xFFFF  }
0xc6: {  	[dreg:$0x0] =	wrdreg $0xFFFFFFFF;
	(pc) =	sbr.abs _section_cstart, $3  }
0xc7: {  	[dreg:$0x1] =	wrdreg $0xFFFFFFFF  }
0xc8: {  	_ =	task.clear_ibuf [dreg:s7], $0x2FFFF;
	_ =	strace $0x9FFFFFFF  }
0xc9: {  	(tm) =	ssettm $0x7FFFFFFF  }
tec
execute0_lowered:
.L_overlay_start_1:
0x0: {  	(tag) =	ssettag $0x1  }
0x1: {  	s1 =	rddreg [dreg:$0x0]  }
0x2: {  	s8 =	rddreg [dreg:$0x1];
	s2 =	srdreg.scid  }
0x3: {  	s0 =	stileid.u32;
	s3 =	rddreg [dreg:$0x2]  }
0x4: {  	s4 =	simm.s32 $0x0;
	s21 =	simm.s32 $0x2;
	s22 =	simm.s32 $0x80  }
0x5: {  	s24 =	simm.s32 $0x180;
	s25 =	simm.s32 $0x1;
	s6 =	smul.u32 $0x270, s0  }
0x6: {  	[smem:$0x7FF] =	sst s4;
	s7 =	smul.u32 $0x4E000, s0;
	s5 =	sadd.s32 $0x5400, s8  }
0x7: {  	s9 =	sand.u32 $0x1, s2;
	s13 =	sadd.s32 $0x124800, s3;
	s14 =	sadd.s32 $0x128800, s3  }
0x8: {  	s15 =	sadd.s32 $0x12C800, s3;
	s18 =	smul.u32 $0x50, s0;
	p0 =	seq.s32 s0, $0xF  }
0x9: {  	s23 =	smul.u32 $0x2710, s9;
	_ =	strace $0x80000047;
	s16 =	ssub.s32 $0x2, s9  }
0xa: {  	s11 =	sshrl.u32 s7, $0x2;
	s7 =	sadd.s32 $0xF400, s8;
	s17 =	sshrl.u32 s16, $0x1  }
0xb: {  	s10 =	sadd.s32 s6, s23;
	s6 =	sadd.s32 $0xA400, s8;
	s20 =	ssub.s32 s16, s17  }
0xc: {  	s16 =	sadd.s32 $0x130800, s3;
	s17 =	sadd.s32 $0x134800, s3;
	s10 =	sshll.u32 s10, $0x4  }
0xd: {  	v0 =	vmov s23;
	s23 =	simm.s32 $0x100;
	s19 =	sadd.s32 s10, s8;
	s8 =	sadd.s32 s11, s3  }
0xe: {  	s20 =	smax.u32 s20, $0x1;
	s9 =	sadd.s32 $0x4000, s8;
	s10 =	sadd.s32 $0x8000, s8  }
0xf: {  	v1 =	vimm.f32 $0.0e+00;
	s11 =	sadd.s32 $0xC000, s8;
	s12 =	sadd.s32 $0x10000, s8;
	s19 =	sadd.s32 $0x14400, s19  }
.LBB2_1:
0x10: {  	s26 =	simm.s32 $0x0;
	s28 =	simm.s32 $0x200  }
.LBB2_2:
0x11: {  	p1 =	sne.s32 s28, $0xFE00;
	[tilespmem:s26+$0x1F0] =	vst v1  }
0x12: {  	[tilespmem:s26+$0x180] =	vst v1  }
0x13: {  	[tilespmem:s26+$0x190] =	vst v1  }
.Ltmp0:
0x14: {  	[tilespmem:s26+$0x1A0] =	vst v1;
	(pc) =	sbr.rel @p1 .LBB2_2-.Ltmp0, $4  }
0x15: {  	[tilespmem:s26+$0x1B0] =	vst v1  }
0x16: {  	[tilespmem:s26+$0x1C0] =	vst v1  }
0x17: {  	[tilespmem:s26+$0x1D0] =	vst v1  }
0x18: {  	[tilespmem:s26+$0x1E0] =	vst v1;
	s26 =	sshra.s32 s28, $0x2;
	s28 =	sadd.s32 $0x200, s28  }
0x19: {  	[tilespmem:s26+$0x1F0] =	vst v1  }
0x1a: {  	[tilespmem:s26+$0x180] =	vst v1  }
0x1b: {  	[tilespmem:s26+$0x190] =	vst v1  }
0x1c: {  	[tilespmem:s26+$0x1A0] =	vst v1  }
0x1d: {  	[tilespmem:s26+$0x1B0] =	vst v1  }
0x1e: {  	[tilespmem:s26+$0x1C0] =	vst v1  }
0x1f: {  	[tilespmem:s26+$0x1D0] =	vst v1  }
0x20: {  	[tilespmem:s26+$0x1E0] =	vst v1;
	s26 =	simm.s32 @p0 $0x180;
	s28 =	simm.s32 @p0 $0x2  }
0x21: {  	[spmem:s13] =	stream.linear.scatter @p0 [tilespmem:s26], [sflag:$0x2], $0x4000, $0x38;
	[tilespmem:$0x17A00] =	vst v63  }
0x22: {  	_ =	swait.ge @p0 [sflag:s28], $0x4000  }
0x23: {  	[sflag:s28] =	ssyncset.done @p0 $0x0  }
0x24: {  	[sflag:s28] =	ssyncadd.s32 @p0 $0xFFFFC000  }
0x25: {  	[spmem:s14] =	stream.linear.scatter @p0 [tilespmem:s26], [sflag:$0x2], $0x4000, $0x38;
	[tilespmem:$0x17A00] =	vst v63  }
0x26: {  	_ =	swait.ge @p0 [sflag:s28], $0x4000  }
0x27: {  	[sflag:s28] =	ssyncset.done @p0 $0x0  }
0x28: {  	[sflag:s28] =	ssyncadd.s32 @p0 $0xFFFFC000  }
0x29: {  	[spmem:s15] =	stream.linear.scatter @p0 [tilespmem:s26], [sflag:$0x2], $0x4000, $0x38;
	[tilespmem:$0x17A00] =	vst v63  }
0x2a: {  	_ =	swait.ge @p0 [sflag:s28], $0x4000  }
0x2b: {  	[sflag:s28] =	ssyncset.done @p0 $0x0  }
0x2c: {  	[sflag:s28] =	ssyncadd.s32 @p0 $0xFFFFC000  }
0x2d: {  	[spmem:s16] =	stream.linear.scatter @p0 [tilespmem:s26], [sflag:$0x2], $0x4000, $0x38;
	[tilespmem:$0x17A00] =	vst v63  }
0x2e: {  	_ =	swait.ge @p0 [sflag:s28], $0x4000  }
0x2f: {  	[sflag:s28] =	ssyncset.done @p0 $0x0  }
0x30: {  	[sflag:s28] =	ssyncadd.s32 @p0 $0xFFFFC000  }
0x31: {  	[spmem:s17] =	stream.linear.scatter @p0 [tilespmem:s26], [sflag:$0x2], $0x4000, $0x38;
	[tilespmem:$0x17A00] =	vst v63  }
0x32: {  	_ =	swait.ge @p0 [sflag:s28], $0x4000  }
0x33: {  	[sflag:s28] =	ssyncset.done @p0 $0x0  }
0x34: {  	s26 =	simm.s32 @!p0 $0x180;
	[sflag:s28] =	ssyncadd.s32 @p0 $0xFFFFC000;
	s28 =	simm.s32 @!p0 $0x2  }
0x35: {  	[spmem:s8] =	stream.linear.scatter @!p0 [tilespmem:s26], [sflag:$0x2], $0x4000, $0x38;
	[tilespmem:$0x17A00] =	vst v63  }
0x36: {  	_ =	swait.ge @!p0 [sflag:s28], $0x4000  }
0x37: {  	[sflag:s28] =	ssyncset.done @!p0 $0x0  }
0x38: {  	[sflag:s28] =	ssyncadd.s32 @!p0 $0xFFFFC000  }
0x39: {  	[spmem:s9] =	stream.linear.scatter @!p0 [tilespmem:s26], [sflag:$0x2], $0x4000, $0x38;
	[tilespmem:$0x17A00] =	vst v63  }
0x3a: {  	_ =	swait.ge @!p0 [sflag:s28], $0x4000  }
0x3b: {  	[sflag:s28] =	ssyncset.done @!p0 $0x0  }
0x3c: {  	[sflag:s28] =	ssyncadd.s32 @!p0 $0xFFFFC000  }
0x3d: {  	[spmem:s10] =	stream.linear.scatter @!p0 [tilespmem:s26], [sflag:$0x2], $0x4000, $0x38;
	[tilespmem:$0x17A00] =	vst v63  }
0x3e: {  	_ =	swait.ge @!p0 [sflag:s28], $0x4000  }
0x3f: {  	[sflag:s28] =	ssyncset.done @!p0 $0x0  }
0x40: {  	[sflag:s28] =	ssyncadd.s32 @!p0 $0xFFFFC000  }
0x41: {  	[spmem:s11] =	stream.linear.scatter @!p0 [tilespmem:s26], [sflag:$0x2], $0x4000, $0x38;
	[tilespmem:$0x17A00] =	vst v63  }
0x42: {  	_ =	swait.ge @!p0 [sflag:s28], $0x4000  }
0x43: {  	[sflag:s28] =	ssyncset.done @!p0 $0x0  }
0x44: {  	[sflag:s28] =	ssyncadd.s32 @!p0 $0xFFFFC000  }
0x45: {  	[spmem:s12] =	stream.linear.scatter @!p0 [tilespmem:s26], [sflag:$0x2], $0x3800, $0x38;
	[tilespmem:$0x17A00] =	vst v63  }
0x46: {  	_ =	swait.ge @!p0 [sflag:s28], $0x3800  }
0x47: {  	[sflag:s28] =	ssyncset.done @!p0 $0x0  }
0x48: {  	[sflag:s28] =	ssyncadd.s32 @!p0 $0xFFFFC800  }
0x49: {  	s26 =	simm.s32 $0x0;
	s28 =	simm.s32 $0x0;
	[bflag:$0x0] =	sbarrier.arrive $0xFFFF  }
.LBB2_4:
0x4a: {  	s29 =	sadd.s32 s18, s28  }
0x4b: {  	s29 =	sshll.u32 s29, $0x4  }
0x4c: {  	s30 =	sadd.s32 s5, s29  }
0x4d: {  	[tilespmem:s26], [sflag:$0x2] =	stream.linear.gather [hbm4b:s30+s26], $0x80, $0x38;
	[tilespmem:$0x17A00] =	vst v63  }
0x4e: {  	_ =	swait.ge [sflag:s21], $0x80  }
0x4f: {  	[sflag:s21] =	ssyncset.done $0x0  }
0x50: {  	s30 =	sadd.s32 s6, s29;
	[sflag:s21] =	ssyncadd.s32 $0xFFFFFF80  }
0x51: {  	[tilespmem:s22], [sflag:$0x2] =	stream.linear.gather [hbm4b:s30+s26], $0x80, $0x38;
	[tilespmem:$0x17A00] =	vst v63  }
0x52: {  	_ =	swait.ge [sflag:s21], $0x80  }
0x53: {  	[sflag:s21] =	ssyncset.done $0x0  }
0x54: {  	s29 =	sadd.s32 s7, s29;
	[sflag:s21] =	ssyncadd.s32 $0xFFFFFF80  }
0x55: {  	[tilespmem:s23], [sflag:$0x2] =	stream.linear.gather [hbm4b:s29+s26], $0x80, $0x38;
	[tilespmem:$0x17A00] =	vst v63  }
0x56: {  	_ =	swait.ge [sflag:s21], $0x80  }
0x57: {  	[sflag:s21] =	ssyncset.done $0x0  }
0x58: {  	[sflag:s21] =	ssyncadd.s32 $0xFFFFFF80  }
0x59: {  	v2 =	vld [tilespmem:$0x0]  }
0x5a: {  	v3 =	vld [tilespmem:$0x10]  }
0x5b: {  	v4 =	vld [tilespmem:$0x20]  }
0x5c: {  	v5 =	vld [tilespmem:$0x30]  }
0x5d: {  	v6 =	vld [tilespmem:$0x40]  }
0x5e: {  	v7 =	vld [tilespmem:$0x50];
	v2 =	vadd.s32 v0, v2  }
0x5f: {  	[tilespmem:$0x0] =	vst v2;
	v2 =	vadd.s32 v0, v3;
	v3 =	vld [tilespmem:$0x60]  }
0x60: {  	[tilespmem:$0x10] =	vst v2;
	v2 =	vadd.s32 v0, v4;
	v4 =	vld [tilespmem:$0x70]  }
0x61: {  	[tilespmem:$0x20] =	vst v2;
	v2 =	vadd.s32 v0, v5  }
0x62: {  	[tilespmem:$0x30] =	vst v2;
	v2 =	vadd.s32 v0, v6  }
0x63: {  	[tilespmem:$0x40] =	vst v2;
	v2 =	vadd.s32 v0, v7  }
0x64: {  	[tilespmem:$0x50] =	vst v2;
	v2 =	vadd.s32 v0, v3  }
0x65: {  	[tilespmem:$0x60] =	vst v2;
	v2 =	vadd.s32 v0, v4  }
0x66: {  	[tilespmem:$0x70] =	vst v2  }
0x67: {  	[tilespmem:s24], [sflag:$0x1] =	stream.indirect.gather [hbm4b:s1+s22], $0x80, s26, s22, $0xb8;
	[tilespmem:$0x17A00] =	vst v63  }
0x68: {  	_ =	swait.ge [sflag:s25], $0x4000  }
0x69: {  	v2 =	vmov s26;
	[sflag:s25] =	ssyncset.done $0x0  }
0x6a: {  	s29 =	simm.s32 $0x1C0;
	[sflag:s25] =	ssyncadd.s32 $0xFFFFC000  }
0x6b: {  	v6 =	vld [tilespmem:s29+$0x30]  }
0x6c: {  	v9 =	vld [tilespmem:s29+$0x10]  }
0x6d: {  	v7 =	vld [tilespmem:s29+$0xFFFFFFC0]  }
0x6e: {  	v3 =	vld.idx.msk [tilespmem:v2+s23+$0x0], $0xffff  }
0x6f: {  	v11 =	vld [tilespmem:s29+$0xFFFFFFE0]  }
0x70: {  	v2 =	vld [tilespmem:s29+$0xFFFFFFF0]  }
0x71: {  	v4 =	vld [tilespmem:s29+$0x20]  }
0x72: {  	v5 =	vld [tilespmem:s29+$0xFFFFFFD0]  }
0x73: {  	v10 =	vmul.f32 v6, v3;
	v6 =	vld [tilespmem:s29+$0x0]  }
0x74: {  	v8 =	vmul.f32 v7, v3  }
0x75: {  	s31 =	simm.s32 $0x1C0;
	s30 =	simm.s32 $0x1;
	v7 =	vmul.f32 v11, v3;
	v9 =	vmul.f32 v9, v3  }
.LBB2_5:
0x76: {  	p1 =	sne.s32 s30, $0x7F  }
0x77: {  	v5 =	vmul.f32 v5, v3;
	v4 =	vmul.f32 v4, v3;
	[tilespmem:s29+$0x30] =	vst v10;
	s31 =	sadd.s32 $0x80, s31;
	s2 =	smov.u32 s30;
	s30 =	sadd.s32 $0x1, s30  }
0x78: {  	[tilespmem:s29+$0xFFFFFFC0] =	vst v8;
	v8 =	vmul.f32 v2, v3;
	v3 =	vmul.f32 v6, v3  }
0x79: {  	[tilespmem:s29+$0x10] =	vst v9  }
0x7a: {  	v6 =	vmov s2;
	[tilespmem:s29+$0xFFFFFFE0] =	vst v7  }
0x7b: {  	v2 =	vld [tilespmem:s31+$0xFFFFFFF0];
	[tilespmem:s29+$0xFFFFFFF0] =	vst v8  }
0x7c: {  	v7 =	vld [tilespmem:s31+$0x30];
	[tilespmem:s29+$0x0] =	vst v3  }
0x7d: {  	v9 =	vld [tilespmem:s31+$0x10];
	[tilespmem:s29+$0x20] =	vst v4  }
0x7e: {  	v8 =	vld [tilespmem:s31+$0xFFFFFFC0];
	[tilespmem:s29+$0xFFFFFFD0] =	vst v5;
	s29 =	smov.u32 s31  }
0x7f: {  	v3 =	vld.idx.msk [tilespmem:v6+s23+$0x0], $0xffff  }
0x80: {  	v11 =	vld [tilespmem:s31+$0xFFFFFFE0]  }
0x81: {  	v4 =	vld [tilespmem:s31+$0x20]  }
.Ltmp1:
0x82: {  	v5 =	vld [tilespmem:s31+$0xFFFFFFD0];
	(pc) =	sbr.rel @p1 .LBB2_5-.Ltmp1, $3  }
0x83: {  	v6 =	vld [tilespmem:s31+$0x0];
	_ =	sdelay $0x1  }
0x84: {  	v8 =	vmul.f32 v8, v3;
	v10 =	vmul.f32 v7, v3  }
0x85: {  	v9 =	vmul.f32 v9, v3;
	v7 =	vmul.f32 v11, v3  }
0x86: {  	[tilespmem:s29+$0x30] =	vst v10  }
0x87: {  	[tilespmem:s29+$0xFFFFFFC0] =	vst v8  }
0x88: {  	v2 =	vmul.f32 v2, v3;
	[tilespmem:s29+$0x10] =	vst v9  }
0x89: {  	v4 =	vmul.f32 v4, v3;
	[tilespmem:s29+$0xFFFFFFE0] =	vst v7  }
0x8a: {  	v6 =	vmul.f32 v6, v3;
	[tilespmem:s29+$0xFFFFFFF0] =	vst v2  }
0x8b: {  	s28 =	sadd.s32 $0x1, s28;
	v2 =	vmul.f32 v5, v3;
	[tilespmem:s29+$0x20] =	vst v4  }
0x8c: {  	p1 =	sne.s32 s28, $0x50;
	[tilespmem:s29+$0x0] =	vst v6  }
.Ltmp2:
0x8d: {  	[tilespmem:s29+$0xFFFFFFD0] =	vst v2;
	(pc) =	sbr.rel @p1 .LBB2_4-.Ltmp2, $4  }
0x8e: {  	[spmem:s3] =	stream.indirect.scatter.add.f32 [tilespmem:s24], [sflag:$0x2], $0x80, s22, s22, $0xb8;
	[tilespmem:$0x17A00] =	vst v63  }
0x8f: {  	_ =	swait.ge [sflag:s21], $0x4000  }
0x90: {  	[sflag:s21] =	ssyncset.done $0x0  }
0x91: {  	[sflag:s21] =	ssyncadd.s32 $0xFFFFC000  }
0x92: {  	[bflag:$0x0] =	sbarrier.arrive $0xFFFF;
	s2 =	sshrl.u32 @p0 s13, $0x3;
	s26 =	simm.s32 @p0 $0x1FC2  }
0x93: {  	[hbm:s19], [sflag:s26] =	dma.local @p0 [spmem:s2], $0x2800  }
0x94: {  	s2 =	simm.s32 @p0 $0x2  }
0x95: {  	s4 =	sadd.s32 $0x1, s4;
	_ =	swait.ge @p0 [sflag:s2], $0x2800  }
0x96: {  	s26 =	sshll.u32 @!p0 s0, $0x6;
	p1 =	sne.s32 s4, s20;
	[sflag:s2] =	ssyncset.done @p0 $0x0  }
0x97: {  	[sflag:s2] =	ssyncadd.s32 @p0 $0xFFFFD800;
	s2 =	sor.u32 @!p0 $0x1C02, s26;
	s26 =	sshrl.u32 @!p0 s8, $0x3  }
0x98: {  	[hbm:s19], [sflag:s2] =	dma.local @!p0 [spmem:s26], $0x2700  }
.Ltmp3:
0x99: {  	_ = 	snop;
	(pc) =	sbr.rel @p1 .LBB2_1-.Ltmp3, $4  }
0x9a: {  	s2 =	simm.s32 @!p0 $0x2  }
0x9b: {  	_ =	swait.ge @!p0 [sflag:s2], $0x2700  }
0x9c: {  	[sflag:s2] =	ssyncset.done @!p0 $0x0  }
0x9d: {  	[sflag:s2] =	ssyncadd.s32 @!p0 $0xFFFFD900  }
0x9e: {  	_ =	sfence.sel $0x180000  }
0x9f: {  	[bflag:$0x0] =	sbarrier.arrive $0xFFFF  }
0xa0: {  	_ =	strace $0x90000047  }
0xa1: {  	[bflag:$0x2] =	sbarrier.arrive $0xFFFF  }
0xa2: {  	p0 =	sne.s32 s0, $0x0;
	s0 =	rddreg [dreg:$0x3]  }
0xa3: {  	s0 =	sadd.s32 @!p0 $0x100000, s0  }
0xa4: {  	[sflag:s0] =	ssyncadd.tile.s32 @!p0 $0x1;
	_ =	shalt  }
.Lfunc_end2:
_tile_overlayer_lowered:
.L_overlay_start_2:
0xa5: {  	(tag) =	ssettag $0x2  }
0xa6: {  	s0 =	rddreg [dreg:$0x0];
	s2 =	stileid.u32  }
0xa7: {  	s1 =	rddreg [dreg:$0x1];
	p0 =	sne.s32 s2, $0x0  }
0xa8: {  	s3 =	rddreg [dreg:$0x2];
	[bflag:$0x3] =	sbarrier.arrive $0xFFFF;
	s2 =	simm.s32 @!p0 $0x1C02  }
0xa9: {  	[timem:s3], [sflag:s2] =	dma.local @!p0 [hbm:s0], s1  }
0xaa: {  	s0 =	simm.s32 @!p0 $0x2  }
0xab: {  	_ =	swait.ge @!p0 [sflag:s0], s1  }
0xac: {  	s1 =	ssub.s32 @!p0 $0x0, s1;
	[sflag:s0] =	ssyncset.done @!p0 $0x0  }
0xad: {  	[sflag:s0] =	ssyncadd.s32 @!p0 s1  }
0xae: {  	[bflag:$0x3] =	sbarrier.arrive $0xFFFF  }
0xaf: {  	_ =	shalt  }

// kernel: kernel.15.cloned.1.call-start
scs
__scs_entry_jumppad:
0x0: {  	(pc) =	sbr.rel $0x88, $3  }
0x1: {  	(tag) =	ssettag $0x0;
	lr =	simm.s32 $0x1  }
0x2: {  	[smem:$0x3F8F] =	sst lr;
	_ =	strace $0xD0000000  }
0x3: {  	_ = 	snop  }
0x4: {  	_ = 	snop  }
0x5: {  	_ = 	snop  }
0x6: {  	_ = 	snop  }
0x7: {  	_ = 	snop  }
__scs_overlays_trampoline_lowered:
0x8: {  	[smem:$0x3F9E] =	sst s0  }
0x9: {  	[smem:$0x3F9F] =	sst s1  }
0xa: {  	[smem:$0x3FA0] =	sst s2  }
0xb: {  	[smem:$0x3FA1] =	sst s3  }
0xc: {  	[smem:$0x3FA2] =	sst s4  }
0xd: {  	[smem:$0x3FA3] =	sst s5  }
0xe: {  	[smem:$0x3FA4] =	sst s6  }
0xf: {  	[smem:$0x3FA5] =	sst s7  }
0x10: {  	[smem:$0x3FA6] =	sst s8  }
0x11: {  	[smem:$0x3FA7] =	sst s9;
	s0 =	simm.s32 @!p0 $0x0  }
0x12: {  	s1 =	sld [smem:$0x3F8D];
	s0 =	simm.s32 @p0 $0x1  }
0x13: {  	[smem:$0x3FA8] =	sst s0;
	s0 =	simm.s32 @!p1 $0x0  }
0x14: {  	s2 =	sld [smem:$0x3F8C];
	s0 =	simm.s32 @p1 $0x1  }
0x15: {  	[smem:$0x3FA9] =	sst s0;
	s0 =	simm.s32 @!p2 $0x0  }
0x16: {  	s3 =	sld [smem:$0x3FDB];
	s0 =	simm.s32 @p2 $0x1  }
0x17: {  	s4 =	simm.s32 $0x1BF5;
	[smem:$0x3FAB] =	sst s0  }
0x18: {  	s0 =	sld [smem:$0x3F8E];
	_ =	swait.ge [sflag:s4], $0x0  }
0x19: {  	s7 =	sld [smem:$0x3F8F]  }
0x1a: {  	s8 =	sadd.s32 $0xFFFFE003, lr  }
0x1b: {  	s9 =	sadd.s32 $0xFFFFFEF7, lr;
	s5 =	simm.s32 $0xFFFFFFFF;
	p2 =	slt.u32 s8, $0xFFFFF086  }
0x1c: {  	p1 =	slt.u32 s9, $0xF7A;
	s5 =	simm.s32 @!p2 $0x0  }
0x1d: {  	s5 =	simm.s32 @p1 $0x1;
	p0 =	seq.s32 s7, s2  }
0x1e: {  	s7 =	smul.u32 @!p0 $0xF7A, s2;
	p2 =	seq.s32 @!p0 s5, $0x0  }
0x1f: {  	s9 =	smul.u32 $0xF7A, s1;
	s8 =	simm.s32 @!p0 $0x1BF5;
	p2 =	por !p2, p0  }
0x20: {  	[sflag:s8] =	ssyncset.s32 @!p0 $0xFFFFF086;
	s6 =	sadd.s32 @!p0 s3, s7;
	s7 =	simm.s32 @!p0 $0x108  }
0x21: {  	s3 =	sadd.s32 s3, s9;
	s6 =	sadd.s32 @!p0 $0x88, s6;
	s7 =	simm.s32 @p2 $0x1082  }
0x22: {  	[simem:s7], [sflag:s8] =	dma.local @!p0 [hbm:s6], $0xF7A  }
0x23: {  	s9 =	sor.u32 $0xD0000000, s2;
	s6 =	simm.s32 $0x108;
	_ =	swait.ge @!p0 [sflag:s8], $0x0  }
0x24: {  	s3 =	sadd.s32 $0x88, s3;
	s6 =	simm.s32 @!p1 $0x1082;
	[sflag:s4] =	ssyncset.s32 $0xFFFFF086  }
0x25: {  	[simem:s6], [sflag:s4] =	dma.local [hbm:s3], $0xF7A  }
0x26: {  	[smem:$0x3F8F] =	sst s1;
	(tag) =	ssettag s2;
	_ =	strace s9  }
0x27: {  	s1 =	sld [smem:$0x3F9F]  }
0x28: {  	s2 =	sld [smem:$0x3FA0]  }
0x29: {  	s4 =	sld [smem:$0x3FA2]  }
0x2a: {  	p0 =	seq.s32 s5, $0x0;
	s5 =	sld [smem:$0x3FA3]  }
0x2b: {  	s6 =	sld [smem:$0x3FA4]  }
0x2c: {  	s7 =	sld [smem:$0x3FA5]  }
0x2d: {  	s3 =	simm.s32 $0x108;
	s8 =	sld [smem:$0x3FA6]  }
0x2e: {  	s3 =	simm.s32 @!p0 $0x1082;
	s9 =	sld [smem:$0x3FA7]  }
0x2f: {  	lr =	sadd.s32 s0, s3;
	s0 =	sld [smem:$0x3F9E]  }
0x30: {  	s3 =	sld [smem:$0x3FA1]  }
0x31: {  	[smem:$0x3FAA] =	sst s10  }
0x32: {  	s10 =	sld [smem:$0x3FA8];
	_ =	sdelay $0x3  }
0x33: {  	p0 =	seq.s32 s10, $0x1;
	s10 =	sld [smem:$0x3FAA];
	_ =	sdelay $0x3  }
0x34: {  	[smem:$0x3FAA] =	sst s10  }
0x35: {  	s10 =	sld [smem:$0x3FA9];
	_ =	sdelay $0x3  }
0x36: {  	p1 =	seq.s32 s10, $0x1;
	s10 =	sld [smem:$0x3FAA];
	_ =	sdelay $0x3  }
0x37: {  	[smem:$0x3FAA] =	sst s10  }
0x38: {  	s10 =	sld [smem:$0x3FAB]  }
0x39: {  	_ = 	snop;
	(pc) =	sbr.ind lr, $3  }
0x3a: {  	_ = 	snop  }
0x3b: {  	_ = 	snop  }
0x3c: {  	p2 =	seq.s32 s10, $0x1;
	s10 =	sld [smem:$0x3FAA]  }
0x3d: {  	_ =	shalt  }
0x3e: {  	_ =	shalt  }
0x3f: {  	_ =	shalt  }
0x40: {  	_ =	shalt  }
0x41: {  	_ =	shalt  }
0x42: {  	_ =	shalt  }
0x43: {  	_ =	shalt  }
0x44: {  	_ =	shalt  }
0x45: {  	_ =	shalt  }
0x46: {  	_ =	shalt  }
0x47: {  	_ =	shalt  }
0x48: {  	_ =	shalt  }
0x49: {  	_ =	shalt  }
0x4a: {  	_ =	shalt  }
0x4b: {  	_ =	shalt  }
0x4c: {  	_ =	shalt  }
0x4d: {  	_ =	shalt  }
0x4e: {  	_ =	shalt  }
0x4f: {  	_ =	shalt  }
0x50: {  	_ =	shalt  }
0x51: {  	_ =	shalt  }
0x52: {  	_ =	shalt  }
0x53: {  	_ =	shalt  }
0x54: {  	_ =	shalt  }
0x55: {  	_ =	shalt  }
0x56: {  	_ =	shalt  }
0x57: {  	_ =	shalt  }
0x58: {  	_ =	shalt  }
0x59: {  	_ =	shalt  }
0x5a: {  	_ =	shalt  }
0x5b: {  	_ =	shalt  }
0x5c: {  	_ =	shalt  }
0x5d: {  	_ =	shalt  }
0x5e: {  	_ =	shalt  }
0x5f: {  	_ =	shalt  }
0x60: {  	_ =	shalt  }
0x61: {  	_ =	shalt  }
0x62: {  	_ =	shalt  }
0x63: {  	_ =	shalt  }
0x64: {  	_ =	shalt  }
0x65: {  	_ =	shalt  }
0x66: {  	_ =	shalt  }
0x67: {  	_ =	shalt  }
0x68: {  	_ =	shalt  }
0x69: {  	_ =	shalt  }
0x6a: {  	_ =	shalt  }
0x6b: {  	_ =	shalt  }
0x6c: {  	_ =	shalt  }
0x6d: {  	_ =	shalt  }
0x6e: {  	_ =	shalt  }
0x6f: {  	_ =	shalt  }
0x70: {  	_ =	shalt  }
0x71: {  	_ =	shalt  }
0x72: {  	_ =	shalt  }
0x73: {  	_ =	shalt  }
0x74: {  	_ =	shalt  }
0x75: {  	_ =	shalt  }
0x76: {  	_ =	shalt  }
0x77: {  	_ =	shalt  }
0x78: {  	_ =	shalt  }
0x79: {  	_ =	shalt  }
0x7a: {  	_ =	shalt  }
0x7b: {  	_ =	shalt  }
0x7c: {  	_ =	shalt  }
0x7d: {  	_ =	shalt  }
0x7e: {  	_ =	shalt  }
0x7f: {  	_ =	shalt  }
0x80: {  	_ =	shalt  }
0x81: {  	_ =	shalt  }
0x82: {  	_ =	shalt  }
0x83: {  	_ =	shalt  }
0x84: {  	_ =	shalt  }
0x85: {  	_ =	shalt  }
0x86: {  	_ =	shalt  }
0x87: {  	_ =	shalt  }
.Lfunc_end0:
.L_simem_size_0:
called_computation.1_lowered:
.L_overlay_start_0:
0x88: {  	s2 =	sld [smem:$0x3FD9]  }
0x89: {  	s3 =	sld [smem:$0x3FFE];
	_ =	sdelay $0x1  }
0x8a: {  	s1 =	srdreg.scid  }
0x8b: {  	s0 =	sand.u32 $0x1, s1  }
0x8c: {  	s17 =	sshll.u32 s0, $0xA;
	s2 =	sadd.s32 s3, s2  }
0x8d: {  	s2 =	sadd.s32 s2, s17  }
0x8e: {  	[smem:$0x3FB6] =	sst s2  }
0x8f: {  	_ = 	snop  }
0x90: {  	(tm) =	ssettm $0x1  }
0x91: {  	s18 =	sld [smem:$0x3FFB];
	_ =	sdelay $0x3  }
0x92: {  	_ =	strace s18  }
0x93: {  	s2 =	sld [smem:$0x3FFC];
	_ =	sdelay $0x3  }
0x94: {  	_ =	strace s2  }
0x95: {  	s2 =	sld [smem:$0x3FFD];
	_ =	sdelay $0x3  }
0x96: {  	_ =	strace s2  }
0x97: {  	_ =	strace $0x8FFFFFFF  }
0x98: {  	s19 =	sld [smem:$0x3FDB];
	_ =	sdelay $0x1  }
0x99: {  	s20 =	simm.s32 $_scs_section_size  }
0x9a: {  	s4 =	simm.s32 $_size__tile_overlayer_lowered;
	s5 =	simm.s32 $_tile_overlayer_lowered  }
0x9b: {  	s6 =	simm.s32 $0x1BFF;
	s21 =	sshll.u32 s5, $0x1;
	s3 =	sadd.s32 s20, s19  }
0x9c: {  	s22 =	simm.s32 $0x0;
	s4 =	sshll.u32 s4, $0x1;
	s5 =	sadd.s32 s21, s3  }
0x9d: {  	[timem:s22], [sflag:s6] =	dma.local [hbm:s5], s4  }
0x9e: {  	_ =	swait.ge [sflag:s6], s4  }
0x9f: {  	s4 =	ssub.s32 $0x0, s4;
	[sflag:s6] =	ssyncset.done $0x0  }
0xa0: {  	[sflag:s6] =	ssyncadd.s32 s4;
	_ =	sdelay $0x1  }
0xa1: {  	s23 =	simm.s32 $0x1B8B  }
0xa2: {  	_ =	swait.ge [sflag:s23], $0x1  }
0xa3: {  	[sflag:s23] =	ssyncset.done $0x0  }
0xa4: {  	[sflag:s23] =	ssyncadd.s32 $0xFFFFFFFF  }
0xa5: {  	s4 =	sld [smem:$0x0]  }
0xa6: {  	s5 =	sand.u32 $0xFFFFFFFE, s1  }
0xa7: {  	p0 =	sne.s32 s1, s5  }
0xa8: {  	s5 =	sshll.u32 @p0 s5, $0xE  }
0xa9: {  	s5 =	sadd.s32 @p0 $0x11B8D, s5;
	s6 =	sshll.u32 @p0 s4, $0x11  }
0xaa: {  	s5 =	sor.u32 @p0 s6, s5  }
0xab: {  	[sflag:s5] =	ssyncadd.remote.s32 @p0 $0x1;
	_ =	sdelay $0x1  }
0xac: {  	s5 =	simm.s32 @p0 $0x1B8D  }
0xad: {  	_ =	swait.eq @p0 [sflag:s5], $0x1  }
0xae: {  	[sflag:s5] =	ssyncadd.s32 @p0 $0xFFFFFFFF  }
0xaf: {  	s6 =	sshll.u32 @!p0 s1, $0xE  }
0xb0: {  	s6 =	sor.u32 @!p0 $0x4000, s6;
	s5 =	simm.s32 @!p0 $0x1B8D  }
0xb1: {  	s4 =	sshll.u32 @!p0 s4, $0x11;
	s6 =	sadd.s32 @!p0 $0x11B8D, s6;
	_ =	swait.eq @!p0 [sflag:s5], $0x1  }
0xb2: {  	s4 =	sor.u32 @!p0 s4, s6;
	[sflag:s5] =	ssyncadd.s32 @!p0 $0xFFFFFFFF  }
0xb3: {  	s25 =	simm.s32 $0x1B8E;
	s24 =	sld [smem:$0x3FFE];
	[sflag:s4] =	ssyncadd.remote.s32 @!p0 $0x1  }
0xb4: {  	s26 =	simm.s32 $execute0_lowered;
	[smem:$0x3FD2] =	sst s25  }
0xb5: {  	s5 =	sshll.u32 s26, $0x1;
	_ =	strace $0x80000049;
	[dreg:$0x1] =	wrdreg $0xFFFFFFFF  }
0xb6: {  	s28 =	simm.s32 $_size_execute0_lowered;
	s3 =	sadd.s32 s3, s5;
	[dreg:$0x0] =	wrdreg $0x0  }
0xb7: {  	s5 =	sshll.u32 s28, $0x1;
	[dreg:$0x2] =	wrdreg s3  }
0xb8: {  	[dreg:$0x3] =	wrdreg s5  }
0xb9: {  	[dreg:$0x4] =	wrdreg $0xC0  }
0xba: {  	_ =	task [dreg:s22], $0x5FFFF  }
0xbb: {  	[dreg:$0x1] =	wrdreg $0xFFFFFFFF  }
0xbc: {  	[dreg:$0x0] =	wrdreg $0x60  }
0xbd: {  	[dreg:$0x2] =	wrdreg s24  }
0xbe: {  	[dreg:$0x3] =	wrdreg $0x41800  }
0xbf: {  	[dreg:$0x4] =	wrdreg $0x9  }
0xc0: {  	_ =	task.clear_ibuf [dreg:s22], $0x5FFFF;
	_ =	strace $0x90000049  }
0xc1: {  	s29 =	simm.s32 $0x9;
	_ =	strace $0x8000004B  }
0xc2: {  	_ =	swait.ge [sflag:s29], $0x1  }
0xc3: {  	[sflag:s29] =	ssyncadd.s32 $0xFFFFFFFF  }
0xc4: {  	_ =	strace $0x9000004B  }
0xc5: {  	_ =	sfence  }
0xc6: {  	s30 =	sld [smem:$0x0];
	_ =	sdelay $0x2  }
0xc7: {  	s31 =	sshll.u32 s1, $0xD;
	s1 =	sshrl.u32 s1, $0x2  }
0xc8: {  	s4 =	sand.u32 $0x4000, s31;
	s1 =	sadd.s32 s1, s30  }
0xc9: {  	s0 =	sor.u32 s4, s0;
	s1 =	sshll.u32 s1, $0x11  }
0xca: {  	s0 =	sor.u32 s1, s0  }
0xcb: {  	s0 =	sadd.s32 $0x8F2B, s0  }
0xcc: {  	[sflag:s0] =	ssyncadd.remote.s32 $0x1  }
0xcd: {  	_ =	sfence.sel $0xFFFF  }
0xce: {  	[dreg:$0x0] =	wrdreg $0xFFFFFFFF;
	(pc) =	sbr.abs _section_cstart, $3  }
0xcf: {  	[dreg:$0x1] =	wrdreg $0xFFFFFFFF  }
0xd0: {  	_ =	task.clear_ibuf [dreg:s22], $0x2FFFF;
	_ =	strace $0x9FFFFFFF  }
0xd1: {  	(tm) =	ssettm $0x7FFFFFFF  }
tec
execute0_lowered:
.L_overlay_start_1:
0x0: {  	(tag) =	ssettag $0x1  }
0x1: {  	s8 =	rddreg [dreg:$0x0]  }
0x2: {  	s2 =	rddreg [dreg:$0x1]  }
0x3: {  	s4 =	srdreg.scid;
	s1 =	stileid.u32;
	s3 =	simm.s32 $0x0  }
0x4: {  	s21 =	simm.s32 $0x2;
	s22 =	simm.s32 $0x80;
	s24 =	simm.s32 $0x180  }
0x5: {  	s9 =	sand.u32 $0x1, s4;
	s6 =	smul.u32 $0x270, s1;
	[smem:$0x7FF] =	sst s3  }
0x6: {  	s7 =	smul.u32 $0x4E000, s1;
	s4 =	sadd.s32 $0x71600, s8;
	s5 =	sadd.s32 $0x62600, s8  }
0x7: {  	s25 =	simm.s32 $0x1;
	s13 =	sadd.s32 $0x124800, s2;
	s14 =	sadd.s32 $0x128800, s2  }
0x8: {  	s15 =	sadd.s32 $0x12C800, s2;
	s18 =	smul.u32 $0x50, s1;
	p0 =	seq.s32 s1, $0xF  }
0x9: {  	s23 =	smul.u32 $0x2710, s9;
	_ =	strace $0x8000004A;
	s16 =	ssub.s32 $0x2, s9  }
0xa: {  	s11 =	sshrl.u32 s7, $0x2;
	s7 =	sadd.s32 $0x6C600, s8;
	s17 =	sshrl.u32 s16, $0x1  }
0xb: {  	s10 =	sadd.s32 s6, s23;
	s6 =	sadd.s32 $0x67600, s8;
	s20 =	ssub.s32 s16, s17  }
0xc: {  	s16 =	sadd.s32 $0x130800, s2;
	s17 =	sadd.s32 $0x134800, s2;
	s10 =	sshll.u32 s10, $0x4  }
0xd: {  	v0 =	vmov s23;
	s23 =	simm.s32 $0x100;
	s19 =	sadd.s32 s10, s8;
	s8 =	sadd.s32 s11, s2  }
0xe: {  	s20 =	smax.u32 s20, $0x1;
	s9 =	sadd.s32 $0x4000, s8;
	s10 =	sadd.s32 $0x8000, s8  }
0xf: {  	v1 =	vimm.f32 $0.0e+00;
	s11 =	sadd.s32 $0xC000, s8;
	s12 =	sadd.s32 $0x10000, s8;
	s19 =	sadd.s32 $0xBF800, s19  }
.LBB2_1:
0x10: {  	s26 =	simm.s32 $0x0;
	s28 =	simm.s32 $0x200  }
.LBB2_2:
0x11: {  	p1 =	sne.s32 s28, $0xFE00;
	[tilespmem:s26+$0x1F0] =	vst v1  }
0x12: {  	[tilespmem:s26+$0x180] =	vst v1  }
0x13: {  	[tilespmem:s26+$0x190] =	vst v1  }
.Ltmp0:
0x14: {  	[tilespmem:s26+$0x1A0] =	vst v1;
	(pc) =	sbr.rel @p1 .LBB2_2-.Ltmp0, $4  }
0x15: {  	[tilespmem:s26+$0x1B0] =	vst v1  }
0x16: {  	[tilespmem:s26+$0x1C0] =	vst v1  }
0x17: {  	[tilespmem:s26+$0x1D0] =	vst v1  }
0x18: {  	[tilespmem:s26+$0x1E0] =	vst v1;
	s26 =	sshra.s32 s28, $0x2;
	s28 =	sadd.s32 $0x200, s28  }
0x19: {  	[tilespmem:s26+$0x1F0] =	vst v1  }
0x1a: {  	[tilespmem:s26+$0x180] =	vst v1  }
0x1b: {  	[tilespmem:s26+$0x190] =	vst v1  }
0x1c: {  	[tilespmem:s26+$0x1A0] =	vst v1  }
0x1d: {  	[tilespmem:s26+$0x1B0] =	vst v1  }
0x1e: {  	[tilespmem:s26+$0x1C0] =	vst v1  }
0x1f: {  	[tilespmem:s26+$0x1D0] =	vst v1  }
0x20: {  	[tilespmem:s26+$0x1E0] =	vst v1;
	s26 =	simm.s32 @p0 $0x180;
	s28 =	simm.s32 @p0 $0x2  }
0x21: {  	[spmem:s13] =	stream.linear.scatter @p0 [tilespmem:s26], [sflag:$0x2], $0x4000, $0x38;
	[tilespmem:$0x17A00] =	vst v63  }
0x22: {  	_ =	swait.ge @p0 [sflag:s28], $0x4000  }
0x23: {  	[sflag:s28] =	ssyncset.done @p0 $0x0  }
0x24: {  	[sflag:s28] =	ssyncadd.s32 @p0 $0xFFFFC000  }
0x25: {  	[spmem:s14] =	stream.linear.scatter @p0 [tilespmem:s26], [sflag:$0x2], $0x4000, $0x38;
	[tilespmem:$0x17A00] =	vst v63  }
0x26: {  	_ =	swait.ge @p0 [sflag:s28], $0x4000  }
0x27: {  	[sflag:s28] =	ssyncset.done @p0 $0x0  }
0x28: {  	[sflag:s28] =	ssyncadd.s32 @p0 $0xFFFFC000  }
0x29: {  	[spmem:s15] =	stream.linear.scatter @p0 [tilespmem:s26], [sflag:$0x2], $0x4000, $0x38;
	[tilespmem:$0x17A00] =	vst v63  }
0x2a: {  	_ =	swait.ge @p0 [sflag:s28], $0x4000  }
0x2b: {  	[sflag:s28] =	ssyncset.done @p0 $0x0  }
0x2c: {  	[sflag:s28] =	ssyncadd.s32 @p0 $0xFFFFC000  }
0x2d: {  	[spmem:s16] =	stream.linear.scatter @p0 [tilespmem:s26], [sflag:$0x2], $0x4000, $0x38;
	[tilespmem:$0x17A00] =	vst v63  }
0x2e: {  	_ =	swait.ge @p0 [sflag:s28], $0x4000  }
0x2f: {  	[sflag:s28] =	ssyncset.done @p0 $0x0  }
0x30: {  	[sflag:s28] =	ssyncadd.s32 @p0 $0xFFFFC000  }
0x31: {  	[spmem:s17] =	stream.linear.scatter @p0 [tilespmem:s26], [sflag:$0x2], $0x4000, $0x38;
	[tilespmem:$0x17A00] =	vst v63  }
0x32: {  	_ =	swait.ge @p0 [sflag:s28], $0x4000  }
0x33: {  	[sflag:s28] =	ssyncset.done @p0 $0x0  }
0x34: {  	s26 =	simm.s32 @!p0 $0x180;
	[sflag:s28] =	ssyncadd.s32 @p0 $0xFFFFC000;
	s28 =	simm.s32 @!p0 $0x2  }
0x35: {  	[spmem:s8] =	stream.linear.scatter @!p0 [tilespmem:s26], [sflag:$0x2], $0x4000, $0x38;
	[tilespmem:$0x17A00] =	vst v63  }
0x36: {  	_ =	swait.ge @!p0 [sflag:s28], $0x4000  }
0x37: {  	[sflag:s28] =	ssyncset.done @!p0 $0x0  }
0x38: {  	[sflag:s28] =	ssyncadd.s32 @!p0 $0xFFFFC000  }
0x39: {  	[spmem:s9] =	stream.linear.scatter @!p0 [tilespmem:s26], [sflag:$0x2], $0x4000, $0x38;
	[tilespmem:$0x17A00] =	vst v63  }
0x3a: {  	_ =	swait.ge @!p0 [sflag:s28], $0x4000  }
0x3b: {  	[sflag:s28] =	ssyncset.done @!p0 $0x0  }
0x3c: {  	[sflag:s28] =	ssyncadd.s32 @!p0 $0xFFFFC000  }
0x3d: {  	[spmem:s10] =	stream.linear.scatter @!p0 [tilespmem:s26], [sflag:$0x2], $0x4000, $0x38;
	[tilespmem:$0x17A00] =	vst v63  }
0x3e: {  	_ =	swait.ge @!p0 [sflag:s28], $0x4000  }
0x3f: {  	[sflag:s28] =	ssyncset.done @!p0 $0x0  }
0x40: {  	[sflag:s28] =	ssyncadd.s32 @!p0 $0xFFFFC000  }
0x41: {  	[spmem:s11] =	stream.linear.scatter @!p0 [tilespmem:s26], [sflag:$0x2], $0x4000, $0x38;
	[tilespmem:$0x17A00] =	vst v63  }
0x42: {  	_ =	swait.ge @!p0 [sflag:s28], $0x4000  }
0x43: {  	[sflag:s28] =	ssyncset.done @!p0 $0x0  }
0x44: {  	[sflag:s28] =	ssyncadd.s32 @!p0 $0xFFFFC000  }
0x45: {  	[spmem:s12] =	stream.linear.scatter @!p0 [tilespmem:s26], [sflag:$0x2], $0x3800, $0x38;
	[tilespmem:$0x17A00] =	vst v63  }
0x46: {  	_ =	swait.ge @!p0 [sflag:s28], $0x3800  }
0x47: {  	[sflag:s28] =	ssyncset.done @!p0 $0x0  }
0x48: {  	[sflag:s28] =	ssyncadd.s32 @!p0 $0xFFFFC800  }
0x49: {  	s26 =	simm.s32 $0x0;
	s28 =	simm.s32 $0x0;
	[bflag:$0x0] =	sbarrier.arrive $0xFFFF  }
.LBB2_4:
0x4a: {  	s29 =	sadd.s32 s18, s28  }
0x4b: {  	s29 =	sshll.u32 s29, $0x4  }
0x4c: {  	s30 =	sadd.s32 s5, s29  }
0x4d: {  	[tilespmem:s26], [sflag:$0x2] =	stream.linear.gather [hbm4b:s30+s26], $0x80, $0x38;
	[tilespmem:$0x17A00] =	vst v63  }
0x4e: {  	_ =	swait.ge [sflag:s21], $0x80  }
0x4f: {  	[sflag:s21] =	ssyncset.done $0x0  }
0x50: {  	s30 =	sadd.s32 s6, s29;
	[sflag:s21] =	ssyncadd.s32 $0xFFFFFF80  }
0x51: {  	[tilespmem:s22], [sflag:$0x2] =	stream.linear.gather [hbm4b:s30+s26], $0x80, $0x38;
	[tilespmem:$0x17A00] =	vst v63  }
0x52: {  	_ =	swait.ge [sflag:s21], $0x80  }
0x53: {  	[sflag:s21] =	ssyncset.done $0x0  }
0x54: {  	s29 =	sadd.s32 s7, s29;
	[sflag:s21] =	ssyncadd.s32 $0xFFFFFF80  }
0x55: {  	[tilespmem:s23], [sflag:$0x2] =	stream.linear.gather [hbm4b:s29+s26], $0x80, $0x38;
	[tilespmem:$0x17A00] =	vst v63  }
0x56: {  	_ =	swait.ge [sflag:s21], $0x80  }
0x57: {  	[sflag:s21] =	ssyncset.done $0x0  }
0x58: {  	[sflag:s21] =	ssyncadd.s32 $0xFFFFFF80  }
0x59: {  	v2 =	vld [tilespmem:$0x0]  }
0x5a: {  	v3 =	vld [tilespmem:$0x10]  }
0x5b: {  	v4 =	vld [tilespmem:$0x20]  }
0x5c: {  	v5 =	vld [tilespmem:$0x30]  }
0x5d: {  	v6 =	vld [tilespmem:$0x40]  }
0x5e: {  	v7 =	vld [tilespmem:$0x50];
	v2 =	vadd.s32 v0, v2  }
0x5f: {  	[tilespmem:$0x0] =	vst v2;
	v2 =	vadd.s32 v0, v3;
	v3 =	vld [tilespmem:$0x60]  }
0x60: {  	[tilespmem:$0x10] =	vst v2;
	v2 =	vadd.s32 v0, v4;
	v4 =	vld [tilespmem:$0x70]  }
0x61: {  	[tilespmem:$0x20] =	vst v2;
	v2 =	vadd.s32 v0, v5  }
0x62: {  	[tilespmem:$0x30] =	vst v2;
	v2 =	vadd.s32 v0, v6  }
0x63: {  	[tilespmem:$0x40] =	vst v2;
	v2 =	vadd.s32 v0, v7  }
0x64: {  	[tilespmem:$0x50] =	vst v2;
	v2 =	vadd.s32 v0, v3  }
0x65: {  	[tilespmem:$0x60] =	vst v2;
	v2 =	vadd.s32 v0, v4  }
0x66: {  	[tilespmem:$0x70] =	vst v2  }
0x67: {  	[tilespmem:s24], [sflag:$0x1] =	stream.indirect.gather [hbm4b:s4+s22], $0x80, s26, s22, $0xb8;
	[tilespmem:$0x17A00] =	vst v63  }
0x68: {  	_ =	swait.ge [sflag:s25], $0x4000  }
0x69: {  	v2 =	vmov s26;
	[sflag:s25] =	ssyncset.done $0x0  }
0x6a: {  	s29 =	simm.s32 $0x1C0;
	[sflag:s25] =	ssyncadd.s32 $0xFFFFC000  }
0x6b: {  	v6 =	vld [tilespmem:s29+$0x30]  }
0x6c: {  	v9 =	vld [tilespmem:s29+$0x10]  }
0x6d: {  	v7 =	vld [tilespmem:s29+$0xFFFFFFC0]  }
0x6e: {  	v3 =	vld.idx.msk [tilespmem:v2+s23+$0x0], $0xffff  }
0x6f: {  	v11 =	vld [tilespmem:s29+$0xFFFFFFE0]  }
0x70: {  	v2 =	vld [tilespmem:s29+$0xFFFFFFF0]  }
0x71: {  	v4 =	vld [tilespmem:s29+$0x20]  }
0x72: {  	v5 =	vld [tilespmem:s29+$0xFFFFFFD0]  }
0x73: {  	v10 =	vmul.f32 v6, v3;
	v6 =	vld [tilespmem:s29+$0x0]  }
0x74: {  	v8 =	vmul.f32 v7, v3  }
0x75: {  	s31 =	simm.s32 $0x1C0;
	s30 =	simm.s32 $0x1;
	v7 =	vmul.f32 v11, v3;
	v9 =	vmul.f32 v9, v3  }
.LBB2_5:
0x76: {  	p1 =	sne.s32 s30, $0x7F  }
0x77: {  	v5 =	vmul.f32 v5, v3;
	v4 =	vmul.f32 v4, v3;
	[tilespmem:s29+$0x30] =	vst v10;
	s31 =	sadd.s32 $0x80, s31;
	s0 =	smov.u32 s30;
	s30 =	sadd.s32 $0x1, s30  }
0x78: {  	[tilespmem:s29+$0xFFFFFFC0] =	vst v8;
	v8 =	vmul.f32 v2, v3;
	v3 =	vmul.f32 v6, v3  }
0x79: {  	[tilespmem:s29+$0x10] =	vst v9  }
0x7a: {  	v6 =	vmov s0;
	[tilespmem:s29+$0xFFFFFFE0] =	vst v7  }
0x7b: {  	v2 =	vld [tilespmem:s31+$0xFFFFFFF0];
	[tilespmem:s29+$0xFFFFFFF0] =	vst v8  }
0x7c: {  	v7 =	vld [tilespmem:s31+$0x30];
	[tilespmem:s29+$0x0] =	vst v3  }
0x7d: {  	v9 =	vld [tilespmem:s31+$0x10];
	[tilespmem:s29+$0x20] =	vst v4  }
0x7e: {  	v8 =	vld [tilespmem:s31+$0xFFFFFFC0];
	[tilespmem:s29+$0xFFFFFFD0] =	vst v5;
	s29 =	smov.u32 s31  }
0x7f: {  	v3 =	vld.idx.msk [tilespmem:v6+s23+$0x0], $0xffff  }
0x80: {  	v11 =	vld [tilespmem:s31+$0xFFFFFFE0]  }
0x81: {  	v4 =	vld [tilespmem:s31+$0x20]  }
.Ltmp1:
0x82: {  	v5 =	vld [tilespmem:s31+$0xFFFFFFD0];
	(pc) =	sbr.rel @p1 .LBB2_5-.Ltmp1, $3  }
0x83: {  	v6 =	vld [tilespmem:s31+$0x0];
	_ =	sdelay $0x1  }
0x84: {  	v8 =	vmul.f32 v8, v3;
	v10 =	vmul.f32 v7, v3  }
0x85: {  	v9 =	vmul.f32 v9, v3;
	v7 =	vmul.f32 v11, v3  }
0x86: {  	[tilespmem:s29+$0x30] =	vst v10  }
0x87: {  	[tilespmem:s29+$0xFFFFFFC0] =	vst v8  }
0x88: {  	v2 =	vmul.f32 v2, v3;
	[tilespmem:s29+$0x10] =	vst v9  }
0x89: {  	v4 =	vmul.f32 v4, v3;
	[tilespmem:s29+$0xFFFFFFE0] =	vst v7  }
0x8a: {  	v6 =	vmul.f32 v6, v3;
	[tilespmem:s29+$0xFFFFFFF0] =	vst v2  }
0x8b: {  	s28 =	sadd.s32 $0x1, s28;
	v2 =	vmul.f32 v5, v3;
	[tilespmem:s29+$0x20] =	vst v4  }
0x8c: {  	p1 =	sne.s32 s28, $0x50;
	[tilespmem:s29+$0x0] =	vst v6  }
.Ltmp2:
0x8d: {  	[tilespmem:s29+$0xFFFFFFD0] =	vst v2;
	(pc) =	sbr.rel @p1 .LBB2_4-.Ltmp2, $4  }
0x8e: {  	[spmem:s2] =	stream.indirect.scatter.add.f32 [tilespmem:s24], [sflag:$0x2], $0x80, s22, s22, $0xb8;
	[tilespmem:$0x17A00] =	vst v63  }
0x8f: {  	_ =	swait.ge [sflag:s21], $0x4000  }
0x90: {  	[sflag:s21] =	ssyncset.done $0x0  }
0x91: {  	[sflag:s21] =	ssyncadd.s32 $0xFFFFC000  }
0x92: {  	[bflag:$0x0] =	sbarrier.arrive $0xFFFF;
	s0 =	sshrl.u32 @p0 s13, $0x3;
	s26 =	simm.s32 @p0 $0x1FC2  }
0x93: {  	[hbm:s19], [sflag:s26] =	dma.local @p0 [spmem:s0], $0x2800  }
0x94: {  	s0 =	simm.s32 @p0 $0x2  }
0x95: {  	s3 =	sadd.s32 $0x1, s3;
	_ =	swait.ge @p0 [sflag:s0], $0x2800  }
0x96: {  	s26 =	sshll.u32 @!p0 s1, $0x6;
	p1 =	sne.s32 s3, s20;
	[sflag:s0] =	ssyncset.done @p0 $0x0  }
0x97: {  	[sflag:s0] =	ssyncadd.s32 @p0 $0xFFFFD800;
	s0 =	sor.u32 @!p0 $0x1C02, s26;
	s26 =	sshrl.u32 @!p0 s8, $0x3  }
0x98: {  	[hbm:s19], [sflag:s0] =	dma.local @!p0 [spmem:s26], $0x2700  }
.Ltmp3:
0x99: {  	_ = 	snop;
	(pc) =	sbr.rel @p1 .LBB2_1-.Ltmp3, $4  }
0x9a: {  	s0 =	simm.s32 @!p0 $0x2  }
0x9b: {  	_ =	swait.ge @!p0 [sflag:s0], $0x2700  }
0x9c: {  	[sflag:s0] =	ssyncset.done @!p0 $0x0  }
0x9d: {  	[sflag:s0] =	ssyncadd.s32 @!p0 $0xFFFFD900  }
0x9e: {  	_ =	sfence.sel $0x180000  }
0x9f: {  	[bflag:$0x0] =	sbarrier.arrive $0xFFFF  }
0xa0: {  	_ =	strace $0x9000004A  }
0xa1: {  	[bflag:$0x2] =	sbarrier.arrive $0xFFFF  }
0xa2: {  	p0 =	sne.s32 s1, $0x0;
	s0 =	rddreg [dreg:$0x2]  }
0xa3: {  	s0 =	sadd.s32 @!p0 $0x100000, s0  }
0xa4: {  	[sflag:s0] =	ssyncadd.tile.s32 @!p0 $0x1;
	_ =	shalt  }
.Lfunc_end2:
_tile_overlayer_lowered:
.L_overlay_start_2:
0xa5: {  	(tag) =	ssettag $0x2  }
0xa6: {  	s0 =	rddreg [dreg:$0x0];
	s2 =	stileid.u32  }
0xa7: {  	s1 =	rddreg [dreg:$0x1];
	p0 =	sne.s32 s2, $0x0  }
0xa8: {  	s3 =	rddreg [dreg:$0x2];
	[bflag:$0x3] =	sbarrier.arrive $0xFFFF;
	s2 =	simm.s32 @!p0 $0x1C02  }
0xa9: {  	[timem:s3], [sflag:s2] =	dma.local @!p0 [hbm:s0], s1  }
0xaa: {  	s0 =	simm.s32 @!p0 $0x2  }
0xab: {  	_ =	swait.ge @!p0 [sflag:s0], s1  }
0xac: {  	s1 =	ssub.s32 @!p0 $0x0, s1;
	[sflag:s0] =	ssyncset.done @!p0 $0x0  }
0xad: {  	[sflag:s0] =	ssyncadd.s32 @!p0 s1  }
0xae: {  	[bflag:$0x3] =	sbarrier.arrive $0xFFFF  }
0xaf: {  	_ =	shalt  }

// kernel: kernel.18.cloned.1.call-start
scs
__scs_entry_jumppad:
0x0: {  	(pc) =	sbr.rel $0x88, $3  }
0x1: {  	(tag) =	ssettag $0x0;
	lr =	simm.s32 $0x1  }
0x2: {  	[smem:$0x3F8F] =	sst lr;
	_ =	strace $0xD0000000  }
0x3: {  	_ = 	snop  }
0x4: {  	_ = 	snop  }
0x5: {  	_ = 	snop  }
0x6: {  	_ = 	snop  }
0x7: {  	_ = 	snop  }
__scs_overlays_trampoline_lowered:
0x8: {  	[smem:$0x3F9E] =	sst s0  }
0x9: {  	[smem:$0x3F9F] =	sst s1  }
0xa: {  	[smem:$0x3FA0] =	sst s2  }
0xb: {  	[smem:$0x3FA1] =	sst s3  }
0xc: {  	[smem:$0x3FA2] =	sst s4  }
0xd: {  	[smem:$0x3FA3] =	sst s5  }
0xe: {  	[smem:$0x3FA4] =	sst s6  }
0xf: {  	[smem:$0x3FA5] =	sst s7  }
0x10: {  	[smem:$0x3FA6] =	sst s8  }
0x11: {  	[smem:$0x3FA7] =	sst s9;
	s0 =	simm.s32 @!p0 $0x0  }
0x12: {  	s1 =	sld [smem:$0x3F8D];
	s0 =	simm.s32 @p0 $0x1  }
0x13: {  	[smem:$0x3FA8] =	sst s0;
	s0 =	simm.s32 @!p1 $0x0  }
0x14: {  	s2 =	sld [smem:$0x3F8C];
	s0 =	simm.s32 @p1 $0x1  }
0x15: {  	[smem:$0x3FA9] =	sst s0;
	s0 =	simm.s32 @!p2 $0x0  }
0x16: {  	s3 =	sld [smem:$0x3FDB];
	s0 =	simm.s32 @p2 $0x1  }
0x17: {  	s4 =	simm.s32 $0x1BF5;
	[smem:$0x3FAB] =	sst s0  }
0x18: {  	s0 =	sld [smem:$0x3F8E];
	_ =	swait.ge [sflag:s4], $0x0  }
0x19: {  	s7 =	sld [smem:$0x3F8F]  }
0x1a: {  	s8 =	sadd.s32 $0xFFFFE003, lr  }
0x1b: {  	s9 =	sadd.s32 $0xFFFFFEF7, lr;
	s5 =	simm.s32 $0xFFFFFFFF;
	p2 =	slt.u32 s8, $0xFFFFF086  }
0x1c: {  	p1 =	slt.u32 s9, $0xF7A;
	s5 =	simm.s32 @!p2 $0x0  }
0x1d: {  	s5 =	simm.s32 @p1 $0x1;
	p0 =	seq.s32 s7, s2  }
0x1e: {  	s7 =	smul.u32 @!p0 $0xF7A, s2;
	p2 =	seq.s32 @!p0 s5, $0x0  }
0x1f: {  	s9 =	smul.u32 $0xF7A, s1;
	s8 =	simm.s32 @!p0 $0x1BF5;
	p2 =	por !p2, p0  }
0x20: {  	[sflag:s8] =	ssyncset.s32 @!p0 $0xFFFFF086;
	s6 =	sadd.s32 @!p0 s3, s7;
	s7 =	simm.s32 @!p0 $0x108  }
0x21: {  	s3 =	sadd.s32 s3, s9;
	s6 =	sadd.s32 @!p0 $0x88, s6;
	s7 =	simm.s32 @p2 $0x1082  }
0x22: {  	[simem:s7], [sflag:s8] =	dma.local @!p0 [hbm:s6], $0xF7A  }
0x23: {  	s9 =	sor.u32 $0xD0000000, s2;
	s6 =	simm.s32 $0x108;
	_ =	swait.ge @!p0 [sflag:s8], $0x0  }
0x24: {  	s3 =	sadd.s32 $0x88, s3;
	s6 =	simm.s32 @!p1 $0x1082;
	[sflag:s4] =	ssyncset.s32 $0xFFFFF086  }
0x25: {  	[simem:s6], [sflag:s4] =	dma.local [hbm:s3], $0xF7A  }
0x26: {  	[smem:$0x3F8F] =	sst s1;
	(tag) =	ssettag s2;
	_ =	strace s9  }
0x27: {  	s1 =	sld [smem:$0x3F9F]  }
0x28: {  	s2 =	sld [smem:$0x3FA0]  }
0x29: {  	s4 =	sld [smem:$0x3FA2]  }
0x2a: {  	p0 =	seq.s32 s5, $0x0;
	s5 =	sld [smem:$0x3FA3]  }
0x2b: {  	s6 =	sld [smem:$0x3FA4]  }
0x2c: {  	s7 =	sld [smem:$0x3FA5]  }
0x2d: {  	s3 =	simm.s32 $0x108;
	s8 =	sld [smem:$0x3FA6]  }
0x2e: {  	s3 =	simm.s32 @!p0 $0x1082;
	s9 =	sld [smem:$0x3FA7]  }
0x2f: {  	lr =	sadd.s32 s0, s3;
	s0 =	sld [smem:$0x3F9E]  }
0x30: {  	s3 =	sld [smem:$0x3FA1]  }
0x31: {  	[smem:$0x3FAA] =	sst s10  }
0x32: {  	s10 =	sld [smem:$0x3FA8];
	_ =	sdelay $0x3  }
0x33: {  	p0 =	seq.s32 s10, $0x1;
	s10 =	sld [smem:$0x3FAA];
	_ =	sdelay $0x3  }
0x34: {  	[smem:$0x3FAA] =	sst s10  }
0x35: {  	s10 =	sld [smem:$0x3FA9];
	_ =	sdelay $0x3  }
0x36: {  	p1 =	seq.s32 s10, $0x1;
	s10 =	sld [smem:$0x3FAA];
	_ =	sdelay $0x3  }
0x37: {  	[smem:$0x3FAA] =	sst s10  }
0x38: {  	s10 =	sld [smem:$0x3FAB]  }
0x39: {  	_ = 	snop;
	(pc) =	sbr.ind lr, $3  }
0x3a: {  	_ = 	snop  }
0x3b: {  	_ = 	snop  }
0x3c: {  	p2 =	seq.s32 s10, $0x1;
	s10 =	sld [smem:$0x3FAA]  }
0x3d: {  	_ =	shalt  }
0x3e: {  	_ =	shalt  }
0x3f: {  	_ =	shalt  }
0x40: {  	_ =	shalt  }
0x41: {  	_ =	shalt  }
0x42: {  	_ =	shalt  }
0x43: {  	_ =	shalt  }
0x44: {  	_ =	shalt  }
0x45: {  	_ =	shalt  }
0x46: {  	_ =	shalt  }
0x47: {  	_ =	shalt  }
0x48: {  	_ =	shalt  }
0x49: {  	_ =	shalt  }
0x4a: {  	_ =	shalt  }
0x4b: {  	_ =	shalt  }
0x4c: {  	_ =	shalt  }
0x4d: {  	_ =	shalt  }
0x4e: {  	_ =	shalt  }
0x4f: {  	_ =	shalt  }
0x50: {  	_ =	shalt  }
0x51: {  	_ =	shalt  }
0x52: {  	_ =	shalt  }
0x53: {  	_ =	shalt  }
0x54: {  	_ =	shalt  }
0x55: {  	_ =	shalt  }
0x56: {  	_ =	shalt  }
0x57: {  	_ =	shalt  }
0x58: {  	_ =	shalt  }
0x59: {  	_ =	shalt  }
0x5a: {  	_ =	shalt  }
0x5b: {  	_ =	shalt  }
0x5c: {  	_ =	shalt  }
0x5d: {  	_ =	shalt  }
0x5e: {  	_ =	shalt  }
0x5f: {  	_ =	shalt  }
0x60: {  	_ =	shalt  }
0x61: {  	_ =	shalt  }
0x62: {  	_ =	shalt  }
0x63: {  	_ =	shalt  }
0x64: {  	_ =	shalt  }
0x65: {  	_ =	shalt  }
0x66: {  	_ =	shalt  }
0x67: {  	_ =	shalt  }
0x68: {  	_ =	shalt  }
0x69: {  	_ =	shalt  }
0x6a: {  	_ =	shalt  }
0x6b: {  	_ =	shalt  }
0x6c: {  	_ =	shalt  }
0x6d: {  	_ =	shalt  }
0x6e: {  	_ =	shalt  }
0x6f: {  	_ =	shalt  }
0x70: {  	_ =	shalt  }
0x71: {  	_ =	shalt  }
0x72: {  	_ =	shalt  }
0x73: {  	_ =	shalt  }
0x74: {  	_ =	shalt  }
0x75: {  	_ =	shalt  }
0x76: {  	_ =	shalt  }
0x77: {  	_ =	shalt  }
0x78: {  	_ =	shalt  }
0x79: {  	_ =	shalt  }
0x7a: {  	_ =	shalt  }
0x7b: {  	_ =	shalt  }
0x7c: {  	_ =	shalt  }
0x7d: {  	_ =	shalt  }
0x7e: {  	_ =	shalt  }
0x7f: {  	_ =	shalt  }
0x80: {  	_ =	shalt  }
0x81: {  	_ =	shalt  }
0x82: {  	_ =	shalt  }
0x83: {  	_ =	shalt  }
0x84: {  	_ =	shalt  }
0x85: {  	_ =	shalt  }
0x86: {  	_ =	shalt  }
0x87: {  	_ =	shalt  }
.Lfunc_end0:
.L_simem_size_0:
called_computation.2_lowered:
.L_overlay_start_0:
0x88: {  	s2 =	sld [smem:$0x3FD9]  }
0x89: {  	s3 =	sld [smem:$0x3FFE];
	_ =	sdelay $0x1  }
0x8a: {  	s1 =	srdreg.scid  }
0x8b: {  	s0 =	sand.u32 $0x1, s1  }
0x8c: {  	s17 =	sshll.u32 s0, $0xA;
	s2 =	sadd.s32 s3, s2  }
0x8d: {  	s2 =	sadd.s32 s2, s17  }
0x8e: {  	[smem:$0x3FB6] =	sst s2  }
0x8f: {  	_ = 	snop  }
0x90: {  	(tm) =	ssettm $0x1  }
0x91: {  	s18 =	sld [smem:$0x3FFB];
	_ =	sdelay $0x3  }
0x92: {  	_ =	strace s18  }
0x93: {  	s2 =	sld [smem:$0x3FFC];
	_ =	sdelay $0x3  }
0x94: {  	_ =	strace s2  }
0x95: {  	s2 =	sld [smem:$0x3FFD];
	_ =	sdelay $0x3  }
0x96: {  	_ =	strace s2  }
0x97: {  	_ =	strace $0x8FFFFFFF  }
0x98: {  	s19 =	sld [smem:$0x3FDB];
	_ =	sdelay $0x1  }
0x99: {  	s20 =	simm.s32 $_scs_section_size  }
0x9a: {  	s4 =	simm.s32 $_size__tile_overlayer_lowered;
	s5 =	simm.s32 $_tile_overlayer_lowered  }
0x9b: {  	s6 =	simm.s32 $0x1BFF;
	s21 =	sshll.u32 s5, $0x1;
	s3 =	sadd.s32 s20, s19  }
0x9c: {  	s22 =	simm.s32 $0x0;
	s4 =	sshll.u32 s4, $0x1;
	s5 =	sadd.s32 s21, s3  }
0x9d: {  	[timem:s22], [sflag:s6] =	dma.local [hbm:s5], s4  }
0x9e: {  	_ =	swait.ge [sflag:s6], s4  }
0x9f: {  	s4 =	ssub.s32 $0x0, s4;
	[sflag:s6] =	ssyncset.done $0x0  }
0xa0: {  	[sflag:s6] =	ssyncadd.s32 s4;
	_ =	sdelay $0x1  }
0xa1: {  	s23 =	simm.s32 $0x1B8B  }
0xa2: {  	_ =	swait.ge [sflag:s23], $0x1  }
0xa3: {  	[sflag:s23] =	ssyncset.done $0x0  }
0xa4: {  	[sflag:s23] =	ssyncadd.s32 $0xFFFFFFFF  }
0xa5: {  	s4 =	sld [smem:$0x0]  }
0xa6: {  	s5 =	sand.u32 $0xFFFFFFFE, s1  }
0xa7: {  	p0 =	sne.s32 s1, s5  }
0xa8: {  	s5 =	sshll.u32 @p0 s5, $0xE  }
0xa9: {  	s5 =	sadd.s32 @p0 $0x11B8D, s5;
	s6 =	sshll.u32 @p0 s4, $0x11  }
0xaa: {  	s5 =	sor.u32 @p0 s6, s5  }
0xab: {  	[sflag:s5] =	ssyncadd.remote.s32 @p0 $0x1;
	_ =	sdelay $0x1  }
0xac: {  	s5 =	simm.s32 @p0 $0x1B8D  }
0xad: {  	_ =	swait.eq @p0 [sflag:s5], $0x1  }
0xae: {  	[sflag:s5] =	ssyncadd.s32 @p0 $0xFFFFFFFF  }
0xaf: {  	s6 =	sshll.u32 @!p0 s1, $0xE  }
0xb0: {  	s6 =	sor.u32 @!p0 $0x4000, s6;
	s5 =	simm.s32 @!p0 $0x1B8D  }
0xb1: {  	s4 =	sshll.u32 @!p0 s4, $0x11;
	s6 =	sadd.s32 @!p0 $0x11B8D, s6;
	_ =	swait.eq @!p0 [sflag:s5], $0x1  }
0xb2: {  	s4 =	sor.u32 @!p0 s4, s6;
	[sflag:s5] =	ssyncadd.s32 @!p0 $0xFFFFFFFF  }
0xb3: {  	s25 =	simm.s32 $0x1B8E;
	s24 =	sld [smem:$0x3FFE];
	[sflag:s4] =	ssyncadd.remote.s32 @!p0 $0x1  }
0xb4: {  	s26 =	simm.s32 $execute0_lowered;
	[smem:$0x3FD2] =	sst s25  }
0xb5: {  	s5 =	sshll.u32 s26, $0x1;
	_ =	strace $0x8000004C;
	[dreg:$0x1] =	wrdreg $0xFFFFFFFF  }
0xb6: {  	s28 =	simm.s32 $_size_execute0_lowered;
	s3 =	sadd.s32 s3, s5;
	[dreg:$0x0] =	wrdreg $0x0  }
0xb7: {  	s5 =	sshll.u32 s28, $0x1;
	[dreg:$0x2] =	wrdreg s3  }
0xb8: {  	[dreg:$0x3] =	wrdreg s5  }
0xb9: {  	[dreg:$0x4] =	wrdreg $0xC0  }
0xba: {  	_ =	task [dreg:s22], $0x5FFFF  }
0xbb: {  	[dreg:$0x1] =	wrdreg $0xFFFFFFFF  }
0xbc: {  	[dreg:$0x0] =	wrdreg $0x60  }
0xbd: {  	[dreg:$0x2] =	wrdreg s24  }
0xbe: {  	[dreg:$0x3] =	wrdreg $0x41800  }
0xbf: {  	[dreg:$0x4] =	wrdreg $0xA  }
0xc0: {  	_ =	task.clear_ibuf [dreg:s22], $0x5FFFF;
	_ =	strace $0x9000004C  }
0xc1: {  	s29 =	simm.s32 $0xA;
	_ =	strace $0x8000004E  }
0xc2: {  	_ =	swait.ge [sflag:s29], $0x1  }
0xc3: {  	[sflag:s29] =	ssyncadd.s32 $0xFFFFFFFF  }
0xc4: {  	_ =	strace $0x9000004E  }
0xc5: {  	_ =	sfence  }
0xc6: {  	s30 =	sld [smem:$0x0];
	_ =	sdelay $0x2  }
0xc7: {  	s31 =	sshll.u32 s1, $0xD;
	s1 =	sshrl.u32 s1, $0x2  }
0xc8: {  	s4 =	sand.u32 $0x4000, s31;
	s1 =	sadd.s32 s1, s30  }
0xc9: {  	s0 =	sor.u32 s4, s0;
	s1 =	sshll.u32 s1, $0x11  }
0xca: {  	s0 =	sor.u32 s1, s0  }
0xcb: {  	s0 =	sadd.s32 $0x8F2B, s0  }
0xcc: {  	[sflag:s0] =	ssyncadd.remote.s32 $0x1  }
0xcd: {  	_ =	sfence.sel $0xFFFF  }
0xce: {  	[dreg:$0x0] =	wrdreg $0xFFFFFFFF;
	(pc) =	sbr.abs _section_cstart, $3  }
0xcf: {  	[dreg:$0x1] =	wrdreg $0xFFFFFFFF  }
0xd0: {  	_ =	task.clear_ibuf [dreg:s22], $0x2FFFF;
	_ =	strace $0x9FFFFFFF  }
0xd1: {  	(tm) =	ssettm $0x7FFFFFFF  }
tec
execute0_lowered:
.L_overlay_start_1:
0x0: {  	(tag) =	ssettag $0x1  }
0x1: {  	s8 =	rddreg [dreg:$0x0]  }
0x2: {  	s2 =	rddreg [dreg:$0x1]  }
0x3: {  	s0 =	rddreg [dreg:$0x2]  }
0x4: {  	s4 =	srdreg.scid;
	s1 =	stileid.u32;
	s3 =	simm.s32 $0x0  }
0x5: {  	s21 =	simm.s32 $0x2;
	s22 =	simm.s32 $0x80;
	s24 =	simm.s32 $0x180  }
0x6: {  	s9 =	sand.u32 $0x1, s4;
	s6 =	smul.u32 $0x270, s1;
	[smem:$0x7FF] =	sst s3  }
0x7: {  	s7 =	smul.u32 $0x4E000, s1;
	s4 =	sadd.s32 $0x14400, s8;
	s5 =	sadd.s32 $0x5400, s8  }
0x8: {  	s25 =	simm.s32 $0x1;
	s13 =	sadd.s32 $0x124800, s2;
	s14 =	sadd.s32 $0x128800, s2  }
0x9: {  	s15 =	sadd.s32 $0x12C800, s2;
	s18 =	smul.u32 $0x50, s1;
	p0 =	seq.s32 s1, $0xF  }
0xa: {  	s23 =	smul.u32 $0x2710, s9;
	_ =	strace $0x8000004D;
	s16 =	ssub.s32 $0x2, s9  }
0xb: {  	s11 =	sshrl.u32 s7, $0x2;
	s7 =	sadd.s32 $0xF400, s8;
	s17 =	sshrl.u32 s16, $0x1  }
0xc: {  	s10 =	sadd.s32 s6, s23;
	s6 =	sadd.s32 $0xA400, s8;
	s20 =	ssub.s32 s16, s17  }
0xd: {  	s16 =	sadd.s32 $0x130800, s2;
	s17 =	sadd.s32 $0x134800, s2;
	s10 =	sshll.u32 s10, $0x4  }
0xe: {  	v0 =	vmov s23;
	s23 =	simm.s32 $0x100;
	s19 =	sadd.s32 s10, s8;
	s8 =	sadd.s32 s11, s2  }
0xf: {  	s20 =	smax.u32 s20, $0x1;
	s9 =	sadd.s32 $0x4000, s8;
	s10 =	sadd.s32 $0x8000, s8  }
0x10: {  	v1 =	vimm.f32 $0.0e+00;
	s11 =	sadd.s32 $0xC000, s8;
	s12 =	sadd.s32 $0x10000, s8;
	s19 =	sadd.s32 $0x10DA00, s19  }
.LBB2_1:
0x11: {  	s26 =	simm.s32 $0x0;
	s28 =	simm.s32 $0x200  }
.LBB2_2:
0x12: {  	p1 =	sne.s32 s28, $0xFE00;
	[tilespmem:s26+$0x1F0] =	vst v1  }
0x13: {  	[tilespmem:s26+$0x180] =	vst v1  }
0x14: {  	[tilespmem:s26+$0x190] =	vst v1  }
.Ltmp0:
0x15: {  	[tilespmem:s26+$0x1A0] =	vst v1;
	(pc) =	sbr.rel @p1 .LBB2_2-.Ltmp0, $4  }
0x16: {  	[tilespmem:s26+$0x1B0] =	vst v1  }
0x17: {  	[tilespmem:s26+$0x1C0] =	vst v1  }
0x18: {  	[tilespmem:s26+$0x1D0] =	vst v1  }
0x19: {  	[tilespmem:s26+$0x1E0] =	vst v1;
	s26 =	sshra.s32 s28, $0x2;
	s28 =	sadd.s32 $0x200, s28  }
0x1a: {  	[tilespmem:s26+$0x1F0] =	vst v1  }
0x1b: {  	[tilespmem:s26+$0x180] =	vst v1  }
0x1c: {  	[tilespmem:s26+$0x190] =	vst v1  }
0x1d: {  	[tilespmem:s26+$0x1A0] =	vst v1  }
0x1e: {  	[tilespmem:s26+$0x1B0] =	vst v1  }
0x1f: {  	[tilespmem:s26+$0x1C0] =	vst v1  }
0x20: {  	[tilespmem:s26+$0x1D0] =	vst v1  }
0x21: {  	[tilespmem:s26+$0x1E0] =	vst v1;
	s26 =	simm.s32 @p0 $0x180;
	s28 =	simm.s32 @p0 $0x2  }
0x22: {  	[spmem:s13] =	stream.linear.scatter @p0 [tilespmem:s26], [sflag:$0x2], $0x4000, $0x38;
	[tilespmem:$0x17A00] =	vst v63  }
0x23: {  	_ =	swait.ge @p0 [sflag:s28], $0x4000  }
0x24: {  	[sflag:s28] =	ssyncset.done @p0 $0x0  }
0x25: {  	[sflag:s28] =	ssyncadd.s32 @p0 $0xFFFFC000  }
0x26: {  	[spmem:s14] =	stream.linear.scatter @p0 [tilespmem:s26], [sflag:$0x2], $0x4000, $0x38;
	[tilespmem:$0x17A00] =	vst v63  }
0x27: {  	_ =	swait.ge @p0 [sflag:s28], $0x4000  }
0x28: {  	[sflag:s28] =	ssyncset.done @p0 $0x0  }
0x29: {  	[sflag:s28] =	ssyncadd.s32 @p0 $0xFFFFC000  }
0x2a: {  	[spmem:s15] =	stream.linear.scatter @p0 [tilespmem:s26], [sflag:$0x2], $0x4000, $0x38;
	[tilespmem:$0x17A00] =	vst v63  }
0x2b: {  	_ =	swait.ge @p0 [sflag:s28], $0x4000  }
0x2c: {  	[sflag:s28] =	ssyncset.done @p0 $0x0  }
0x2d: {  	[sflag:s28] =	ssyncadd.s32 @p0 $0xFFFFC000  }
0x2e: {  	[spmem:s16] =	stream.linear.scatter @p0 [tilespmem:s26], [sflag:$0x2], $0x4000, $0x38;
	[tilespmem:$0x17A00] =	vst v63  }
0x2f: {  	_ =	swait.ge @p0 [sflag:s28], $0x4000  }
0x30: {  	[sflag:s28] =	ssyncset.done @p0 $0x0  }
0x31: {  	[sflag:s28] =	ssyncadd.s32 @p0 $0xFFFFC000  }
0x32: {  	[spmem:s17] =	stream.linear.scatter @p0 [tilespmem:s26], [sflag:$0x2], $0x4000, $0x38;
	[tilespmem:$0x17A00] =	vst v63  }
0x33: {  	_ =	swait.ge @p0 [sflag:s28], $0x4000  }
0x34: {  	[sflag:s28] =	ssyncset.done @p0 $0x0  }
0x35: {  	s26 =	simm.s32 @!p0 $0x180;
	[sflag:s28] =	ssyncadd.s32 @p0 $0xFFFFC000;
	s28 =	simm.s32 @!p0 $0x2  }
0x36: {  	[spmem:s8] =	stream.linear.scatter @!p0 [tilespmem:s26], [sflag:$0x2], $0x4000, $0x38;
	[tilespmem:$0x17A00] =	vst v63  }
0x37: {  	_ =	swait.ge @!p0 [sflag:s28], $0x4000  }
0x38: {  	[sflag:s28] =	ssyncset.done @!p0 $0x0  }
0x39: {  	[sflag:s28] =	ssyncadd.s32 @!p0 $0xFFFFC000  }
0x3a: {  	[spmem:s9] =	stream.linear.scatter @!p0 [tilespmem:s26], [sflag:$0x2], $0x4000, $0x38;
	[tilespmem:$0x17A00] =	vst v63  }
0x3b: {  	_ =	swait.ge @!p0 [sflag:s28], $0x4000  }
0x3c: {  	[sflag:s28] =	ssyncset.done @!p0 $0x0  }
0x3d: {  	[sflag:s28] =	ssyncadd.s32 @!p0 $0xFFFFC000  }
0x3e: {  	[spmem:s10] =	stream.linear.scatter @!p0 [tilespmem:s26], [sflag:$0x2], $0x4000, $0x38;
	[tilespmem:$0x17A00] =	vst v63  }
0x3f: {  	_ =	swait.ge @!p0 [sflag:s28], $0x4000  }
0x40: {  	[sflag:s28] =	ssyncset.done @!p0 $0x0  }
0x41: {  	[sflag:s28] =	ssyncadd.s32 @!p0 $0xFFFFC000  }
0x42: {  	[spmem:s11] =	stream.linear.scatter @!p0 [tilespmem:s26], [sflag:$0x2], $0x4000, $0x38;
	[tilespmem:$0x17A00] =	vst v63  }
0x43: {  	_ =	swait.ge @!p0 [sflag:s28], $0x4000  }
0x44: {  	[sflag:s28] =	ssyncset.done @!p0 $0x0  }
0x45: {  	[sflag:s28] =	ssyncadd.s32 @!p0 $0xFFFFC000  }
0x46: {  	[spmem:s12] =	stream.linear.scatter @!p0 [tilespmem:s26], [sflag:$0x2], $0x3800, $0x38;
	[tilespmem:$0x17A00] =	vst v63  }
0x47: {  	_ =	swait.ge @!p0 [sflag:s28], $0x3800  }
0x48: {  	[sflag:s28] =	ssyncset.done @!p0 $0x0  }
0x49: {  	[sflag:s28] =	ssyncadd.s32 @!p0 $0xFFFFC800  }
0x4a: {  	s26 =	simm.s32 $0x0;
	s28 =	simm.s32 $0x0;
	[bflag:$0x0] =	sbarrier.arrive $0xFFFF  }
.LBB2_4:
0x4b: {  	s29 =	sadd.s32 s18, s28  }
0x4c: {  	s29 =	sshll.u32 s29, $0x4  }
0x4d: {  	s30 =	sadd.s32 s5, s29  }
0x4e: {  	[tilespmem:s26], [sflag:$0x2] =	stream.linear.gather [hbm4b:s30+s26], $0x80, $0x38;
	[tilespmem:$0x17A00] =	vst v63  }
0x4f: {  	_ =	swait.ge [sflag:s21], $0x80  }
0x50: {  	[sflag:s21] =	ssyncset.done $0x0  }
0x51: {  	s30 =	sadd.s32 s6, s29;
	[sflag:s21] =	ssyncadd.s32 $0xFFFFFF80  }
0x52: {  	[tilespmem:s22], [sflag:$0x2] =	stream.linear.gather [hbm4b:s30+s26], $0x80, $0x38;
	[tilespmem:$0x17A00] =	vst v63  }
0x53: {  	_ =	swait.ge [sflag:s21], $0x80  }
0x54: {  	[sflag:s21] =	ssyncset.done $0x0  }
0x55: {  	s29 =	sadd.s32 s7, s29;
	[sflag:s21] =	ssyncadd.s32 $0xFFFFFF80  }
0x56: {  	[tilespmem:s23], [sflag:$0x2] =	stream.linear.gather [hbm4b:s29+s26], $0x80, $0x38;
	[tilespmem:$0x17A00] =	vst v63  }
0x57: {  	_ =	swait.ge [sflag:s21], $0x80  }
0x58: {  	[sflag:s21] =	ssyncset.done $0x0  }
0x59: {  	[sflag:s21] =	ssyncadd.s32 $0xFFFFFF80  }
0x5a: {  	v2 =	vld [tilespmem:$0x0]  }
0x5b: {  	v3 =	vld [tilespmem:$0x10]  }
0x5c: {  	v4 =	vld [tilespmem:$0x20]  }
0x5d: {  	v5 =	vld [tilespmem:$0x30]  }
0x5e: {  	v6 =	vld [tilespmem:$0x40]  }
0x5f: {  	v7 =	vld [tilespmem:$0x50];
	v2 =	vadd.s32 v0, v2  }
0x60: {  	[tilespmem:$0x0] =	vst v2;
	v2 =	vadd.s32 v0, v3;
	v3 =	vld [tilespmem:$0x60]  }
0x61: {  	[tilespmem:$0x10] =	vst v2;
	v2 =	vadd.s32 v0, v4;
	v4 =	vld [tilespmem:$0x70]  }
0x62: {  	[tilespmem:$0x20] =	vst v2;
	v2 =	vadd.s32 v0, v5  }
0x63: {  	[tilespmem:$0x30] =	vst v2;
	v2 =	vadd.s32 v0, v6  }
0x64: {  	[tilespmem:$0x40] =	vst v2;
	v2 =	vadd.s32 v0, v7  }
0x65: {  	[tilespmem:$0x50] =	vst v2;
	v2 =	vadd.s32 v0, v3  }
0x66: {  	[tilespmem:$0x60] =	vst v2;
	v2 =	vadd.s32 v0, v4  }
0x67: {  	[tilespmem:$0x70] =	vst v2  }
0x68: {  	v2 =	vmov s26;
	[tilespmem:s24], [sflag:$0x1] =	stream.indirect.gather [hbm4b:s4+s22], $0x80, s26, s22, $0xb8;
	[tilespmem:$0x17A00] =	vst v63  }
0x69: {  	_ =	swait.ge [sflag:s25], $0x4000  }
0x6a: {  	[sflag:s25] =	ssyncset.done $0x0  }
0x6b: {  	s29 =	simm.s32 $0x1C0;
	[sflag:s25] =	ssyncadd.s32 $0xFFFFC000  }
0x6c: {  	v4 =	vld [tilespmem:s29+$0xFFFFFFF0]  }
0x6d: {  	v2 =	vld.idx.msk [tilespmem:v2+s23+$0x0], $0xffff  }
0x6e: {  	v5 =	vld [tilespmem:s29+$0x30]  }
0x6f: {  	s31 =	simm.s32 $0x1;
	s30 =	simm.s32 $0x1C0;
	v3 =	vld [tilespmem:s29+$0x20]  }
.LBB2_5:
0x70: {  	p1 =	sne.s32 s31, $0x7F;
	v6 =	vld [tilespmem:s29+$0x10]  }
0x71: {  	v7 =	vld [tilespmem:s29+$0x0]  }
0x72: {  	v4 =	vmax.f32 v4, $0.0e+00;
	v8 =	vld [tilespmem:s29+$0xFFFFFFE0]  }
0x73: {  	v4 =	vmul.f32 v4, v2;
	v9 =	vld [tilespmem:s29+$0xFFFFFFD0];
	v5 =	vmax.f32 v5, $0.0e+00  }
0x74: {  	v10 =	vld [tilespmem:s29+$0xFFFFFFC0];
	v3 =	vmax.f32 v3, $0.0e+00;
	v5 =	vmul.f32 v5, v2  }
0x75: {  	[tilespmem:s29+$0xFFFFFFF0] =	vst v4;
	v4 =	vmax.f32 v6, $0.0e+00;
	v3 =	vmul.f32 v3, v2  }
0x76: {  	v6 =	vmax.f32 v7, $0.0e+00;
	v4 =	vmul.f32 v4, v2;
	[tilespmem:s29+$0x30] =	vst v5  }
0x77: {  	v5 =	vmax.f32 v8, $0.0e+00;
	v6 =	vmul.f32 v6, v2;
	[tilespmem:s29+$0x20] =	vst v3  }
0x78: {  	v3 =	vmov s31;
	v7 =	vmax.f32 v9, $0.0e+00;
	v5 =	vmul.f32 v5, v2;
	[tilespmem:s29+$0x10] =	vst v4  }
0x79: {  	v4 =	vmax.f32 v10, $0.0e+00;
	v7 =	vmul.f32 v7, v2;
	[tilespmem:s29+$0x0] =	vst v6  }
0x7a: {  	v2 =	vmul.f32 v4, v2;
	[tilespmem:s29+$0xFFFFFFE0] =	vst v5  }
.Ltmp1:
0x7b: {  	s29 =	sadd.s32 $0x80, s29;
	[tilespmem:s30+$0xFFFFFFD0] =	vst v7;
	(pc) =	sbr.rel @p1 .LBB2_5-.Ltmp1, $4  }
0x7c: {  	v4 =	vld [tilespmem:s29+$0xFFFFFFF0];
	[tilespmem:s30+$0xFFFFFFC0] =	vst v2;
	s30 =	smov.u32 s29  }
0x7d: {  	v2 =	vld.idx.msk [tilespmem:v3+s23+$0x0], $0xffff  }
0x7e: {  	v5 =	vld [tilespmem:s29+$0x30]  }
0x7f: {  	s31 =	sadd.s32 $0x1, s31;
	v3 =	vld [tilespmem:s29+$0x20]  }
0x80: {  	v6 =	vld [tilespmem:s29+$0x10]  }
0x81: {  	v7 =	vld [tilespmem:s29+$0x0]  }
0x82: {  	v8 =	vld [tilespmem:s29+$0xFFFFFFE0];
	v4 =	vmax.f32 v4, $0.0e+00  }
0x83: {  	v9 =	vld [tilespmem:s29+$0xFFFFFFD0];
	v4 =	vmul.f32 v4, v2;
	v5 =	vmax.f32 v5, $0.0e+00  }
0x84: {  	v10 =	vld [tilespmem:s29+$0xFFFFFFC0];
	v3 =	vmax.f32 v3, $0.0e+00;
	v5 =	vmul.f32 v5, v2  }
0x85: {  	[tilespmem:s29+$0xFFFFFFF0] =	vst v4;
	v60 =	vmax.f32 v6, $0.0e+00;
	v3 =	vmul.f32 v3, v2  }
0x86: {  	v61 =	vmax.f32 v7, $0.0e+00;
	v4 =	vmul.f32 v60, v2;
	[tilespmem:s29+$0x30] =	vst v5  }
0x87: {  	v62 =	vmax.f32 v8, $0.0e+00;
	v6 =	vmul.f32 v61, v2;
	[tilespmem:s29+$0x20] =	vst v3  }
0x88: {  	v5 =	vmul.f32 v62, v2;
	v3 =	vmax.f32 v9, $0.0e+00;
	[tilespmem:s29+$0x10] =	vst v4  }
0x89: {  	v63 =	vmax.f32 v10, $0.0e+00;
	v3 =	vmul.f32 v3, v2;
	[tilespmem:s29+$0x0] =	vst v6  }
0x8a: {  	s28 =	sadd.s32 $0x1, s28;
	v2 =	vmul.f32 v63, v2;
	[tilespmem:s29+$0xFFFFFFE0] =	vst v5  }
0x8b: {  	p1 =	sne.s32 s28, $0x50;
	[tilespmem:s30+$0xFFFFFFD0] =	vst v3  }
.Ltmp2:
0x8c: {  	[tilespmem:s30+$0xFFFFFFC0] =	vst v2;
	(pc) =	sbr.rel @p1 .LBB2_4-.Ltmp2, $4  }
0x8d: {  	[spmem:s2] =	stream.indirect.scatter.add.f32 [tilespmem:s24], [sflag:$0x2], $0x80, s22, s22, $0xb8;
	[tilespmem:$0x17A00] =	vst v63  }
0x8e: {  	_ =	swait.ge [sflag:s21], $0x4000  }
0x8f: {  	[sflag:s21] =	ssyncset.done $0x0  }
0x90: {  	[sflag:s21] =	ssyncadd.s32 $0xFFFFC000  }
0x91: {  	[bflag:$0x0] =	sbarrier.arrive $0xFFFF;
	s26 =	sshrl.u32 @p0 s13, $0x3;
	s28 =	simm.s32 @p0 $0x1FC2  }
0x92: {  	[hbm:s19], [sflag:s28] =	dma.local @p0 [spmem:s26], $0x2800  }
0x93: {  	s26 =	simm.s32 @p0 $0x2  }
0x94: {  	s3 =	sadd.s32 $0x1, s3;
	_ =	swait.ge @p0 [sflag:s26], $0x2800  }
0x95: {  	s28 =	sshll.u32 @!p0 s1, $0x6;
	p1 =	sne.s32 s3, s20;
	[sflag:s26] =	ssyncset.done @p0 $0x0  }
0x96: {  	[sflag:s26] =	ssyncadd.s32 @p0 $0xFFFFD800;
	s26 =	sor.u32 @!p0 $0x1C02, s28;
	s28 =	sshrl.u32 @!p0 s8, $0x3  }
0x97: {  	[hbm:s19], [sflag:s26] =	dma.local @!p0 [spmem:s28], $0x2700  }
.Ltmp3:
0x98: {  	_ = 	snop;
	(pc) =	sbr.rel @p1 .LBB2_1-.Ltmp3, $4  }
0x99: {  	s26 =	simm.s32 @!p0 $0x2  }
0x9a: {  	_ =	swait.ge @!p0 [sflag:s26], $0x2700  }
0x9b: {  	[sflag:s26] =	ssyncset.done @!p0 $0x0  }
0x9c: {  	[sflag:s26] =	ssyncadd.s32 @!p0 $0xFFFFD900  }
0x9d: {  	_ =	sfence.sel $0x180000  }
0x9e: {  	[bflag:$0x0] =	sbarrier.arrive $0xFFFF  }
0x9f: {  	p0 =	sne.s32 s1, $0x0;
	_ =	strace $0x9000004D  }
0xa0: {  	s0 =	sadd.s32 @!p0 $0x100000, s0;
	[bflag:$0x2] =	sbarrier.arrive $0xFFFF  }
0xa1: {  	[sflag:s0] =	ssyncadd.tile.s32 @!p0 $0x1;
	_ =	shalt  }
.Lfunc_end2:
_tile_overlayer_lowered:
.L_overlay_start_2:
0xa2: {  	(tag) =	ssettag $0x2  }
0xa3: {  	s0 =	rddreg [dreg:$0x0];
	s2 =	stileid.u32  }
0xa4: {  	s1 =	rddreg [dreg:$0x1];
	p0 =	sne.s32 s2, $0x0  }
0xa5: {  	s3 =	rddreg [dreg:$0x2];
	[bflag:$0x3] =	sbarrier.arrive $0xFFFF;
	s2 =	simm.s32 @!p0 $0x1C02  }
0xa6: {  	[timem:s3], [sflag:s2] =	dma.local @!p0 [hbm:s0], s1  }
0xa7: {  	s0 =	simm.s32 @!p0 $0x2  }
0xa8: {  	_ =	swait.ge @!p0 [sflag:s0], s1  }
0xa9: {  	s1 =	ssub.s32 @!p0 $0x0, s1;
	[sflag:s0] =	ssyncset.done @!p0 $0x0  }
0xaa: {  	[sflag:s0] =	ssyncadd.s32 @!p0 s1  }
0xab: {  	[bflag:$0x3] =	sbarrier.arrive $0xFFFF  }
0xac: {  	_ =	shalt  }

// kernel: kernel.21.cloned.1.call-start
scs
__scs_entry_jumppad:
0x0: {  	(pc) =	sbr.rel $0x88, $3  }
0x1: {  	(tag) =	ssettag $0x0;
	lr =	simm.s32 $0x1  }
0x2: {  	[smem:$0x3F8F] =	sst lr;
	_ =	strace $0xD0000000  }
0x3: {  	_ = 	snop  }
0x4: {  	_ = 	snop  }
0x5: {  	_ = 	snop  }
0x6: {  	_ = 	snop  }
0x7: {  	_ = 	snop  }
__scs_overlays_trampoline_lowered:
0x8: {  	[smem:$0x3F9E] =	sst s0  }
0x9: {  	[smem:$0x3F9F] =	sst s1  }
0xa: {  	[smem:$0x3FA0] =	sst s2  }
0xb: {  	[smem:$0x3FA1] =	sst s3  }
0xc: {  	[smem:$0x3FA2] =	sst s4  }
0xd: {  	[smem:$0x3FA3] =	sst s5  }
0xe: {  	[smem:$0x3FA4] =	sst s6  }
0xf: {  	[smem:$0x3FA5] =	sst s7  }
0x10: {  	[smem:$0x3FA6] =	sst s8  }
0x11: {  	[smem:$0x3FA7] =	sst s9;
	s0 =	simm.s32 @!p0 $0x0  }
0x12: {  	s1 =	sld [smem:$0x3F8D];
	s0 =	simm.s32 @p0 $0x1  }
0x13: {  	[smem:$0x3FA8] =	sst s0;
	s0 =	simm.s32 @!p1 $0x0  }
0x14: {  	s2 =	sld [smem:$0x3F8C];
	s0 =	simm.s32 @p1 $0x1  }
0x15: {  	[smem:$0x3FA9] =	sst s0;
	s0 =	simm.s32 @!p2 $0x0  }
0x16: {  	s3 =	sld [smem:$0x3FDB];
	s0 =	simm.s32 @p2 $0x1  }
0x17: {  	s4 =	simm.s32 $0x1BF5;
	[smem:$0x3FAB] =	sst s0  }
0x18: {  	s0 =	sld [smem:$0x3F8E];
	_ =	swait.ge [sflag:s4], $0x0  }
0x19: {  	s7 =	sld [smem:$0x3F8F]  }
0x1a: {  	s8 =	sadd.s32 $0xFFFFE003, lr  }
0x1b: {  	s9 =	sadd.s32 $0xFFFFFEF7, lr;
	s5 =	simm.s32 $0xFFFFFFFF;
	p2 =	slt.u32 s8, $0xFFFFF086  }
0x1c: {  	p1 =	slt.u32 s9, $0xF7A;
	s5 =	simm.s32 @!p2 $0x0  }
0x1d: {  	s5 =	simm.s32 @p1 $0x1;
	p0 =	seq.s32 s7, s2  }
0x1e: {  	s7 =	smul.u32 @!p0 $0xF7A, s2;
	p2 =	seq.s32 @!p0 s5, $0x0  }
0x1f: {  	s9 =	smul.u32 $0xF7A, s1;
	s8 =	simm.s32 @!p0 $0x1BF5;
	p2 =	por !p2, p0  }
0x20: {  	[sflag:s8] =	ssyncset.s32 @!p0 $0xFFFFF086;
	s6 =	sadd.s32 @!p0 s3, s7;
	s7 =	simm.s32 @!p0 $0x108  }
0x21: {  	s3 =	sadd.s32 s3, s9;
	s6 =	sadd.s32 @!p0 $0x88, s6;
	s7 =	simm.s32 @p2 $0x1082  }
0x22: {  	[simem:s7], [sflag:s8] =	dma.local @!p0 [hbm:s6], $0xF7A  }
0x23: {  	s9 =	sor.u32 $0xD0000000, s2;
	s6 =	simm.s32 $0x108;
	_ =	swait.ge @!p0 [sflag:s8], $0x0  }
0x24: {  	s3 =	sadd.s32 $0x88, s3;
	s6 =	simm.s32 @!p1 $0x1082;
	[sflag:s4] =	ssyncset.s32 $0xFFFFF086  }
0x25: {  	[simem:s6], [sflag:s4] =	dma.local [hbm:s3], $0xF7A  }
0x26: {  	[smem:$0x3F8F] =	sst s1;
	(tag) =	ssettag s2;
	_ =	strace s9  }
0x27: {  	s1 =	sld [smem:$0x3F9F]  }
0x28: {  	s2 =	sld [smem:$0x3FA0]  }
0x29: {  	s4 =	sld [smem:$0x3FA2]  }
0x2a: {  	p0 =	seq.s32 s5, $0x0;
	s5 =	sld [smem:$0x3FA3]  }
0x2b: {  	s6 =	sld [smem:$0x3FA4]  }
0x2c: {  	s7 =	sld [smem:$0x3FA5]  }
0x2d: {  	s3 =	simm.s32 $0x108;
	s8 =	sld [smem:$0x3FA6]  }
0x2e: {  	s3 =	simm.s32 @!p0 $0x1082;
	s9 =	sld [smem:$0x3FA7]  }
0x2f: {  	lr =	sadd.s32 s0, s3;
	s0 =	sld [smem:$0x3F9E]  }
0x30: {  	s3 =	sld [smem:$0x3FA1]  }
0x31: {  	[smem:$0x3FAA] =	sst s10  }
0x32: {  	s10 =	sld [smem:$0x3FA8];
	_ =	sdelay $0x3  }
0x33: {  	p0 =	seq.s32 s10, $0x1;
	s10 =	sld [smem:$0x3FAA];
	_ =	sdelay $0x3  }
0x34: {  	[smem:$0x3FAA] =	sst s10  }
0x35: {  	s10 =	sld [smem:$0x3FA9];
	_ =	sdelay $0x3  }
0x36: {  	p1 =	seq.s32 s10, $0x1;
	s10 =	sld [smem:$0x3FAA];
	_ =	sdelay $0x3  }
0x37: {  	[smem:$0x3FAA] =	sst s10  }
0x38: {  	s10 =	sld [smem:$0x3FAB]  }
0x39: {  	_ = 	snop;
	(pc) =	sbr.ind lr, $3  }
0x3a: {  	_ = 	snop  }
0x3b: {  	_ = 	snop  }
0x3c: {  	p2 =	seq.s32 s10, $0x1;
	s10 =	sld [smem:$0x3FAA]  }
0x3d: {  	_ =	shalt  }
0x3e: {  	_ =	shalt  }
0x3f: {  	_ =	shalt  }
0x40: {  	_ =	shalt  }
0x41: {  	_ =	shalt  }
0x42: {  	_ =	shalt  }
0x43: {  	_ =	shalt  }
0x44: {  	_ =	shalt  }
0x45: {  	_ =	shalt  }
0x46: {  	_ =	shalt  }
0x47: {  	_ =	shalt  }
0x48: {  	_ =	shalt  }
0x49: {  	_ =	shalt  }
0x4a: {  	_ =	shalt  }
0x4b: {  	_ =	shalt  }
0x4c: {  	_ =	shalt  }
0x4d: {  	_ =	shalt  }
0x4e: {  	_ =	shalt  }
0x4f: {  	_ =	shalt  }
0x50: {  	_ =	shalt  }
0x51: {  	_ =	shalt  }
0x52: {  	_ =	shalt  }
0x53: {  	_ =	shalt  }
0x54: {  	_ =	shalt  }
0x55: {  	_ =	shalt  }
0x56: {  	_ =	shalt  }
0x57: {  	_ =	shalt  }
0x58: {  	_ =	shalt  }
0x59: {  	_ =	shalt  }
0x5a: {  	_ =	shalt  }
0x5b: {  	_ =	shalt  }
0x5c: {  	_ =	shalt  }
0x5d: {  	_ =	shalt  }
0x5e: {  	_ =	shalt  }
0x5f: {  	_ =	shalt  }
0x60: {  	_ =	shalt  }
0x61: {  	_ =	shalt  }
0x62: {  	_ =	shalt  }
0x63: {  	_ =	shalt  }
0x64: {  	_ =	shalt  }
0x65: {  	_ =	shalt  }
0x66: {  	_ =	shalt  }
0x67: {  	_ =	shalt  }
0x68: {  	_ =	shalt  }
0x69: {  	_ =	shalt  }
0x6a: {  	_ =	shalt  }
0x6b: {  	_ =	shalt  }
0x6c: {  	_ =	shalt  }
0x6d: {  	_ =	shalt  }
0x6e: {  	_ =	shalt  }
0x6f: {  	_ =	shalt  }
0x70: {  	_ =	shalt  }
0x71: {  	_ =	shalt  }
0x72: {  	_ =	shalt  }
0x73: {  	_ =	shalt  }
0x74: {  	_ =	shalt  }
0x75: {  	_ =	shalt  }
0x76: {  	_ =	shalt  }
0x77: {  	_ =	shalt  }
0x78: {  	_ =	shalt  }
0x79: {  	_ =	shalt  }
0x7a: {  	_ =	shalt  }
0x7b: {  	_ =	shalt  }
0x7c: {  	_ =	shalt  }
0x7d: {  	_ =	shalt  }
0x7e: {  	_ =	shalt  }
0x7f: {  	_ =	shalt  }
0x80: {  	_ =	shalt  }
0x81: {  	_ =	shalt  }
0x82: {  	_ =	shalt  }
0x83: {  	_ =	shalt  }
0x84: {  	_ =	shalt  }
0x85: {  	_ =	shalt  }
0x86: {  	_ =	shalt  }
0x87: {  	_ =	shalt  }
.Lfunc_end0:
.L_simem_size_0:
called_computation.3_lowered:
.L_overlay_start_0:
0x88: {  	s2 =	sld [smem:$0x3FD9]  }
0x89: {  	s3 =	sld [smem:$0x3FFE];
	_ =	sdelay $0x1  }
0x8a: {  	s1 =	srdreg.scid  }
0x8b: {  	s0 =	sand.u32 $0x1, s1  }
0x8c: {  	s15 =	sshll.u32 s0, $0xA;
	s2 =	sadd.s32 s3, s2  }
0x8d: {  	s2 =	sadd.s32 s2, s15  }
0x8e: {  	[smem:$0x3FB6] =	sst s2  }
0x8f: {  	_ = 	snop  }
0x90: {  	s2 =	sld [smem:$0x3FD0];
	_ =	sdelay $0x2  }
0x91: {  	s16 =	simm.s32 $0xB;
	s4 =	simm.s32 $0x10  }
0x92: {  	[smem:s4], [sflag:s16] =	dma.local [hbm:s2], $0x1  }
0x93: {  	_ =	swait.eq [sflag:s16], $0x1  }
0x94: {  	[sflag:s16] =	ssyncset.done $0x0  }
0x95: {  	[sflag:s16] =	ssyncadd.s32 $0xFFFFFFFF  }
0x96: {  	s17 =	sld [smem:$0x13];
	(tm) =	ssettm $0x1  }
0x97: {  	s18 =	sld [smem:$0x3FFB];
	_ =	sdelay $0x3  }
0x98: {  	_ =	strace s18  }
0x99: {  	s2 =	sld [smem:$0x3FFC];
	_ =	sdelay $0x3  }
0x9a: {  	_ =	strace s2  }
0x9b: {  	s2 =	sld [smem:$0x3FFD];
	_ =	sdelay $0x3  }
0x9c: {  	_ =	strace s2  }
0x9d: {  	_ =	strace $0x8FFFFFFF  }
0x9e: {  	s19 =	sld [smem:$0x3FDB];
	_ =	sdelay $0x1  }
0x9f: {  	s20 =	simm.s32 $_scs_section_size  }
0xa0: {  	s5 =	simm.s32 $_size__tile_overlayer_lowered;
	s6 =	simm.s32 $_tile_overlayer_lowered  }
0xa1: {  	s7 =	simm.s32 $0x1BFF;
	s21 =	sshll.u32 s6, $0x1;
	s4 =	sadd.s32 s20, s19  }
0xa2: {  	s22 =	simm.s32 $0x0;
	s5 =	sshll.u32 s5, $0x1;
	s6 =	sadd.s32 s21, s4  }
0xa3: {  	[timem:s22], [sflag:s7] =	dma.local [hbm:s6], s5  }
0xa4: {  	_ =	swait.ge [sflag:s7], s5  }
0xa5: {  	s5 =	ssub.s32 $0x0, s5;
	[sflag:s7] =	ssyncset.done $0x0  }
0xa6: {  	[sflag:s7] =	ssyncadd.s32 s5;
	_ =	sdelay $0x1  }
0xa7: {  	s23 =	simm.s32 $0x1B8B  }
0xa8: {  	_ =	swait.ge [sflag:s23], $0x1  }
0xa9: {  	[sflag:s23] =	ssyncset.done $0x0  }
0xaa: {  	[sflag:s23] =	ssyncadd.s32 $0xFFFFFFFF  }
0xab: {  	s5 =	sld [smem:$0x0]  }
0xac: {  	s6 =	sand.u32 $0xFFFFFFFE, s1  }
0xad: {  	p0 =	sne.s32 s1, s6  }
0xae: {  	s6 =	sshll.u32 @p0 s6, $0xE  }
0xaf: {  	s6 =	sadd.s32 @p0 $0x11B8D, s6;
	s7 =	sshll.u32 @p0 s5, $0x11  }
0xb0: {  	s6 =	sor.u32 @p0 s7, s6  }
0xb1: {  	[sflag:s6] =	ssyncadd.remote.s32 @p0 $0x1;
	_ =	sdelay $0x1  }
0xb2: {  	s6 =	simm.s32 @p0 $0x1B8D  }
0xb3: {  	_ =	swait.eq @p0 [sflag:s6], $0x1  }
0xb4: {  	[sflag:s6] =	ssyncadd.s32 @p0 $0xFFFFFFFF  }
0xb5: {  	s7 =	sshll.u32 @!p0 s1, $0xE  }
0xb6: {  	s7 =	sor.u32 @!p0 $0x4000, s7;
	s6 =	simm.s32 @!p0 $0x1B8D  }
0xb7: {  	s5 =	sshll.u32 @!p0 s5, $0x11;
	s7 =	sadd.s32 @!p0 $0x11B8D, s7;
	_ =	swait.eq @!p0 [sflag:s6], $0x1  }
0xb8: {  	s5 =	sor.u32 @!p0 s5, s7;
	[sflag:s6] =	ssyncadd.s32 @!p0 $0xFFFFFFFF  }
0xb9: {  	s25 =	simm.s32 $0x1B8E;
	s24 =	sld [smem:$0x3FFE];
	[sflag:s5] =	ssyncadd.remote.s32 @!p0 $0x1  }
0xba: {  	s26 =	simm.s32 $execute0_lowered;
	[smem:$0x3FD2] =	sst s25  }
0xbb: {  	s6 =	sshll.u32 s26, $0x1;
	_ =	strace $0x8000004F;
	[dreg:$0x1] =	wrdreg $0xFFFFFFFF  }
0xbc: {  	s28 =	simm.s32 $_size_execute0_lowered;
	s4 =	sadd.s32 s4, s6;
	[dreg:$0x0] =	wrdreg $0x0  }
0xbd: {  	s6 =	sshll.u32 s28, $0x1;
	[dreg:$0x2] =	wrdreg s4  }
0xbe: {  	[dreg:$0x3] =	wrdreg s6  }
0xbf: {  	[dreg:$0x4] =	wrdreg $0xC0  }
0xc0: {  	_ =	task [dreg:s22], $0x5FFFF  }
0xc1: {  	[dreg:$0x1] =	wrdreg $0xFFFFFFFF  }
0xc2: {  	[dreg:$0x0] =	wrdreg $0x60  }
0xc3: {  	[dreg:$0x2] =	wrdreg s24  }
0xc4: {  	[dreg:$0x3] =	wrdreg s17  }
0xc5: {  	[dreg:$0x4] =	wrdreg $0x41800  }
0xc6: {  	[dreg:$0x5] =	wrdreg $0x9  }
0xc7: {  	_ =	task.clear_ibuf [dreg:s22], $0x6FFFF;
	_ =	strace $0x9000004F  }
0xc8: {  	s29 =	simm.s32 $0x9;
	_ =	strace $0x80000051  }
0xc9: {  	_ =	swait.ge [sflag:s29], $0x1  }
0xca: {  	[sflag:s29] =	ssyncadd.s32 $0xFFFFFFFF  }
0xcb: {  	_ =	strace $0x90000051  }
0xcc: {  	_ =	sfence  }
0xcd: {  	s30 =	sld [smem:$0x0];
	_ =	sdelay $0x2  }
0xce: {  	s31 =	sshll.u32 s1, $0xD;
	s1 =	sshrl.u32 s1, $0x2  }
0xcf: {  	s4 =	sand.u32 $0x4000, s31;
	s1 =	sadd.s32 s1, s30  }
0xd0: {  	s0 =	sor.u32 s4, s0;
	s1 =	sshll.u32 s1, $0x11  }
0xd1: {  	s0 =	sor.u32 s1, s0  }
0xd2: {  	s0 =	sadd.s32 $0x8F2B, s0  }
0xd3: {  	[sflag:s0] =	ssyncadd.remote.s32 $0x1  }
0xd4: {  	_ =	sfence.sel $0xFFFF  }
0xd5: {  	[dreg:$0x0] =	wrdreg $0xFFFFFFFF;
	(pc) =	sbr.abs _section_cstart, $3  }
0xd6: {  	[dreg:$0x1] =	wrdreg $0xFFFFFFFF  }
0xd7: {  	_ =	task.clear_ibuf [dreg:s22], $0x2FFFF;
	_ =	strace $0x9FFFFFFF  }
0xd8: {  	(tm) =	ssettm $0x7FFFFFFF  }
0xd9: {  	_ =	shalt  }
tec
execute0_lowered:
.L_overlay_start_1:
0x0: {  	(tag) =	ssettag $0x1  }
0x1: {  	s7 =	rddreg [dreg:$0x0]  }
0x2: {  	s19 =	rddreg [dreg:$0x1]  }
0x3: {  	s1 =	rddreg [dreg:$0x2]  }
0x4: {  	s0 =	rddreg [dreg:$0x3];
	s3 =	simm.s32 $0x0;
	s5 =	srdreg.scid  }
0x5: {  	s2 =	stileid.u32;
	s22 =	simm.s32 $0x80;
	s24 =	simm.s32 $0x180  }
0x6: {  	[smem:$0x7FF] =	sst s3;
	s4 =	sadd.s32 $0xBF800, s7;
	s11 =	sand.u32 $0x1, s5  }
0x7: {  	s8 =	smul.u32 $0x4E000, s2;
	s5 =	sadd.s32 $0x62600, s7;
	s6 =	sadd.s32 $0x67600, s7  }
0x8: {  	s7 =	sadd.s32 $0x6C600, s7;
	s16 =	smul.u32 $0x270, s2;
	s13 =	sadd.s32 $0x124800, s1  }
0x9: {  	s25 =	simm.s32 $0x1;
	s14 =	sadd.s32 $0x128800, s1;
	s15 =	sadd.s32 $0x12C800, s1  }
0xa: {  	s17 =	sadd.s32 $0x134800, s1;
	p0 =	seq.s32 s2, $0xF;
	s9 =	ssub.s32 $0x2, s11  }
0xb: {  	s23 =	smul.u32 $0x2710, s11;
	s10 =	sshrl.u32 s9, $0x1;
	s8 =	sshrl.u32 s8, $0x2  }
0xc: {  	_ =	strace $0x80000050;
	s20 =	ssub.s32 s9, s10;
	s8 =	sadd.s32 s8, s1  }
0xd: {  	s18 =	sadd.s32 s16, s23;
	s16 =	sadd.s32 $0x130800, s1;
	v0 =	vmov s23;
	s23 =	simm.s32 $0x100  }
0xe: {  	s9 =	sadd.s32 $0x4000, s8;
	s10 =	sadd.s32 $0x8000, s8;
	s11 =	sadd.s32 $0xC000, s8  }
0xf: {  	s12 =	sadd.s32 $0x10000, s8;
	s21 =	sshll.u32 s18, $0x4;
	s18 =	smul.u32 $0x50, s2  }
0x10: {  	v1 =	vimm.f32 $0.0e+00;
	s20 =	smax.u32 s20, $0x1;
	s19 =	sadd.s32 s19, s21;
	s21 =	simm.s32 $0x2  }
.LBB2_1:
0x11: {  	s26 =	simm.s32 $0x0;
	s28 =	simm.s32 $0x200  }
.LBB2_2:
0x12: {  	p1 =	sne.s32 s28, $0xFE00;
	[tilespmem:s26+$0x1F0] =	vst v1  }
0x13: {  	[tilespmem:s26+$0x180] =	vst v1  }
0x14: {  	[tilespmem:s26+$0x190] =	vst v1  }
.Ltmp0:
0x15: {  	[tilespmem:s26+$0x1A0] =	vst v1;
	(pc) =	sbr.rel @p1 .LBB2_2-.Ltmp0, $4  }
0x16: {  	[tilespmem:s26+$0x1B0] =	vst v1  }
0x17: {  	[tilespmem:s26+$0x1C0] =	vst v1  }
0x18: {  	[tilespmem:s26+$0x1D0] =	vst v1  }
0x19: {  	[tilespmem:s26+$0x1E0] =	vst v1;
	s26 =	sshra.s32 s28, $0x2;
	s28 =	sadd.s32 $0x200, s28  }
0x1a: {  	[tilespmem:s26+$0x1F0] =	vst v1  }
0x1b: {  	[tilespmem:s26+$0x180] =	vst v1  }
0x1c: {  	[tilespmem:s26+$0x190] =	vst v1  }
0x1d: {  	[tilespmem:s26+$0x1A0] =	vst v1  }
0x1e: {  	[tilespmem:s26+$0x1B0] =	vst v1  }
0x1f: {  	[tilespmem:s26+$0x1C0] =	vst v1  }
0x20: {  	[tilespmem:s26+$0x1D0] =	vst v1  }
0x21: {  	[tilespmem:s26+$0x1E0] =	vst v1;
	s26 =	simm.s32 @p0 $0x180;
	s28 =	simm.s32 @p0 $0x2  }
0x22: {  	[spmem:s13] =	stream.linear.scatter @p0 [tilespmem:s26], [sflag:$0x2], $0x4000, $0x38;
	[tilespmem:$0x17A00] =	vst v63  }
0x23: {  	_ =	swait.ge @p0 [sflag:s28], $0x4000  }
0x24: {  	[sflag:s28] =	ssyncset.done @p0 $0x0  }
0x25: {  	[sflag:s28] =	ssyncadd.s32 @p0 $0xFFFFC000  }
0x26: {  	[spmem:s14] =	stream.linear.scatter @p0 [tilespmem:s26], [sflag:$0x2], $0x4000, $0x38;
	[tilespmem:$0x17A00] =	vst v63  }
0x27: {  	_ =	swait.ge @p0 [sflag:s28], $0x4000  }
0x28: {  	[sflag:s28] =	ssyncset.done @p0 $0x0  }
0x29: {  	[sflag:s28] =	ssyncadd.s32 @p0 $0xFFFFC000  }
0x2a: {  	[spmem:s15] =	stream.linear.scatter @p0 [tilespmem:s26], [sflag:$0x2], $0x4000, $0x38;
	[tilespmem:$0x17A00] =	vst v63  }
0x2b: {  	_ =	swait.ge @p0 [sflag:s28], $0x4000  }
0x2c: {  	[sflag:s28] =	ssyncset.done @p0 $0x0  }
0x2d: {  	[sflag:s28] =	ssyncadd.s32 @p0 $0xFFFFC000  }
0x2e: {  	[spmem:s16] =	stream.linear.scatter @p0 [tilespmem:s26], [sflag:$0x2], $0x4000, $0x38;
	[tilespmem:$0x17A00] =	vst v63  }
0x2f: {  	_ =	swait.ge @p0 [sflag:s28], $0x4000  }
0x30: {  	[sflag:s28] =	ssyncset.done @p0 $0x0  }
0x31: {  	[sflag:s28] =	ssyncadd.s32 @p0 $0xFFFFC000  }
0x32: {  	[spmem:s17] =	stream.linear.scatter @p0 [tilespmem:s26], [sflag:$0x2], $0x4000, $0x38;
	[tilespmem:$0x17A00] =	vst v63  }
0x33: {  	_ =	swait.ge @p0 [sflag:s28], $0x4000  }
0x34: {  	[sflag:s28] =	ssyncset.done @p0 $0x0  }
0x35: {  	s26 =	simm.s32 @!p0 $0x180;
	[sflag:s28] =	ssyncadd.s32 @p0 $0xFFFFC000;
	s28 =	simm.s32 @!p0 $0x2  }
0x36: {  	[spmem:s8] =	stream.linear.scatter @!p0 [tilespmem:s26], [sflag:$0x2], $0x4000, $0x38;
	[tilespmem:$0x17A00] =	vst v63  }
0x37: {  	_ =	swait.ge @!p0 [sflag:s28], $0x4000  }
0x38: {  	[sflag:s28] =	ssyncset.done @!p0 $0x0  }
0x39: {  	[sflag:s28] =	ssyncadd.s32 @!p0 $0xFFFFC000  }
0x3a: {  	[spmem:s9] =	stream.linear.scatter @!p0 [tilespmem:s26], [sflag:$0x2], $0x4000, $0x38;
	[tilespmem:$0x17A00] =	vst v63  }
0x3b: {  	_ =	swait.ge @!p0 [sflag:s28], $0x4000  }
0x3c: {  	[sflag:s28] =	ssyncset.done @!p0 $0x0  }
0x3d: {  	[sflag:s28] =	ssyncadd.s32 @!p0 $0xFFFFC000  }
0x3e: {  	[spmem:s10] =	stream.linear.scatter @!p0 [tilespmem:s26], [sflag:$0x2], $0x4000, $0x38;
	[tilespmem:$0x17A00] =	vst v63  }
0x3f: {  	_ =	swait.ge @!p0 [sflag:s28], $0x4000  }
0x40: {  	[sflag:s28] =	ssyncset.done @!p0 $0x0  }
0x41: {  	[sflag:s28] =	ssyncadd.s32 @!p0 $0xFFFFC000  }
0x42: {  	[spmem:s11] =	stream.linear.scatter @!p0 [tilespmem:s26], [sflag:$0x2], $0x4000, $0x38;
	[tilespmem:$0x17A00] =	vst v63  }
0x43: {  	_ =	swait.ge @!p0 [sflag:s28], $0x4000  }
0x44: {  	[sflag:s28] =	ssyncset.done @!p0 $0x0  }
0x45: {  	[sflag:s28] =	ssyncadd.s32 @!p0 $0xFFFFC000  }
0x46: {  	[spmem:s12] =	stream.linear.scatter @!p0 [tilespmem:s26], [sflag:$0x2], $0x3800, $0x38;
	[tilespmem:$0x17A00] =	vst v63  }
0x47: {  	_ =	swait.ge @!p0 [sflag:s28], $0x3800  }
0x48: {  	[sflag:s28] =	ssyncset.done @!p0 $0x0  }
0x49: {  	[sflag:s28] =	ssyncadd.s32 @!p0 $0xFFFFC800  }
0x4a: {  	s26 =	simm.s32 $0x0;
	s28 =	simm.s32 $0x0;
	[bflag:$0x0] =	sbarrier.arrive $0xFFFF  }
.LBB2_4:
0x4b: {  	s29 =	sadd.s32 s18, s28  }
0x4c: {  	s29 =	sshll.u32 s29, $0x4  }
0x4d: {  	s30 =	sadd.s32 s5, s29  }
0x4e: {  	[tilespmem:s26], [sflag:$0x2] =	stream.linear.gather [hbm4b:s30+s26], $0x80, $0x38;
	[tilespmem:$0x17A00] =	vst v63  }
0x4f: {  	_ =	swait.ge [sflag:s21], $0x80  }
0x50: {  	[sflag:s21] =	ssyncset.done $0x0  }
0x51: {  	s30 =	sadd.s32 s6, s29;
	[sflag:s21] =	ssyncadd.s32 $0xFFFFFF80  }
0x52: {  	[tilespmem:s22], [sflag:$0x2] =	stream.linear.gather [hbm4b:s30+s26], $0x80, $0x38;
	[tilespmem:$0x17A00] =	vst v63  }
0x53: {  	_ =	swait.ge [sflag:s21], $0x80  }
0x54: {  	[sflag:s21] =	ssyncset.done $0x0  }
0x55: {  	s29 =	sadd.s32 s7, s29;
	[sflag:s21] =	ssyncadd.s32 $0xFFFFFF80  }
0x56: {  	[tilespmem:s23], [sflag:$0x2] =	stream.linear.gather [hbm4b:s29+s26], $0x80, $0x38;
	[tilespmem:$0x17A00] =	vst v63  }
0x57: {  	_ =	swait.ge [sflag:s21], $0x80  }
0x58: {  	[sflag:s21] =	ssyncset.done $0x0  }
0x59: {  	[sflag:s21] =	ssyncadd.s32 $0xFFFFFF80  }
0x5a: {  	v2 =	vld [tilespmem:$0x0]  }
0x5b: {  	v3 =	vld [tilespmem:$0x10]  }
0x5c: {  	v4 =	vld [tilespmem:$0x20]  }
0x5d: {  	v5 =	vld [tilespmem:$0x30]  }
0x5e: {  	v6 =	vld [tilespmem:$0x40]  }
0x5f: {  	v7 =	vld [tilespmem:$0x50];
	v2 =	vadd.s32 v0, v2  }
0x60: {  	[tilespmem:$0x0] =	vst v2;
	v2 =	vadd.s32 v0, v3;
	v3 =	vld [tilespmem:$0x60]  }
0x61: {  	[tilespmem:$0x10] =	vst v2;
	v2 =	vadd.s32 v0, v4;
	v4 =	vld [tilespmem:$0x70]  }
0x62: {  	[tilespmem:$0x20] =	vst v2;
	v2 =	vadd.s32 v0, v5  }
0x63: {  	[tilespmem:$0x30] =	vst v2;
	v2 =	vadd.s32 v0, v6  }
0x64: {  	[tilespmem:$0x40] =	vst v2;
	v2 =	vadd.s32 v0, v7  }
0x65: {  	[tilespmem:$0x50] =	vst v2;
	v2 =	vadd.s32 v0, v3  }
0x66: {  	[tilespmem:$0x60] =	vst v2;
	v2 =	vadd.s32 v0, v4  }
0x67: {  	[tilespmem:$0x70] =	vst v2  }
0x68: {  	v2 =	vmov s26;
	[tilespmem:s24], [sflag:$0x1] =	stream.indirect.gather [hbm4b:s4+s22], $0x80, s26, s22, $0xb8;
	[tilespmem:$0x17A00] =	vst v63  }
0x69: {  	_ =	swait.ge [sflag:s25], $0x4000  }
0x6a: {  	[sflag:s25] =	ssyncset.done $0x0  }
0x6b: {  	s29 =	simm.s32 $0x1C0;
	[sflag:s25] =	ssyncadd.s32 $0xFFFFC000  }
0x6c: {  	v4 =	vld [tilespmem:s29+$0xFFFFFFF0]  }
0x6d: {  	v2 =	vld.idx.msk [tilespmem:v2+s23+$0x0], $0xffff  }
0x6e: {  	v5 =	vld [tilespmem:s29+$0x30]  }
0x6f: {  	s31 =	simm.s32 $0x1;
	s30 =	simm.s32 $0x1C0;
	v3 =	vld [tilespmem:s29+$0x20]  }
.LBB2_5:
0x70: {  	p1 =	sne.s32 s31, $0x7F;
	v6 =	vld [tilespmem:s29+$0x10]  }
0x71: {  	v7 =	vld [tilespmem:s29+$0x0]  }
0x72: {  	v4 =	vmax.f32 v4, $0.0e+00;
	v8 =	vld [tilespmem:s29+$0xFFFFFFE0]  }
0x73: {  	v4 =	vmul.f32 v4, v2;
	v9 =	vld [tilespmem:s29+$0xFFFFFFD0];
	v5 =	vmax.f32 v5, $0.0e+00  }
0x74: {  	v10 =	vld [tilespmem:s29+$0xFFFFFFC0];
	v3 =	vmax.f32 v3, $0.0e+00;
	v5 =	vmul.f32 v5, v2  }
0x75: {  	[tilespmem:s29+$0xFFFFFFF0] =	vst v4;
	v4 =	vmax.f32 v6, $0.0e+00;
	v3 =	vmul.f32 v3, v2  }
0x76: {  	v6 =	vmax.f32 v7, $0.0e+00;
	v4 =	vmul.f32 v4, v2;
	[tilespmem:s29+$0x30] =	vst v5  }
0x77: {  	v5 =	vmax.f32 v8, $0.0e+00;
	v6 =	vmul.f32 v6, v2;
	[tilespmem:s29+$0x20] =	vst v3  }
0x78: {  	v3 =	vmov s31;
	v7 =	vmax.f32 v9, $0.0e+00;
	v5 =	vmul.f32 v5, v2;
	[tilespmem:s29+$0x10] =	vst v4  }
0x79: {  	v4 =	vmax.f32 v10, $0.0e+00;
	v7 =	vmul.f32 v7, v2;
	[tilespmem:s29+$0x0] =	vst v6  }
0x7a: {  	v2 =	vmul.f32 v4, v2;
	[tilespmem:s29+$0xFFFFFFE0] =	vst v5  }
.Ltmp1:
0x7b: {  	s29 =	sadd.s32 $0x80, s29;
	[tilespmem:s30+$0xFFFFFFD0] =	vst v7;
	(pc) =	sbr.rel @p1 .LBB2_5-.Ltmp1, $4  }
0x7c: {  	v4 =	vld [tilespmem:s29+$0xFFFFFFF0];
	[tilespmem:s30+$0xFFFFFFC0] =	vst v2;
	s30 =	smov.u32 s29  }
0x7d: {  	v2 =	vld.idx.msk [tilespmem:v3+s23+$0x0], $0xffff  }
0x7e: {  	v5 =	vld [tilespmem:s29+$0x30]  }
0x7f: {  	s31 =	sadd.s32 $0x1, s31;
	v3 =	vld [tilespmem:s29+$0x20]  }
0x80: {  	v6 =	vld [tilespmem:s29+$0x10]  }
0x81: {  	v7 =	vld [tilespmem:s29+$0x0]  }
0x82: {  	v8 =	vld [tilespmem:s29+$0xFFFFFFE0];
	v4 =	vmax.f32 v4, $0.0e+00  }
0x83: {  	v9 =	vld [tilespmem:s29+$0xFFFFFFD0];
	v4 =	vmul.f32 v4, v2;
	v5 =	vmax.f32 v5, $0.0e+00  }
0x84: {  	v10 =	vld [tilespmem:s29+$0xFFFFFFC0];
	v3 =	vmax.f32 v3, $0.0e+00;
	v5 =	vmul.f32 v5, v2  }
0x85: {  	[tilespmem:s29+$0xFFFFFFF0] =	vst v4;
	v60 =	vmax.f32 v6, $0.0e+00;
	v3 =	vmul.f32 v3, v2  }
0x86: {  	v61 =	vmax.f32 v7, $0.0e+00;
	v4 =	vmul.f32 v60, v2;
	[tilespmem:s29+$0x30] =	vst v5  }
0x87: {  	v62 =	vmax.f32 v8, $0.0e+00;
	v6 =	vmul.f32 v61, v2;
	[tilespmem:s29+$0x20] =	vst v3  }
0x88: {  	v5 =	vmul.f32 v62, v2;
	v3 =	vmax.f32 v9, $0.0e+00;
	[tilespmem:s29+$0x10] =	vst v4  }
0x89: {  	v63 =	vmax.f32 v10, $0.0e+00;
	v3 =	vmul.f32 v3, v2;
	[tilespmem:s29+$0x0] =	vst v6  }
0x8a: {  	s28 =	sadd.s32 $0x1, s28;
	v2 =	vmul.f32 v63, v2;
	[tilespmem:s29+$0xFFFFFFE0] =	vst v5  }
0x8b: {  	p1 =	sne.s32 s28, $0x50;
	[tilespmem:s30+$0xFFFFFFD0] =	vst v3  }
.Ltmp2:
0x8c: {  	[tilespmem:s30+$0xFFFFFFC0] =	vst v2;
	(pc) =	sbr.rel @p1 .LBB2_4-.Ltmp2, $4  }
0x8d: {  	[spmem:s1] =	stream.indirect.scatter.add.f32 [tilespmem:s24], [sflag:$0x2], $0x80, s22, s22, $0xb8;
	[tilespmem:$0x17A00] =	vst v63  }
0x8e: {  	_ =	swait.ge [sflag:s21], $0x4000  }
0x8f: {  	[sflag:s21] =	ssyncset.done $0x0  }
0x90: {  	[sflag:s21] =	ssyncadd.s32 $0xFFFFC000  }
0x91: {  	[bflag:$0x0] =	sbarrier.arrive $0xFFFF;
	s26 =	sshrl.u32 @p0 s13, $0x3;
	s28 =	simm.s32 @p0 $0x1FC2  }
0x92: {  	[hbm:s19], [sflag:s28] =	dma.local @p0 [spmem:s26], $0x2800  }
0x93: {  	s26 =	simm.s32 @p0 $0x2  }
0x94: {  	s3 =	sadd.s32 $0x1, s3;
	_ =	swait.ge @p0 [sflag:s26], $0x2800  }
0x95: {  	s28 =	sshll.u32 @!p0 s2, $0x6;
	p1 =	sne.s32 s3, s20;
	[sflag:s26] =	ssyncset.done @p0 $0x0  }
0x96: {  	[sflag:s26] =	ssyncadd.s32 @p0 $0xFFFFD800;
	s26 =	sor.u32 @!p0 $0x1C02, s28;
	s28 =	sshrl.u32 @!p0 s8, $0x3  }
0x97: {  	[hbm:s19], [sflag:s26] =	dma.local @!p0 [spmem:s28], $0x2700  }
.Ltmp3:
0x98: {  	_ = 	snop;
	(pc) =	sbr.rel @p1 .LBB2_1-.Ltmp3, $4  }
0x99: {  	s26 =	simm.s32 @!p0 $0x2  }
0x9a: {  	_ =	swait.ge @!p0 [sflag:s26], $0x2700  }
0x9b: {  	[sflag:s26] =	ssyncset.done @!p0 $0x0  }
0x9c: {  	[sflag:s26] =	ssyncadd.s32 @!p0 $0xFFFFD900  }
0x9d: {  	_ =	sfence.sel $0x180000  }
0x9e: {  	[bflag:$0x0] =	sbarrier.arrive $0xFFFF  }
0x9f: {  	p0 =	sne.s32 s2, $0x0;
	_ =	strace $0x90000050  }
0xa0: {  	s0 =	sadd.s32 @!p0 $0x100000, s0;
	[bflag:$0x2] =	sbarrier.arrive $0xFFFF  }
0xa1: {  	[sflag:s0] =	ssyncadd.tile.s32 @!p0 $0x1;
	_ =	shalt  }
.Lfunc_end2:
_tile_overlayer_lowered:
.L_overlay_start_2:
0xa2: {  	(tag) =	ssettag $0x2  }
0xa3: {  	s0 =	rddreg [dreg:$0x0];
	s2 =	stileid.u32  }
0xa4: {  	s1 =	rddreg [dreg:$0x1];
	p0 =	sne.s32 s2, $0x0  }
0xa5: {  	s3 =	rddreg [dreg:$0x2];
	[bflag:$0x3] =	sbarrier.arrive $0xFFFF;
	s2 =	simm.s32 @!p0 $0x1C02  }
0xa6: {  	[timem:s3], [sflag:s2] =	dma.local @!p0 [hbm:s0], s1  }
0xa7: {  	s0 =	simm.s32 @!p0 $0x2  }
0xa8: {  	_ =	swait.ge @!p0 [sflag:s0], s1  }
0xa9: {  	s1 =	ssub.s32 @!p0 $0x0, s1;
	[sflag:s0] =	ssyncset.done @!p0 $0x0  }
0xaa: {  	[sflag:s0] =	ssyncadd.s32 @!p0 s1  }
0xab: {  	[bflag:$0x3] =	sbarrier.arrive $0xFFFF  }
0xac: {  	_ =	shalt  }

// kernel: kernel.24.cloned.1.call-start
scs
__scs_entry_jumppad:
0x0: {  	(pc) =	sbr.rel $0x88, $3  }
0x1: {  	(tag) =	ssettag $0x0;
	lr =	simm.s32 $0x1  }
0x2: {  	[smem:$0x3F8F] =	sst lr;
	_ =	strace $0xD0000000  }
0x3: {  	_ = 	snop  }
0x4: {  	_ = 	snop  }
0x5: {  	_ = 	snop  }
0x6: {  	_ = 	snop  }
0x7: {  	_ = 	snop  }
__scs_overlays_trampoline_lowered:
0x8: {  	[smem:$0x3F9E] =	sst s0  }
0x9: {  	[smem:$0x3F9F] =	sst s1  }
0xa: {  	[smem:$0x3FA0] =	sst s2  }
0xb: {  	[smem:$0x3FA1] =	sst s3  }
0xc: {  	[smem:$0x3FA2] =	sst s4  }
0xd: {  	[smem:$0x3FA3] =	sst s5  }
0xe: {  	[smem:$0x3FA4] =	sst s6  }
0xf: {  	[smem:$0x3FA5] =	sst s7  }
0x10: {  	[smem:$0x3FA6] =	sst s8  }
0x11: {  	[smem:$0x3FA7] =	sst s9;
	s0 =	simm.s32 @!p0 $0x0  }
0x12: {  	s1 =	sld [smem:$0x3F8D];
	s0 =	simm.s32 @p0 $0x1  }
0x13: {  	[smem:$0x3FA8] =	sst s0;
	s0 =	simm.s32 @!p1 $0x0  }
0x14: {  	s2 =	sld [smem:$0x3F8C];
	s0 =	simm.s32 @p1 $0x1  }
0x15: {  	[smem:$0x3FA9] =	sst s0;
	s0 =	simm.s32 @!p2 $0x0  }
0x16: {  	s3 =	sld [smem:$0x3FDB];
	s0 =	simm.s32 @p2 $0x1  }
0x17: {  	s4 =	simm.s32 $0x1BF5;
	[smem:$0x3FAB] =	sst s0  }
0x18: {  	s0 =	sld [smem:$0x3F8E];
	_ =	swait.ge [sflag:s4], $0x0  }
0x19: {  	s7 =	sld [smem:$0x3F8F]  }
0x1a: {  	s8 =	sadd.s32 $0xFFFFE003, lr  }
0x1b: {  	s9 =	sadd.s32 $0xFFFFFEF7, lr;
	s5 =	simm.s32 $0xFFFFFFFF;
	p2 =	slt.u32 s8, $0xFFFFF086  }
0x1c: {  	p1 =	slt.u32 s9, $0xF7A;
	s5 =	simm.s32 @!p2 $0x0  }
0x1d: {  	s5 =	simm.s32 @p1 $0x1;
	p0 =	seq.s32 s7, s2  }
0x1e: {  	s7 =	smul.u32 @!p0 $0xF7A, s2;
	p2 =	seq.s32 @!p0 s5, $0x0  }
0x1f: {  	s9 =	smul.u32 $0xF7A, s1;
	s8 =	simm.s32 @!p0 $0x1BF5;
	p2 =	por !p2, p0  }
0x20: {  	[sflag:s8] =	ssyncset.s32 @!p0 $0xFFFFF086;
	s6 =	sadd.s32 @!p0 s3, s7;
	s7 =	simm.s32 @!p0 $0x108  }
0x21: {  	s3 =	sadd.s32 s3, s9;
	s6 =	sadd.s32 @!p0 $0x88, s6;
	s7 =	simm.s32 @p2 $0x1082  }
0x22: {  	[simem:s7], [sflag:s8] =	dma.local @!p0 [hbm:s6], $0xF7A  }
0x23: {  	s9 =	sor.u32 $0xD0000000, s2;
	s6 =	simm.s32 $0x108;
	_ =	swait.ge @!p0 [sflag:s8], $0x0  }
0x24: {  	s3 =	sadd.s32 $0x88, s3;
	s6 =	simm.s32 @!p1 $0x1082;
	[sflag:s4] =	ssyncset.s32 $0xFFFFF086  }
0x25: {  	[simem:s6], [sflag:s4] =	dma.local [hbm:s3], $0xF7A  }
0x26: {  	[smem:$0x3F8F] =	sst s1;
	(tag) =	ssettag s2;
	_ =	strace s9  }
0x27: {  	s1 =	sld [smem:$0x3F9F]  }
0x28: {  	s2 =	sld [smem:$0x3FA0]  }
0x29: {  	s4 =	sld [smem:$0x3FA2]  }
0x2a: {  	p0 =	seq.s32 s5, $0x0;
	s5 =	sld [smem:$0x3FA3]  }
0x2b: {  	s6 =	sld [smem:$0x3FA4]  }
0x2c: {  	s7 =	sld [smem:$0x3FA5]  }
0x2d: {  	s3 =	simm.s32 $0x108;
	s8 =	sld [smem:$0x3FA6]  }
0x2e: {  	s3 =	simm.s32 @!p0 $0x1082;
	s9 =	sld [smem:$0x3FA7]  }
0x2f: {  	lr =	sadd.s32 s0, s3;
	s0 =	sld [smem:$0x3F9E]  }
0x30: {  	s3 =	sld [smem:$0x3FA1]  }
0x31: {  	[smem:$0x3FAA] =	sst s10  }
0x32: {  	s10 =	sld [smem:$0x3FA8];
	_ =	sdelay $0x3  }
0x33: {  	p0 =	seq.s32 s10, $0x1;
	s10 =	sld [smem:$0x3FAA];
	_ =	sdelay $0x3  }
0x34: {  	[smem:$0x3FAA] =	sst s10  }
0x35: {  	s10 =	sld [smem:$0x3FA9];
	_ =	sdelay $0x3  }
0x36: {  	p1 =	seq.s32 s10, $0x1;
	s10 =	sld [smem:$0x3FAA];
	_ =	sdelay $0x3  }
0x37: {  	[smem:$0x3FAA] =	sst s10  }
0x38: {  	s10 =	sld [smem:$0x3FAB]  }
0x39: {  	_ = 	snop;
	(pc) =	sbr.ind lr, $3  }
0x3a: {  	_ = 	snop  }
0x3b: {  	_ = 	snop  }
0x3c: {  	p2 =	seq.s32 s10, $0x1;
	s10 =	sld [smem:$0x3FAA]  }
0x3d: {  	_ =	shalt  }
0x3e: {  	_ =	shalt  }
0x3f: {  	_ =	shalt  }
0x40: {  	_ =	shalt  }
0x41: {  	_ =	shalt  }
0x42: {  	_ =	shalt  }
0x43: {  	_ =	shalt  }
0x44: {  	_ =	shalt  }
0x45: {  	_ =	shalt  }
0x46: {  	_ =	shalt  }
0x47: {  	_ =	shalt  }
0x48: {  	_ =	shalt  }
0x49: {  	_ =	shalt  }
0x4a: {  	_ =	shalt  }
0x4b: {  	_ =	shalt  }
0x4c: {  	_ =	shalt  }
0x4d: {  	_ =	shalt  }
0x4e: {  	_ =	shalt  }
0x4f: {  	_ =	shalt  }
0x50: {  	_ =	shalt  }
0x51: {  	_ =	shalt  }
0x52: {  	_ =	shalt  }
0x53: {  	_ =	shalt  }
0x54: {  	_ =	shalt  }
0x55: {  	_ =	shalt  }
0x56: {  	_ =	shalt  }
0x57: {  	_ =	shalt  }
0x58: {  	_ =	shalt  }
0x59: {  	_ =	shalt  }
0x5a: {  	_ =	shalt  }
0x5b: {  	_ =	shalt  }
0x5c: {  	_ =	shalt  }
0x5d: {  	_ =	shalt  }
0x5e: {  	_ =	shalt  }
0x5f: {  	_ =	shalt  }
0x60: {  	_ =	shalt  }
0x61: {  	_ =	shalt  }
0x62: {  	_ =	shalt  }
0x63: {  	_ =	shalt  }
0x64: {  	_ =	shalt  }
0x65: {  	_ =	shalt  }
0x66: {  	_ =	shalt  }
0x67: {  	_ =	shalt  }
0x68: {  	_ =	shalt  }
0x69: {  	_ =	shalt  }
0x6a: {  	_ =	shalt  }
0x6b: {  	_ =	shalt  }
0x6c: {  	_ =	shalt  }
0x6d: {  	_ =	shalt  }
0x6e: {  	_ =	shalt  }
0x6f: {  	_ =	shalt  }
0x70: {  	_ =	shalt  }
0x71: {  	_ =	shalt  }
0x72: {  	_ =	shalt  }
0x73: {  	_ =	shalt  }
0x74: {  	_ =	shalt  }
0x75: {  	_ =	shalt  }
0x76: {  	_ =	shalt  }
0x77: {  	_ =	shalt  }
0x78: {  	_ =	shalt  }
0x79: {  	_ =	shalt  }
0x7a: {  	_ =	shalt  }
0x7b: {  	_ =	shalt  }
0x7c: {  	_ =	shalt  }
0x7d: {  	_ =	shalt  }
0x7e: {  	_ =	shalt  }
0x7f: {  	_ =	shalt  }
0x80: {  	_ =	shalt  }
0x81: {  	_ =	shalt  }
0x82: {  	_ =	shalt  }
0x83: {  	_ =	shalt  }
0x84: {  	_ =	shalt  }
0x85: {  	_ =	shalt  }
0x86: {  	_ =	shalt  }
0x87: {  	_ =	shalt  }
.Lfunc_end0:
.L_simem_size_0:
called_computation.4_lowered:
.L_overlay_start_0:
0x88: {  	s2 =	sld [smem:$0x3FD9]  }
0x89: {  	s3 =	sld [smem:$0x3FFE];
	_ =	sdelay $0x1  }
0x8a: {  	s1 =	srdreg.scid  }
0x8b: {  	s0 =	sand.u32 $0x1, s1  }
0x8c: {  	s15 =	sshll.u32 s0, $0xA;
	s2 =	sadd.s32 s3, s2  }
0x8d: {  	s2 =	sadd.s32 s2, s15  }
0x8e: {  	[smem:$0x3FB6] =	sst s2  }
0x8f: {  	_ = 	snop  }
0x90: {  	s2 =	sld [smem:$0x3FD0];
	_ =	sdelay $0x2  }
0x91: {  	s16 =	simm.s32 $0xB;
	s4 =	simm.s32 $0x10  }
0x92: {  	[smem:s4], [sflag:s16] =	dma.local [hbm:s2], $0x1  }
0x93: {  	_ =	swait.eq [sflag:s16], $0x1  }
0x94: {  	[sflag:s16] =	ssyncset.done $0x0  }
0x95: {  	[sflag:s16] =	ssyncadd.s32 $0xFFFFFFFF  }
0x96: {  	s17 =	sld [smem:$0x13];
	(tm) =	ssettm $0x1  }
0x97: {  	s18 =	sld [smem:$0x3FFB];
	_ =	sdelay $0x3  }
0x98: {  	_ =	strace s18  }
0x99: {  	s2 =	sld [smem:$0x3FFC];
	_ =	sdelay $0x3  }
0x9a: {  	_ =	strace s2  }
0x9b: {  	s2 =	sld [smem:$0x3FFD];
	_ =	sdelay $0x3  }
0x9c: {  	_ =	strace s2  }
0x9d: {  	_ =	strace $0x8FFFFFFF  }
0x9e: {  	s19 =	sld [smem:$0x3FDB];
	_ =	sdelay $0x1  }
0x9f: {  	s20 =	simm.s32 $_scs_section_size  }
0xa0: {  	s5 =	simm.s32 $_size__tile_overlayer_lowered;
	s6 =	simm.s32 $_tile_overlayer_lowered  }
0xa1: {  	s7 =	simm.s32 $0x1BFF;
	s21 =	sshll.u32 s6, $0x1;
	s4 =	sadd.s32 s20, s19  }
0xa2: {  	s22 =	simm.s32 $0x0;
	s5 =	sshll.u32 s5, $0x1;
	s6 =	sadd.s32 s21, s4  }
0xa3: {  	[timem:s22], [sflag:s7] =	dma.local [hbm:s6], s5  }
0xa4: {  	_ =	swait.ge [sflag:s7], s5  }
0xa5: {  	s5 =	ssub.s32 $0x0, s5;
	[sflag:s7] =	ssyncset.done $0x0  }
0xa6: {  	[sflag:s7] =	ssyncadd.s32 s5;
	_ =	sdelay $0x1  }
0xa7: {  	s23 =	simm.s32 $0x1B8B  }
0xa8: {  	_ =	swait.ge [sflag:s23], $0x1  }
0xa9: {  	[sflag:s23] =	ssyncset.done $0x0  }
0xaa: {  	[sflag:s23] =	ssyncadd.s32 $0xFFFFFFFF  }
0xab: {  	s5 =	sld [smem:$0x0]  }
0xac: {  	s6 =	sand.u32 $0xFFFFFFFE, s1  }
0xad: {  	p0 =	sne.s32 s1, s6  }
0xae: {  	s6 =	sshll.u32 @p0 s6, $0xE  }
0xaf: {  	s6 =	sadd.s32 @p0 $0x11B8D, s6;
	s7 =	sshll.u32 @p0 s5, $0x11  }
0xb0: {  	s6 =	sor.u32 @p0 s7, s6  }
0xb1: {  	[sflag:s6] =	ssyncadd.remote.s32 @p0 $0x1;
	_ =	sdelay $0x1  }
0xb2: {  	s6 =	simm.s32 @p0 $0x1B8D  }
0xb3: {  	_ =	swait.eq @p0 [sflag:s6], $0x1  }
0xb4: {  	[sflag:s6] =	ssyncadd.s32 @p0 $0xFFFFFFFF  }
0xb5: {  	s7 =	sshll.u32 @!p0 s1, $0xE  }
0xb6: {  	s7 =	sor.u32 @!p0 $0x4000, s7;
	s6 =	simm.s32 @!p0 $0x1B8D  }
0xb7: {  	s5 =	sshll.u32 @!p0 s5, $0x11;
	s7 =	sadd.s32 @!p0 $0x11B8D, s7;
	_ =	swait.eq @!p0 [sflag:s6], $0x1  }
0xb8: {  	s5 =	sor.u32 @!p0 s5, s7;
	[sflag:s6] =	ssyncadd.s32 @!p0 $0xFFFFFFFF  }
0xb9: {  	s25 =	simm.s32 $0x1B8E;
	s24 =	sld [smem:$0x3FFE];
	[sflag:s5] =	ssyncadd.remote.s32 @!p0 $0x1  }
0xba: {  	s26 =	simm.s32 $execute0_lowered;
	[smem:$0x3FD2] =	sst s25  }
0xbb: {  	s6 =	sshll.u32 s26, $0x1;
	_ =	strace $0x80000055;
	[dreg:$0x1] =	wrdreg $0xFFFFFFFF  }
0xbc: {  	s28 =	simm.s32 $_size_execute0_lowered;
	s4 =	sadd.s32 s4, s6;
	[dreg:$0x0] =	wrdreg $0x0  }
0xbd: {  	s6 =	sshll.u32 s28, $0x1;
	[dreg:$0x2] =	wrdreg s4  }
0xbe: {  	[dreg:$0x3] =	wrdreg s6  }
0xbf: {  	[dreg:$0x4] =	wrdreg $0xC0  }
0xc0: {  	_ =	task [dreg:s22], $0x5FFFF  }
0xc1: {  	[dreg:$0x1] =	wrdreg $0xFFFFFFFF  }
0xc2: {  	[dreg:$0x0] =	wrdreg $0x60  }
0xc3: {  	[dreg:$0x2] =	wrdreg s17  }
0xc4: {  	[dreg:$0x3] =	wrdreg s24  }
0xc5: {  	[dreg:$0x4] =	wrdreg $0x41800  }
0xc6: {  	[dreg:$0x5] =	wrdreg $0x9  }
0xc7: {  	_ =	task.clear_ibuf [dreg:s22], $0x6FFFF;
	_ =	strace $0x90000055  }
0xc8: {  	s29 =	simm.s32 $0x9;
	_ =	strace $0x80000057  }
0xc9: {  	_ =	swait.ge [sflag:s29], $0x1  }
0xca: {  	[sflag:s29] =	ssyncadd.s32 $0xFFFFFFFF  }
0xcb: {  	_ =	strace $0x90000057  }
0xcc: {  	_ =	sfence  }
0xcd: {  	s30 =	sld [smem:$0x0];
	_ =	sdelay $0x2  }
0xce: {  	s31 =	sshll.u32 s1, $0xD;
	s1 =	sshrl.u32 s1, $0x2  }
0xcf: {  	s4 =	sand.u32 $0x4000, s31;
	s1 =	sadd.s32 s1, s30  }
0xd0: {  	s0 =	sor.u32 s4, s0;
	s1 =	sshll.u32 s1, $0x11  }
0xd1: {  	s0 =	sor.u32 s1, s0  }
0xd2: {  	s0 =	sadd.s32 $0x8F2B, s0  }
0xd3: {  	[sflag:s0] =	ssyncadd.remote.s32 $0x1  }
0xd4: {  	_ =	sfence.sel $0xFFFF  }
0xd5: {  	[dreg:$0x0] =	wrdreg $0xFFFFFFFF;
	(pc) =	sbr.abs _section_cstart, $3  }
0xd6: {  	[dreg:$0x1] =	wrdreg $0xFFFFFFFF  }
0xd7: {  	_ =	task.clear_ibuf [dreg:s22], $0x2FFFF;
	_ =	strace $0x9FFFFFFF  }
0xd8: {  	(tm) =	ssettm $0x7FFFFFFF  }
0xd9: {  	_ =	shalt  }
tec
execute0_lowered:
.L_overlay_start_1:
0x0: {  	(tag) =	ssettag $0x1  }
0x1: {  	s1 =	rddreg [dreg:$0x0]  }
0x2: {  	s8 =	rddreg [dreg:$0x1];
	s2 =	srdreg.scid  }
0x3: {  	s0 =	stileid.u32;
	s3 =	rddreg [dreg:$0x2]  }
0x4: {  	s4 =	simm.s32 $0x0;
	s21 =	simm.s32 $0x2;
	s22 =	simm.s32 $0x80  }
0x5: {  	s24 =	simm.s32 $0x180;
	s25 =	simm.s32 $0x1;
	s6 =	smul.u32 $0x270, s0  }
0x6: {  	[smem:$0x7FF] =	sst s4;
	s7 =	smul.u32 $0x4E000, s0;
	s5 =	sadd.s32 $0x5400, s8  }
0x7: {  	s9 =	sand.u32 $0x1, s2;
	s13 =	sadd.s32 $0x124800, s3;
	s14 =	sadd.s32 $0x128800, s3  }
0x8: {  	s15 =	sadd.s32 $0x12C800, s3;
	s18 =	smul.u32 $0x50, s0;
	p0 =	seq.s32 s0, $0xF  }
0x9: {  	s23 =	smul.u32 $0x2710, s9;
	_ =	strace $0x80000056;
	s16 =	ssub.s32 $0x2, s9  }
0xa: {  	s11 =	sshrl.u32 s7, $0x2;
	s7 =	sadd.s32 $0xF400, s8;
	s17 =	sshrl.u32 s16, $0x1  }
0xb: {  	s10 =	sadd.s32 s6, s23;
	s6 =	sadd.s32 $0xA400, s8;
	s20 =	ssub.s32 s16, s17  }
0xc: {  	s16 =	sadd.s32 $0x130800, s3;
	s17 =	sadd.s32 $0x134800, s3;
	s10 =	sshll.u32 s10, $0x4  }
0xd: {  	v0 =	vmov s23;
	s23 =	simm.s32 $0x100;
	s19 =	sadd.s32 s10, s8;
	s8 =	sadd.s32 s11, s3  }
0xe: {  	s20 =	smax.u32 s20, $0x1;
	s9 =	sadd.s32 $0x4000, s8;
	s10 =	sadd.s32 $0x8000, s8  }
0xf: {  	v1 =	vimm.f32 $0.0e+00;
	s11 =	sadd.s32 $0xC000, s8;
	s12 =	sadd.s32 $0x10000, s8;
	s19 =	sadd.s32 $0x10DA00, s19  }
.LBB2_1:
0x10: {  	s26 =	simm.s32 $0x0;
	s28 =	simm.s32 $0x200  }
.LBB2_2:
0x11: {  	p1 =	sne.s32 s28, $0xFE00;
	[tilespmem:s26+$0x1F0] =	vst v1  }
0x12: {  	[tilespmem:s26+$0x180] =	vst v1  }
0x13: {  	[tilespmem:s26+$0x190] =	vst v1  }
.Ltmp0:
0x14: {  	[tilespmem:s26+$0x1A0] =	vst v1;
	(pc) =	sbr.rel @p1 .LBB2_2-.Ltmp0, $4  }
0x15: {  	[tilespmem:s26+$0x1B0] =	vst v1  }
0x16: {  	[tilespmem:s26+$0x1C0] =	vst v1  }
0x17: {  	[tilespmem:s26+$0x1D0] =	vst v1  }
0x18: {  	[tilespmem:s26+$0x1E0] =	vst v1;
	s26 =	sshra.s32 s28, $0x2;
	s28 =	sadd.s32 $0x200, s28  }
0x19: {  	[tilespmem:s26+$0x1F0] =	vst v1  }
0x1a: {  	[tilespmem:s26+$0x180] =	vst v1  }
0x1b: {  	[tilespmem:s26+$0x190] =	vst v1  }
0x1c: {  	[tilespmem:s26+$0x1A0] =	vst v1  }
0x1d: {  	[tilespmem:s26+$0x1B0] =	vst v1  }
0x1e: {  	[tilespmem:s26+$0x1C0] =	vst v1  }
0x1f: {  	[tilespmem:s26+$0x1D0] =	vst v1  }
0x20: {  	[tilespmem:s26+$0x1E0] =	vst v1;
	s26 =	simm.s32 @p0 $0x180;
	s28 =	simm.s32 @p0 $0x2  }
0x21: {  	[spmem:s13] =	stream.linear.scatter @p0 [tilespmem:s26], [sflag:$0x2], $0x4000, $0x38;
	[tilespmem:$0x17A00] =	vst v63  }
0x22: {  	_ =	swait.ge @p0 [sflag:s28], $0x4000  }
0x23: {  	[sflag:s28] =	ssyncset.done @p0 $0x0  }
0x24: {  	[sflag:s28] =	ssyncadd.s32 @p0 $0xFFFFC000  }
0x25: {  	[spmem:s14] =	stream.linear.scatter @p0 [tilespmem:s26], [sflag:$0x2], $0x4000, $0x38;
	[tilespmem:$0x17A00] =	vst v63  }
0x26: {  	_ =	swait.ge @p0 [sflag:s28], $0x4000  }
0x27: {  	[sflag:s28] =	ssyncset.done @p0 $0x0  }
0x28: {  	[sflag:s28] =	ssyncadd.s32 @p0 $0xFFFFC000  }
0x29: {  	[spmem:s15] =	stream.linear.scatter @p0 [tilespmem:s26], [sflag:$0x2], $0x4000, $0x38;
	[tilespmem:$0x17A00] =	vst v63  }
0x2a: {  	_ =	swait.ge @p0 [sflag:s28], $0x4000  }
0x2b: {  	[sflag:s28] =	ssyncset.done @p0 $0x0  }
0x2c: {  	[sflag:s28] =	ssyncadd.s32 @p0 $0xFFFFC000  }
0x2d: {  	[spmem:s16] =	stream.linear.scatter @p0 [tilespmem:s26], [sflag:$0x2], $0x4000, $0x38;
	[tilespmem:$0x17A00] =	vst v63  }
0x2e: {  	_ =	swait.ge @p0 [sflag:s28], $0x4000  }
0x2f: {  	[sflag:s28] =	ssyncset.done @p0 $0x0  }
0x30: {  	[sflag:s28] =	ssyncadd.s32 @p0 $0xFFFFC000  }
0x31: {  	[spmem:s17] =	stream.linear.scatter @p0 [tilespmem:s26], [sflag:$0x2], $0x4000, $0x38;
	[tilespmem:$0x17A00] =	vst v63  }
0x32: {  	_ =	swait.ge @p0 [sflag:s28], $0x4000  }
0x33: {  	[sflag:s28] =	ssyncset.done @p0 $0x0  }
0x34: {  	s26 =	simm.s32 @!p0 $0x180;
	[sflag:s28] =	ssyncadd.s32 @p0 $0xFFFFC000;
	s28 =	simm.s32 @!p0 $0x2  }
0x35: {  	[spmem:s8] =	stream.linear.scatter @!p0 [tilespmem:s26], [sflag:$0x2], $0x4000, $0x38;
	[tilespmem:$0x17A00] =	vst v63  }
0x36: {  	_ =	swait.ge @!p0 [sflag:s28], $0x4000  }
0x37: {  	[sflag:s28] =	ssyncset.done @!p0 $0x0  }
0x38: {  	[sflag:s28] =	ssyncadd.s32 @!p0 $0xFFFFC000  }
0x39: {  	[spmem:s9] =	stream.linear.scatter @!p0 [tilespmem:s26], [sflag:$0x2], $0x4000, $0x38;
	[tilespmem:$0x17A00] =	vst v63  }
0x3a: {  	_ =	swait.ge @!p0 [sflag:s28], $0x4000  }
0x3b: {  	[sflag:s28] =	ssyncset.done @!p0 $0x0  }
0x3c: {  	[sflag:s28] =	ssyncadd.s32 @!p0 $0xFFFFC000  }
0x3d: {  	[spmem:s10] =	stream.linear.scatter @!p0 [tilespmem:s26], [sflag:$0x2], $0x4000, $0x38;
	[tilespmem:$0x17A00] =	vst v63  }
0x3e: {  	_ =	swait.ge @!p0 [sflag:s28], $0x4000  }
0x3f: {  	[sflag:s28] =	ssyncset.done @!p0 $0x0  }
0x40: {  	[sflag:s28] =	ssyncadd.s32 @!p0 $0xFFFFC000  }
0x41: {  	[spmem:s11] =	stream.linear.scatter @!p0 [tilespmem:s26], [sflag:$0x2], $0x4000, $0x38;
	[tilespmem:$0x17A00] =	vst v63  }
0x42: {  	_ =	swait.ge @!p0 [sflag:s28], $0x4000  }
0x43: {  	[sflag:s28] =	ssyncset.done @!p0 $0x0  }
0x44: {  	[sflag:s28] =	ssyncadd.s32 @!p0 $0xFFFFC000  }
0x45: {  	[spmem:s12] =	stream.linear.scatter @!p0 [tilespmem:s26], [sflag:$0x2], $0x3800, $0x38;
	[tilespmem:$0x17A00] =	vst v63  }
0x46: {  	_ =	swait.ge @!p0 [sflag:s28], $0x3800  }
0x47: {  	[sflag:s28] =	ssyncset.done @!p0 $0x0  }
0x48: {  	[sflag:s28] =	ssyncadd.s32 @!p0 $0xFFFFC800  }
0x49: {  	s26 =	simm.s32 $0x0;
	s28 =	simm.s32 $0x0;
	[bflag:$0x0] =	sbarrier.arrive $0xFFFF  }
.LBB2_4:
0x4a: {  	s29 =	sadd.s32 s18, s28  }
0x4b: {  	s29 =	sshll.u32 s29, $0x4  }
0x4c: {  	s30 =	sadd.s32 s5, s29  }
0x4d: {  	[tilespmem:s26], [sflag:$0x2] =	stream.linear.gather [hbm4b:s30+s26], $0x80, $0x38;
	[tilespmem:$0x17A00] =	vst v63  }
0x4e: {  	_ =	swait.ge [sflag:s21], $0x80  }
0x4f: {  	[sflag:s21] =	ssyncset.done $0x0  }
0x50: {  	s30 =	sadd.s32 s6, s29;
	[sflag:s21] =	ssyncadd.s32 $0xFFFFFF80  }
0x51: {  	[tilespmem:s22], [sflag:$0x2] =	stream.linear.gather [hbm4b:s30+s26], $0x80, $0x38;
	[tilespmem:$0x17A00] =	vst v63  }
0x52: {  	_ =	swait.ge [sflag:s21], $0x80  }
0x53: {  	[sflag:s21] =	ssyncset.done $0x0  }
0x54: {  	s29 =	sadd.s32 s7, s29;
	[sflag:s21] =	ssyncadd.s32 $0xFFFFFF80  }
0x55: {  	[tilespmem:s23], [sflag:$0x2] =	stream.linear.gather [hbm4b:s29+s26], $0x80, $0x38;
	[tilespmem:$0x17A00] =	vst v63  }
0x56: {  	_ =	swait.ge [sflag:s21], $0x80  }
0x57: {  	[sflag:s21] =	ssyncset.done $0x0  }
0x58: {  	[sflag:s21] =	ssyncadd.s32 $0xFFFFFF80  }
0x59: {  	v2 =	vld [tilespmem:$0x0]  }
0x5a: {  	v3 =	vld [tilespmem:$0x10]  }
0x5b: {  	v4 =	vld [tilespmem:$0x20]  }
0x5c: {  	v5 =	vld [tilespmem:$0x30]  }
0x5d: {  	v6 =	vld [tilespmem:$0x40]  }
0x5e: {  	v7 =	vld [tilespmem:$0x50];
	v2 =	vadd.s32 v0, v2  }
0x5f: {  	[tilespmem:$0x0] =	vst v2;
	v2 =	vadd.s32 v0, v3;
	v3 =	vld [tilespmem:$0x60]  }
0x60: {  	[tilespmem:$0x10] =	vst v2;
	v2 =	vadd.s32 v0, v4;
	v4 =	vld [tilespmem:$0x70]  }
0x61: {  	[tilespmem:$0x20] =	vst v2;
	v2 =	vadd.s32 v0, v5  }
0x62: {  	[tilespmem:$0x30] =	vst v2;
	v2 =	vadd.s32 v0, v6  }
0x63: {  	[tilespmem:$0x40] =	vst v2;
	v2 =	vadd.s32 v0, v7  }
0x64: {  	[tilespmem:$0x50] =	vst v2;
	v2 =	vadd.s32 v0, v3  }
0x65: {  	[tilespmem:$0x60] =	vst v2;
	v2 =	vadd.s32 v0, v4  }
0x66: {  	[tilespmem:$0x70] =	vst v2  }
0x67: {  	[tilespmem:s24], [sflag:$0x1] =	stream.indirect.gather [hbm4b:s1+s22], $0x80, s26, s22, $0xb8;
	[tilespmem:$0x17A00] =	vst v63  }
0x68: {  	_ =	swait.ge [sflag:s25], $0x4000  }
0x69: {  	v2 =	vmov s26;
	[sflag:s25] =	ssyncset.done $0x0  }
0x6a: {  	s29 =	simm.s32 $0x1C0;
	[sflag:s25] =	ssyncadd.s32 $0xFFFFC000  }
0x6b: {  	v6 =	vld [tilespmem:s29+$0x30]  }
0x6c: {  	v9 =	vld [tilespmem:s29+$0x10]  }
0x6d: {  	v7 =	vld [tilespmem:s29+$0xFFFFFFC0]  }
0x6e: {  	v3 =	vld.idx.msk [tilespmem:v2+s23+$0x0], $0xffff  }
0x6f: {  	v11 =	vld [tilespmem:s29+$0xFFFFFFE0]  }
0x70: {  	v2 =	vld [tilespmem:s29+$0xFFFFFFF0]  }
0x71: {  	v4 =	vld [tilespmem:s29+$0x20]  }
0x72: {  	v5 =	vld [tilespmem:s29+$0xFFFFFFD0]  }
0x73: {  	v10 =	vmul.f32 v6, v3;
	v6 =	vld [tilespmem:s29+$0x0]  }
0x74: {  	v8 =	vmul.f32 v7, v3  }
0x75: {  	s31 =	simm.s32 $0x1C0;
	s30 =	simm.s32 $0x1;
	v7 =	vmul.f32 v11, v3;
	v9 =	vmul.f32 v9, v3  }
.LBB2_5:
0x76: {  	p1 =	sne.s32 s30, $0x7F  }
0x77: {  	v5 =	vmul.f32 v5, v3;
	v4 =	vmul.f32 v4, v3;
	[tilespmem:s29+$0x30] =	vst v10;
	s31 =	sadd.s32 $0x80, s31;
	s2 =	smov.u32 s30;
	s30 =	sadd.s32 $0x1, s30  }
0x78: {  	[tilespmem:s29+$0xFFFFFFC0] =	vst v8;
	v8 =	vmul.f32 v2, v3;
	v3 =	vmul.f32 v6, v3  }
0x79: {  	[tilespmem:s29+$0x10] =	vst v9  }
0x7a: {  	v6 =	vmov s2;
	[tilespmem:s29+$0xFFFFFFE0] =	vst v7  }
0x7b: {  	v2 =	vld [tilespmem:s31+$0xFFFFFFF0];
	[tilespmem:s29+$0xFFFFFFF0] =	vst v8  }
0x7c: {  	v7 =	vld [tilespmem:s31+$0x30];
	[tilespmem:s29+$0x0] =	vst v3  }
0x7d: {  	v9 =	vld [tilespmem:s31+$0x10];
	[tilespmem:s29+$0x20] =	vst v4  }
0x7e: {  	v8 =	vld [tilespmem:s31+$0xFFFFFFC0];
	[tilespmem:s29+$0xFFFFFFD0] =	vst v5;
	s29 =	smov.u32 s31  }
0x7f: {  	v3 =	vld.idx.msk [tilespmem:v6+s23+$0x0], $0xffff  }
0x80: {  	v11 =	vld [tilespmem:s31+$0xFFFFFFE0]  }
0x81: {  	v4 =	vld [tilespmem:s31+$0x20]  }
.Ltmp1:
0x82: {  	v5 =	vld [tilespmem:s31+$0xFFFFFFD0];
	(pc) =	sbr.rel @p1 .LBB2_5-.Ltmp1, $3  }
0x83: {  	v6 =	vld [tilespmem:s31+$0x0];
	_ =	sdelay $0x1  }
0x84: {  	v8 =	vmul.f32 v8, v3;
	v10 =	vmul.f32 v7, v3  }
0x85: {  	v9 =	vmul.f32 v9, v3;
	v7 =	vmul.f32 v11, v3  }
0x86: {  	[tilespmem:s29+$0x30] =	vst v10  }
0x87: {  	[tilespmem:s29+$0xFFFFFFC0] =	vst v8  }
0x88: {  	v2 =	vmul.f32 v2, v3;
	[tilespmem:s29+$0x10] =	vst v9  }
0x89: {  	v4 =	vmul.f32 v4, v3;
	[tilespmem:s29+$0xFFFFFFE0] =	vst v7  }
0x8a: {  	v6 =	vmul.f32 v6, v3;
	[tilespmem:s29+$0xFFFFFFF0] =	vst v2  }
0x8b: {  	s28 =	sadd.s32 $0x1, s28;
	v2 =	vmul.f32 v5, v3;
	[tilespmem:s29+$0x20] =	vst v4  }
0x8c: {  	p1 =	sne.s32 s28, $0x50;
	[tilespmem:s29+$0x0] =	vst v6  }
.Ltmp2:
0x8d: {  	[tilespmem:s29+$0xFFFFFFD0] =	vst v2;
	(pc) =	sbr.rel @p1 .LBB2_4-.Ltmp2, $4  }
0x8e: {  	[spmem:s3] =	stream.indirect.scatter.add.f32 [tilespmem:s24], [sflag:$0x2], $0x80, s22, s22, $0xb8;
	[tilespmem:$0x17A00] =	vst v63  }
0x8f: {  	_ =	swait.ge [sflag:s21], $0x4000  }
0x90: {  	[sflag:s21] =	ssyncset.done $0x0  }
0x91: {  	[sflag:s21] =	ssyncadd.s32 $0xFFFFC000  }
0x92: {  	[bflag:$0x0] =	sbarrier.arrive $0xFFFF;
	s2 =	sshrl.u32 @p0 s13, $0x3;
	s26 =	simm.s32 @p0 $0x1FC2  }
0x93: {  	[hbm:s19], [sflag:s26] =	dma.local @p0 [spmem:s2], $0x2800  }
0x94: {  	s2 =	simm.s32 @p0 $0x2  }
0x95: {  	s4 =	sadd.s32 $0x1, s4;
	_ =	swait.ge @p0 [sflag:s2], $0x2800  }
0x96: {  	s26 =	sshll.u32 @!p0 s0, $0x6;
	p1 =	sne.s32 s4, s20;
	[sflag:s2] =	ssyncset.done @p0 $0x0  }
0x97: {  	[sflag:s2] =	ssyncadd.s32 @p0 $0xFFFFD800;
	s2 =	sor.u32 @!p0 $0x1C02, s26;
	s26 =	sshrl.u32 @!p0 s8, $0x3  }
0x98: {  	[hbm:s19], [sflag:s2] =	dma.local @!p0 [spmem:s26], $0x2700  }
.Ltmp3:
0x99: {  	_ = 	snop;
	(pc) =	sbr.rel @p1 .LBB2_1-.Ltmp3, $4  }
0x9a: {  	s2 =	simm.s32 @!p0 $0x2  }
0x9b: {  	_ =	swait.ge @!p0 [sflag:s2], $0x2700  }
0x9c: {  	[sflag:s2] =	ssyncset.done @!p0 $0x0  }
0x9d: {  	[sflag:s2] =	ssyncadd.s32 @!p0 $0xFFFFD900  }
0x9e: {  	_ =	sfence.sel $0x180000  }
0x9f: {  	[bflag:$0x0] =	sbarrier.arrive $0xFFFF  }
0xa0: {  	_ =	strace $0x90000056  }
0xa1: {  	[bflag:$0x2] =	sbarrier.arrive $0xFFFF  }
0xa2: {  	p0 =	sne.s32 s0, $0x0;
	s0 =	rddreg [dreg:$0x3]  }
0xa3: {  	s0 =	sadd.s32 @!p0 $0x100000, s0  }
0xa4: {  	[sflag:s0] =	ssyncadd.tile.s32 @!p0 $0x1;
	_ =	shalt  }
.Lfunc_end2:
_tile_overlayer_lowered:
.L_overlay_start_2:
0xa5: {  	(tag) =	ssettag $0x2  }
0xa6: {  	s0 =	rddreg [dreg:$0x0];
	s2 =	stileid.u32  }
0xa7: {  	s1 =	rddreg [dreg:$0x1];
	p0 =	sne.s32 s2, $0x0  }
0xa8: {  	s3 =	rddreg [dreg:$0x2];
	[bflag:$0x3] =	sbarrier.arrive $0xFFFF;
	s2 =	simm.s32 @!p0 $0x1C02  }
0xa9: {  	[timem:s3], [sflag:s2] =	dma.local @!p0 [hbm:s0], s1  }
0xaa: {  	s0 =	simm.s32 @!p0 $0x2  }
0xab: {  	_ =	swait.ge @!p0 [sflag:s0], s1  }
0xac: {  	s1 =	ssub.s32 @!p0 $0x0, s1;
	[sflag:s0] =	ssyncset.done @!p0 $0x0  }
0xad: {  	[sflag:s0] =	ssyncadd.s32 @!p0 s1  }
0xae: {  	[bflag:$0x3] =	sbarrier.arrive $0xFFFF  }
0xaf: {  	_ =	shalt  }

// kernel: kernel.27.cloned.1.call-start
scs
__scs_entry_jumppad:
0x0: {  	(pc) =	sbr.rel $0x88, $3  }
0x1: {  	(tag) =	ssettag $0x0;
	lr =	simm.s32 $0x1  }
0x2: {  	[smem:$0x3F8F] =	sst lr;
	_ =	strace $0xD0000000  }
0x3: {  	_ = 	snop  }
0x4: {  	_ = 	snop  }
0x5: {  	_ = 	snop  }
0x6: {  	_ = 	snop  }
0x7: {  	_ = 	snop  }
__scs_overlays_trampoline_lowered:
0x8: {  	[smem:$0x3F9E] =	sst s0  }
0x9: {  	[smem:$0x3F9F] =	sst s1  }
0xa: {  	[smem:$0x3FA0] =	sst s2  }
0xb: {  	[smem:$0x3FA1] =	sst s3  }
0xc: {  	[smem:$0x3FA2] =	sst s4  }
0xd: {  	[smem:$0x3FA3] =	sst s5  }
0xe: {  	[smem:$0x3FA4] =	sst s6  }
0xf: {  	[smem:$0x3FA5] =	sst s7  }
0x10: {  	[smem:$0x3FA6] =	sst s8  }
0x11: {  	[smem:$0x3FA7] =	sst s9;
	s0 =	simm.s32 @!p0 $0x0  }
0x12: {  	s1 =	sld [smem:$0x3F8D];
	s0 =	simm.s32 @p0 $0x1  }
0x13: {  	[smem:$0x3FA8] =	sst s0;
	s0 =	simm.s32 @!p1 $0x0  }
0x14: {  	s2 =	sld [smem:$0x3F8C];
	s0 =	simm.s32 @p1 $0x1  }
0x15: {  	[smem:$0x3FA9] =	sst s0;
	s0 =	simm.s32 @!p2 $0x0  }
0x16: {  	s3 =	sld [smem:$0x3FDB];
	s0 =	simm.s32 @p2 $0x1  }
0x17: {  	s4 =	simm.s32 $0x1BF5;
	[smem:$0x3FAB] =	sst s0  }
0x18: {  	s0 =	sld [smem:$0x3F8E];
	_ =	swait.ge [sflag:s4], $0x0  }
0x19: {  	s7 =	sld [smem:$0x3F8F]  }
0x1a: {  	s8 =	sadd.s32 $0xFFFFE003, lr  }
0x1b: {  	s9 =	sadd.s32 $0xFFFFFEF7, lr;
	s5 =	simm.s32 $0xFFFFFFFF;
	p2 =	slt.u32 s8, $0xFFFFF086  }
0x1c: {  	p1 =	slt.u32 s9, $0xF7A;
	s5 =	simm.s32 @!p2 $0x0  }
0x1d: {  	s5 =	simm.s32 @p1 $0x1;
	p0 =	seq.s32 s7, s2  }
0x1e: {  	s7 =	smul.u32 @!p0 $0xF7A, s2;
	p2 =	seq.s32 @!p0 s5, $0x0  }
0x1f: {  	s9 =	smul.u32 $0xF7A, s1;
	s8 =	simm.s32 @!p0 $0x1BF5;
	p2 =	por !p2, p0  }
0x20: {  	[sflag:s8] =	ssyncset.s32 @!p0 $0xFFFFF086;
	s6 =	sadd.s32 @!p0 s3, s7;
	s7 =	simm.s32 @!p0 $0x108  }
0x21: {  	s3 =	sadd.s32 s3, s9;
	s6 =	sadd.s32 @!p0 $0x88, s6;
	s7 =	simm.s32 @p2 $0x1082  }
0x22: {  	[simem:s7], [sflag:s8] =	dma.local @!p0 [hbm:s6], $0xF7A  }
0x23: {  	s9 =	sor.u32 $0xD0000000, s2;
	s6 =	simm.s32 $0x108;
	_ =	swait.ge @!p0 [sflag:s8], $0x0  }
0x24: {  	s3 =	sadd.s32 $0x88, s3;
	s6 =	simm.s32 @!p1 $0x1082;
	[sflag:s4] =	ssyncset.s32 $0xFFFFF086  }
0x25: {  	[simem:s6], [sflag:s4] =	dma.local [hbm:s3], $0xF7A  }
0x26: {  	[smem:$0x3F8F] =	sst s1;
	(tag) =	ssettag s2;
	_ =	strace s9  }
0x27: {  	s1 =	sld [smem:$0x3F9F]  }
0x28: {  	s2 =	sld [smem:$0x3FA0]  }
0x29: {  	s4 =	sld [smem:$0x3FA2]  }
0x2a: {  	p0 =	seq.s32 s5, $0x0;
	s5 =	sld [smem:$0x3FA3]  }
0x2b: {  	s6 =	sld [smem:$0x3FA4]  }
0x2c: {  	s7 =	sld [smem:$0x3FA5]  }
0x2d: {  	s3 =	simm.s32 $0x108;
	s8 =	sld [smem:$0x3FA6]  }
0x2e: {  	s3 =	simm.s32 @!p0 $0x1082;
	s9 =	sld [smem:$0x3FA7]  }
0x2f: {  	lr =	sadd.s32 s0, s3;
	s0 =	sld [smem:$0x3F9E]  }
0x30: {  	s3 =	sld [smem:$0x3FA1]  }
0x31: {  	[smem:$0x3FAA] =	sst s10  }
0x32: {  	s10 =	sld [smem:$0x3FA8];
	_ =	sdelay $0x3  }
0x33: {  	p0 =	seq.s32 s10, $0x1;
	s10 =	sld [smem:$0x3FAA];
	_ =	sdelay $0x3  }
0x34: {  	[smem:$0x3FAA] =	sst s10  }
0x35: {  	s10 =	sld [smem:$0x3FA9];
	_ =	sdelay $0x3  }
0x36: {  	p1 =	seq.s32 s10, $0x1;
	s10 =	sld [smem:$0x3FAA];
	_ =	sdelay $0x3  }
0x37: {  	[smem:$0x3FAA] =	sst s10  }
0x38: {  	s10 =	sld [smem:$0x3FAB]  }
0x39: {  	_ = 	snop;
	(pc) =	sbr.ind lr, $3  }
0x3a: {  	_ = 	snop  }
0x3b: {  	_ = 	snop  }
0x3c: {  	p2 =	seq.s32 s10, $0x1;
	s10 =	sld [smem:$0x3FAA]  }
0x3d: {  	_ =	shalt  }
0x3e: {  	_ =	shalt  }
0x3f: {  	_ =	shalt  }
0x40: {  	_ =	shalt  }
0x41: {  	_ =	shalt  }
0x42: {  	_ =	shalt  }
0x43: {  	_ =	shalt  }
0x44: {  	_ =	shalt  }
0x45: {  	_ =	shalt  }
0x46: {  	_ =	shalt  }
0x47: {  	_ =	shalt  }
0x48: {  	_ =	shalt  }
0x49: {  	_ =	shalt  }
0x4a: {  	_ =	shalt  }
0x4b: {  	_ =	shalt  }
0x4c: {  	_ =	shalt  }
0x4d: {  	_ =	shalt  }
0x4e: {  	_ =	shalt  }
0x4f: {  	_ =	shalt  }
0x50: {  	_ =	shalt  }
0x51: {  	_ =	shalt  }
0x52: {  	_ =	shalt  }
0x53: {  	_ =	shalt  }
0x54: {  	_ =	shalt  }
0x55: {  	_ =	shalt  }
0x56: {  	_ =	shalt  }
0x57: {  	_ =	shalt  }
0x58: {  	_ =	shalt  }
0x59: {  	_ =	shalt  }
0x5a: {  	_ =	shalt  }
0x5b: {  	_ =	shalt  }
0x5c: {  	_ =	shalt  }
0x5d: {  	_ =	shalt  }
0x5e: {  	_ =	shalt  }
0x5f: {  	_ =	shalt  }
0x60: {  	_ =	shalt  }
0x61: {  	_ =	shalt  }
0x62: {  	_ =	shalt  }
0x63: {  	_ =	shalt  }
0x64: {  	_ =	shalt  }
0x65: {  	_ =	shalt  }
0x66: {  	_ =	shalt  }
0x67: {  	_ =	shalt  }
0x68: {  	_ =	shalt  }
0x69: {  	_ =	shalt  }
0x6a: {  	_ =	shalt  }
0x6b: {  	_ =	shalt  }
0x6c: {  	_ =	shalt  }
0x6d: {  	_ =	shalt  }
0x6e: {  	_ =	shalt  }
0x6f: {  	_ =	shalt  }
0x70: {  	_ =	shalt  }
0x71: {  	_ =	shalt  }
0x72: {  	_ =	shalt  }
0x73: {  	_ =	shalt  }
0x74: {  	_ =	shalt  }
0x75: {  	_ =	shalt  }
0x76: {  	_ =	shalt  }
0x77: {  	_ =	shalt  }
0x78: {  	_ =	shalt  }
0x79: {  	_ =	shalt  }
0x7a: {  	_ =	shalt  }
0x7b: {  	_ =	shalt  }
0x7c: {  	_ =	shalt  }
0x7d: {  	_ =	shalt  }
0x7e: {  	_ =	shalt  }
0x7f: {  	_ =	shalt  }
0x80: {  	_ =	shalt  }
0x81: {  	_ =	shalt  }
0x82: {  	_ =	shalt  }
0x83: {  	_ =	shalt  }
0x84: {  	_ =	shalt  }
0x85: {  	_ =	shalt  }
0x86: {  	_ =	shalt  }
0x87: {  	_ =	shalt  }
.Lfunc_end0:
.L_simem_size_0:
called_computation.5_lowered:
.L_overlay_start_0:
0x88: {  	s2 =	sld [smem:$0x3FD9]  }
0x89: {  	s3 =	sld [smem:$0x3FFE];
	_ =	sdelay $0x1  }
0x8a: {  	s1 =	srdreg.scid  }
0x8b: {  	s0 =	sand.u32 $0x1, s1  }
0x8c: {  	s14 =	sshll.u32 s0, $0xA;
	s2 =	sadd.s32 s3, s2  }
0x8d: {  	s2 =	sadd.s32 s2, s14  }
0x8e: {  	[smem:$0x3FB6] =	sst s2  }
0x8f: {  	_ = 	snop  }
0x90: {  	s2 =	sld [smem:$0x3FD0];
	_ =	sdelay $0x2  }
0x91: {  	s15 =	simm.s32 $0xB;
	s4 =	simm.s32 $0x10  }
0x92: {  	[smem:s4], [sflag:s15] =	dma.local [hbm:s2], $0x1  }
0x93: {  	_ =	swait.eq [sflag:s15], $0x1  }
0x94: {  	[sflag:s15] =	ssyncset.done $0x0  }
0x95: {  	[sflag:s15] =	ssyncadd.s32 $0xFFFFFFFF  }
0x96: {  	s16 =	sld [smem:$0x14];
	(tm) =	ssettm $0x1  }
0x97: {  	s17 =	sld [smem:$0x3FFB];
	_ =	sdelay $0x3  }
0x98: {  	_ =	strace s17  }
0x99: {  	s3 =	sld [smem:$0x3FFC];
	_ =	sdelay $0x3  }
0x9a: {  	_ =	strace s3  }
0x9b: {  	s3 =	sld [smem:$0x3FFD];
	_ =	sdelay $0x3  }
0x9c: {  	_ =	strace s3  }
0x9d: {  	_ =	strace $0x8FFFFFFF  }
0x9e: {  	s18 =	sld [smem:$0x3FDB];
	_ =	sdelay $0x1  }
0x9f: {  	s19 =	simm.s32 $_scs_section_size  }
0xa0: {  	s5 =	simm.s32 $_size__tile_overlayer_lowered;
	s6 =	simm.s32 $_tile_overlayer_lowered  }
0xa1: {  	s22 =	simm.s32 $0x1BFF;
	s21 =	sshll.u32 s6, $0x1;
	s3 =	sadd.s32 s19, s18  }
0xa2: {  	s7 =	simm.s32 $0x0;
	s20 =	sshll.u32 s5, $0x1;
	s5 =	sadd.s32 s21, s3  }
0xa3: {  	[timem:s7], [sflag:s22] =	dma.local [hbm:s5], s20  }
0xa4: {  	_ =	swait.ge [sflag:s22], s20  }
0xa5: {  	s4 =	ssub.s32 $0x0, s20;
	[sflag:s22] =	ssyncset.done $0x0  }
0xa6: {  	[sflag:s22] =	ssyncadd.s32 s4;
	_ =	sdelay $0x1  }
0xa7: {  	s23 =	simm.s32 $0x1B8B  }
0xa8: {  	_ =	swait.ge [sflag:s23], $0x1  }
0xa9: {  	[sflag:s23] =	ssyncset.done $0x0  }
0xaa: {  	s25 =	simm.s32 $0x1B8E;
	s24 =	sld [smem:$0x3FFE];
	[sflag:s23] =	ssyncadd.s32 $0xFFFFFFFF  }
0xab: {  	s26 =	simm.s32 $execute0_lowered;
	[smem:$0x3FD2] =	sst s25  }
0xac: {  	s5 =	sshll.u32 s26, $0x1;
	_ =	strace $0x80000052;
	[dreg:$0x1] =	wrdreg $0xFFFFFFFF  }
0xad: {  	s28 =	simm.s32 $_size_execute0_lowered;
	s3 =	sadd.s32 s3, s5;
	[dreg:$0x0] =	wrdreg $0x0  }
0xae: {  	s5 =	sshll.u32 s28, $0x1;
	[dreg:$0x2] =	wrdreg s3  }
0xaf: {  	[dreg:$0x3] =	wrdreg s5  }
0xb0: {  	[dreg:$0x4] =	wrdreg $0xC0  }
0xb1: {  	_ =	task [dreg:s7], $0x5FFFF  }
0xb2: {  	[dreg:$0x1] =	wrdreg $0xFFFFFFFF  }
0xb3: {  	[dreg:$0x0] =	wrdreg $0x60  }
0xb4: {  	[dreg:$0x2] =	wrdreg s16  }
0xb5: {  	[dreg:$0x3] =	wrdreg s24  }
0xb6: {  	[dreg:$0x4] =	wrdreg $0x41800  }
0xb7: {  	[dreg:$0x5] =	wrdreg $0xA  }
0xb8: {  	_ =	task.clear_ibuf [dreg:s7], $0x6FFFF;
	_ =	strace $0x90000052  }
0xb9: {  	s29 =	simm.s32 $0xA;
	_ =	strace $0x80000054  }
0xba: {  	_ =	swait.ge [sflag:s29], $0x1  }
0xbb: {  	[sflag:s29] =	ssyncadd.s32 $0xFFFFFFFF  }
0xbc: {  	_ =	strace $0x90000054  }
0xbd: {  	_ =	sfence  }
0xbe: {  	s30 =	sld [smem:$0x0];
	_ =	sdelay $0x2  }
0xbf: {  	s31 =	sshll.u32 s1, $0xD;
	s1 =	sshrl.u32 s1, $0x2  }
0xc0: {  	s3 =	sand.u32 $0x4000, s31;
	s1 =	sadd.s32 s1, s30  }
0xc1: {  	s0 =	sor.u32 s3, s0;
	s1 =	sshll.u32 s1, $0x11  }
0xc2: {  	s0 =	sor.u32 s1, s0  }
0xc3: {  	s0 =	sadd.s32 $0x8F2B, s0  }
0xc4: {  	[sflag:s0] =	ssyncadd.remote.s32 $0x1  }
0xc5: {  	_ =	sfence.sel $0xFFFF  }
0xc6: {  	[dreg:$0x0] =	wrdreg $0xFFFFFFFF;
	(pc) =	sbr.abs _section_cstart, $3  }
0xc7: {  	[dreg:$0x1] =	wrdreg $0xFFFFFFFF  }
0xc8: {  	_ =	task.clear_ibuf [dreg:s7], $0x2FFFF;
	_ =	strace $0x9FFFFFFF  }
0xc9: {  	(tm) =	ssettm $0x7FFFFFFF  }
tec
execute0_lowered:
.L_overlay_start_1:
0x0: {  	(tag) =	ssettag $0x1  }
0x1: {  	s1 =	rddreg [dreg:$0x0]  }
0x2: {  	s8 =	rddreg [dreg:$0x1]  }
0x3: {  	s3 =	rddreg [dreg:$0x2];
	s5 =	srdreg.scid  }
0x4: {  	s2 =	stileid.u32;
	s4 =	simm.s32 $0x0;
	s21 =	simm.s32 $0x2  }
0x5: {  	s22 =	simm.s32 $0x80;
	s24 =	simm.s32 $0x180;
	s16 =	sand.u32 $0x1, s5  }
0x6: {  	s9 =	smul.u32 $0x270, s2;
	[smem:$0x7FF] =	sst s4;
	s5 =	sadd.s32 $0x62600, s8  }
0x7: {  	s11 =	smul.u32 $0x4E000, s2;
	s6 =	sadd.s32 $0x67600, s8;
	s7 =	sadd.s32 $0x6C600, s8  }
0x8: {  	s23 =	simm.s32 $0x100;
	s13 =	sadd.s32 $0x124800, s3;
	s14 =	sadd.s32 $0x128800, s3  }
0x9: {  	s25 =	simm.s32 $0x1;
	s15 =	sadd.s32 $0x12C800, s3;
	s17 =	sadd.s32 $0x134800, s3  }
0xa: {  	p0 =	seq.s32 s2, $0xF;
	s10 =	smul.u32 $0x2710, s16;
	_ =	strace $0x80000053  }
0xb: {  	s30 =	ssub.s32 $0x2, s16;
	s18 =	sshll.u32 s16, $0x4;
	s16 =	sadd.s32 $0x130800, s3  }
0xc: {  	s11 =	sshrl.u32 s11, $0x2;
	s31 =	sshrl.u32 s30, $0x1;
	s9 =	sadd.s32 s9, s10  }
0xd: {  	s18 =	sor.u32 s2, s18;
	s20 =	ssub.s32 s30, s31;
	s9 =	sshll.u32 s9, $0x4  }
0xe: {  	s18 =	smul.u32 $0x28, s18;
	s19 =	sadd.s32 s9, s8;
	s8 =	sadd.s32 s11, s3  }
0xf: {  	s20 =	smax.u32 s20, $0x1;
	s9 =	sadd.s32 $0x4000, s8;
	s10 =	sadd.s32 $0x8000, s8  }
0x10: {  	v0 =	vimm.f32 $0.0e+00;
	s11 =	sadd.s32 $0xC000, s8;
	s12 =	sadd.s32 $0x10000, s8;
	s19 =	sadd.s32 $0x71600, s19  }
.LBB2_1:
0x11: {  	s26 =	simm.s32 $0x0;
	s28 =	simm.s32 $0x200  }
.LBB2_2:
0x12: {  	p1 =	sne.s32 s28, $0xFE00;
	[tilespmem:s26+$0x1F0] =	vst v0  }
0x13: {  	[tilespmem:s26+$0x180] =	vst v0  }
0x14: {  	[tilespmem:s26+$0x190] =	vst v0  }
.Ltmp0:
0x15: {  	[tilespmem:s26+$0x1A0] =	vst v0;
	(pc) =	sbr.rel @p1 .LBB2_2-.Ltmp0, $4  }
0x16: {  	[tilespmem:s26+$0x1B0] =	vst v0  }
0x17: {  	[tilespmem:s26+$0x1C0] =	vst v0  }
0x18: {  	[tilespmem:s26+$0x1D0] =	vst v0  }
0x19: {  	[tilespmem:s26+$0x1E0] =	vst v0;
	s26 =	sshra.s32 s28, $0x2;
	s28 =	sadd.s32 $0x200, s28  }
0x1a: {  	[tilespmem:s26+$0x1F0] =	vst v0  }
0x1b: {  	[tilespmem:s26+$0x180] =	vst v0  }
0x1c: {  	[tilespmem:s26+$0x190] =	vst v0  }
0x1d: {  	[tilespmem:s26+$0x1A0] =	vst v0  }
0x1e: {  	[tilespmem:s26+$0x1B0] =	vst v0  }
0x1f: {  	[tilespmem:s26+$0x1C0] =	vst v0  }
0x20: {  	[tilespmem:s26+$0x1D0] =	vst v0  }
0x21: {  	[tilespmem:s26+$0x1E0] =	vst v0;
	s26 =	simm.s32 @p0 $0x180;
	s28 =	simm.s32 @p0 $0x2  }
0x22: {  	[spmem:s13] =	stream.linear.scatter @p0 [tilespmem:s26], [sflag:$0x2], $0x4000, $0x38;
	[tilespmem:$0x17A00] =	vst v63  }
0x23: {  	_ =	swait.ge @p0 [sflag:s28], $0x4000  }
0x24: {  	[sflag:s28] =	ssyncset.done @p0 $0x0  }
0x25: {  	[sflag:s28] =	ssyncadd.s32 @p0 $0xFFFFC000  }
0x26: {  	[spmem:s14] =	stream.linear.scatter @p0 [tilespmem:s26], [sflag:$0x2], $0x4000, $0x38;
	[tilespmem:$0x17A00] =	vst v63  }
0x27: {  	_ =	swait.ge @p0 [sflag:s28], $0x4000  }
0x28: {  	[sflag:s28] =	ssyncset.done @p0 $0x0  }
0x29: {  	[sflag:s28] =	ssyncadd.s32 @p0 $0xFFFFC000  }
0x2a: {  	[spmem:s15] =	stream.linear.scatter @p0 [tilespmem:s26], [sflag:$0x2], $0x4000, $0x38;
	[tilespmem:$0x17A00] =	vst v63  }
0x2b: {  	_ =	swait.ge @p0 [sflag:s28], $0x4000  }
0x2c: {  	[sflag:s28] =	ssyncset.done @p0 $0x0  }
0x2d: {  	[sflag:s28] =	ssyncadd.s32 @p0 $0xFFFFC000  }
0x2e: {  	[spmem:s16] =	stream.linear.scatter @p0 [tilespmem:s26], [sflag:$0x2], $0x4000, $0x38;
	[tilespmem:$0x17A00] =	vst v63  }
0x2f: {  	_ =	swait.ge @p0 [sflag:s28], $0x4000  }
0x30: {  	[sflag:s28] =	ssyncset.done @p0 $0x0  }
0x31: {  	[sflag:s28] =	ssyncadd.s32 @p0 $0xFFFFC000  }
0x32: {  	[spmem:s17] =	stream.linear.scatter @p0 [tilespmem:s26], [sflag:$0x2], $0x4000, $0x38;
	[tilespmem:$0x17A00] =	vst v63  }
0x33: {  	_ =	swait.ge @p0 [sflag:s28], $0x4000  }
0x34: {  	[sflag:s28] =	ssyncset.done @p0 $0x0  }
0x35: {  	s26 =	simm.s32 @!p0 $0x180;
	[sflag:s28] =	ssyncadd.s32 @p0 $0xFFFFC000;
	s28 =	simm.s32 @!p0 $0x2  }
0x36: {  	[spmem:s8] =	stream.linear.scatter @!p0 [tilespmem:s26], [sflag:$0x2], $0x4000, $0x38;
	[tilespmem:$0x17A00] =	vst v63  }
0x37: {  	_ =	swait.ge @!p0 [sflag:s28], $0x4000  }
0x38: {  	[sflag:s28] =	ssyncset.done @!p0 $0x0  }
0x39: {  	[sflag:s28] =	ssyncadd.s32 @!p0 $0xFFFFC000  }
0x3a: {  	[spmem:s9] =	stream.linear.scatter @!p0 [tilespmem:s26], [sflag:$0x2], $0x4000, $0x38;
	[tilespmem:$0x17A00] =	vst v63  }
0x3b: {  	_ =	swait.ge @!p0 [sflag:s28], $0x4000  }
0x3c: {  	[sflag:s28] =	ssyncset.done @!p0 $0x0  }
0x3d: {  	[sflag:s28] =	ssyncadd.s32 @!p0 $0xFFFFC000  }
0x3e: {  	[spmem:s10] =	stream.linear.scatter @!p0 [tilespmem:s26], [sflag:$0x2], $0x4000, $0x38;
	[tilespmem:$0x17A00] =	vst v63  }
0x3f: {  	_ =	swait.ge @!p0 [sflag:s28], $0x4000  }
0x40: {  	[sflag:s28] =	ssyncset.done @!p0 $0x0  }
0x41: {  	[sflag:s28] =	ssyncadd.s32 @!p0 $0xFFFFC000  }
0x42: {  	[spmem:s11] =	stream.linear.scatter @!p0 [tilespmem:s26], [sflag:$0x2], $0x4000, $0x38;
	[tilespmem:$0x17A00] =	vst v63  }
0x43: {  	_ =	swait.ge @!p0 [sflag:s28], $0x4000  }
0x44: {  	[sflag:s28] =	ssyncset.done @!p0 $0x0  }
0x45: {  	[sflag:s28] =	ssyncadd.s32 @!p0 $0xFFFFC000  }
0x46: {  	[spmem:s12] =	stream.linear.scatter @!p0 [tilespmem:s26], [sflag:$0x2], $0x3800, $0x38;
	[tilespmem:$0x17A00] =	vst v63  }
0x47: {  	_ =	swait.ge @!p0 [sflag:s28], $0x3800  }
0x48: {  	[sflag:s28] =	ssyncset.done @!p0 $0x0  }
0x49: {  	[sflag:s28] =	ssyncadd.s32 @!p0 $0xFFFFC800  }
0x4a: {  	s26 =	simm.s32 $0x0;
	s28 =	simm.s32 $0x0;
	[bflag:$0x0] =	sbarrier.arrive $0xFFFF  }
.LBB2_4:
0x4b: {  	s29 =	sadd.s32 s18, s28  }
0x4c: {  	s29 =	sshll.u32 s29, $0x4  }
0x4d: {  	s30 =	sadd.s32 s5, s29  }
0x4e: {  	[tilespmem:s26], [sflag:$0x2] =	stream.linear.gather [hbm4b:s30+s26], $0x80, $0x38;
	[tilespmem:$0x17A00] =	vst v63  }
0x4f: {  	_ =	swait.ge [sflag:s21], $0x80  }
0x50: {  	[sflag:s21] =	ssyncset.done $0x0  }
0x51: {  	s30 =	sadd.s32 s6, s29;
	[sflag:s21] =	ssyncadd.s32 $0xFFFFFF80  }
0x52: {  	[tilespmem:s22], [sflag:$0x2] =	stream.linear.gather [hbm4b:s30+s26], $0x80, $0x38;
	[tilespmem:$0x17A00] =	vst v63  }
0x53: {  	_ =	swait.ge [sflag:s21], $0x80  }
0x54: {  	[sflag:s21] =	ssyncset.done $0x0  }
0x55: {  	s29 =	sadd.s32 s7, s29;
	[sflag:s21] =	ssyncadd.s32 $0xFFFFFF80  }
0x56: {  	[tilespmem:s23], [sflag:$0x2] =	stream.linear.gather [hbm4b:s29+s26], $0x80, $0x38;
	[tilespmem:$0x17A00] =	vst v63  }
0x57: {  	_ =	swait.ge [sflag:s21], $0x80  }
0x58: {  	[sflag:s21] =	ssyncset.done $0x0  }
0x59: {  	[sflag:s21] =	ssyncadd.s32 $0xFFFFFF80  }
0x5a: {  	[tilespmem:s24], [sflag:$0x1] =	stream.indirect.gather [hbm4b:s1+s22], $0x80, s26, s22, $0xb8;
	[tilespmem:$0x17A00] =	vst v63  }
0x5b: {  	_ =	swait.ge [sflag:s25], $0x4000  }
0x5c: {  	v1 =	vmov s26;
	[sflag:s25] =	ssyncset.done $0x0  }
0x5d: {  	s29 =	simm.s32 $0x1C0;
	[sflag:s25] =	ssyncadd.s32 $0xFFFFC000  }
0x5e: {  	v5 =	vld [tilespmem:s29+$0x30]  }
0x5f: {  	v8 =	vld [tilespmem:s29+$0x10]  }
0x60: {  	v6 =	vld [tilespmem:s29+$0xFFFFFFC0]  }
0x61: {  	v2 =	vld.idx.msk [tilespmem:v1+s23+$0x0], $0xffff  }
0x62: {  	v10 =	vld [tilespmem:s29+$0xFFFFFFE0]  }
0x63: {  	v1 =	vld [tilespmem:s29+$0xFFFFFFF0]  }
0x64: {  	v3 =	vld [tilespmem:s29+$0x20]  }
0x65: {  	v4 =	vld [tilespmem:s29+$0xFFFFFFD0]  }
0x66: {  	v9 =	vmul.f32 v5, v2;
	v5 =	vld [tilespmem:s29+$0x0]  }
0x67: {  	v7 =	vmul.f32 v6, v2  }
0x68: {  	s31 =	simm.s32 $0x1C0;
	s30 =	simm.s32 $0x1;
	v6 =	vmul.f32 v10, v2;
	v8 =	vmul.f32 v8, v2  }
.LBB2_5:
0x69: {  	p1 =	sne.s32 s30, $0x7F  }
0x6a: {  	v4 =	vmul.f32 v4, v2;
	v3 =	vmul.f32 v3, v2;
	[tilespmem:s29+$0x30] =	vst v9;
	s31 =	sadd.s32 $0x80, s31;
	s0 =	smov.u32 s30;
	s30 =	sadd.s32 $0x1, s30  }
0x6b: {  	[tilespmem:s29+$0xFFFFFFC0] =	vst v7;
	v7 =	vmul.f32 v1, v2;
	v2 =	vmul.f32 v5, v2  }
0x6c: {  	[tilespmem:s29+$0x10] =	vst v8  }
0x6d: {  	v5 =	vmov s0;
	[tilespmem:s29+$0xFFFFFFE0] =	vst v6  }
0x6e: {  	v1 =	vld [tilespmem:s31+$0xFFFFFFF0];
	[tilespmem:s29+$0xFFFFFFF0] =	vst v7  }
0x6f: {  	v6 =	vld [tilespmem:s31+$0x30];
	[tilespmem:s29+$0x0] =	vst v2  }
0x70: {  	v8 =	vld [tilespmem:s31+$0x10];
	[tilespmem:s29+$0x20] =	vst v3  }
0x71: {  	v7 =	vld [tilespmem:s31+$0xFFFFFFC0];
	[tilespmem:s29+$0xFFFFFFD0] =	vst v4;
	s29 =	smov.u32 s31  }
0x72: {  	v2 =	vld.idx.msk [tilespmem:v5+s23+$0x0], $0xffff  }
0x73: {  	v10 =	vld [tilespmem:s31+$0xFFFFFFE0]  }
0x74: {  	v3 =	vld [tilespmem:s31+$0x20]  }
.Ltmp1:
0x75: {  	v4 =	vld [tilespmem:s31+$0xFFFFFFD0];
	(pc) =	sbr.rel @p1 .LBB2_5-.Ltmp1, $3  }
0x76: {  	v5 =	vld [tilespmem:s31+$0x0];
	_ =	sdelay $0x1  }
0x77: {  	v7 =	vmul.f32 v7, v2;
	v9 =	vmul.f32 v6, v2  }
0x78: {  	v8 =	vmul.f32 v8, v2;
	v6 =	vmul.f32 v10, v2  }
0x79: {  	[tilespmem:s29+$0x30] =	vst v9  }
0x7a: {  	[tilespmem:s29+$0xFFFFFFC0] =	vst v7  }
0x7b: {  	v1 =	vmul.f32 v1, v2;
	[tilespmem:s29+$0x10] =	vst v8  }
0x7c: {  	v3 =	vmul.f32 v3, v2;
	[tilespmem:s29+$0xFFFFFFE0] =	vst v6  }
0x7d: {  	v5 =	vmul.f32 v5, v2;
	[tilespmem:s29+$0xFFFFFFF0] =	vst v1  }
0x7e: {  	s28 =	sadd.s32 $0x1, s28;
	v1 =	vmul.f32 v4, v2;
	[tilespmem:s29+$0x20] =	vst v3  }
0x7f: {  	p1 =	sne.s32 s28, $0x28;
	[tilespmem:s29+$0x0] =	vst v5  }
.Ltmp2:
0x80: {  	[tilespmem:s29+$0xFFFFFFD0] =	vst v1;
	(pc) =	sbr.rel @p1 .LBB2_4-.Ltmp2, $4  }
0x81: {  	[spmem:s3] =	stream.indirect.scatter.add.f32 [tilespmem:s24], [sflag:$0x2], $0x80, s22, s22, $0xb8;
	[tilespmem:$0x17A00] =	vst v63  }
0x82: {  	_ =	swait.ge [sflag:s21], $0x4000  }
0x83: {  	[sflag:s21] =	ssyncset.done $0x0  }
0x84: {  	[sflag:s21] =	ssyncadd.s32 $0xFFFFC000  }
0x85: {  	[bflag:$0x0] =	sbarrier.arrive $0xFFFF;
	s0 =	sshrl.u32 @p0 s13, $0x3;
	s26 =	simm.s32 @p0 $0x1FC2  }
0x86: {  	[hbm:s19], [sflag:s26] =	dma.local @p0 [spmem:s0], $0x2800  }
0x87: {  	s0 =	simm.s32 @p0 $0x2  }
0x88: {  	s4 =	sadd.s32 $0x1, s4;
	_ =	swait.ge @p0 [sflag:s0], $0x2800  }
0x89: {  	s26 =	sshll.u32 @!p0 s2, $0x6;
	p1 =	sne.s32 s4, s20;
	[sflag:s0] =	ssyncset.done @p0 $0x0  }
0x8a: {  	[sflag:s0] =	ssyncadd.s32 @p0 $0xFFFFD800;
	s0 =	sor.u32 @!p0 $0x1C02, s26;
	s26 =	sshrl.u32 @!p0 s8, $0x3  }
0x8b: {  	[hbm:s19], [sflag:s0] =	dma.local @!p0 [spmem:s26], $0x2700  }
.Ltmp3:
0x8c: {  	_ = 	snop;
	(pc) =	sbr.rel @p1 .LBB2_1-.Ltmp3, $4  }
0x8d: {  	s0 =	simm.s32 @!p0 $0x2  }
0x8e: {  	_ =	swait.ge @!p0 [sflag:s0], $0x2700  }
0x8f: {  	[sflag:s0] =	ssyncset.done @!p0 $0x0  }
0x90: {  	[sflag:s0] =	ssyncadd.s32 @!p0 $0xFFFFD900  }
0x91: {  	_ =	sfence.sel $0x180000  }
0x92: {  	[bflag:$0x0] =	sbarrier.arrive $0xFFFF  }
0x93: {  	_ =	strace $0x90000053  }
0x94: {  	[bflag:$0x2] =	sbarrier.arrive $0xFFFF  }
0x95: {  	p0 =	sne.s32 s2, $0x0;
	s0 =	rddreg [dreg:$0x3]  }
0x96: {  	s0 =	sadd.s32 @!p0 $0x100000, s0  }
0x97: {  	[sflag:s0] =	ssyncadd.tile.s32 @!p0 $0x1;
	_ =	shalt  }
.Lfunc_end2:
_tile_overlayer_lowered:
.L_overlay_start_2:
0x98: {  	(tag) =	ssettag $0x2  }
0x99: {  	s0 =	rddreg [dreg:$0x0];
	s2 =	stileid.u32  }
0x9a: {  	s1 =	rddreg [dreg:$0x1];
	p0 =	sne.s32 s2, $0x0  }
0x9b: {  	s3 =	rddreg [dreg:$0x2];
	[bflag:$0x3] =	sbarrier.arrive $0xFFFF;
	s2 =	simm.s32 @!p0 $0x1C02  }
0x9c: {  	[timem:s3], [sflag:s2] =	dma.local @!p0 [hbm:s0], s1  }
0x9d: {  	s0 =	simm.s32 @!p0 $0x2  }
0x9e: {  	_ =	swait.ge @!p0 [sflag:s0], s1  }
0x9f: {  	s1 =	ssub.s32 @!p0 $0x0, s1;
	[sflag:s0] =	ssyncset.done @!p0 $0x0  }
0xa0: {  	[sflag:s0] =	ssyncadd.s32 @!p0 s1  }
0xa1: {  	[bflag:$0x3] =	sbarrier.arrive $0xFFFF  }
0xa2: {  	_ =	shalt  }

</sc_bundles>
